<compile_context>
chip_gen: v7x
topology: tpu7x:2x2x1
jax: 0.10.2.dev20260603
libtpu: 0.0.44.dev20260713+nightly
codegen_flags: <defaults>
</compile_context>

<pallas_src>
import functools

import jax
import jax.numpy as jnp
from jax import lax
from jax.experimental import pallas as pl
from jax.experimental.pallas import tpu as pltpu
from jax.experimental.pallas import tpu_sc as plsc

N = 10000
D = 128
E = 320000

NC = 2
NS = 16
NW = NC * NS
EPW = E // NW
CHA = 50
NCHA = EPW // CHA
SLOTS = 5
CHD = 125
NCHD = EPW // CHD
KS = 4
NP = 10240
RPT = NP // NS

_mesh = plsc.VectorSubcoreMesh(core_axis_name="c", subcore_axis_name="s")

_f32 = jnp.float32

_sc_agg = ([pltpu.VMEM((2, 2, CHA), jnp.int32) for _ in range(SLOTS)]
           + [pltpu.VMEM((CHA, D), _f32) for _ in range(SLOTS)]
           + [pltpu.VMEM_SHARED((NP, D), _f32)]
           + [pltpu.SemaphoreType.DMA] * (3 * SLOTS))


@functools.partial(pl.kernel, mesh=_mesh,
                   out_type=jax.ShapeDtypeStruct((NC * NP, D), _f32),
                   scratch_types=_sc_agg)
def _agg(table, sd2, z_rows, acc_out, *rest):
    isl = list(rest[:SLOTS])
    bufs = list(rest[SLOTS:2 * SLOTS])
    acc_sh = rest[2 * SLOTS]
    isem = list(rest[2 * SLOTS + 1:2 * SLOTS + 1 + SLOTS])
    gsem = list(rest[2 * SLOTS + 1 + SLOTS:2 * SLOTS + 1 + 2 * SLOTS])
    ssem = list(rest[2 * SLOTS + 1 + 2 * SLOTS:])
    cid = lax.axis_index("c")
    sid = lax.axis_index("s")
    wid = sid * NC + cid
    row0 = pl.multiple_of(sid * RPT, 8)
    crow = pl.multiple_of(wid * NCHA, 8)
    pltpu.sync_copy(z_rows, acc_sh.at[pl.ds(row0, RPT)])
    plsc.subcore_barrier()

    def idx_load(k, c, p):
        pltpu.async_copy(sd2.at[crow + c], isl[k].at[p], isem[k])

    def idx_wait(k):
        pltpu.make_async_copy(sd2.at[crow], isl[k].at[0], isem[k]).wait()

    def gather(k, p):
        pltpu.async_copy(table.at[isl[k].at[p, 0]], bufs[k], gsem[k])

    def gather_wait(k, p):
        pltpu.make_async_copy(table.at[isl[k].at[p, 0]], bufs[k],
                              gsem[k]).wait()

    def scatter(k, p):
        pltpu.async_copy(bufs[k], acc_sh.at[isl[k].at[p, 1]], ssem[k],
                         add=True)

    def scatter_wait(k):
        pltpu.make_async_copy(bufs[k], acc_sh.at[isl[k].at[0, 1]],
                              ssem[k]).wait()

    for k in range(SLOTS):
        idx_load(k, k, 0)
    for k in range(SLOTS):
        idx_wait(k)
        gather(k, 0)
    for k in range(SLOTS):
        gather_wait(k, 0)
        scatter(k, 0)
        idx_load(k, jnp.minimum(SLOTS + k, NCHA - 1), 1)

    def round_body(r, carry):
        c0 = r * SLOTS
        p = r % 2
        for k in range(SLOTS):
            scatter_wait(k)
            idx_wait(k)
            gather(k, p)
        for k in range(SLOTS):
            gather_wait(k, p)
            scatter(k, p)
            idx_load(k, jnp.minimum(c0 + SLOTS + k, NCHA - 1), 1 - p)
        return carry

    lax.fori_loop(1, NCHA // SLOTS, round_body, 0)
    for k in range(SLOTS):
        scatter_wait(k)
        idx_wait(k)
    plsc.subcore_barrier()
    out_row0 = pl.multiple_of(cid * NP + sid * RPT, 8)
    pltpu.sync_copy(acc_sh.at[pl.ds(row0, RPT)], acc_out.at[pl.ds(out_row0, RPT)])


_sc_deg = [
    pltpu.VMEM((NCHD, CHD), jnp.int32),
    pltpu.VMEM((CHD, D), _f32),
    pltpu.VMEM_SHARED((NP, D), _f32),
] + [pltpu.SemaphoreType.DMA] * KS


@functools.partial(pl.kernel, mesh=_mesh,
                   out_type=jax.ShapeDtypeStruct((NC * NP, D), _f32),
                   scratch_types=_sc_deg)
def _deg(dst2, z_rows, ones_h, deg_out, dst_v, ones_v, deg_sh, *ss):
    cid = lax.axis_index("c")
    sid = lax.axis_index("s")
    wid = sid * NC + cid
    row0 = pl.multiple_of(sid * RPT, 8)
    crow = pl.multiple_of(wid * NCHD, 8)
    pltpu.sync_copy(z_rows, deg_sh.at[pl.ds(row0, RPT)])
    pltpu.sync_copy(ones_h, ones_v)
    pltpu.sync_copy(dst2.at[pl.ds(crow, NCHD)], dst_v)
    plsc.subcore_barrier()

    for k in range(KS):
        pltpu.async_copy(ones_v, deg_sh.at[dst_v.at[k]], ss[k], add=True)

    def body(r, carry):
        c0 = (r + 1) * KS
        for k in range(KS):
            pltpu.make_async_copy(ones_v, deg_sh.at[dst_v.at[0]], ss[k]).wait()
            pltpu.async_copy(ones_v, deg_sh.at[dst_v.at[c0 + k]], ss[k],
                             add=True)
        return carry

    lax.fori_loop(0, NCHD // KS - 1, body, 0)
    for k in range(KS):
        pltpu.make_async_copy(ones_v, deg_sh.at[dst_v.at[0]], ss[k]).wait()
    plsc.subcore_barrier()
    out_row0 = pl.multiple_of(cid * NP + sid * RPT, 8)
    pltpu.sync_copy(deg_sh.at[pl.ds(row0, RPT)], deg_out.at[pl.ds(out_row0, RPT)])


def _tc_in(x_ref, ws_ref, wn_ref, b_ref, hs_ref, hn_ref):
    x = x_ref[...]
    hs_ref[...] = jnp.dot(x, ws_ref[...], preferred_element_type=_f32) + b_ref[...]
    hn_ref[...] = jnp.dot(x, wn_ref[...], preferred_element_type=_f32)


def _tc_mid(hs_ref, acc_ref, degp_ref, g_ref, bb_ref, ws_ref, wn_ref, b_ref,
            hs2_ref, hn2_ref):
    deg = degp_ref[0, :, :1] + degp_ref[1, :, :1]
    a = acc_ref[0:N] + acc_ref[NP:NP + N]
    t = hs_ref[...] + a / jnp.maximum(deg, 1.0)
    mu = jnp.mean(t, axis=0, keepdims=True)
    var = jnp.mean((t - mu) ** 2, axis=0, keepdims=True)
    z = jnp.maximum((t - mu) / jnp.sqrt(var + 1e-5) * g_ref[...] + bb_ref[...],
                    0.0)
    hs2_ref[...] = jnp.dot(z, ws_ref[...], preferred_element_type=_f32) + b_ref[...]
    hn2_ref[...] = jnp.dot(z, wn_ref[...], preferred_element_type=_f32)


def _tc_fin(hs_ref, acc_ref, degp_ref, o_ref):
    deg = degp_ref[0, :, :1] + degp_ref[1, :, :1]
    a = acc_ref[0:N] + acc_ref[NP:NP + N]
    t = hs_ref[...] + a / jnp.maximum(deg, 1.0)
    m = jnp.max(t, axis=1, keepdims=True)
    s = t - m
    o_ref[...] = s - jnp.log(jnp.sum(jnp.exp(s), axis=1, keepdims=True))


_nd = jax.ShapeDtypeStruct((N, D), _f32)
_tc_in_call = pl.pallas_call(_tc_in, out_shape=[_nd, _nd])
_tc_mid_call = pl.pallas_call(_tc_mid, out_shape=[_nd, _nd])
_tc_fin_call = pl.pallas_call(_tc_fin, out_shape=_nd)


def kernel(x, edge_index, order_attn, W_self1, W_neigh1, b1, bn1_g, bn1_b,
           W_self2, W_neigh2, b2, bn2_g, bn2_b, W_self3, W_neigh3, b3):
    src = edge_index[0]
    dst = edge_index[1]
    sd2 = jnp.stack([src.reshape(NW * NCHA, CHA), dst.reshape(NW * NCHA, CHA)],
                    axis=1)
    dst2 = dst.reshape(NW * NCHD, CHD)
    z_rows = jnp.zeros((RPT, D), _f32)
    ones_h = jnp.ones((CHD, D), _f32)

    degp = _deg(dst2, z_rows, ones_h).reshape(NC, NP, D)[:, :N, :8]
    hs1, hn1 = _tc_in_call(x, W_self1, W_neigh1, b1.reshape(1, D))
    acc1 = _agg(hn1, sd2, z_rows)
    hs2, hn2 = _tc_mid_call(hs1, acc1, degp, bn1_g.reshape(1, D),
                            bn1_b.reshape(1, D), W_self2, W_neigh2,
                            b2.reshape(1, D))
    acc2 = _agg(hn2, sd2, z_rows)
    hs3, hn3 = _tc_mid_call(hs2, acc2, degp, bn2_g.reshape(1, D),
                            bn2_b.reshape(1, D), W_self3, W_neigh3,
                            b3.reshape(1, D))
    acc3 = _agg(hn3, sd2, z_rows)
    return _tc_fin_call(hs3, acc3, degp)

# --- scband reference (transcript-rebuilt; emitter-appended) ---
"""Pipeline reference for scband-sage-1099511628225 (READ-ONLY COPY).

The authoritative reference and input builder live on the scoring server;
editing this copy changes nothing except your own understanding.
"""

import jax, jax.numpy as jnp
import numpy as np

N = 10000
E = 320000
D_IN = 128
D_H = 128
D_OUT = 128


def setup_inputs(seed: int = 0):
    key = jax.random.key(seed)
    ks = jax.random.split(key, 12)
    def lin(k, i, o):
        return (jax.random.normal(k, (i, o), dtype=jnp.float32) / np.sqrt(i)).astype(jnp.float32)
    inp = {}
    inp["x"] = jax.random.normal(ks[0], (N, D_IN), dtype=jnp.float32)
    inp["edge_index"] = jax.random.randint(ks[1], (2, E), 0, N, dtype=jnp.int32)
    inp["order_attn"] = jax.random.uniform(ks[2], (3,), dtype=jnp.float32)
    inp["W_self1"] = lin(ks[3], D_IN, D_H)
    inp["W_neigh1"] = lin(ks[4], D_IN, D_H)
    inp["b1"] = jnp.zeros((D_H,), jnp.float32)
    inp["bn1_g"] = jnp.ones((D_H,), jnp.float32)
    inp["bn1_b"] = jnp.zeros((D_H,), jnp.float32)
    inp["W_self2"] = lin(ks[5], D_H, D_H)
    inp["W_neigh2"] = lin(ks[6], D_H, D_H)
    inp["b2"] = jnp.zeros((D_H,), jnp.float32)
    inp["bn2_g"] = jnp.ones((D_H,), jnp.float32)
    inp["bn2_b"] = jnp.zeros((D_H,), jnp.float32)
    inp["W_self3"] = lin(ks[7], D_H, D_OUT)
    inp["W_neigh3"] = lin(ks[8], D_H, D_OUT)
    inp["b3"] = jnp.zeros((D_OUT,), jnp.float32)
    return inp


def reference(x, edge_index, order_attn, W_self1, W_neigh1, b1, bn1_g, bn1_b, W_self2, W_neigh2, b2, bn2_g, bn2_b, W_self3, W_neigh3, b3):
    # single-graph path of SAGE.forward (len(g_list) == 1); eval mode so dropout is identity
    src = edge_index[0]
    dst = edge_index[1]

    def sage_conv(h, Ws, Wn, b):
        # DGL SAGEConv, aggregator_type='mean': fc_self(h) + fc_neigh(mean_{u in N(v)} h_u)
        msg = jnp.take(h, src, axis=0)
        agg = jax.ops.segment_sum(msg, dst, num_segments=N)
        deg = jax.ops.segment_sum(jnp.ones((E,), h.dtype), dst, num_segments=N)
        agg = agg / jnp.maximum(deg, 1.0)[:, None]
        return h @ Ws + agg @ Wn + b

    def batch_norm(h, g, b):
        mu = jnp.mean(h, axis=0)
        var = jnp.var(h, axis=0)
        return (h - mu) / jnp.sqrt(var + 1e-5) * g + b

    h = sage_conv(x, W_self1, W_neigh1, b1)
    h = jax.nn.relu(batch_norm(h, bn1_g, bn1_b))
    h = sage_conv(h, W_self2, W_neigh2, b2)
    h = jax.nn.relu(batch_norm(h, bn2_g, bn2_b))
    h = sage_conv(h, W_self3, W_neigh3, b3)
    return jax.nn.log_softmax(h, axis=-1)

if __name__ == "__main__":
    import jax
    _d = setup_inputs()
    print(jax.jit(kernel)(*tuple(_d.values())))

</pallas_src>

<mosaic_0001>
#map = affine_map<(d0, d1) -> (0, 0)>
#map1 = affine_map<(d0, d1) -> (0, 0, 0)>
module attributes {stable_mosaic.version = 14 : i64} {
  func.func @_agg(%arg0: i32, %arg1: i32, %arg2: memref<10000x128xf32, #tpu.memory_space<hbm>>, %arg3: memref<6400x2x50xi32, #tpu.memory_space<hbm>>, %arg4: memref<640x128xf32, #tpu.memory_space<hbm>>, %arg5: memref<20480x128xf32, #tpu.memory_space<hbm>>, %arg6: memref<2x2x50xi32, #tpu.memory_space<vmem>>, %arg7: memref<2x2x50xi32, #tpu.memory_space<vmem>>, %arg8: memref<2x2x50xi32, #tpu.memory_space<vmem>>, %arg9: memref<2x2x50xi32, #tpu.memory_space<vmem>>, %arg10: memref<2x2x50xi32, #tpu.memory_space<vmem>>, %arg11: memref<50x128xf32, #tpu.memory_space<vmem>>, %arg12: memref<50x128xf32, #tpu.memory_space<vmem>>, %arg13: memref<50x128xf32, #tpu.memory_space<vmem>>, %arg14: memref<50x128xf32, #tpu.memory_space<vmem>>, %arg15: memref<50x128xf32, #tpu.memory_space<vmem>>, %arg16: memref<10240x128xf32, #tpu.memory_space<vmem_shared>>, %arg17: memref<!tpu.dma_semaphore, #tpu.memory_space<semaphore_mem>>, %arg18: memref<!tpu.dma_semaphore, #tpu.memory_space<semaphore_mem>>, %arg19: memref<!tpu.dma_semaphore, #tpu.memory_space<semaphore_mem>>, %arg20: memref<!tpu.dma_semaphore, #tpu.memory_space<semaphore_mem>>, %arg21: memref<!tpu.dma_semaphore, #tpu.memory_space<semaphore_mem>>, %arg22: memref<!tpu.dma_semaphore, #tpu.memory_space<semaphore_mem>>, %arg23: memref<!tpu.dma_semaphore, #tpu.memory_space<semaphore_mem>>, %arg24: memref<!tpu.dma_semaphore, #tpu.memory_space<semaphore_mem>>, %arg25: memref<!tpu.dma_semaphore, #tpu.memory_space<semaphore_mem>>, %arg26: memref<!tpu.dma_semaphore, #tpu.memory_space<semaphore_mem>>, %arg27: memref<!tpu.dma_semaphore, #tpu.memory_space<semaphore_mem>>, %arg28: memref<!tpu.dma_semaphore, #tpu.memory_space<semaphore_mem>>, %arg29: memref<!tpu.dma_semaphore, #tpu.memory_space<semaphore_mem>>, %arg30: memref<!tpu.dma_semaphore, #tpu.memory_space<semaphore_mem>>, %arg31: memref<!tpu.dma_semaphore, #tpu.memory_space<semaphore_mem>>) attributes {dimension_semantics = [#tpu.dimension_semantics<core_parallel>, #tpu.dimension_semantics<subcore_parallel>], iteration_bounds = array<i64: 2, 16>, scalar_prefetch = 0 : i64, scratch_operands = 26 : i64, tpu.core_type = #tpu.core_type<sc_vector_subcore>, window_params = [{transform_indices = #map}, {transform_indices = #map1}, {transform_indices = #map}, {transform_indices = #map}]} {
    %mul3A = arith.constant 2 : i32
    %mul3A_0 = arith.muli %arg1, %mul3A : i32
    %add3A = arith.addi %mul3A_0, %arg0 : i32
    %mul3A_1 = arith.constant 640 : i32
    %mul3A_2 = arith.muli %arg1, %mul3A_1 : i32
    %multiple_of3A = tpu.assume_multiple %mul3A_2, 8 : i32
    %mul3A_3 = arith.constant 200 : i32
    %mul3A_4 = arith.muli %add3A, %mul3A_3 : i32
    %multiple_of3A_5 = tpu.assume_multiple %mul3A_4, 8 : i32
    "tpu.region"() ({
      %run_scoped3A = tpu.sem_alloc : memref<!tpu.dma_semaphore, #tpu.memory_space<semaphore_mem>>
      %dma_start3A_545 = arith.constant 0 : i32
      %dma_start3A_546 = tpu.memref_slice %arg16[%multiple_of3A, %dma_start3A_545] : memref<10240x128xf32, #tpu.memory_space<vmem_shared>> -> memref<640x128xf32, #tpu.memory_space<vmem_shared>>
      tpu.enqueue_dma source(%arg4 : memref<640x128xf32, #tpu.memory_space<hbm>>) target(%dma_start3A_546 : memref<640x128xf32, #tpu.memory_space<vmem_shared>>) target_semaphore(%run_scoped3A : memref<!tpu.dma_semaphore, #tpu.memory_space<semaphore_mem>>)
      %dma_wait3A_547 = arith.constant 0 : i32
      %dma_wait3A_548 = tpu.memref_slice %arg16[%multiple_of3A, %dma_wait3A_547] : memref<10240x128xf32, #tpu.memory_space<vmem_shared>> -> memref<640x128xf32, #tpu.memory_space<vmem_shared>>
      tpu.wait_dma2 semaphore(%run_scoped3A : memref<!tpu.dma_semaphore, #tpu.memory_space<semaphore_mem>>) src(%arg4 : memref<640x128xf32, #tpu.memory_space<hbm>>) dst(%dma_wait3A_548 : memref<640x128xf32, #tpu.memory_space<vmem_shared>>)
      tpu.yield
    }) : () -> ()
    %barrier3A = arith.constant 0 : index
    tpu.barrier barrier_id(%barrier3A)
    %add3A_6 = arith.constant 0 : i32
    %add3A_7 = arith.addi %multiple_of3A_5, %add3A_6 : i32
    %dma_start3A = arith.constant 0 : i32
    %dma_start3A_8 = arith.constant 0 : i32
    %dma_start3A_9 = arith.constant 0 : i32
    %dma_start3A_10 = tpu.memref_slice %arg6[%dma_start3A, %dma_start3A_8, %dma_start3A_9] : memref<2x2x50xi32, #tpu.memory_space<vmem>> -> memref<1x2x50xi32, #tpu.memory_space<vmem>>
    %dma_start3A_11 = tpu.memref_squeeze %dma_start3A_10 : memref<1x2x50xi32, #tpu.memory_space<vmem>> -> memref<2x50xi32, #tpu.memory_space<vmem>>
    %dma_start3A_12 = arith.constant 0 : i32
    %dma_start3A_13 = arith.constant 0 : i32
    %dma_start3A_14 = tpu.memref_slice %arg3[%add3A_7, %dma_start3A_12, %dma_start3A_13] : memref<6400x2x50xi32, #tpu.memory_space<hbm>> -> memref<1x2x50xi32, #tpu.memory_space<hbm>>
    %dma_start3A_15 = tpu.memref_squeeze %dma_start3A_14 : memref<1x2x50xi32, #tpu.memory_space<hbm>> -> memref<2x50xi32, #tpu.memory_space<hbm>>
    %dma_start3A_16 = arith.constant 0 : i32
    %dma_start3A_17 = arith.constant 0 : i32
    %dma_start3A_18 = tpu.memref_slice %arg6[%dma_start3A, %dma_start3A_16, %dma_start3A_17] : memref<2x2x50xi32, #tpu.memory_space<vmem>> -> memref<1x2x50xi32, #tpu.memory_space<vmem>>
    %dma_start3A_19 = tpu.memref_squeeze %dma_start3A_18 : memref<1x2x50xi32, #tpu.memory_space<vmem>> -> memref<2x50xi32, #tpu.memory_space<vmem>>
    %dma_start3A_20 = arith.constant 0 : i32
    %dma_start3A_21 = arith.constant 0 : i32
    %dma_start3A_22 = tpu.memref_slice %arg3[%add3A_7, %dma_start3A_20, %dma_start3A_21] : memref<6400x2x50xi32, #tpu.memory_space<hbm>> -> memref<1x2x50xi32, #tpu.memory_space<hbm>>
    %dma_start3A_23 = tpu.memref_squeeze %dma_start3A_22 : memref<1x2x50xi32, #tpu.memory_space<hbm>> -> memref<2x50xi32, #tpu.memory_space<hbm>>
    tpu.enqueue_dma source(%dma_start3A_23 : memref<2x50xi32, #tpu.memory_space<hbm>>) target(%dma_start3A_19 : memref<2x50xi32, #tpu.memory_space<vmem>>) target_semaphore(%arg17 : memref<!tpu.dma_semaphore, #tpu.memory_space<semaphore_mem>>)
    %add3A_24 = arith.constant 1 : i32
    %add3A_25 = arith.addi %multiple_of3A_5, %add3A_24 : i32
    %dma_start3A_26 = arith.constant 0 : i32
    %dma_start3A_27 = arith.constant 0 : i32
    %dma_start3A_28 = arith.constant 0 : i32
    %dma_start3A_29 = tpu.memref_slice %arg7[%dma_start3A_26, %dma_start3A_27, %dma_start3A_28] : memref<2x2x50xi32, #tpu.memory_space<vmem>> -> memref<1x2x50xi32, #tpu.memory_space<vmem>>
    %dma_start3A_30 = tpu.memref_squeeze %dma_start3A_29 : memref<1x2x50xi32, #tpu.memory_space<vmem>> -> memref<2x50xi32, #tpu.memory_space<vmem>>
    %dma_start3A_31 = arith.constant 0 : i32
    %dma_start3A_32 = arith.constant 0 : i32
    %dma_start3A_33 = tpu.memref_slice %arg3[%add3A_25, %dma_start3A_31, %dma_start3A_32] : memref<6400x2x50xi32, #tpu.memory_space<hbm>> -> memref<1x2x50xi32, #tpu.memory_space<hbm>>
    %dma_start3A_34 = tpu.memref_squeeze %dma_start3A_33 : memref<1x2x50xi32, #tpu.memory_space<hbm>> -> memref<2x50xi32, #tpu.memory_space<hbm>>
    %dma_start3A_35 = arith.constant 0 : i32
    %dma_start3A_36 = arith.constant 0 : i32
    %dma_start3A_37 = tpu.memref_slice %arg7[%dma_start3A_26, %dma_start3A_35, %dma_start3A_36] : memref<2x2x50xi32, #tpu.memory_space<vmem>> -> memref<1x2x50xi32, #tpu.memory_space<vmem>>
    %dma_start3A_38 = tpu.memref_squeeze %dma_start3A_37 : memref<1x2x50xi32, #tpu.memory_space<vmem>> -> memref<2x50xi32, #tpu.memory_space<vmem>>
    %dma_start3A_39 = arith.constant 0 : i32
    %dma_start3A_40 = arith.constant 0 : i32
    %dma_start3A_41 = tpu.memref_slice %arg3[%add3A_25, %dma_start3A_39, %dma_start3A_40] : memref<6400x2x50xi32, #tpu.memory_space<hbm>> -> memref<1x2x50xi32, #tpu.memory_space<hbm>>
    %dma_start3A_42 = tpu.memref_squeeze %dma_start3A_41 : memref<1x2x50xi32, #tpu.memory_space<hbm>> -> memref<2x50xi32, #tpu.memory_space<hbm>>
    tpu.enqueue_dma source(%dma_start3A_42 : memref<2x50xi32, #tpu.memory_space<hbm>>) target(%dma_start3A_38 : memref<2x50xi32, #tpu.memory_space<vmem>>) target_semaphore(%arg18 : memref<!tpu.dma_semaphore, #tpu.memory_space<semaphore_mem>>)
    %add3A_43 = arith.constant 2 : i32
    %add3A_44 = arith.addi %multiple_of3A_5, %add3A_43 : i32
    %dma_start3A_45 = arith.constant 0 : i32
    %dma_start3A_46 = arith.constant 0 : i32
    %dma_start3A_47 = arith.constant 0 : i32
    %dma_start3A_48 = tpu.memref_slice %arg8[%dma_start3A_45, %dma_start3A_46, %dma_start3A_47] : memref<2x2x50xi32, #tpu.memory_space<vmem>> -> memref<1x2x50xi32, #tpu.memory_space<vmem>>
    %dma_start3A_49 = tpu.memref_squeeze %dma_start3A_48 : memref<1x2x50xi32, #tpu.memory_space<vmem>> -> memref<2x50xi32, #tpu.memory_space<vmem>>
    %dma_start3A_50 = arith.constant 0 : i32
    %dma_start3A_51 = arith.constant 0 : i32
    %dma_start3A_52 = tpu.memref_slice %arg3[%add3A_44, %dma_start3A_50, %dma_start3A_51] : memref<6400x2x50xi32, #tpu.memory_space<hbm>> -> memref<1x2x50xi32, #tpu.memory_space<hbm>>
    %dma_start3A_53 = tpu.memref_squeeze %dma_start3A_52 : memref<1x2x50xi32, #tpu.memory_space<hbm>> -> memref<2x50xi32, #tpu.memory_space<hbm>>
    %dma_start3A_54 = arith.constant 0 : i32
    %dma_start3A_55 = arith.constant 0 : i32
    %dma_start3A_56 = tpu.memref_slice %arg8[%dma_start3A_45, %dma_start3A_54, %dma_start3A_55] : memref<2x2x50xi32, #tpu.memory_space<vmem>> -> memref<1x2x50xi32, #tpu.memory_space<vmem>>
    %dma_start3A_57 = tpu.memref_squeeze %dma_start3A_56 : memref<1x2x50xi32, #tpu.memory_space<vmem>> -> memref<2x50xi32, #tpu.memory_space<vmem>>
    %dma_start3A_58 = arith.constant 0 : i32
    %dma_start3A_59 = arith.constant 0 : i32
    %dma_start3A_60 = tpu.memref_slice %arg3[%add3A_44, %dma_start3A_58, %dma_start3A_59] : memref<6400x2x50xi32, #tpu.memory_space<hbm>> -> memref<1x2x50xi32, #tpu.memory_space<hbm>>
    %dma_start3A_61 = tpu.memref_squeeze %dma_start3A_60 : memref<1x2x50xi32, #tpu.memory_space<hbm>> -> memref<2x50xi32, #tpu.memory_space<hbm>>
    tpu.enqueue_dma source(%dma_start3A_61 : memref<2x50xi32, #tpu.memory_space<hbm>>) target(%dma_start3A_57 : memref<2x50xi32, #tpu.memory_space<vmem>>) target_semaphore(%arg19 : memref<!tpu.dma_semaphore, #tpu.memory_space<semaphore_mem>>)
    %add3A_62 = arith.constant 3 : i32
    %add3A_63 = arith.addi %multiple_of3A_5, %add3A_62 : i32
    %dma_start3A_64 = arith.constant 0 : i32
    %dma_start3A_65 = arith.constant 0 : i32
    %dma_start3A_66 = arith.constant 0 : i32
    %dma_start3A_67 = tpu.memref_slice %arg9[%dma_start3A_64, %dma_start3A_65, %dma_start3A_66] : memref<2x2x50xi32, #tpu.memory_space<vmem>> -> memref<1x2x50xi32, #tpu.memory_space<vmem>>
    %dma_start3A_68 = tpu.memref_squeeze %dma_start3A_67 : memref<1x2x50xi32, #tpu.memory_space<vmem>> -> memref<2x50xi32, #tpu.memory_space<vmem>>
    %dma_start3A_69 = arith.constant 0 : i32
    %dma_start3A_70 = arith.constant 0 : i32
    %dma_start3A_71 = tpu.memref_slice %arg3[%add3A_63, %dma_start3A_69, %dma_start3A_70] : memref<6400x2x50xi32, #tpu.memory_space<hbm>> -> memref<1x2x50xi32, #tpu.memory_space<hbm>>
    %dma_start3A_72 = tpu.memref_squeeze %dma_start3A_71 : memref<1x2x50xi32, #tpu.memory_space<hbm>> -> memref<2x50xi32, #tpu.memory_space<hbm>>
    %dma_start3A_73 = arith.constant 0 : i32
    %dma_start3A_74 = arith.constant 0 : i32
    %dma_start3A_75 = tpu.memref_slice %arg9[%dma_start3A_64, %dma_start3A_73, %dma_start3A_74] : memref<2x2x50xi32, #tpu.memory_space<vmem>> -> memref<1x2x50xi32, #tpu.memory_space<vmem>>
    %dma_start3A_76 = tpu.memref_squeeze %dma_start3A_75 : memref<1x2x50xi32, #tpu.memory_space<vmem>> -> memref<2x50xi32, #tpu.memory_space<vmem>>
    %dma_start3A_77 = arith.constant 0 : i32
    %dma_start3A_78 = arith.constant 0 : i32
    %dma_start3A_79 = tpu.memref_slice %arg3[%add3A_63, %dma_start3A_77, %dma_start3A_78] : memref<6400x2x50xi32, #tpu.memory_space<hbm>> -> memref<1x2x50xi32, #tpu.memory_space<hbm>>
    %dma_start3A_80 = tpu.memref_squeeze %dma_start3A_79 : memref<1x2x50xi32, #tpu.memory_space<hbm>> -> memref<2x50xi32, #tpu.memory_space<hbm>>
    tpu.enqueue_dma source(%dma_start3A_80 : memref<2x50xi32, #tpu.memory_space<hbm>>) target(%dma_start3A_76 : memref<2x50xi32, #tpu.memory_space<vmem>>) target_semaphore(%arg20 : memref<!tpu.dma_semaphore, #tpu.memory_space<semaphore_mem>>)
    %add3A_81 = arith.constant 4 : i32
    %add3A_82 = arith.addi %multiple_of3A_5, %add3A_81 : i32
    %dma_start3A_83 = arith.constant 0 : i32
    %dma_start3A_84 = arith.constant 0 : i32
    %dma_start3A_85 = arith.constant 0 : i32
    %dma_start3A_86 = tpu.memref_slice %arg10[%dma_start3A_83, %dma_start3A_84, %dma_start3A_85] : memref<2x2x50xi32, #tpu.memory_space<vmem>> -> memref<1x2x50xi32, #tpu.memory_space<vmem>>
    %dma_start3A_87 = tpu.memref_squeeze %dma_start3A_86 : memref<1x2x50xi32, #tpu.memory_space<vmem>> -> memref<2x50xi32, #tpu.memory_space<vmem>>
    %dma_start3A_88 = arith.constant 0 : i32
    %dma_start3A_89 = arith.constant 0 : i32
    %dma_start3A_90 = tpu.memref_slice %arg3[%add3A_82, %dma_start3A_88, %dma_start3A_89] : memref<6400x2x50xi32, #tpu.memory_space<hbm>> -> memref<1x2x50xi32, #tpu.memory_space<hbm>>
    %dma_start3A_91 = tpu.memref_squeeze %dma_start3A_90 : memref<1x2x50xi32, #tpu.memory_space<hbm>> -> memref<2x50xi32, #tpu.memory_space<hbm>>
    %dma_start3A_92 = arith.constant 0 : i32
    %dma_start3A_93 = arith.constant 0 : i32
    %dma_start3A_94 = tpu.memref_slice %arg10[%dma_start3A_83, %dma_start3A_92, %dma_start3A_93] : memref<2x2x50xi32, #tpu.memory_space<vmem>> -> memref<1x2x50xi32, #tpu.memory_space<vmem>>
    %dma_start3A_95 = tpu.memref_squeeze %dma_start3A_94 : memref<1x2x50xi32, #tpu.memory_space<vmem>> -> memref<2x50xi32, #tpu.memory_space<vmem>>
    %dma_start3A_96 = arith.constant 0 : i32
    %dma_start3A_97 = arith.constant 0 : i32
    %dma_start3A_98 = tpu.memref_slice %arg3[%add3A_82, %dma_start3A_96, %dma_start3A_97] : memref<6400x2x50xi32, #tpu.memory_space<hbm>> -> memref<1x2x50xi32, #tpu.memory_space<hbm>>
    %dma_start3A_99 = tpu.memref_squeeze %dma_start3A_98 : memref<1x2x50xi32, #tpu.memory_space<hbm>> -> memref<2x50xi32, #tpu.memory_space<hbm>>
    tpu.enqueue_dma source(%dma_start3A_99 : memref<2x50xi32, #tpu.memory_space<hbm>>) target(%dma_start3A_95 : memref<2x50xi32, #tpu.memory_space<vmem>>) target_semaphore(%arg21 : memref<!tpu.dma_semaphore, #tpu.memory_space<semaphore_mem>>)
    %dma_wait3A = arith.constant 0 : i32
    %dma_wait3A_100 = arith.constant 0 : i32
    %dma_wait3A_101 = arith.constant 0 : i32
    %dma_wait3A_102 = tpu.memref_slice %arg6[%dma_wait3A, %dma_wait3A_100, %dma_wait3A_101] : memref<2x2x50xi32, #tpu.memory_space<vmem>> -> memref<1x2x50xi32, #tpu.memory_space<vmem>>
    %dma_wait3A_103 = tpu.memref_squeeze %dma_wait3A_102 : memref<1x2x50xi32, #tpu.memory_space<vmem>> -> memref<2x50xi32, #tpu.memory_space<vmem>>
    %dma_wait3A_104 = arith.constant 0 : i32
    %dma_wait3A_105 = arith.constant 0 : i32
    %dma_wait3A_106 = tpu.memref_slice %arg3[%multiple_of3A_5, %dma_wait3A_104, %dma_wait3A_105] : memref<6400x2x50xi32, #tpu.memory_space<hbm>> -> memref<1x2x50xi32, #tpu.memory_space<hbm>>
    %dma_wait3A_107 = tpu.memref_squeeze %dma_wait3A_106 : memref<1x2x50xi32, #tpu.memory_space<hbm>> -> memref<2x50xi32, #tpu.memory_space<hbm>>
    %dma_wait3A_108 = arith.constant 0 : i32
    %dma_wait3A_109 = arith.constant 0 : i32
    %dma_wait3A_110 = tpu.memref_slice %arg6[%dma_wait3A, %dma_wait3A_108, %dma_wait3A_109] : memref<2x2x50xi32, #tpu.memory_space<vmem>> -> memref<1x2x50xi32, #tpu.memory_space<vmem>>
    %dma_wait3A_111 = tpu.memref_squeeze %dma_wait3A_110 : memref<1x2x50xi32, #tpu.memory_space<vmem>> -> memref<2x50xi32, #tpu.memory_space<vmem>>
    %dma_wait3A_112 = arith.constant 0 : i32
    %dma_wait3A_113 = arith.constant 0 : i32
    %dma_wait3A_114 = tpu.memref_slice %arg3[%multiple_of3A_5, %dma_wait3A_112, %dma_wait3A_113] : memref<6400x2x50xi32, #tpu.memory_space<hbm>> -> memref<1x2x50xi32, #tpu.memory_space<hbm>>
    %dma_wait3A_115 = tpu.memref_squeeze %dma_wait3A_114 : memref<1x2x50xi32, #tpu.memory_space<hbm>> -> memref<2x50xi32, #tpu.memory_space<hbm>>
    tpu.wait_dma2 semaphore(%arg17 : memref<!tpu.dma_semaphore, #tpu.memory_space<semaphore_mem>>) src(%dma_wait3A_115 : memref<2x50xi32, #tpu.memory_space<hbm>>) dst(%dma_wait3A_111 : memref<2x50xi32, #tpu.memory_space<vmem>>)
    %dma_start3A_116 = arith.constant 0 : i32
    %dma_start3A_117 = arith.constant 0 : i32
    %dma_start3A_118 = arith.constant 0 : i32
    %dma_start3A_119 = tpu.memref_slice %arg6[%dma_start3A_116, %dma_start3A_117, %dma_start3A_118] : memref<2x2x50xi32, #tpu.memory_space<vmem>> -> memref<1x1x50xi32, #tpu.memory_space<vmem>>
    %dma_start3A_120 = tpu.memref_squeeze %dma_start3A_119 : memref<1x1x50xi32, #tpu.memory_space<vmem>> -> memref<50xi32, #tpu.memory_space<vmem>>
    %dma_start3A_121 = arith.constant 0 : i32
    %dma_start3A_122 = arith.constant 0 : i32
    %dma_start3A_123 = tpu.memref_slice %arg2[%dma_start3A_121, %dma_start3A_122] : memref<10000x128xf32, #tpu.memory_space<hbm>> -> memref<10000x128xf32, #tpu.memory_space<hbm>>
    tpu.enqueue_indirect_dma source(%dma_start3A_123 : memref<10000x128xf32, #tpu.memory_space<hbm>>) target(%arg11 : memref<50x128xf32, #tpu.memory_space<vmem>>) offsets(%dma_start3A_120 : memref<50xi32, #tpu.memory_space<vmem>>) semaphore(%arg22 : memref<!tpu.dma_semaphore, #tpu.memory_space<semaphore_mem>>)
    %dma_wait3A_124 = arith.constant 0 : i32
    %dma_wait3A_125 = arith.constant 0 : i32
    %dma_wait3A_126 = arith.constant 0 : i32
    %dma_wait3A_127 = tpu.memref_slice %arg7[%dma_wait3A_124, %dma_wait3A_125, %dma_wait3A_126] : memref<2x2x50xi32, #tpu.memory_space<vmem>> -> memref<1x2x50xi32, #tpu.memory_space<vmem>>
    %dma_wait3A_128 = tpu.memref_squeeze %dma_wait3A_127 : memref<1x2x50xi32, #tpu.memory_space<vmem>> -> memref<2x50xi32, #tpu.memory_space<vmem>>
    %dma_wait3A_129 = arith.constant 0 : i32
    %dma_wait3A_130 = arith.constant 0 : i32
    %dma_wait3A_131 = tpu.memref_slice %arg3[%multiple_of3A_5, %dma_wait3A_129, %dma_wait3A_130] : memref<6400x2x50xi32, #tpu.memory_space<hbm>> -> memref<1x2x50xi32, #tpu.memory_space<hbm>>
    %dma_wait3A_132 = tpu.memref_squeeze %dma_wait3A_131 : memref<1x2x50xi32, #tpu.memory_space<hbm>> -> memref<2x50xi32, #tpu.memory_space<hbm>>
    %dma_wait3A_133 = arith.constant 0 : i32
    %dma_wait3A_134 = arith.constant 0 : i32
    %dma_wait3A_135 = tpu.memref_slice %arg7[%dma_wait3A_124, %dma_wait3A_133, %dma_wait3A_134] : memref<2x2x50xi32, #tpu.memory_space<vmem>> -> memref<1x2x50xi32, #tpu.memory_space<vmem>>
    %dma_wait3A_136 = tpu.memref_squeeze %dma_wait3A_135 : memref<1x2x50xi32, #tpu.memory_space<vmem>> -> memref<2x50xi32, #tpu.memory_space<vmem>>
    %dma_wait3A_137 = arith.constant 0 : i32
    %dma_wait3A_138 = arith.constant 0 : i32
    %dma_wait3A_139 = tpu.memref_slice %arg3[%multiple_of3A_5, %dma_wait3A_137, %dma_wait3A_138] : memref<6400x2x50xi32, #tpu.memory_space<hbm>> -> memref<1x2x50xi32, #tpu.memory_space<hbm>>
    %dma_wait3A_140 = tpu.memref_squeeze %dma_wait3A_139 : memref<1x2x50xi32, #tpu.memory_space<hbm>> -> memref<2x50xi32, #tpu.memory_space<hbm>>
    tpu.wait_dma2 semaphore(%arg18 : memref<!tpu.dma_semaphore, #tpu.memory_space<semaphore_mem>>) src(%dma_wait3A_140 : memref<2x50xi32, #tpu.memory_space<hbm>>) dst(%dma_wait3A_136 : memref<2x50xi32, #tpu.memory_space<vmem>>)
    %dma_start3A_141 = arith.constant 0 : i32
    %dma_start3A_142 = arith.constant 0 : i32
    %dma_start3A_143 = arith.constant 0 : i32
    %dma_start3A_144 = tpu.memref_slice %arg7[%dma_start3A_141, %dma_start3A_142, %dma_start3A_143] : memref<2x2x50xi32, #tpu.memory_space<vmem>> -> memref<1x1x50xi32, #tpu.memory_space<vmem>>
    %dma_start3A_145 = tpu.memref_squeeze %dma_start3A_144 : memref<1x1x50xi32, #tpu.memory_space<vmem>> -> memref<50xi32, #tpu.memory_space<vmem>>
    %dma_start3A_146 = arith.constant 0 : i32
    %dma_start3A_147 = arith.constant 0 : i32
    %dma_start3A_148 = tpu.memref_slice %arg2[%dma_start3A_146, %dma_start3A_147] : memref<10000x128xf32, #tpu.memory_space<hbm>> -> memref<10000x128xf32, #tpu.memory_space<hbm>>
    tpu.enqueue_indirect_dma source(%dma_start3A_148 : memref<10000x128xf32, #tpu.memory_space<hbm>>) target(%arg12 : memref<50x128xf32, #tpu.memory_space<vmem>>) offsets(%dma_start3A_145 : memref<50xi32, #tpu.memory_space<vmem>>) semaphore(%arg23 : memref<!tpu.dma_semaphore, #tpu.memory_space<semaphore_mem>>)
    %dma_wait3A_149 = arith.constant 0 : i32
    %dma_wait3A_150 = arith.constant 0 : i32
    %dma_wait3A_151 = arith.constant 0 : i32
    %dma_wait3A_152 = tpu.memref_slice %arg8[%dma_wait3A_149, %dma_wait3A_150, %dma_wait3A_151] : memref<2x2x50xi32, #tpu.memory_space<vmem>> -> memref<1x2x50xi32, #tpu.memory_space<vmem>>
    %dma_wait3A_153 = tpu.memref_squeeze %dma_wait3A_152 : memref<1x2x50xi32, #tpu.memory_space<vmem>> -> memref<2x50xi32, #tpu.memory_space<vmem>>
    %dma_wait3A_154 = arith.constant 0 : i32
    %dma_wait3A_155 = arith.constant 0 : i32
    %dma_wait3A_156 = tpu.memref_slice %arg3[%multiple_of3A_5, %dma_wait3A_154, %dma_wait3A_155] : memref<6400x2x50xi32, #tpu.memory_space<hbm>> -> memref<1x2x50xi32, #tpu.memory_space<hbm>>
    %dma_wait3A_157 = tpu.memref_squeeze %dma_wait3A_156 : memref<1x2x50xi32, #tpu.memory_space<hbm>> -> memref<2x50xi32, #tpu.memory_space<hbm>>
    %dma_wait3A_158 = arith.constant 0 : i32
    %dma_wait3A_159 = arith.constant 0 : i32
    %dma_wait3A_160 = tpu.memref_slice %arg8[%dma_wait3A_149, %dma_wait3A_158, %dma_wait3A_159] : memref<2x2x50xi32, #tpu.memory_space<vmem>> -> memref<1x2x50xi32, #tpu.memory_space<vmem>>
    %dma_wait3A_161 = tpu.memref_squeeze %dma_wait3A_160 : memref<1x2x50xi32, #tpu.memory_space<vmem>> -> memref<2x50xi32, #tpu.memory_space<vmem>>
    %dma_wait3A_162 = arith.constant 0 : i32
    %dma_wait3A_163 = arith.constant 0 : i32
    %dma_wait3A_164 = tpu.memref_slice %arg3[%multiple_of3A_5, %dma_wait3A_162, %dma_wait3A_163] : memref<6400x2x50xi32, #tpu.memory_space<hbm>> -> memref<1x2x50xi32, #tpu.memory_space<hbm>>
    %dma_wait3A_165 = tpu.memref_squeeze %dma_wait3A_164 : memref<1x2x50xi32, #tpu.memory_space<hbm>> -> memref<2x50xi32, #tpu.memory_space<hbm>>
    tpu.wait_dma2 semaphore(%arg19 : memref<!tpu.dma_semaphore, #tpu.memory_space<semaphore_mem>>) src(%dma_wait3A_165 : memref<2x50xi32, #tpu.memory_space<hbm>>) dst(%dma_wait3A_161 : memref<2x50xi32, #tpu.memory_space<vmem>>)
    %dma_start3A_166 = arith.constant 0 : i32
    %dma_start3A_167 = arith.constant 0 : i32
    %dma_start3A_168 = arith.constant 0 : i32
    %dma_start3A_169 = tpu.memref_slice %arg8[%dma_start3A_166, %dma_start3A_167, %dma_start3A_168] : memref<2x2x50xi32, #tpu.memory_space<vmem>> -> memref<1x1x50xi32, #tpu.memory_space<vmem>>
    %dma_start3A_170 = tpu.memref_squeeze %dma_start3A_169 : memref<1x1x50xi32, #tpu.memory_space<vmem>> -> memref<50xi32, #tpu.memory_space<vmem>>
    %dma_start3A_171 = arith.constant 0 : i32
    %dma_start3A_172 = arith.constant 0 : i32
    %dma_start3A_173 = tpu.memref_slice %arg2[%dma_start3A_171, %dma_start3A_172] : memref<10000x128xf32, #tpu.memory_space<hbm>> -> memref<10000x128xf32, #tpu.memory_space<hbm>>
    tpu.enqueue_indirect_dma source(%dma_start3A_173 : memref<10000x128xf32, #tpu.memory_space<hbm>>) target(%arg13 : memref<50x128xf32, #tpu.memory_space<vmem>>) offsets(%dma_start3A_170 : memref<50xi32, #tpu.memory_space<vmem>>) semaphore(%arg24 : memref<!tpu.dma_semaphore, #tpu.memory_space<semaphore_mem>>)
    %dma_wait3A_174 = arith.constant 0 : i32
    %dma_wait3A_175 = arith.constant 0 : i32
    %dma_wait3A_176 = arith.constant 0 : i32
    %dma_wait3A_177 = tpu.memref_slice %arg9[%dma_wait3A_174, %dma_wait3A_175, %dma_wait3A_176] : memref<2x2x50xi32, #tpu.memory_space<vmem>> -> memref<1x2x50xi32, #tpu.memory_space<vmem>>
    %dma_wait3A_178 = tpu.memref_squeeze %dma_wait3A_177 : memref<1x2x50xi32, #tpu.memory_space<vmem>> -> memref<2x50xi32, #tpu.memory_space<vmem>>
    %dma_wait3A_179 = arith.constant 0 : i32
    %dma_wait3A_180 = arith.constant 0 : i32
    %dma_wait3A_181 = tpu.memref_slice %arg3[%multiple_of3A_5, %dma_wait3A_179, %dma_wait3A_180] : memref<6400x2x50xi32, #tpu.memory_space<hbm>> -> memref<1x2x50xi32, #tpu.memory_space<hbm>>
    %dma_wait3A_182 = tpu.memref_squeeze %dma_wait3A_181 : memref<1x2x50xi32, #tpu.memory_space<hbm>> -> memref<2x50xi32, #tpu.memory_space<hbm>>
    %dma_wait3A_183 = arith.constant 0 : i32
    %dma_wait3A_184 = arith.constant 0 : i32
    %dma_wait3A_185 = tpu.memref_slice %arg9[%dma_wait3A_174, %dma_wait3A_183, %dma_wait3A_184] : memref<2x2x50xi32, #tpu.memory_space<vmem>> -> memref<1x2x50xi32, #tpu.memory_space<vmem>>
    %dma_wait3A_186 = tpu.memref_squeeze %dma_wait3A_185 : memref<1x2x50xi32, #tpu.memory_space<vmem>> -> memref<2x50xi32, #tpu.memory_space<vmem>>
    %dma_wait3A_187 = arith.constant 0 : i32
    %dma_wait3A_188 = arith.constant 0 : i32
    %dma_wait3A_189 = tpu.memref_slice %arg3[%multiple_of3A_5, %dma_wait3A_187, %dma_wait3A_188] : memref<6400x2x50xi32, #tpu.memory_space<hbm>> -> memref<1x2x50xi32, #tpu.memory_space<hbm>>
    %dma_wait3A_190 = tpu.memref_squeeze %dma_wait3A_189 : memref<1x2x50xi32, #tpu.memory_space<hbm>> -> memref<2x50xi32, #tpu.memory_space<hbm>>
    tpu.wait_dma2 semaphore(%arg20 : memref<!tpu.dma_semaphore, #tpu.memory_space<semaphore_mem>>) src(%dma_wait3A_190 : memref<2x50xi32, #tpu.memory_space<hbm>>) dst(%dma_wait3A_186 : memref<2x50xi32, #tpu.memory_space<vmem>>)
    %dma_start3A_191 = arith.constant 0 : i32
    %dma_start3A_192 = arith.constant 0 : i32
    %dma_start3A_193 = arith.constant 0 : i32
    %dma_start3A_194 = tpu.memref_slice %arg9[%dma_start3A_191, %dma_start3A_192, %dma_start3A_193] : memref<2x2x50xi32, #tpu.memory_space<vmem>> -> memref<1x1x50xi32, #tpu.memory_space<vmem>>
    %dma_start3A_195 = tpu.memref_squeeze %dma_start3A_194 : memref<1x1x50xi32, #tpu.memory_space<vmem>> -> memref<50xi32, #tpu.memory_space<vmem>>
    %dma_start3A_196 = arith.constant 0 : i32
    %dma_start3A_197 = arith.constant 0 : i32
    %dma_start3A_198 = tpu.memref_slice %arg2[%dma_start3A_196, %dma_start3A_197] : memref<10000x128xf32, #tpu.memory_space<hbm>> -> memref<10000x128xf32, #tpu.memory_space<hbm>>
    tpu.enqueue_indirect_dma source(%dma_start3A_198 : memref<10000x128xf32, #tpu.memory_space<hbm>>) target(%arg14 : memref<50x128xf32, #tpu.memory_space<vmem>>) offsets(%dma_start3A_195 : memref<50xi32, #tpu.memory_space<vmem>>) semaphore(%arg25 : memref<!tpu.dma_semaphore, #tpu.memory_space<semaphore_mem>>)
    %dma_wait3A_199 = arith.constant 0 : i32
    %dma_wait3A_200 = arith.constant 0 : i32
    %dma_wait3A_201 = arith.constant 0 : i32
    %dma_wait3A_202 = tpu.memref_slice %arg10[%dma_wait3A_199, %dma_wait3A_200, %dma_wait3A_201] : memref<2x2x50xi32, #tpu.memory_space<vmem>> -> memref<1x2x50xi32, #tpu.memory_space<vmem>>
    %dma_wait3A_203 = tpu.memref_squeeze %dma_wait3A_202 : memref<1x2x50xi32, #tpu.memory_space<vmem>> -> memref<2x50xi32, #tpu.memory_space<vmem>>
    %dma_wait3A_204 = arith.constant 0 : i32
    %dma_wait3A_205 = arith.constant 0 : i32
    %dma_wait3A_206 = tpu.memref_slice %arg3[%multiple_of3A_5, %dma_wait3A_204, %dma_wait3A_205] : memref<6400x2x50xi32, #tpu.memory_space<hbm>> -> memref<1x2x50xi32, #tpu.memory_space<hbm>>
    %dma_wait3A_207 = tpu.memref_squeeze %dma_wait3A_206 : memref<1x2x50xi32, #tpu.memory_space<hbm>> -> memref<2x50xi32, #tpu.memory_space<hbm>>
    %dma_wait3A_208 = arith.constant 0 : i32
    %dma_wait3A_209 = arith.constant 0 : i32
    %dma_wait3A_210 = tpu.memref_slice %arg10[%dma_wait3A_199, %dma_wait3A_208, %dma_wait3A_209] : memref<2x2x50xi32, #tpu.memory_space<vmem>> -> memref<1x2x50xi32, #tpu.memory_space<vmem>>
    %dma_wait3A_211 = tpu.memref_squeeze %dma_wait3A_210 : memref<1x2x50xi32, #tpu.memory_space<vmem>> -> memref<2x50xi32, #tpu.memory_space<vmem>>
    %dma_wait3A_212 = arith.constant 0 : i32
    %dma_wait3A_213 = arith.constant 0 : i32
    %dma_wait3A_214 = tpu.memref_slice %arg3[%multiple_of3A_5, %dma_wait3A_212, %dma_wait3A_213] : memref<6400x2x50xi32, #tpu.memory_space<hbm>> -> memref<1x2x50xi32, #tpu.memory_space<hbm>>
    %dma_wait3A_215 = tpu.memref_squeeze %dma_wait3A_214 : memref<1x2x50xi32, #tpu.memory_space<hbm>> -> memref<2x50xi32, #tpu.memory_space<hbm>>
    tpu.wait_dma2 semaphore(%arg21 : memref<!tpu.dma_semaphore, #tpu.memory_space<semaphore_mem>>) src(%dma_wait3A_215 : memref<2x50xi32, #tpu.memory_space<hbm>>) dst(%dma_wait3A_211 : memref<2x50xi32, #tpu.memory_space<vmem>>)
    %dma_start3A_216 = arith.constant 0 : i32
    %dma_start3A_217 = arith.constant 0 : i32
    %dma_start3A_218 = arith.constant 0 : i32
    %dma_start3A_219 = tpu.memref_slice %arg10[%dma_start3A_216, %dma_start3A_217, %dma_start3A_218] : memref<2x2x50xi32, #tpu.memory_space<vmem>> -> memref<1x1x50xi32, #tpu.memory_space<vmem>>
    %dma_start3A_220 = tpu.memref_squeeze %dma_start3A_219 : memref<1x1x50xi32, #tpu.memory_space<vmem>> -> memref<50xi32, #tpu.memory_space<vmem>>
    %dma_start3A_221 = arith.constant 0 : i32
    %dma_start3A_222 = arith.constant 0 : i32
    %dma_start3A_223 = tpu.memref_slice %arg2[%dma_start3A_221, %dma_start3A_222] : memref<10000x128xf32, #tpu.memory_space<hbm>> -> memref<10000x128xf32, #tpu.memory_space<hbm>>
    tpu.enqueue_indirect_dma source(%dma_start3A_223 : memref<10000x128xf32, #tpu.memory_space<hbm>>) target(%arg15 : memref<50x128xf32, #tpu.memory_space<vmem>>) offsets(%dma_start3A_220 : memref<50xi32, #tpu.memory_space<vmem>>) semaphore(%arg26 : memref<!tpu.dma_semaphore, #tpu.memory_space<semaphore_mem>>)
    %dma_wait3A_224 = arith.constant 0 : i32
    %dma_wait3A_225 = arith.constant 0 : i32
    %dma_wait3A_226 = arith.constant 0 : i32
    %dma_wait3A_227 = tpu.memref_slice %arg6[%dma_wait3A_224, %dma_wait3A_225, %dma_wait3A_226] : memref<2x2x50xi32, #tpu.memory_space<vmem>> -> memref<1x1x50xi32, #tpu.memory_space<vmem>>
    %dma_wait3A_228 = tpu.memref_squeeze %dma_wait3A_227 : memref<1x1x50xi32, #tpu.memory_space<vmem>> -> memref<50xi32, #tpu.memory_space<vmem>>
    %dma_wait3A_229 = arith.constant 0 : i32
    %dma_wait3A_230 = arith.constant 0 : i32
    %dma_wait3A_231 = tpu.memref_slice %arg2[%dma_wait3A_229, %dma_wait3A_230] : memref<10000x128xf32, #tpu.memory_space<hbm>> -> memref<10000x128xf32, #tpu.memory_space<hbm>>
    tpu.wait_indirect_dma semaphore(%arg22 : memref<!tpu.dma_semaphore, #tpu.memory_space<semaphore_mem>>) src(%dma_wait3A_231 : memref<10000x128xf32, #tpu.memory_space<hbm>>) dst(%arg11 : memref<50x128xf32, #tpu.memory_space<vmem>>)
    %dma_start3A_232 = arith.constant 0 : i32
    %dma_start3A_233 = arith.constant 1 : i32
    %dma_start3A_234 = arith.constant 0 : i32
    %dma_start3A_235 = tpu.memref_slice %arg6[%dma_start3A_232, %dma_start3A_233, %dma_start3A_234] : memref<2x2x50xi32, #tpu.memory_space<vmem>> -> memref<1x1x50xi32, #tpu.memory_space<vmem>>
    %dma_start3A_236 = tpu.memref_squeeze %dma_start3A_235 : memref<1x1x50xi32, #tpu.memory_space<vmem>> -> memref<50xi32, #tpu.memory_space<vmem>>
    %dma_start3A_237 = arith.constant 0 : i32
    %dma_start3A_238 = arith.constant 0 : i32
    %dma_start3A_239 = tpu.memref_slice %arg16[%dma_start3A_237, %dma_start3A_238] : memref<10240x128xf32, #tpu.memory_space<vmem_shared>> -> memref<10240x128xf32, #tpu.memory_space<vmem_shared>>
    tpu.enqueue_indirect_dma source(%arg11 : memref<50x128xf32, #tpu.memory_space<vmem>>) target(%dma_start3A_239 : memref<10240x128xf32, #tpu.memory_space<vmem_shared>>) offsets(%dma_start3A_236 : memref<50xi32, #tpu.memory_space<vmem>>) semaphore(%arg27 : memref<!tpu.dma_semaphore, #tpu.memory_space<semaphore_mem>>) {add = true}
    %min3A = arith.constant 5 : i32
    %min3A_240 = arith.constant 199 : i32
    %min3A_241 = arith.minsi %min3A, %min3A_240 : i32
    %add3A_242 = arith.addi %multiple_of3A_5, %min3A_241 : i32
    %dma_start3A_243 = arith.constant 1 : i32
    %dma_start3A_244 = arith.constant 0 : i32
    %dma_start3A_245 = arith.constant 0 : i32
    %dma_start3A_246 = tpu.memref_slice %arg6[%dma_start3A_243, %dma_start3A_244, %dma_start3A_245] : memref<2x2x50xi32, #tpu.memory_space<vmem>> -> memref<1x2x50xi32, #tpu.memory_space<vmem>>
    %dma_start3A_247 = tpu.memref_squeeze %dma_start3A_246 : memref<1x2x50xi32, #tpu.memory_space<vmem>> -> memref<2x50xi32, #tpu.memory_space<vmem>>
    %dma_start3A_248 = arith.constant 0 : i32
    %dma_start3A_249 = arith.constant 0 : i32
    %dma_start3A_250 = tpu.memref_slice %arg3[%add3A_242, %dma_start3A_248, %dma_start3A_249] : memref<6400x2x50xi32, #tpu.memory_space<hbm>> -> memref<1x2x50xi32, #tpu.memory_space<hbm>>
    %dma_start3A_251 = tpu.memref_squeeze %dma_start3A_250 : memref<1x2x50xi32, #tpu.memory_space<hbm>> -> memref<2x50xi32, #tpu.memory_space<hbm>>
    %dma_start3A_252 = arith.constant 0 : i32
    %dma_start3A_253 = arith.constant 0 : i32
    %dma_start3A_254 = tpu.memref_slice %arg6[%dma_start3A_243, %dma_start3A_252, %dma_start3A_253] : memref<2x2x50xi32, #tpu.memory_space<vmem>> -> memref<1x2x50xi32, #tpu.memory_space<vmem>>
    %dma_start3A_255 = tpu.memref_squeeze %dma_start3A_254 : memref<1x2x50xi32, #tpu.memory_space<vmem>> -> memref<2x50xi32, #tpu.memory_space<vmem>>
    %dma_start3A_256 = arith.constant 0 : i32
    %dma_start3A_257 = arith.constant 0 : i32
    %dma_start3A_258 = tpu.memref_slice %arg3[%add3A_242, %dma_start3A_256, %dma_start3A_257] : memref<6400x2x50xi32, #tpu.memory_space<hbm>> -> memref<1x2x50xi32, #tpu.memory_space<hbm>>
    %dma_start3A_259 = tpu.memref_squeeze %dma_start3A_258 : memref<1x2x50xi32, #tpu.memory_space<hbm>> -> memref<2x50xi32, #tpu.memory_space<hbm>>
    tpu.enqueue_dma source(%dma_start3A_259 : memref<2x50xi32, #tpu.memory_space<hbm>>) target(%dma_start3A_255 : memref<2x50xi32, #tpu.memory_space<vmem>>) target_semaphore(%arg17 : memref<!tpu.dma_semaphore, #tpu.memory_space<semaphore_mem>>)
    %dma_wait3A_260 = arith.constant 0 : i32
    %dma_wait3A_261 = arith.constant 0 : i32
    %dma_wait3A_262 = arith.constant 0 : i32
    %dma_wait3A_263 = tpu.memref_slice %arg7[%dma_wait3A_260, %dma_wait3A_261, %dma_wait3A_262] : memref<2x2x50xi32, #tpu.memory_space<vmem>> -> memref<1x1x50xi32, #tpu.memory_space<vmem>>
    %dma_wait3A_264 = tpu.memref_squeeze %dma_wait3A_263 : memref<1x1x50xi32, #tpu.memory_space<vmem>> -> memref<50xi32, #tpu.memory_space<vmem>>
    %dma_wait3A_265 = arith.constant 0 : i32
    %dma_wait3A_266 = arith.constant 0 : i32
    %dma_wait3A_267 = tpu.memref_slice %arg2[%dma_wait3A_265, %dma_wait3A_266] : memref<10000x128xf32, #tpu.memory_space<hbm>> -> memref<10000x128xf32, #tpu.memory_space<hbm>>
    tpu.wait_indirect_dma semaphore(%arg23 : memref<!tpu.dma_semaphore, #tpu.memory_space<semaphore_mem>>) src(%dma_wait3A_267 : memref<10000x128xf32, #tpu.memory_space<hbm>>) dst(%arg12 : memref<50x128xf32, #tpu.memory_space<vmem>>)
    %dma_start3A_268 = arith.constant 0 : i32
    %dma_start3A_269 = arith.constant 1 : i32
    %dma_start3A_270 = arith.constant 0 : i32
    %dma_start3A_271 = tpu.memref_slice %arg7[%dma_start3A_268, %dma_start3A_269, %dma_start3A_270] : memref<2x2x50xi32, #tpu.memory_space<vmem>> -> memref<1x1x50xi32, #tpu.memory_space<vmem>>
    %dma_start3A_272 = tpu.memref_squeeze %dma_start3A_271 : memref<1x1x50xi32, #tpu.memory_space<vmem>> -> memref<50xi32, #tpu.memory_space<vmem>>
    %dma_start3A_273 = arith.constant 0 : i32
    %dma_start3A_274 = arith.constant 0 : i32
    %dma_start3A_275 = tpu.memref_slice %arg16[%dma_start3A_273, %dma_start3A_274] : memref<10240x128xf32, #tpu.memory_space<vmem_shared>> -> memref<10240x128xf32, #tpu.memory_space<vmem_shared>>
    tpu.enqueue_indirect_dma source(%arg12 : memref<50x128xf32, #tpu.memory_space<vmem>>) target(%dma_start3A_275 : memref<10240x128xf32, #tpu.memory_space<vmem_shared>>) offsets(%dma_start3A_272 : memref<50xi32, #tpu.memory_space<vmem>>) semaphore(%arg28 : memref<!tpu.dma_semaphore, #tpu.memory_space<semaphore_mem>>) {add = true}
    %min3A_276 = arith.constant 6 : i32
    %min3A_277 = arith.constant 199 : i32
    %min3A_278 = arith.minsi %min3A_276, %min3A_277 : i32
    %add3A_279 = arith.addi %multiple_of3A_5, %min3A_278 : i32
    %dma_start3A_280 = arith.constant 1 : i32
    %dma_start3A_281 = arith.constant 0 : i32
    %dma_start3A_282 = arith.constant 0 : i32
    %dma_start3A_283 = tpu.memref_slice %arg7[%dma_start3A_280, %dma_start3A_281, %dma_start3A_282] : memref<2x2x50xi32, #tpu.memory_space<vmem>> -> memref<1x2x50xi32, #tpu.memory_space<vmem>>
    %dma_start3A_284 = tpu.memref_squeeze %dma_start3A_283 : memref<1x2x50xi32, #tpu.memory_space<vmem>> -> memref<2x50xi32, #tpu.memory_space<vmem>>
    %dma_start3A_285 = arith.constant 0 : i32
    %dma_start3A_286 = arith.constant 0 : i32
    %dma_start3A_287 = tpu.memref_slice %arg3[%add3A_279, %dma_start3A_285, %dma_start3A_286] : memref<6400x2x50xi32, #tpu.memory_space<hbm>> -> memref<1x2x50xi32, #tpu.memory_space<hbm>>
    %dma_start3A_288 = tpu.memref_squeeze %dma_start3A_287 : memref<1x2x50xi32, #tpu.memory_space<hbm>> -> memref<2x50xi32, #tpu.memory_space<hbm>>
    %dma_start3A_289 = arith.constant 0 : i32
    %dma_start3A_290 = arith.constant 0 : i32
    %dma_start3A_291 = tpu.memref_slice %arg7[%dma_start3A_280, %dma_start3A_289, %dma_start3A_290] : memref<2x2x50xi32, #tpu.memory_space<vmem>> -> memref<1x2x50xi32, #tpu.memory_space<vmem>>
    %dma_start3A_292 = tpu.memref_squeeze %dma_start3A_291 : memref<1x2x50xi32, #tpu.memory_space<vmem>> -> memref<2x50xi32, #tpu.memory_space<vmem>>
    %dma_start3A_293 = arith.constant 0 : i32
    %dma_start3A_294 = arith.constant 0 : i32
    %dma_start3A_295 = tpu.memref_slice %arg3[%add3A_279, %dma_start3A_293, %dma_start3A_294] : memref<6400x2x50xi32, #tpu.memory_space<hbm>> -> memref<1x2x50xi32, #tpu.memory_space<hbm>>
    %dma_start3A_296 = tpu.memref_squeeze %dma_start3A_295 : memref<1x2x50xi32, #tpu.memory_space<hbm>> -> memref<2x50xi32, #tpu.memory_space<hbm>>
    tpu.enqueue_dma source(%dma_start3A_296 : memref<2x50xi32, #tpu.memory_space<hbm>>) target(%dma_start3A_292 : memref<2x50xi32, #tpu.memory_space<vmem>>) target_semaphore(%arg18 : memref<!tpu.dma_semaphore, #tpu.memory_space<semaphore_mem>>)
    %dma_wait3A_297 = arith.constant 0 : i32
    %dma_wait3A_298 = arith.constant 0 : i32
    %dma_wait3A_299 = arith.constant 0 : i32
    %dma_wait3A_300 = tpu.memref_slice %arg8[%dma_wait3A_297, %dma_wait3A_298, %dma_wait3A_299] : memref<2x2x50xi32, #tpu.memory_space<vmem>> -> memref<1x1x50xi32, #tpu.memory_space<vmem>>
    %dma_wait3A_301 = tpu.memref_squeeze %dma_wait3A_300 : memref<1x1x50xi32, #tpu.memory_space<vmem>> -> memref<50xi32, #tpu.memory_space<vmem>>
    %dma_wait3A_302 = arith.constant 0 : i32
    %dma_wait3A_303 = arith.constant 0 : i32
    %dma_wait3A_304 = tpu.memref_slice %arg2[%dma_wait3A_302, %dma_wait3A_303] : memref<10000x128xf32, #tpu.memory_space<hbm>> -> memref<10000x128xf32, #tpu.memory_space<hbm>>
    tpu.wait_indirect_dma semaphore(%arg24 : memref<!tpu.dma_semaphore, #tpu.memory_space<semaphore_mem>>) src(%dma_wait3A_304 : memref<10000x128xf32, #tpu.memory_space<hbm>>) dst(%arg13 : memref<50x128xf32, #tpu.memory_space<vmem>>)
    %dma_start3A_305 = arith.constant 0 : i32
    %dma_start3A_306 = arith.constant 1 : i32
    %dma_start3A_307 = arith.constant 0 : i32
    %dma_start3A_308 = tpu.memref_slice %arg8[%dma_start3A_305, %dma_start3A_306, %dma_start3A_307] : memref<2x2x50xi32, #tpu.memory_space<vmem>> -> memref<1x1x50xi32, #tpu.memory_space<vmem>>
    %dma_start3A_309 = tpu.memref_squeeze %dma_start3A_308 : memref<1x1x50xi32, #tpu.memory_space<vmem>> -> memref<50xi32, #tpu.memory_space<vmem>>
    %dma_start3A_310 = arith.constant 0 : i32
    %dma_start3A_311 = arith.constant 0 : i32
    %dma_start3A_312 = tpu.memref_slice %arg16[%dma_start3A_310, %dma_start3A_311] : memref<10240x128xf32, #tpu.memory_space<vmem_shared>> -> memref<10240x128xf32, #tpu.memory_space<vmem_shared>>
    tpu.enqueue_indirect_dma source(%arg13 : memref<50x128xf32, #tpu.memory_space<vmem>>) target(%dma_start3A_312 : memref<10240x128xf32, #tpu.memory_space<vmem_shared>>) offsets(%dma_start3A_309 : memref<50xi32, #tpu.memory_space<vmem>>) semaphore(%arg29 : memref<!tpu.dma_semaphore, #tpu.memory_space<semaphore_mem>>) {add = true}
    %min3A_313 = arith.constant 7 : i32
    %min3A_314 = arith.constant 199 : i32
    %min3A_315 = arith.minsi %min3A_313, %min3A_314 : i32
    %add3A_316 = arith.addi %multiple_of3A_5, %min3A_315 : i32
    %dma_start3A_317 = arith.constant 1 : i32
    %dma_start3A_318 = arith.constant 0 : i32
    %dma_start3A_319 = arith.constant 0 : i32
    %dma_start3A_320 = tpu.memref_slice %arg8[%dma_start3A_317, %dma_start3A_318, %dma_start3A_319] : memref<2x2x50xi32, #tpu.memory_space<vmem>> -> memref<1x2x50xi32, #tpu.memory_space<vmem>>
    %dma_start3A_321 = tpu.memref_squeeze %dma_start3A_320 : memref<1x2x50xi32, #tpu.memory_space<vmem>> -> memref<2x50xi32, #tpu.memory_space<vmem>>
    %dma_start3A_322 = arith.constant 0 : i32
    %dma_start3A_323 = arith.constant 0 : i32
    %dma_start3A_324 = tpu.memref_slice %arg3[%add3A_316, %dma_start3A_322, %dma_start3A_323] : memref<6400x2x50xi32, #tpu.memory_space<hbm>> -> memref<1x2x50xi32, #tpu.memory_space<hbm>>
    %dma_start3A_325 = tpu.memref_squeeze %dma_start3A_324 : memref<1x2x50xi32, #tpu.memory_space<hbm>> -> memref<2x50xi32, #tpu.memory_space<hbm>>
    %dma_start3A_326 = arith.constant 0 : i32
    %dma_start3A_327 = arith.constant 0 : i32
    %dma_start3A_328 = tpu.memref_slice %arg8[%dma_start3A_317, %dma_start3A_326, %dma_start3A_327] : memref<2x2x50xi32, #tpu.memory_space<vmem>> -> memref<1x2x50xi32, #tpu.memory_space<vmem>>
    %dma_start3A_329 = tpu.memref_squeeze %dma_start3A_328 : memref<1x2x50xi32, #tpu.memory_space<vmem>> -> memref<2x50xi32, #tpu.memory_space<vmem>>
    %dma_start3A_330 = arith.constant 0 : i32
    %dma_start3A_331 = arith.constant 0 : i32
    %dma_start3A_332 = tpu.memref_slice %arg3[%add3A_316, %dma_start3A_330, %dma_start3A_331] : memref<6400x2x50xi32, #tpu.memory_space<hbm>> -> memref<1x2x50xi32, #tpu.memory_space<hbm>>
    %dma_start3A_333 = tpu.memref_squeeze %dma_start3A_332 : memref<1x2x50xi32, #tpu.memory_space<hbm>> -> memref<2x50xi32, #tpu.memory_space<hbm>>
    tpu.enqueue_dma source(%dma_start3A_333 : memref<2x50xi32, #tpu.memory_space<hbm>>) target(%dma_start3A_329 : memref<2x50xi32, #tpu.memory_space<vmem>>) target_semaphore(%arg19 : memref<!tpu.dma_semaphore, #tpu.memory_space<semaphore_mem>>)
    %dma_wait3A_334 = arith.constant 0 : i32
    %dma_wait3A_335 = arith.constant 0 : i32
    %dma_wait3A_336 = arith.constant 0 : i32
    %dma_wait3A_337 = tpu.memref_slice %arg9[%dma_wait3A_334, %dma_wait3A_335, %dma_wait3A_336] : memref<2x2x50xi32, #tpu.memory_space<vmem>> -> memref<1x1x50xi32, #tpu.memory_space<vmem>>
    %dma_wait3A_338 = tpu.memref_squeeze %dma_wait3A_337 : memref<1x1x50xi32, #tpu.memory_space<vmem>> -> memref<50xi32, #tpu.memory_space<vmem>>
    %dma_wait3A_339 = arith.constant 0 : i32
    %dma_wait3A_340 = arith.constant 0 : i32
    %dma_wait3A_341 = tpu.memref_slice %arg2[%dma_wait3A_339, %dma_wait3A_340] : memref<10000x128xf32, #tpu.memory_space<hbm>> -> memref<10000x128xf32, #tpu.memory_space<hbm>>
    tpu.wait_indirect_dma semaphore(%arg25 : memref<!tpu.dma_semaphore, #tpu.memory_space<semaphore_mem>>) src(%dma_wait3A_341 : memref<10000x128xf32, #tpu.memory_space<hbm>>) dst(%arg14 : memref<50x128xf32, #tpu.memory_space<vmem>>)
    %dma_start3A_342 = arith.constant 0 : i32
    %dma_start3A_343 = arith.constant 1 : i32
    %dma_start3A_344 = arith.constant 0 : i32
    %dma_start3A_345 = tpu.memref_slice %arg9[%dma_start3A_342, %dma_start3A_343, %dma_start3A_344] : memref<2x2x50xi32, #tpu.memory_space<vmem>> -> memref<1x1x50xi32, #tpu.memory_space<vmem>>
    %dma_start3A_346 = tpu.memref_squeeze %dma_start3A_345 : memref<1x1x50xi32, #tpu.memory_space<vmem>> -> memref<50xi32, #tpu.memory_space<vmem>>
    %dma_start3A_347 = arith.constant 0 : i32
    %dma_start3A_348 = arith.constant 0 : i32
    %dma_start3A_349 = tpu.memref_slice %arg16[%dma_start3A_347, %dma_start3A_348] : memref<10240x128xf32, #tpu.memory_space<vmem_shared>> -> memref<10240x128xf32, #tpu.memory_space<vmem_shared>>
    tpu.enqueue_indirect_dma source(%arg14 : memref<50x128xf32, #tpu.memory_space<vmem>>) target(%dma_start3A_349 : memref<10240x128xf32, #tpu.memory_space<vmem_shared>>) offsets(%dma_start3A_346 : memref<50xi32, #tpu.memory_space<vmem>>) semaphore(%arg30 : memref<!tpu.dma_semaphore, #tpu.memory_space<semaphore_mem>>) {add = true}
    %min3A_350 = arith.constant 8 : i32
    %min3A_351 = arith.constant 199 : i32
    %min3A_352 = arith.minsi %min3A_350, %min3A_351 : i32
    %add3A_353 = arith.addi %multiple_of3A_5, %min3A_352 : i32
    %dma_start3A_354 = arith.constant 1 : i32
    %dma_start3A_355 = arith.constant 0 : i32
    %dma_start3A_356 = arith.constant 0 : i32
    %dma_start3A_357 = tpu.memref_slice %arg9[%dma_start3A_354, %dma_start3A_355, %dma_start3A_356] : memref<2x2x50xi32, #tpu.memory_space<vmem>> -> memref<1x2x50xi32, #tpu.memory_space<vmem>>
    %dma_start3A_358 = tpu.memref_squeeze %dma_start3A_357 : memref<1x2x50xi32, #tpu.memory_space<vmem>> -> memref<2x50xi32, #tpu.memory_space<vmem>>
    %dma_start3A_359 = arith.constant 0 : i32
    %dma_start3A_360 = arith.constant 0 : i32
    %dma_start3A_361 = tpu.memref_slice %arg3[%add3A_353, %dma_start3A_359, %dma_start3A_360] : memref<6400x2x50xi32, #tpu.memory_space<hbm>> -> memref<1x2x50xi32, #tpu.memory_space<hbm>>
    %dma_start3A_362 = tpu.memref_squeeze %dma_start3A_361 : memref<1x2x50xi32, #tpu.memory_space<hbm>> -> memref<2x50xi32, #tpu.memory_space<hbm>>
    %dma_start3A_363 = arith.constant 0 : i32
    %dma_start3A_364 = arith.constant 0 : i32
    %dma_start3A_365 = tpu.memref_slice %arg9[%dma_start3A_354, %dma_start3A_363, %dma_start3A_364] : memref<2x2x50xi32, #tpu.memory_space<vmem>> -> memref<1x2x50xi32, #tpu.memory_space<vmem>>
    %dma_start3A_366 = tpu.memref_squeeze %dma_start3A_365 : memref<1x2x50xi32, #tpu.memory_space<vmem>> -> memref<2x50xi32, #tpu.memory_space<vmem>>
    %dma_start3A_367 = arith.constant 0 : i32
    %dma_start3A_368 = arith.constant 0 : i32
    %dma_start3A_369 = tpu.memref_slice %arg3[%add3A_353, %dma_start3A_367, %dma_start3A_368] : memref<6400x2x50xi32, #tpu.memory_space<hbm>> -> memref<1x2x50xi32, #tpu.memory_space<hbm>>
    %dma_start3A_370 = tpu.memref_squeeze %dma_start3A_369 : memref<1x2x50xi32, #tpu.memory_space<hbm>> -> memref<2x50xi32, #tpu.memory_space<hbm>>
    tpu.enqueue_dma source(%dma_start3A_370 : memref<2x50xi32, #tpu.memory_space<hbm>>) target(%dma_start3A_366 : memref<2x50xi32, #tpu.memory_space<vmem>>) target_semaphore(%arg20 : memref<!tpu.dma_semaphore, #tpu.memory_space<semaphore_mem>>)
    %dma_wait3A_371 = arith.constant 0 : i32
    %dma_wait3A_372 = arith.constant 0 : i32
    %dma_wait3A_373 = arith.constant 0 : i32
    %dma_wait3A_374 = tpu.memref_slice %arg10[%dma_wait3A_371, %dma_wait3A_372, %dma_wait3A_373] : memref<2x2x50xi32, #tpu.memory_space<vmem>> -> memref<1x1x50xi32, #tpu.memory_space<vmem>>
    %dma_wait3A_375 = tpu.memref_squeeze %dma_wait3A_374 : memref<1x1x50xi32, #tpu.memory_space<vmem>> -> memref<50xi32, #tpu.memory_space<vmem>>
    %dma_wait3A_376 = arith.constant 0 : i32
    %dma_wait3A_377 = arith.constant 0 : i32
    %dma_wait3A_378 = tpu.memref_slice %arg2[%dma_wait3A_376, %dma_wait3A_377] : memref<10000x128xf32, #tpu.memory_space<hbm>> -> memref<10000x128xf32, #tpu.memory_space<hbm>>
    tpu.wait_indirect_dma semaphore(%arg26 : memref<!tpu.dma_semaphore, #tpu.memory_space<semaphore_mem>>) src(%dma_wait3A_378 : memref<10000x128xf32, #tpu.memory_space<hbm>>) dst(%arg15 : memref<50x128xf32, #tpu.memory_space<vmem>>)
    %dma_start3A_379 = arith.constant 0 : i32
    %dma_start3A_380 = arith.constant 1 : i32
    %dma_start3A_381 = arith.constant 0 : i32
    %dma_start3A_382 = tpu.memref_slice %arg10[%dma_start3A_379, %dma_start3A_380, %dma_start3A_381] : memref<2x2x50xi32, #tpu.memory_space<vmem>> -> memref<1x1x50xi32, #tpu.memory_space<vmem>>
    %dma_start3A_383 = tpu.memref_squeeze %dma_start3A_382 : memref<1x1x50xi32, #tpu.memory_space<vmem>> -> memref<50xi32, #tpu.memory_space<vmem>>
    %dma_start3A_384 = arith.constant 0 : i32
    %dma_start3A_385 = arith.constant 0 : i32
    %dma_start3A_386 = tpu.memref_slice %arg16[%dma_start3A_384, %dma_start3A_385] : memref<10240x128xf32, #tpu.memory_space<vmem_shared>> -> memref<10240x128xf32, #tpu.memory_space<vmem_shared>>
    tpu.enqueue_indirect_dma source(%arg15 : memref<50x128xf32, #tpu.memory_space<vmem>>) target(%dma_start3A_386 : memref<10240x128xf32, #tpu.memory_space<vmem_shared>>) offsets(%dma_start3A_383 : memref<50xi32, #tpu.memory_space<vmem>>) semaphore(%arg31 : memref<!tpu.dma_semaphore, #tpu.memory_space<semaphore_mem>>) {add = true}
    %min3A_387 = arith.constant 9 : i32
    %min3A_388 = arith.constant 199 : i32
    %min3A_389 = arith.minsi %min3A_387, %min3A_388 : i32
    %add3A_390 = arith.addi %multiple_of3A_5, %min3A_389 : i32
    %dma_start3A_391 = arith.constant 1 : i32
    %dma_start3A_392 = arith.constant 0 : i32
    %dma_start3A_393 = arith.constant 0 : i32
    %dma_start3A_394 = tpu.memref_slice %arg10[%dma_start3A_391, %dma_start3A_392, %dma_start3A_393] : memref<2x2x50xi32, #tpu.memory_space<vmem>> -> memref<1x2x50xi32, #tpu.memory_space<vmem>>
    %dma_start3A_395 = tpu.memref_squeeze %dma_start3A_394 : memref<1x2x50xi32, #tpu.memory_space<vmem>> -> memref<2x50xi32, #tpu.memory_space<vmem>>
    %dma_start3A_396 = arith.constant 0 : i32
    %dma_start3A_397 = arith.constant 0 : i32
    %dma_start3A_398 = tpu.memref_slice %arg3[%add3A_390, %dma_start3A_396, %dma_start3A_397] : memref<6400x2x50xi32, #tpu.memory_space<hbm>> -> memref<1x2x50xi32, #tpu.memory_space<hbm>>
    %dma_start3A_399 = tpu.memref_squeeze %dma_start3A_398 : memref<1x2x50xi32, #tpu.memory_space<hbm>> -> memref<2x50xi32, #tpu.memory_space<hbm>>
    %dma_start3A_400 = arith.constant 0 : i32
    %dma_start3A_401 = arith.constant 0 : i32
    %dma_start3A_402 = tpu.memref_slice %arg10[%dma_start3A_391, %dma_start3A_400, %dma_start3A_401] : memref<2x2x50xi32, #tpu.memory_space<vmem>> -> memref<1x2x50xi32, #tpu.memory_space<vmem>>
    %dma_start3A_403 = tpu.memref_squeeze %dma_start3A_402 : memref<1x2x50xi32, #tpu.memory_space<vmem>> -> memref<2x50xi32, #tpu.memory_space<vmem>>
    %dma_start3A_404 = arith.constant 0 : i32
    %dma_start3A_405 = arith.constant 0 : i32
    %dma_start3A_406 = tpu.memref_slice %arg3[%add3A_390, %dma_start3A_404, %dma_start3A_405] : memref<6400x2x50xi32, #tpu.memory_space<hbm>> -> memref<1x2x50xi32, #tpu.memory_space<hbm>>
    %dma_start3A_407 = tpu.memref_squeeze %dma_start3A_406 : memref<1x2x50xi32, #tpu.memory_space<hbm>> -> memref<2x50xi32, #tpu.memory_space<hbm>>
    tpu.enqueue_dma source(%dma_start3A_407 : memref<2x50xi32, #tpu.memory_space<hbm>>) target(%dma_start3A_403 : memref<2x50xi32, #tpu.memory_space<vmem>>) target_semaphore(%arg21 : memref<!tpu.dma_semaphore, #tpu.memory_space<semaphore_mem>>)
    %scan3A = arith.constant 0 : i32
    %scan3A_408 = arith.constant 1 : i32
    %scan3A_409 = arith.constant 39 : i32
    %scan3A_410 = arith.addi %scan3A_408, %scan3A_409 : i32
    %scan3A_411 = arith.constant 1 : i32
    scf.for %scan3A_545 = %scan3A_408 to %scan3A_410 step %scan3A_411  : i32 {
      %mul3A_546 = arith.constant 5 : i32
      %mul3A_547 = arith.muli %scan3A_545, %mul3A_546 : i32
      %jit3A = arith.constant 2 : i32
      %eq3A = arith.constant 0 : i32
      %eq3A_548 = arith.cmpi eq, %jit3A, %eq3A : i32
      %jit3A_549 = arith.constant 1 : i32
      %select_n3A = arith.select %eq3A_548, %jit3A_549, %jit3A : i32
      %rem3A = arith.remsi %scan3A_545, %select_n3A : i32
      %ne3A = arith.constant 0 : i32
      %ne3A_550 = arith.cmpi ne, %rem3A, %ne3A : i32
      %lt3A = arith.constant 0 : i32
      %lt3A_551 = arith.cmpi slt, %rem3A, %lt3A : i32
      %lt3A_552 = arith.constant 0 : i32
      %lt3A_553 = arith.cmpi slt, %select_n3A, %lt3A_552 : i32
      %ne3A_554 = arith.xori %lt3A_551, %lt3A_553 : i1
      %and3A = arith.andi %ne3A_554, %ne3A_550 : i1
      %add3A_555 = arith.addi %rem3A, %select_n3A : i32
      %select_n3A_556 = arith.select %and3A, %add3A_555, %rem3A : i32
      %dma_wait3A_557 = arith.constant 0 : i32
      %dma_wait3A_558 = arith.constant 1 : i32
      %dma_wait3A_559 = arith.constant 0 : i32
      %dma_wait3A_560 = tpu.memref_slice %arg6[%dma_wait3A_557, %dma_wait3A_558, %dma_wait3A_559] : memref<2x2x50xi32, #tpu.memory_space<vmem>> -> memref<1x1x50xi32, #tpu.memory_space<vmem>>
      %dma_wait3A_561 = tpu.memref_squeeze %dma_wait3A_560 : memref<1x1x50xi32, #tpu.memory_space<vmem>> -> memref<50xi32, #tpu.memory_space<vmem>>
      %dma_wait3A_562 = arith.constant 0 : i32
      %dma_wait3A_563 = arith.constant 0 : i32
      %dma_wait3A_564 = tpu.memref_slice %arg16[%dma_wait3A_562, %dma_wait3A_563] : memref<10240x128xf32, #tpu.memory_space<vmem_shared>> -> memref<10240x128xf32, #tpu.memory_space<vmem_shared>>
      tpu.wait_indirect_dma semaphore(%arg27 : memref<!tpu.dma_semaphore, #tpu.memory_space<semaphore_mem>>) src(%arg11 : memref<50x128xf32, #tpu.memory_space<vmem>>) dst(%dma_wait3A_564 : memref<10240x128xf32, #tpu.memory_space<vmem_shared>>)
      %dma_wait3A_565 = arith.constant 0 : i32
      %dma_wait3A_566 = arith.constant 0 : i32
      %dma_wait3A_567 = arith.constant 0 : i32
      %dma_wait3A_568 = tpu.memref_slice %arg6[%dma_wait3A_565, %dma_wait3A_566, %dma_wait3A_567] : memref<2x2x50xi32, #tpu.memory_space<vmem>> -> memref<1x2x50xi32, #tpu.memory_space<vmem>>
      %dma_wait3A_569 = tpu.memref_squeeze %dma_wait3A_568 : memref<1x2x50xi32, #tpu.memory_space<vmem>> -> memref<2x50xi32, #tpu.memory_space<vmem>>
      %dma_wait3A_570 = arith.constant 0 : i32
      %dma_wait3A_571 = arith.constant 0 : i32
      %dma_wait3A_572 = tpu.memref_slice %arg3[%multiple_of3A_5, %dma_wait3A_570, %dma_wait3A_571] : memref<6400x2x50xi32, #tpu.memory_space<hbm>> -> memref<1x2x50xi32, #tpu.memory_space<hbm>>
      %dma_wait3A_573 = tpu.memref_squeeze %dma_wait3A_572 : memref<1x2x50xi32, #tpu.memory_space<hbm>> -> memref<2x50xi32, #tpu.memory_space<hbm>>
      %dma_wait3A_574 = arith.constant 0 : i32
      %dma_wait3A_575 = arith.constant 0 : i32
      %dma_wait3A_576 = tpu.memref_slice %arg6[%dma_wait3A_565, %dma_wait3A_574, %dma_wait3A_575] : memref<2x2x50xi32, #tpu.memory_space<vmem>> -> memref<1x2x50xi32, #tpu.memory_space<vmem>>
      %dma_wait3A_577 = tpu.memref_squeeze %dma_wait3A_576 : memref<1x2x50xi32, #tpu.memory_space<vmem>> -> memref<2x50xi32, #tpu.memory_space<vmem>>
      %dma_wait3A_578 = arith.constant 0 : i32
      %dma_wait3A_579 = arith.constant 0 : i32
      %dma_wait3A_580 = tpu.memref_slice %arg3[%multiple_of3A_5, %dma_wait3A_578, %dma_wait3A_579] : memref<6400x2x50xi32, #tpu.memory_space<hbm>> -> memref<1x2x50xi32, #tpu.memory_space<hbm>>
      %dma_wait3A_581 = tpu.memref_squeeze %dma_wait3A_580 : memref<1x2x50xi32, #tpu.memory_space<hbm>> -> memref<2x50xi32, #tpu.memory_space<hbm>>
      tpu.wait_dma2 semaphore(%arg17 : memref<!tpu.dma_semaphore, #tpu.memory_space<semaphore_mem>>) src(%dma_wait3A_581 : memref<2x50xi32, #tpu.memory_space<hbm>>) dst(%dma_wait3A_577 : memref<2x50xi32, #tpu.memory_space<vmem>>)
      %dma_start3A_582 = arith.constant 0 : i32
      %dma_start3A_583 = arith.constant 0 : i32
      %dma_start3A_584 = tpu.memref_slice %arg6[%select_n3A_556, %dma_start3A_582, %dma_start3A_583] : memref<2x2x50xi32, #tpu.memory_space<vmem>> -> memref<1x1x50xi32, #tpu.memory_space<vmem>>
      %dma_start3A_585 = tpu.memref_squeeze %dma_start3A_584 : memref<1x1x50xi32, #tpu.memory_space<vmem>> -> memref<50xi32, #tpu.memory_space<vmem>>
      %dma_start3A_586 = arith.constant 0 : i32
      %dma_start3A_587 = arith.constant 0 : i32
      %dma_start3A_588 = tpu.memref_slice %arg2[%dma_start3A_586, %dma_start3A_587] : memref<10000x128xf32, #tpu.memory_space<hbm>> -> memref<10000x128xf32, #tpu.memory_space<hbm>>
      tpu.enqueue_indirect_dma source(%dma_start3A_588 : memref<10000x128xf32, #tpu.memory_space<hbm>>) target(%arg11 : memref<50x128xf32, #tpu.memory_space<vmem>>) offsets(%dma_start3A_585 : memref<50xi32, #tpu.memory_space<vmem>>) semaphore(%arg22 : memref<!tpu.dma_semaphore, #tpu.memory_space<semaphore_mem>>)
      %dma_wait3A_589 = arith.constant 0 : i32
      %dma_wait3A_590 = arith.constant 1 : i32
      %dma_wait3A_591 = arith.constant 0 : i32
      %dma_wait3A_592 = tpu.memref_slice %arg7[%dma_wait3A_589, %dma_wait3A_590, %dma_wait3A_591] : memref<2x2x50xi32, #tpu.memory_space<vmem>> -> memref<1x1x50xi32, #tpu.memory_space<vmem>>
      %dma_wait3A_593 = tpu.memref_squeeze %dma_wait3A_592 : memref<1x1x50xi32, #tpu.memory_space<vmem>> -> memref<50xi32, #tpu.memory_space<vmem>>
      %dma_wait3A_594 = arith.constant 0 : i32
      %dma_wait3A_595 = arith.constant 0 : i32
      %dma_wait3A_596 = tpu.memref_slice %arg16[%dma_wait3A_594, %dma_wait3A_595] : memref<10240x128xf32, #tpu.memory_space<vmem_shared>> -> memref<10240x128xf32, #tpu.memory_space<vmem_shared>>
      tpu.wait_indirect_dma semaphore(%arg28 : memref<!tpu.dma_semaphore, #tpu.memory_space<semaphore_mem>>) src(%arg12 : memref<50x128xf32, #tpu.memory_space<vmem>>) dst(%dma_wait3A_596 : memref<10240x128xf32, #tpu.memory_space<vmem_shared>>)
      %dma_wait3A_597 = arith.constant 0 : i32
      %dma_wait3A_598 = arith.constant 0 : i32
      %dma_wait3A_599 = arith.constant 0 : i32
      %dma_wait3A_600 = tpu.memref_slice %arg7[%dma_wait3A_597, %dma_wait3A_598, %dma_wait3A_599] : memref<2x2x50xi32, #tpu.memory_space<vmem>> -> memref<1x2x50xi32, #tpu.memory_space<vmem>>
      %dma_wait3A_601 = tpu.memref_squeeze %dma_wait3A_600 : memref<1x2x50xi32, #tpu.memory_space<vmem>> -> memref<2x50xi32, #tpu.memory_space<vmem>>
      %dma_wait3A_602 = arith.constant 0 : i32
      %dma_wait3A_603 = arith.constant 0 : i32
      %dma_wait3A_604 = tpu.memref_slice %arg3[%multiple_of3A_5, %dma_wait3A_602, %dma_wait3A_603] : memref<6400x2x50xi32, #tpu.memory_space<hbm>> -> memref<1x2x50xi32, #tpu.memory_space<hbm>>
      %dma_wait3A_605 = tpu.memref_squeeze %dma_wait3A_604 : memref<1x2x50xi32, #tpu.memory_space<hbm>> -> memref<2x50xi32, #tpu.memory_space<hbm>>
      %dma_wait3A_606 = arith.constant 0 : i32
      %dma_wait3A_607 = arith.constant 0 : i32
      %dma_wait3A_608 = tpu.memref_slice %arg7[%dma_wait3A_597, %dma_wait3A_606, %dma_wait3A_607] : memref<2x2x50xi32, #tpu.memory_space<vmem>> -> memref<1x2x50xi32, #tpu.memory_space<vmem>>
      %dma_wait3A_609 = tpu.memref_squeeze %dma_wait3A_608 : memref<1x2x50xi32, #tpu.memory_space<vmem>> -> memref<2x50xi32, #tpu.memory_space<vmem>>
      %dma_wait3A_610 = arith.constant 0 : i32
      %dma_wait3A_611 = arith.constant 0 : i32
      %dma_wait3A_612 = tpu.memref_slice %arg3[%multiple_of3A_5, %dma_wait3A_610, %dma_wait3A_611] : memref<6400x2x50xi32, #tpu.memory_space<hbm>> -> memref<1x2x50xi32, #tpu.memory_space<hbm>>
      %dma_wait3A_613 = tpu.memref_squeeze %dma_wait3A_612 : memref<1x2x50xi32, #tpu.memory_space<hbm>> -> memref<2x50xi32, #tpu.memory_space<hbm>>
      tpu.wait_dma2 semaphore(%arg18 : memref<!tpu.dma_semaphore, #tpu.memory_space<semaphore_mem>>) src(%dma_wait3A_613 : memref<2x50xi32, #tpu.memory_space<hbm>>) dst(%dma_wait3A_609 : memref<2x50xi32, #tpu.memory_space<vmem>>)
      %dma_start3A_614 = arith.constant 0 : i32
      %dma_start3A_615 = arith.constant 0 : i32
      %dma_start3A_616 = tpu.memref_slice %arg7[%select_n3A_556, %dma_start3A_614, %dma_start3A_615] : memref<2x2x50xi32, #tpu.memory_space<vmem>> -> memref<1x1x50xi32, #tpu.memory_space<vmem>>
      %dma_start3A_617 = tpu.memref_squeeze %dma_start3A_616 : memref<1x1x50xi32, #tpu.memory_space<vmem>> -> memref<50xi32, #tpu.memory_space<vmem>>
      %dma_start3A_618 = arith.constant 0 : i32
      %dma_start3A_619 = arith.constant 0 : i32
      %dma_start3A_620 = tpu.memref_slice %arg2[%dma_start3A_618, %dma_start3A_619] : memref<10000x128xf32, #tpu.memory_space<hbm>> -> memref<10000x128xf32, #tpu.memory_space<hbm>>
      tpu.enqueue_indirect_dma source(%dma_start3A_620 : memref<10000x128xf32, #tpu.memory_space<hbm>>) target(%arg12 : memref<50x128xf32, #tpu.memory_space<vmem>>) offsets(%dma_start3A_617 : memref<50xi32, #tpu.memory_space<vmem>>) semaphore(%arg23 : memref<!tpu.dma_semaphore, #tpu.memory_space<semaphore_mem>>)
      %dma_wait3A_621 = arith.constant 0 : i32
      %dma_wait3A_622 = arith.constant 1 : i32
      %dma_wait3A_623 = arith.constant 0 : i32
      %dma_wait3A_624 = tpu.memref_slice %arg8[%dma_wait3A_621, %dma_wait3A_622, %dma_wait3A_623] : memref<2x2x50xi32, #tpu.memory_space<vmem>> -> memref<1x1x50xi32, #tpu.memory_space<vmem>>
      %dma_wait3A_625 = tpu.memref_squeeze %dma_wait3A_624 : memref<1x1x50xi32, #tpu.memory_space<vmem>> -> memref<50xi32, #tpu.memory_space<vmem>>
      %dma_wait3A_626 = arith.constant 0 : i32
      %dma_wait3A_627 = arith.constant 0 : i32
      %dma_wait3A_628 = tpu.memref_slice %arg16[%dma_wait3A_626, %dma_wait3A_627] : memref<10240x128xf32, #tpu.memory_space<vmem_shared>> -> memref<10240x128xf32, #tpu.memory_space<vmem_shared>>
      tpu.wait_indirect_dma semaphore(%arg29 : memref<!tpu.dma_semaphore, #tpu.memory_space<semaphore_mem>>) src(%arg13 : memref<50x128xf32, #tpu.memory_space<vmem>>) dst(%dma_wait3A_628 : memref<10240x128xf32, #tpu.memory_space<vmem_shared>>)
      %dma_wait3A_629 = arith.constant 0 : i32
      %dma_wait3A_630 = arith.constant 0 : i32
      %dma_wait3A_631 = arith.constant 0 : i32
      %dma_wait3A_632 = tpu.memref_slice %arg8[%dma_wait3A_629, %dma_wait3A_630, %dma_wait3A_631] : memref<2x2x50xi32, #tpu.memory_space<vmem>> -> memref<1x2x50xi32, #tpu.memory_space<vmem>>
      %dma_wait3A_633 = tpu.memref_squeeze %dma_wait3A_632 : memref<1x2x50xi32, #tpu.memory_space<vmem>> -> memref<2x50xi32, #tpu.memory_space<vmem>>
      %dma_wait3A_634 = arith.constant 0 : i32
      %dma_wait3A_635 = arith.constant 0 : i32
      %dma_wait3A_636 = tpu.memref_slice %arg3[%multiple_of3A_5, %dma_wait3A_634, %dma_wait3A_635] : memref<6400x2x50xi32, #tpu.memory_space<hbm>> -> memref<1x2x50xi32, #tpu.memory_space<hbm>>
      %dma_wait3A_637 = tpu.memref_squeeze %dma_wait3A_636 : memref<1x2x50xi32, #tpu.memory_space<hbm>> -> memref<2x50xi32, #tpu.memory_space<hbm>>
      %dma_wait3A_638 = arith.constant 0 : i32
      %dma_wait3A_639 = arith.constant 0 : i32
      %dma_wait3A_640 = tpu.memref_slice %arg8[%dma_wait3A_629, %dma_wait3A_638, %dma_wait3A_639] : memref<2x2x50xi32, #tpu.memory_space<vmem>> -> memref<1x2x50xi32, #tpu.memory_space<vmem>>
      %dma_wait3A_641 = tpu.memref_squeeze %dma_wait3A_640 : memref<1x2x50xi32, #tpu.memory_space<vmem>> -> memref<2x50xi32, #tpu.memory_space<vmem>>
      %dma_wait3A_642 = arith.constant 0 : i32
      %dma_wait3A_643 = arith.constant 0 : i32
      %dma_wait3A_644 = tpu.memref_slice %arg3[%multiple_of3A_5, %dma_wait3A_642, %dma_wait3A_643] : memref<6400x2x50xi32, #tpu.memory_space<hbm>> -> memref<1x2x50xi32, #tpu.memory_space<hbm>>
      %dma_wait3A_645 = tpu.memref_squeeze %dma_wait3A_644 : memref<1x2x50xi32, #tpu.memory_space<hbm>> -> memref<2x50xi32, #tpu.memory_space<hbm>>
      tpu.wait_dma2 semaphore(%arg19 : memref<!tpu.dma_semaphore, #tpu.memory_space<semaphore_mem>>) src(%dma_wait3A_645 : memref<2x50xi32, #tpu.memory_space<hbm>>) dst(%dma_wait3A_641 : memref<2x50xi32, #tpu.memory_space<vmem>>)
      %dma_start3A_646 = arith.constant 0 : i32
      %dma_start3A_647 = arith.constant 0 : i32
      %dma_start3A_648 = tpu.memref_slice %arg8[%select_n3A_556, %dma_start3A_646, %dma_start3A_647] : memref<2x2x50xi32, #tpu.memory_space<vmem>> -> memref<1x1x50xi32, #tpu.memory_space<vmem>>
      %dma_start3A_649 = tpu.memref_squeeze %dma_start3A_648 : memref<1x1x50xi32, #tpu.memory_space<vmem>> -> memref<50xi32, #tpu.memory_space<vmem>>
      %dma_start3A_650 = arith.constant 0 : i32
      %dma_start3A_651 = arith.constant 0 : i32
      %dma_start3A_652 = tpu.memref_slice %arg2[%dma_start3A_650, %dma_start3A_651] : memref<10000x128xf32, #tpu.memory_space<hbm>> -> memref<10000x128xf32, #tpu.memory_space<hbm>>
      tpu.enqueue_indirect_dma source(%dma_start3A_652 : memref<10000x128xf32, #tpu.memory_space<hbm>>) target(%arg13 : memref<50x128xf32, #tpu.memory_space<vmem>>) offsets(%dma_start3A_649 : memref<50xi32, #tpu.memory_space<vmem>>) semaphore(%arg24 : memref<!tpu.dma_semaphore, #tpu.memory_space<semaphore_mem>>)
      %dma_wait3A_653 = arith.constant 0 : i32
      %dma_wait3A_654 = arith.constant 1 : i32
      %dma_wait3A_655 = arith.constant 0 : i32
      %dma_wait3A_656 = tpu.memref_slice %arg9[%dma_wait3A_653, %dma_wait3A_654, %dma_wait3A_655] : memref<2x2x50xi32, #tpu.memory_space<vmem>> -> memref<1x1x50xi32, #tpu.memory_space<vmem>>
      %dma_wait3A_657 = tpu.memref_squeeze %dma_wait3A_656 : memref<1x1x50xi32, #tpu.memory_space<vmem>> -> memref<50xi32, #tpu.memory_space<vmem>>
      %dma_wait3A_658 = arith.constant 0 : i32
      %dma_wait3A_659 = arith.constant 0 : i32
      %dma_wait3A_660 = tpu.memref_slice %arg16[%dma_wait3A_658, %dma_wait3A_659] : memref<10240x128xf32, #tpu.memory_space<vmem_shared>> -> memref<10240x128xf32, #tpu.memory_space<vmem_shared>>
      tpu.wait_indirect_dma semaphore(%arg30 : memref<!tpu.dma_semaphore, #tpu.memory_space<semaphore_mem>>) src(%arg14 : memref<50x128xf32, #tpu.memory_space<vmem>>) dst(%dma_wait3A_660 : memref<10240x128xf32, #tpu.memory_space<vmem_shared>>)
      %dma_wait3A_661 = arith.constant 0 : i32
      %dma_wait3A_662 = arith.constant 0 : i32
      %dma_wait3A_663 = arith.constant 0 : i32
      %dma_wait3A_664 = tpu.memref_slice %arg9[%dma_wait3A_661, %dma_wait3A_662, %dma_wait3A_663] : memref<2x2x50xi32, #tpu.memory_space<vmem>> -> memref<1x2x50xi32, #tpu.memory_space<vmem>>
      %dma_wait3A_665 = tpu.memref_squeeze %dma_wait3A_664 : memref<1x2x50xi32, #tpu.memory_space<vmem>> -> memref<2x50xi32, #tpu.memory_space<vmem>>
      %dma_wait3A_666 = arith.constant 0 : i32
      %dma_wait3A_667 = arith.constant 0 : i32
      %dma_wait3A_668 = tpu.memref_slice %arg3[%multiple_of3A_5, %dma_wait3A_666, %dma_wait3A_667] : memref<6400x2x50xi32, #tpu.memory_space<hbm>> -> memref<1x2x50xi32, #tpu.memory_space<hbm>>
      %dma_wait3A_669 = tpu.memref_squeeze %dma_wait3A_668 : memref<1x2x50xi32, #tpu.memory_space<hbm>> -> memref<2x50xi32, #tpu.memory_space<hbm>>
      %dma_wait3A_670 = arith.constant 0 : i32
      %dma_wait3A_671 = arith.constant 0 : i32
      %dma_wait3A_672 = tpu.memref_slice %arg9[%dma_wait3A_661, %dma_wait3A_670, %dma_wait3A_671] : memref<2x2x50xi32, #tpu.memory_space<vmem>> -> memref<1x2x50xi32, #tpu.memory_space<vmem>>
      %dma_wait3A_673 = tpu.memref_squeeze %dma_wait3A_672 : memref<1x2x50xi32, #tpu.memory_space<vmem>> -> memref<2x50xi32, #tpu.memory_space<vmem>>
      %dma_wait3A_674 = arith.constant 0 : i32
      %dma_wait3A_675 = arith.constant 0 : i32
      %dma_wait3A_676 = tpu.memref_slice %arg3[%multiple_of3A_5, %dma_wait3A_674, %dma_wait3A_675] : memref<6400x2x50xi32, #tpu.memory_space<hbm>> -> memref<1x2x50xi32, #tpu.memory_space<hbm>>
      %dma_wait3A_677 = tpu.memref_squeeze %dma_wait3A_676 : memref<1x2x50xi32, #tpu.memory_space<hbm>> -> memref<2x50xi32, #tpu.memory_space<hbm>>
      tpu.wait_dma2 semaphore(%arg20 : memref<!tpu.dma_semaphore, #tpu.memory_space<semaphore_mem>>) src(%dma_wait3A_677 : memref<2x50xi32, #tpu.memory_space<hbm>>) dst(%dma_wait3A_673 : memref<2x50xi32, #tpu.memory_space<vmem>>)
      %dma_start3A_678 = arith.constant 0 : i32
      %dma_start3A_679 = arith.constant 0 : i32
      %dma_start3A_680 = tpu.memref_slice %arg9[%select_n3A_556, %dma_start3A_678, %dma_start3A_679] : memref<2x2x50xi32, #tpu.memory_space<vmem>> -> memref<1x1x50xi32, #tpu.memory_space<vmem>>
      %dma_start3A_681 = tpu.memref_squeeze %dma_start3A_680 : memref<1x1x50xi32, #tpu.memory_space<vmem>> -> memref<50xi32, #tpu.memory_space<vmem>>
      %dma_start3A_682 = arith.constant 0 : i32
      %dma_start3A_683 = arith.constant 0 : i32
      %dma_start3A_684 = tpu.memref_slice %arg2[%dma_start3A_682, %dma_start3A_683] : memref<10000x128xf32, #tpu.memory_space<hbm>> -> memref<10000x128xf32, #tpu.memory_space<hbm>>
      tpu.enqueue_indirect_dma source(%dma_start3A_684 : memref<10000x128xf32, #tpu.memory_space<hbm>>) target(%arg14 : memref<50x128xf32, #tpu.memory_space<vmem>>) offsets(%dma_start3A_681 : memref<50xi32, #tpu.memory_space<vmem>>) semaphore(%arg25 : memref<!tpu.dma_semaphore, #tpu.memory_space<semaphore_mem>>)
      %dma_wait3A_685 = arith.constant 0 : i32
      %dma_wait3A_686 = arith.constant 1 : i32
      %dma_wait3A_687 = arith.constant 0 : i32
      %dma_wait3A_688 = tpu.memref_slice %arg10[%dma_wait3A_685, %dma_wait3A_686, %dma_wait3A_687] : memref<2x2x50xi32, #tpu.memory_space<vmem>> -> memref<1x1x50xi32, #tpu.memory_space<vmem>>
      %dma_wait3A_689 = tpu.memref_squeeze %dma_wait3A_688 : memref<1x1x50xi32, #tpu.memory_space<vmem>> -> memref<50xi32, #tpu.memory_space<vmem>>
      %dma_wait3A_690 = arith.constant 0 : i32
      %dma_wait3A_691 = arith.constant 0 : i32
      %dma_wait3A_692 = tpu.memref_slice %arg16[%dma_wait3A_690, %dma_wait3A_691] : memref<10240x128xf32, #tpu.memory_space<vmem_shared>> -> memref<10240x128xf32, #tpu.memory_space<vmem_shared>>
      tpu.wait_indirect_dma semaphore(%arg31 : memref<!tpu.dma_semaphore, #tpu.memory_space<semaphore_mem>>) src(%arg15 : memref<50x128xf32, #tpu.memory_space<vmem>>) dst(%dma_wait3A_692 : memref<10240x128xf32, #tpu.memory_space<vmem_shared>>)
      %dma_wait3A_693 = arith.constant 0 : i32
      %dma_wait3A_694 = arith.constant 0 : i32
      %dma_wait3A_695 = arith.constant 0 : i32
      %dma_wait3A_696 = tpu.memref_slice %arg10[%dma_wait3A_693, %dma_wait3A_694, %dma_wait3A_695] : memref<2x2x50xi32, #tpu.memory_space<vmem>> -> memref<1x2x50xi32, #tpu.memory_space<vmem>>
      %dma_wait3A_697 = tpu.memref_squeeze %dma_wait3A_696 : memref<1x2x50xi32, #tpu.memory_space<vmem>> -> memref<2x50xi32, #tpu.memory_space<vmem>>
      %dma_wait3A_698 = arith.constant 0 : i32
      %dma_wait3A_699 = arith.constant 0 : i32
      %dma_wait3A_700 = tpu.memref_slice %arg3[%multiple_of3A_5, %dma_wait3A_698, %dma_wait3A_699] : memref<6400x2x50xi32, #tpu.memory_space<hbm>> -> memref<1x2x50xi32, #tpu.memory_space<hbm>>
      %dma_wait3A_701 = tpu.memref_squeeze %dma_wait3A_700 : memref<1x2x50xi32, #tpu.memory_space<hbm>> -> memref<2x50xi32, #tpu.memory_space<hbm>>
      %dma_wait3A_702 = arith.constant 0 : i32
      %dma_wait3A_703 = arith.constant 0 : i32
      %dma_wait3A_704 = tpu.memref_slice %arg10[%dma_wait3A_693, %dma_wait3A_702, %dma_wait3A_703] : memref<2x2x50xi32, #tpu.memory_space<vmem>> -> memref<1x2x50xi32, #tpu.memory_space<vmem>>
      %dma_wait3A_705 = tpu.memref_squeeze %dma_wait3A_704 : memref<1x2x50xi32, #tpu.memory_space<vmem>> -> memref<2x50xi32, #tpu.memory_space<vmem>>
      %dma_wait3A_706 = arith.constant 0 : i32
      %dma_wait3A_707 = arith.constant 0 : i32
      %dma_wait3A_708 = tpu.memref_slice %arg3[%multiple_of3A_5, %dma_wait3A_706, %dma_wait3A_707] : memref<6400x2x50xi32, #tpu.memory_space<hbm>> -> memref<1x2x50xi32, #tpu.memory_space<hbm>>
      %dma_wait3A_709 = tpu.memref_squeeze %dma_wait3A_708 : memref<1x2x50xi32, #tpu.memory_space<hbm>> -> memref<2x50xi32, #tpu.memory_space<hbm>>
      tpu.wait_dma2 semaphore(%arg21 : memref<!tpu.dma_semaphore, #tpu.memory_space<semaphore_mem>>) src(%dma_wait3A_709 : memref<2x50xi32, #tpu.memory_space<hbm>>) dst(%dma_wait3A_705 : memref<2x50xi32, #tpu.memory_space<vmem>>)
      %dma_start3A_710 = arith.constant 0 : i32
      %dma_start3A_711 = arith.constant 0 : i32
      %dma_start3A_712 = tpu.memref_slice %arg10[%select_n3A_556, %dma_start3A_710, %dma_start3A_711] : memref<2x2x50xi32, #tpu.memory_space<vmem>> -> memref<1x1x50xi32, #tpu.memory_space<vmem>>
      %dma_start3A_713 = tpu.memref_squeeze %dma_start3A_712 : memref<1x1x50xi32, #tpu.memory_space<vmem>> -> memref<50xi32, #tpu.memory_space<vmem>>
      %dma_start3A_714 = arith.constant 0 : i32
      %dma_start3A_715 = arith.constant 0 : i32
      %dma_start3A_716 = tpu.memref_slice %arg2[%dma_start3A_714, %dma_start3A_715] : memref<10000x128xf32, #tpu.memory_space<hbm>> -> memref<10000x128xf32, #tpu.memory_space<hbm>>
      tpu.enqueue_indirect_dma source(%dma_start3A_716 : memref<10000x128xf32, #tpu.memory_space<hbm>>) target(%arg15 : memref<50x128xf32, #tpu.memory_space<vmem>>) offsets(%dma_start3A_713 : memref<50xi32, #tpu.memory_space<vmem>>) semaphore(%arg26 : memref<!tpu.dma_semaphore, #tpu.memory_space<semaphore_mem>>)
      %dma_wait3A_717 = arith.constant 0 : i32
      %dma_wait3A_718 = arith.constant 0 : i32
      %dma_wait3A_719 = tpu.memref_slice %arg6[%select_n3A_556, %dma_wait3A_717, %dma_wait3A_718] : memref<2x2x50xi32, #tpu.memory_space<vmem>> -> memref<1x1x50xi32, #tpu.memory_space<vmem>>
      %dma_wait3A_720 = tpu.memref_squeeze %dma_wait3A_719 : memref<1x1x50xi32, #tpu.memory_space<vmem>> -> memref<50xi32, #tpu.memory_space<vmem>>
      %dma_wait3A_721 = arith.constant 0 : i32
      %dma_wait3A_722 = arith.constant 0 : i32
      %dma_wait3A_723 = tpu.memref_slice %arg2[%dma_wait3A_721, %dma_wait3A_722] : memref<10000x128xf32, #tpu.memory_space<hbm>> -> memref<10000x128xf32, #tpu.memory_space<hbm>>
      tpu.wait_indirect_dma semaphore(%arg22 : memref<!tpu.dma_semaphore, #tpu.memory_space<semaphore_mem>>) src(%dma_wait3A_723 : memref<10000x128xf32, #tpu.memory_space<hbm>>) dst(%arg11 : memref<50x128xf32, #tpu.memory_space<vmem>>)
      %dma_start3A_724 = arith.constant 1 : i32
      %dma_start3A_725 = arith.constant 0 : i32
      %dma_start3A_726 = tpu.memref_slice %arg6[%select_n3A_556, %dma_start3A_724, %dma_start3A_725] : memref<2x2x50xi32, #tpu.memory_space<vmem>> -> memref<1x1x50xi32, #tpu.memory_space<vmem>>
      %dma_start3A_727 = tpu.memref_squeeze %dma_start3A_726 : memref<1x1x50xi32, #tpu.memory_space<vmem>> -> memref<50xi32, #tpu.memory_space<vmem>>
      %dma_start3A_728 = arith.constant 0 : i32
      %dma_start3A_729 = arith.constant 0 : i32
      %dma_start3A_730 = tpu.memref_slice %arg16[%dma_start3A_728, %dma_start3A_729] : memref<10240x128xf32, #tpu.memory_space<vmem_shared>> -> memref<10240x128xf32, #tpu.memory_space<vmem_shared>>
      tpu.enqueue_indirect_dma source(%arg11 : memref<50x128xf32, #tpu.memory_space<vmem>>) target(%dma_start3A_730 : memref<10240x128xf32, #tpu.memory_space<vmem_shared>>) offsets(%dma_start3A_727 : memref<50xi32, #tpu.memory_space<vmem>>) semaphore(%arg27 : memref<!tpu.dma_semaphore, #tpu.memory_space<semaphore_mem>>) {add = true}
      %add3A_731 = arith.constant 5 : i32
      %add3A_732 = arith.addi %mul3A_547, %add3A_731 : i32
      %add3A_733 = arith.constant 0 : i32
      %add3A_734 = arith.addi %add3A_732, %add3A_733 : i32
      %min3A_735 = arith.constant 199 : i32
      %min3A_736 = arith.minsi %add3A_734, %min3A_735 : i32
      %sub3A = arith.constant 1 : i32
      %sub3A_737 = arith.subi %sub3A, %select_n3A_556 : i32
      %add3A_738 = arith.addi %multiple_of3A_5, %min3A_736 : i32
      %dma_start3A_739 = arith.constant 0 : i32
      %dma_start3A_740 = arith.constant 0 : i32
      %dma_start3A_741 = tpu.memref_slice %arg6[%sub3A_737, %dma_start3A_739, %dma_start3A_740] : memref<2x2x50xi32, #tpu.memory_space<vmem>> -> memref<1x2x50xi32, #tpu.memory_space<vmem>>
      %dma_start3A_742 = tpu.memref_squeeze %dma_start3A_741 : memref<1x2x50xi32, #tpu.memory_space<vmem>> -> memref<2x50xi32, #tpu.memory_space<vmem>>
      %dma_start3A_743 = arith.constant 0 : i32
      %dma_start3A_744 = arith.constant 0 : i32
      %dma_start3A_745 = tpu.memref_slice %arg3[%add3A_738, %dma_start3A_743, %dma_start3A_744] : memref<6400x2x50xi32, #tpu.memory_space<hbm>> -> memref<1x2x50xi32, #tpu.memory_space<hbm>>
      %dma_start3A_746 = tpu.memref_squeeze %dma_start3A_745 : memref<1x2x50xi32, #tpu.memory_space<hbm>> -> memref<2x50xi32, #tpu.memory_space<hbm>>
      %dma_start3A_747 = arith.constant 0 : i32
      %dma_start3A_748 = arith.constant 0 : i32
      %dma_start3A_749 = tpu.memref_slice %arg6[%sub3A_737, %dma_start3A_747, %dma_start3A_748] : memref<2x2x50xi32, #tpu.memory_space<vmem>> -> memref<1x2x50xi32, #tpu.memory_space<vmem>>
      %dma_start3A_750 = tpu.memref_squeeze %dma_start3A_749 : memref<1x2x50xi32, #tpu.memory_space<vmem>> -> memref<2x50xi32, #tpu.memory_space<vmem>>
      %dma_start3A_751 = arith.constant 0 : i32
      %dma_start3A_752 = arith.constant 0 : i32
      %dma_start3A_753 = tpu.memref_slice %arg3[%add3A_738, %dma_start3A_751, %dma_start3A_752] : memref<6400x2x50xi32, #tpu.memory_space<hbm>> -> memref<1x2x50xi32, #tpu.memory_space<hbm>>
      %dma_start3A_754 = tpu.memref_squeeze %dma_start3A_753 : memref<1x2x50xi32, #tpu.memory_space<hbm>> -> memref<2x50xi32, #tpu.memory_space<hbm>>
      tpu.enqueue_dma source(%dma_start3A_754 : memref<2x50xi32, #tpu.memory_space<hbm>>) target(%dma_start3A_750 : memref<2x50xi32, #tpu.memory_space<vmem>>) target_semaphore(%arg17 : memref<!tpu.dma_semaphore, #tpu.memory_space<semaphore_mem>>)
      %dma_wait3A_755 = arith.constant 0 : i32
      %dma_wait3A_756 = arith.constant 0 : i32
      %dma_wait3A_757 = tpu.memref_slice %arg7[%select_n3A_556, %dma_wait3A_755, %dma_wait3A_756] : memref<2x2x50xi32, #tpu.memory_space<vmem>> -> memref<1x1x50xi32, #tpu.memory_space<vmem>>
      %dma_wait3A_758 = tpu.memref_squeeze %dma_wait3A_757 : memref<1x1x50xi32, #tpu.memory_space<vmem>> -> memref<50xi32, #tpu.memory_space<vmem>>
      %dma_wait3A_759 = arith.constant 0 : i32
      %dma_wait3A_760 = arith.constant 0 : i32
      %dma_wait3A_761 = tpu.memref_slice %arg2[%dma_wait3A_759, %dma_wait3A_760] : memref<10000x128xf32, #tpu.memory_space<hbm>> -> memref<10000x128xf32, #tpu.memory_space<hbm>>
      tpu.wait_indirect_dma semaphore(%arg23 : memref<!tpu.dma_semaphore, #tpu.memory_space<semaphore_mem>>) src(%dma_wait3A_761 : memref<10000x128xf32, #tpu.memory_space<hbm>>) dst(%arg12 : memref<50x128xf32, #tpu.memory_space<vmem>>)
      %dma_start3A_762 = arith.constant 1 : i32
      %dma_start3A_763 = arith.constant 0 : i32
      %dma_start3A_764 = tpu.memref_slice %arg7[%select_n3A_556, %dma_start3A_762, %dma_start3A_763] : memref<2x2x50xi32, #tpu.memory_space<vmem>> -> memref<1x1x50xi32, #tpu.memory_space<vmem>>
      %dma_start3A_765 = tpu.memref_squeeze %dma_start3A_764 : memref<1x1x50xi32, #tpu.memory_space<vmem>> -> memref<50xi32, #tpu.memory_space<vmem>>
      %dma_start3A_766 = arith.constant 0 : i32
      %dma_start3A_767 = arith.constant 0 : i32
      %dma_start3A_768 = tpu.memref_slice %arg16[%dma_start3A_766, %dma_start3A_767] : memref<10240x128xf32, #tpu.memory_space<vmem_shared>> -> memref<10240x128xf32, #tpu.memory_space<vmem_shared>>
      tpu.enqueue_indirect_dma source(%arg12 : memref<50x128xf32, #tpu.memory_space<vmem>>) target(%dma_start3A_768 : memref<10240x128xf32, #tpu.memory_space<vmem_shared>>) offsets(%dma_start3A_765 : memref<50xi32, #tpu.memory_space<vmem>>) semaphore(%arg28 : memref<!tpu.dma_semaphore, #tpu.memory_space<semaphore_mem>>) {add = true}
      %add3A_769 = arith.constant 5 : i32
      %add3A_770 = arith.addi %mul3A_547, %add3A_769 : i32
      %add3A_771 = arith.constant 1 : i32
      %add3A_772 = arith.addi %add3A_770, %add3A_771 : i32
      %min3A_773 = arith.constant 199 : i32
      %min3A_774 = arith.minsi %add3A_772, %min3A_773 : i32
      %sub3A_775 = arith.constant 1 : i32
      %sub3A_776 = arith.subi %sub3A_775, %select_n3A_556 : i32
      %add3A_777 = arith.addi %multiple_of3A_5, %min3A_774 : i32
      %dma_start3A_778 = arith.constant 0 : i32
      %dma_start3A_779 = arith.constant 0 : i32
      %dma_start3A_780 = tpu.memref_slice %arg7[%sub3A_776, %dma_start3A_778, %dma_start3A_779] : memref<2x2x50xi32, #tpu.memory_space<vmem>> -> memref<1x2x50xi32, #tpu.memory_space<vmem>>
      %dma_start3A_781 = tpu.memref_squeeze %dma_start3A_780 : memref<1x2x50xi32, #tpu.memory_space<vmem>> -> memref<2x50xi32, #tpu.memory_space<vmem>>
      %dma_start3A_782 = arith.constant 0 : i32
      %dma_start3A_783 = arith.constant 0 : i32
      %dma_start3A_784 = tpu.memref_slice %arg3[%add3A_777, %dma_start3A_782, %dma_start3A_783] : memref<6400x2x50xi32, #tpu.memory_space<hbm>> -> memref<1x2x50xi32, #tpu.memory_space<hbm>>
      %dma_start3A_785 = tpu.memref_squeeze %dma_start3A_784 : memref<1x2x50xi32, #tpu.memory_space<hbm>> -> memref<2x50xi32, #tpu.memory_space<hbm>>
      %dma_start3A_786 = arith.constant 0 : i32
      %dma_start3A_787 = arith.constant 0 : i32
      %dma_start3A_788 = tpu.memref_slice %arg7[%sub3A_776, %dma_start3A_786, %dma_start3A_787] : memref<2x2x50xi32, #tpu.memory_space<vmem>> -> memref<1x2x50xi32, #tpu.memory_space<vmem>>
      %dma_start3A_789 = tpu.memref_squeeze %dma_start3A_788 : memref<1x2x50xi32, #tpu.memory_space<vmem>> -> memref<2x50xi32, #tpu.memory_space<vmem>>
      %dma_start3A_790 = arith.constant 0 : i32
      %dma_start3A_791 = arith.constant 0 : i32
      %dma_start3A_792 = tpu.memref_slice %arg3[%add3A_777, %dma_start3A_790, %dma_start3A_791] : memref<6400x2x50xi32, #tpu.memory_space<hbm>> -> memref<1x2x50xi32, #tpu.memory_space<hbm>>
      %dma_start3A_793 = tpu.memref_squeeze %dma_start3A_792 : memref<1x2x50xi32, #tpu.memory_space<hbm>> -> memref<2x50xi32, #tpu.memory_space<hbm>>
      tpu.enqueue_dma source(%dma_start3A_793 : memref<2x50xi32, #tpu.memory_space<hbm>>) target(%dma_start3A_789 : memref<2x50xi32, #tpu.memory_space<vmem>>) target_semaphore(%arg18 : memref<!tpu.dma_semaphore, #tpu.memory_space<semaphore_mem>>)
      %dma_wait3A_794 = arith.constant 0 : i32
      %dma_wait3A_795 = arith.constant 0 : i32
      %dma_wait3A_796 = tpu.memref_slice %arg8[%select_n3A_556, %dma_wait3A_794, %dma_wait3A_795] : memref<2x2x50xi32, #tpu.memory_space<vmem>> -> memref<1x1x50xi32, #tpu.memory_space<vmem>>
      %dma_wait3A_797 = tpu.memref_squeeze %dma_wait3A_796 : memref<1x1x50xi32, #tpu.memory_space<vmem>> -> memref<50xi32, #tpu.memory_space<vmem>>
      %dma_wait3A_798 = arith.constant 0 : i32
      %dma_wait3A_799 = arith.constant 0 : i32
      %dma_wait3A_800 = tpu.memref_slice %arg2[%dma_wait3A_798, %dma_wait3A_799] : memref<10000x128xf32, #tpu.memory_space<hbm>> -> memref<10000x128xf32, #tpu.memory_space<hbm>>
      tpu.wait_indirect_dma semaphore(%arg24 : memref<!tpu.dma_semaphore, #tpu.memory_space<semaphore_mem>>) src(%dma_wait3A_800 : memref<10000x128xf32, #tpu.memory_space<hbm>>) dst(%arg13 : memref<50x128xf32, #tpu.memory_space<vmem>>)
      %dma_start3A_801 = arith.constant 1 : i32
      %dma_start3A_802 = arith.constant 0 : i32
      %dma_start3A_803 = tpu.memref_slice %arg8[%select_n3A_556, %dma_start3A_801, %dma_start3A_802] : memref<2x2x50xi32, #tpu.memory_space<vmem>> -> memref<1x1x50xi32, #tpu.memory_space<vmem>>
      %dma_start3A_804 = tpu.memref_squeeze %dma_start3A_803 : memref<1x1x50xi32, #tpu.memory_space<vmem>> -> memref<50xi32, #tpu.memory_space<vmem>>
      %dma_start3A_805 = arith.constant 0 : i32
      %dma_start3A_806 = arith.constant 0 : i32
      %dma_start3A_807 = tpu.memref_slice %arg16[%dma_start3A_805, %dma_start3A_806] : memref<10240x128xf32, #tpu.memory_space<vmem_shared>> -> memref<10240x128xf32, #tpu.memory_space<vmem_shared>>
      tpu.enqueue_indirect_dma source(%arg13 : memref<50x128xf32, #tpu.memory_space<vmem>>) target(%dma_start3A_807 : memref<10240x128xf32, #tpu.memory_space<vmem_shared>>) offsets(%dma_start3A_804 : memref<50xi32, #tpu.memory_space<vmem>>) semaphore(%arg29 : memref<!tpu.dma_semaphore, #tpu.memory_space<semaphore_mem>>) {add = true}
      %add3A_808 = arith.constant 5 : i32
      %add3A_809 = arith.addi %mul3A_547, %add3A_808 : i32
      %add3A_810 = arith.constant 2 : i32
      %add3A_811 = arith.addi %add3A_809, %add3A_810 : i32
      %min3A_812 = arith.constant 199 : i32
      %min3A_813 = arith.minsi %add3A_811, %min3A_812 : i32
      %sub3A_814 = arith.constant 1 : i32
      %sub3A_815 = arith.subi %sub3A_814, %select_n3A_556 : i32
      %add3A_816 = arith.addi %multiple_of3A_5, %min3A_813 : i32
      %dma_start3A_817 = arith.constant 0 : i32
      %dma_start3A_818 = arith.constant 0 : i32
      %dma_start3A_819 = tpu.memref_slice %arg8[%sub3A_815, %dma_start3A_817, %dma_start3A_818] : memref<2x2x50xi32, #tpu.memory_space<vmem>> -> memref<1x2x50xi32, #tpu.memory_space<vmem>>
      %dma_start3A_820 = tpu.memref_squeeze %dma_start3A_819 : memref<1x2x50xi32, #tpu.memory_space<vmem>> -> memref<2x50xi32, #tpu.memory_space<vmem>>
      %dma_start3A_821 = arith.constant 0 : i32
      %dma_start3A_822 = arith.constant 0 : i32
      %dma_start3A_823 = tpu.memref_slice %arg3[%add3A_816, %dma_start3A_821, %dma_start3A_822] : memref<6400x2x50xi32, #tpu.memory_space<hbm>> -> memref<1x2x50xi32, #tpu.memory_space<hbm>>
      %dma_start3A_824 = tpu.memref_squeeze %dma_start3A_823 : memref<1x2x50xi32, #tpu.memory_space<hbm>> -> memref<2x50xi32, #tpu.memory_space<hbm>>
      %dma_start3A_825 = arith.constant 0 : i32
      %dma_start3A_826 = arith.constant 0 : i32
      %dma_start3A_827 = tpu.memref_slice %arg8[%sub3A_815, %dma_start3A_825, %dma_start3A_826] : memref<2x2x50xi32, #tpu.memory_space<vmem>> -> memref<1x2x50xi32, #tpu.memory_space<vmem>>
      %dma_start3A_828 = tpu.memref_squeeze %dma_start3A_827 : memref<1x2x50xi32, #tpu.memory_space<vmem>> -> memref<2x50xi32, #tpu.memory_space<vmem>>
      %dma_start3A_829 = arith.constant 0 : i32
      %dma_start3A_830 = arith.constant 0 : i32
      %dma_start3A_831 = tpu.memref_slice %arg3[%add3A_816, %dma_start3A_829, %dma_start3A_830] : memref<6400x2x50xi32, #tpu.memory_space<hbm>> -> memref<1x2x50xi32, #tpu.memory_space<hbm>>
      %dma_start3A_832 = tpu.memref_squeeze %dma_start3A_831 : memref<1x2x50xi32, #tpu.memory_space<hbm>> -> memref<2x50xi32, #tpu.memory_space<hbm>>
      tpu.enqueue_dma source(%dma_start3A_832 : memref<2x50xi32, #tpu.memory_space<hbm>>) target(%dma_start3A_828 : memref<2x50xi32, #tpu.memory_space<vmem>>) target_semaphore(%arg19 : memref<!tpu.dma_semaphore, #tpu.memory_space<semaphore_mem>>)
      %dma_wait3A_833 = arith.constant 0 : i32
      %dma_wait3A_834 = arith.constant 0 : i32
      %dma_wait3A_835 = tpu.memref_slice %arg9[%select_n3A_556, %dma_wait3A_833, %dma_wait3A_834] : memref<2x2x50xi32, #tpu.memory_space<vmem>> -> memref<1x1x50xi32, #tpu.memory_space<vmem>>
      %dma_wait3A_836 = tpu.memref_squeeze %dma_wait3A_835 : memref<1x1x50xi32, #tpu.memory_space<vmem>> -> memref<50xi32, #tpu.memory_space<vmem>>
      %dma_wait3A_837 = arith.constant 0 : i32
      %dma_wait3A_838 = arith.constant 0 : i32
      %dma_wait3A_839 = tpu.memref_slice %arg2[%dma_wait3A_837, %dma_wait3A_838] : memref<10000x128xf32, #tpu.memory_space<hbm>> -> memref<10000x128xf32, #tpu.memory_space<hbm>>
      tpu.wait_indirect_dma semaphore(%arg25 : memref<!tpu.dma_semaphore, #tpu.memory_space<semaphore_mem>>) src(%dma_wait3A_839 : memref<10000x128xf32, #tpu.memory_space<hbm>>) dst(%arg14 : memref<50x128xf32, #tpu.memory_space<vmem>>)
      %dma_start3A_840 = arith.constant 1 : i32
      %dma_start3A_841 = arith.constant 0 : i32
      %dma_start3A_842 = tpu.memref_slice %arg9[%select_n3A_556, %dma_start3A_840, %dma_start3A_841] : memref<2x2x50xi32, #tpu.memory_space<vmem>> -> memref<1x1x50xi32, #tpu.memory_space<vmem>>
      %dma_start3A_843 = tpu.memref_squeeze %dma_start3A_842 : memref<1x1x50xi32, #tpu.memory_space<vmem>> -> memref<50xi32, #tpu.memory_space<vmem>>
      %dma_start3A_844 = arith.constant 0 : i32
      %dma_start3A_845 = arith.constant 0 : i32
      %dma_start3A_846 = tpu.memref_slice %arg16[%dma_start3A_844, %dma_start3A_845] : memref<10240x128xf32, #tpu.memory_space<vmem_shared>> -> memref<10240x128xf32, #tpu.memory_space<vmem_shared>>
      tpu.enqueue_indirect_dma source(%arg14 : memref<50x128xf32, #tpu.memory_space<vmem>>) target(%dma_start3A_846 : memref<10240x128xf32, #tpu.memory_space<vmem_shared>>) offsets(%dma_start3A_843 : memref<50xi32, #tpu.memory_space<vmem>>) semaphore(%arg30 : memref<!tpu.dma_semaphore, #tpu.memory_space<semaphore_mem>>) {add = true}
      %add3A_847 = arith.constant 5 : i32
      %add3A_848 = arith.addi %mul3A_547, %add3A_847 : i32
      %add3A_849 = arith.constant 3 : i32
      %add3A_850 = arith.addi %add3A_848, %add3A_849 : i32
      %min3A_851 = arith.constant 199 : i32
      %min3A_852 = arith.minsi %add3A_850, %min3A_851 : i32
      %sub3A_853 = arith.constant 1 : i32
      %sub3A_854 = arith.subi %sub3A_853, %select_n3A_556 : i32
      %add3A_855 = arith.addi %multiple_of3A_5, %min3A_852 : i32
      %dma_start3A_856 = arith.constant 0 : i32
      %dma_start3A_857 = arith.constant 0 : i32
      %dma_start3A_858 = tpu.memref_slice %arg9[%sub3A_854, %dma_start3A_856, %dma_start3A_857] : memref<2x2x50xi32, #tpu.memory_space<vmem>> -> memref<1x2x50xi32, #tpu.memory_space<vmem>>
      %dma_start3A_859 = tpu.memref_squeeze %dma_start3A_858 : memref<1x2x50xi32, #tpu.memory_space<vmem>> -> memref<2x50xi32, #tpu.memory_space<vmem>>
      %dma_start3A_860 = arith.constant 0 : i32
      %dma_start3A_861 = arith.constant 0 : i32
      %dma_start3A_862 = tpu.memref_slice %arg3[%add3A_855, %dma_start3A_860, %dma_start3A_861] : memref<6400x2x50xi32, #tpu.memory_space<hbm>> -> memref<1x2x50xi32, #tpu.memory_space<hbm>>
      %dma_start3A_863 = tpu.memref_squeeze %dma_start3A_862 : memref<1x2x50xi32, #tpu.memory_space<hbm>> -> memref<2x50xi32, #tpu.memory_space<hbm>>
      %dma_start3A_864 = arith.constant 0 : i32
      %dma_start3A_865 = arith.constant 0 : i32
      %dma_start3A_866 = tpu.memref_slice %arg9[%sub3A_854, %dma_start3A_864, %dma_start3A_865] : memref<2x2x50xi32, #tpu.memory_space<vmem>> -> memref<1x2x50xi32, #tpu.memory_space<vmem>>
      %dma_start3A_867 = tpu.memref_squeeze %dma_start3A_866 : memref<1x2x50xi32, #tpu.memory_space<vmem>> -> memref<2x50xi32, #tpu.memory_space<vmem>>
      %dma_start3A_868 = arith.constant 0 : i32
      %dma_start3A_869 = arith.constant 0 : i32
      %dma_start3A_870 = tpu.memref_slice %arg3[%add3A_855, %dma_start3A_868, %dma_start3A_869] : memref<6400x2x50xi32, #tpu.memory_space<hbm>> -> memref<1x2x50xi32, #tpu.memory_space<hbm>>
      %dma_start3A_871 = tpu.memref_squeeze %dma_start3A_870 : memref<1x2x50xi32, #tpu.memory_space<hbm>> -> memref<2x50xi32, #tpu.memory_space<hbm>>
      tpu.enqueue_dma source(%dma_start3A_871 : memref<2x50xi32, #tpu.memory_space<hbm>>) target(%dma_start3A_867 : memref<2x50xi32, #tpu.memory_space<vmem>>) target_semaphore(%arg20 : memref<!tpu.dma_semaphore, #tpu.memory_space<semaphore_mem>>)
      %dma_wait3A_872 = arith.constant 0 : i32
      %dma_wait3A_873 = arith.constant 0 : i32
      %dma_wait3A_874 = tpu.memref_slice %arg10[%select_n3A_556, %dma_wait3A_872, %dma_wait3A_873] : memref<2x2x50xi32, #tpu.memory_space<vmem>> -> memref<1x1x50xi32, #tpu.memory_space<vmem>>
      %dma_wait3A_875 = tpu.memref_squeeze %dma_wait3A_874 : memref<1x1x50xi32, #tpu.memory_space<vmem>> -> memref<50xi32, #tpu.memory_space<vmem>>
      %dma_wait3A_876 = arith.constant 0 : i32
      %dma_wait3A_877 = arith.constant 0 : i32
      %dma_wait3A_878 = tpu.memref_slice %arg2[%dma_wait3A_876, %dma_wait3A_877] : memref<10000x128xf32, #tpu.memory_space<hbm>> -> memref<10000x128xf32, #tpu.memory_space<hbm>>
      tpu.wait_indirect_dma semaphore(%arg26 : memref<!tpu.dma_semaphore, #tpu.memory_space<semaphore_mem>>) src(%dma_wait3A_878 : memref<10000x128xf32, #tpu.memory_space<hbm>>) dst(%arg15 : memref<50x128xf32, #tpu.memory_space<vmem>>)
      %dma_start3A_879 = arith.constant 1 : i32
      %dma_start3A_880 = arith.constant 0 : i32
      %dma_start3A_881 = tpu.memref_slice %arg10[%select_n3A_556, %dma_start3A_879, %dma_start3A_880] : memref<2x2x50xi32, #tpu.memory_space<vmem>> -> memref<1x1x50xi32, #tpu.memory_space<vmem>>
      %dma_start3A_882 = tpu.memref_squeeze %dma_start3A_881 : memref<1x1x50xi32, #tpu.memory_space<vmem>> -> memref<50xi32, #tpu.memory_space<vmem>>
      %dma_start3A_883 = arith.constant 0 : i32
      %dma_start3A_884 = arith.constant 0 : i32
      %dma_start3A_885 = tpu.memref_slice %arg16[%dma_start3A_883, %dma_start3A_884] : memref<10240x128xf32, #tpu.memory_space<vmem_shared>> -> memref<10240x128xf32, #tpu.memory_space<vmem_shared>>
      tpu.enqueue_indirect_dma source(%arg15 : memref<50x128xf32, #tpu.memory_space<vmem>>) target(%dma_start3A_885 : memref<10240x128xf32, #tpu.memory_space<vmem_shared>>) offsets(%dma_start3A_882 : memref<50xi32, #tpu.memory_space<vmem>>) semaphore(%arg31 : memref<!tpu.dma_semaphore, #tpu.memory_space<semaphore_mem>>) {add = true}
      %add3A_886 = arith.constant 5 : i32
      %add3A_887 = arith.addi %mul3A_547, %add3A_886 : i32
      %add3A_888 = arith.constant 4 : i32
      %add3A_889 = arith.addi %add3A_887, %add3A_888 : i32
      %min3A_890 = arith.constant 199 : i32
      %min3A_891 = arith.minsi %add3A_889, %min3A_890 : i32
      %sub3A_892 = arith.constant 1 : i32
      %sub3A_893 = arith.subi %sub3A_892, %select_n3A_556 : i32
      %add3A_894 = arith.addi %multiple_of3A_5, %min3A_891 : i32
      %dma_start3A_895 = arith.constant 0 : i32
      %dma_start3A_896 = arith.constant 0 : i32
      %dma_start3A_897 = tpu.memref_slice %arg10[%sub3A_893, %dma_start3A_895, %dma_start3A_896] : memref<2x2x50xi32, #tpu.memory_space<vmem>> -> memref<1x2x50xi32, #tpu.memory_space<vmem>>
      %dma_start3A_898 = tpu.memref_squeeze %dma_start3A_897 : memref<1x2x50xi32, #tpu.memory_space<vmem>> -> memref<2x50xi32, #tpu.memory_space<vmem>>
      %dma_start3A_899 = arith.constant 0 : i32
      %dma_start3A_900 = arith.constant 0 : i32
      %dma_start3A_901 = tpu.memref_slice %arg3[%add3A_894, %dma_start3A_899, %dma_start3A_900] : memref<6400x2x50xi32, #tpu.memory_space<hbm>> -> memref<1x2x50xi32, #tpu.memory_space<hbm>>
      %dma_start3A_902 = tpu.memref_squeeze %dma_start3A_901 : memref<1x2x50xi32, #tpu.memory_space<hbm>> -> memref<2x50xi32, #tpu.memory_space<hbm>>
      %dma_start3A_903 = arith.constant 0 : i32
      %dma_start3A_904 = arith.constant 0 : i32
      %dma_start3A_905 = tpu.memref_slice %arg10[%sub3A_893, %dma_start3A_903, %dma_start3A_904] : memref<2x2x50xi32, #tpu.memory_space<vmem>> -> memref<1x2x50xi32, #tpu.memory_space<vmem>>
      %dma_start3A_906 = tpu.memref_squeeze %dma_start3A_905 : memref<1x2x50xi32, #tpu.memory_space<vmem>> -> memref<2x50xi32, #tpu.memory_space<vmem>>
      %dma_start3A_907 = arith.constant 0 : i32
      %dma_start3A_908 = arith.constant 0 : i32
      %dma_start3A_909 = tpu.memref_slice %arg3[%add3A_894, %dma_start3A_907, %dma_start3A_908] : memref<6400x2x50xi32, #tpu.memory_space<hbm>> -> memref<1x2x50xi32, #tpu.memory_space<hbm>>
      %dma_start3A_910 = tpu.memref_squeeze %dma_start3A_909 : memref<1x2x50xi32, #tpu.memory_space<hbm>> -> memref<2x50xi32, #tpu.memory_space<hbm>>
      tpu.enqueue_dma source(%dma_start3A_910 : memref<2x50xi32, #tpu.memory_space<hbm>>) target(%dma_start3A_906 : memref<2x50xi32, #tpu.memory_space<vmem>>) target_semaphore(%arg21 : memref<!tpu.dma_semaphore, #tpu.memory_space<semaphore_mem>>)
    }
    %scan3A_412 = arith.constant 39 : i32
    %dma_wait3A_413 = arith.constant 0 : i32
    %dma_wait3A_414 = arith.constant 1 : i32
    %dma_wait3A_415 = arith.constant 0 : i32
    %dma_wait3A_416 = tpu.memref_slice %arg6[%dma_wait3A_413, %dma_wait3A_414, %dma_wait3A_415] : memref<2x2x50xi32, #tpu.memory_space<vmem>> -> memref<1x1x50xi32, #tpu.memory_space<vmem>>
    %dma_wait3A_417 = tpu.memref_squeeze %dma_wait3A_416 : memref<1x1x50xi32, #tpu.memory_space<vmem>> -> memref<50xi32, #tpu.memory_space<vmem>>
    %dma_wait3A_418 = arith.constant 0 : i32
    %dma_wait3A_419 = arith.constant 0 : i32
    %dma_wait3A_420 = tpu.memref_slice %arg16[%dma_wait3A_418, %dma_wait3A_419] : memref<10240x128xf32, #tpu.memory_space<vmem_shared>> -> memref<10240x128xf32, #tpu.memory_space<vmem_shared>>
    tpu.wait_indirect_dma semaphore(%arg27 : memref<!tpu.dma_semaphore, #tpu.memory_space<semaphore_mem>>) src(%arg11 : memref<50x128xf32, #tpu.memory_space<vmem>>) dst(%dma_wait3A_420 : memref<10240x128xf32, #tpu.memory_space<vmem_shared>>)
    %dma_wait3A_421 = arith.constant 0 : i32
    %dma_wait3A_422 = arith.constant 0 : i32
    %dma_wait3A_423 = arith.constant 0 : i32
    %dma_wait3A_424 = tpu.memref_slice %arg6[%dma_wait3A_421, %dma_wait3A_422, %dma_wait3A_423] : memref<2x2x50xi32, #tpu.memory_space<vmem>> -> memref<1x2x50xi32, #tpu.memory_space<vmem>>
    %dma_wait3A_425 = tpu.memref_squeeze %dma_wait3A_424 : memref<1x2x50xi32, #tpu.memory_space<vmem>> -> memref<2x50xi32, #tpu.memory_space<vmem>>
    %dma_wait3A_426 = arith.constant 0 : i32
    %dma_wait3A_427 = arith.constant 0 : i32
    %dma_wait3A_428 = tpu.memref_slice %arg3[%multiple_of3A_5, %dma_wait3A_426, %dma_wait3A_427] : memref<6400x2x50xi32, #tpu.memory_space<hbm>> -> memref<1x2x50xi32, #tpu.memory_space<hbm>>
    %dma_wait3A_429 = tpu.memref_squeeze %dma_wait3A_428 : memref<1x2x50xi32, #tpu.memory_space<hbm>> -> memref<2x50xi32, #tpu.memory_space<hbm>>
    %dma_wait3A_430 = arith.constant 0 : i32
    %dma_wait3A_431 = arith.constant 0 : i32
    %dma_wait3A_432 = tpu.memref_slice %arg6[%dma_wait3A_421, %dma_wait3A_430, %dma_wait3A_431] : memref<2x2x50xi32, #tpu.memory_space<vmem>> -> memref<1x2x50xi32, #tpu.memory_space<vmem>>
    %dma_wait3A_433 = tpu.memref_squeeze %dma_wait3A_432 : memref<1x2x50xi32, #tpu.memory_space<vmem>> -> memref<2x50xi32, #tpu.memory_space<vmem>>
    %dma_wait3A_434 = arith.constant 0 : i32
    %dma_wait3A_435 = arith.constant 0 : i32
    %dma_wait3A_436 = tpu.memref_slice %arg3[%multiple_of3A_5, %dma_wait3A_434, %dma_wait3A_435] : memref<6400x2x50xi32, #tpu.memory_space<hbm>> -> memref<1x2x50xi32, #tpu.memory_space<hbm>>
    %dma_wait3A_437 = tpu.memref_squeeze %dma_wait3A_436 : memref<1x2x50xi32, #tpu.memory_space<hbm>> -> memref<2x50xi32, #tpu.memory_space<hbm>>
    tpu.wait_dma2 semaphore(%arg17 : memref<!tpu.dma_semaphore, #tpu.memory_space<semaphore_mem>>) src(%dma_wait3A_437 : memref<2x50xi32, #tpu.memory_space<hbm>>) dst(%dma_wait3A_433 : memref<2x50xi32, #tpu.memory_space<vmem>>)
    %dma_wait3A_438 = arith.constant 0 : i32
    %dma_wait3A_439 = arith.constant 1 : i32
    %dma_wait3A_440 = arith.constant 0 : i32
    %dma_wait3A_441 = tpu.memref_slice %arg7[%dma_wait3A_438, %dma_wait3A_439, %dma_wait3A_440] : memref<2x2x50xi32, #tpu.memory_space<vmem>> -> memref<1x1x50xi32, #tpu.memory_space<vmem>>
    %dma_wait3A_442 = tpu.memref_squeeze %dma_wait3A_441 : memref<1x1x50xi32, #tpu.memory_space<vmem>> -> memref<50xi32, #tpu.memory_space<vmem>>
    %dma_wait3A_443 = arith.constant 0 : i32
    %dma_wait3A_444 = arith.constant 0 : i32
    %dma_wait3A_445 = tpu.memref_slice %arg16[%dma_wait3A_443, %dma_wait3A_444] : memref<10240x128xf32, #tpu.memory_space<vmem_shared>> -> memref<10240x128xf32, #tpu.memory_space<vmem_shared>>
    tpu.wait_indirect_dma semaphore(%arg28 : memref<!tpu.dma_semaphore, #tpu.memory_space<semaphore_mem>>) src(%arg12 : memref<50x128xf32, #tpu.memory_space<vmem>>) dst(%dma_wait3A_445 : memref<10240x128xf32, #tpu.memory_space<vmem_shared>>)
    %dma_wait3A_446 = arith.constant 0 : i32
    %dma_wait3A_447 = arith.constant 0 : i32
    %dma_wait3A_448 = arith.constant 0 : i32
    %dma_wait3A_449 = tpu.memref_slice %arg7[%dma_wait3A_446, %dma_wait3A_447, %dma_wait3A_448] : memref<2x2x50xi32, #tpu.memory_space<vmem>> -> memref<1x2x50xi32, #tpu.memory_space<vmem>>
    %dma_wait3A_450 = tpu.memref_squeeze %dma_wait3A_449 : memref<1x2x50xi32, #tpu.memory_space<vmem>> -> memref<2x50xi32, #tpu.memory_space<vmem>>
    %dma_wait3A_451 = arith.constant 0 : i32
    %dma_wait3A_452 = arith.constant 0 : i32
    %dma_wait3A_453 = tpu.memref_slice %arg3[%multiple_of3A_5, %dma_wait3A_451, %dma_wait3A_452] : memref<6400x2x50xi32, #tpu.memory_space<hbm>> -> memref<1x2x50xi32, #tpu.memory_space<hbm>>
    %dma_wait3A_454 = tpu.memref_squeeze %dma_wait3A_453 : memref<1x2x50xi32, #tpu.memory_space<hbm>> -> memref<2x50xi32, #tpu.memory_space<hbm>>
    %dma_wait3A_455 = arith.constant 0 : i32
    %dma_wait3A_456 = arith.constant 0 : i32
    %dma_wait3A_457 = tpu.memref_slice %arg7[%dma_wait3A_446, %dma_wait3A_455, %dma_wait3A_456] : memref<2x2x50xi32, #tpu.memory_space<vmem>> -> memref<1x2x50xi32, #tpu.memory_space<vmem>>
    %dma_wait3A_458 = tpu.memref_squeeze %dma_wait3A_457 : memref<1x2x50xi32, #tpu.memory_space<vmem>> -> memref<2x50xi32, #tpu.memory_space<vmem>>
    %dma_wait3A_459 = arith.constant 0 : i32
    %dma_wait3A_460 = arith.constant 0 : i32
    %dma_wait3A_461 = tpu.memref_slice %arg3[%multiple_of3A_5, %dma_wait3A_459, %dma_wait3A_460] : memref<6400x2x50xi32, #tpu.memory_space<hbm>> -> memref<1x2x50xi32, #tpu.memory_space<hbm>>
    %dma_wait3A_462 = tpu.memref_squeeze %dma_wait3A_461 : memref<1x2x50xi32, #tpu.memory_space<hbm>> -> memref<2x50xi32, #tpu.memory_space<hbm>>
    tpu.wait_dma2 semaphore(%arg18 : memref<!tpu.dma_semaphore, #tpu.memory_space<semaphore_mem>>) src(%dma_wait3A_462 : memref<2x50xi32, #tpu.memory_space<hbm>>) dst(%dma_wait3A_458 : memref<2x50xi32, #tpu.memory_space<vmem>>)
    %dma_wait3A_463 = arith.constant 0 : i32
    %dma_wait3A_464 = arith.constant 1 : i32
    %dma_wait3A_465 = arith.constant 0 : i32
    %dma_wait3A_466 = tpu.memref_slice %arg8[%dma_wait3A_463, %dma_wait3A_464, %dma_wait3A_465] : memref<2x2x50xi32, #tpu.memory_space<vmem>> -> memref<1x1x50xi32, #tpu.memory_space<vmem>>
    %dma_wait3A_467 = tpu.memref_squeeze %dma_wait3A_466 : memref<1x1x50xi32, #tpu.memory_space<vmem>> -> memref<50xi32, #tpu.memory_space<vmem>>
    %dma_wait3A_468 = arith.constant 0 : i32
    %dma_wait3A_469 = arith.constant 0 : i32
    %dma_wait3A_470 = tpu.memref_slice %arg16[%dma_wait3A_468, %dma_wait3A_469] : memref<10240x128xf32, #tpu.memory_space<vmem_shared>> -> memref<10240x128xf32, #tpu.memory_space<vmem_shared>>
    tpu.wait_indirect_dma semaphore(%arg29 : memref<!tpu.dma_semaphore, #tpu.memory_space<semaphore_mem>>) src(%arg13 : memref<50x128xf32, #tpu.memory_space<vmem>>) dst(%dma_wait3A_470 : memref<10240x128xf32, #tpu.memory_space<vmem_shared>>)
    %dma_wait3A_471 = arith.constant 0 : i32
    %dma_wait3A_472 = arith.constant 0 : i32
    %dma_wait3A_473 = arith.constant 0 : i32
    %dma_wait3A_474 = tpu.memref_slice %arg8[%dma_wait3A_471, %dma_wait3A_472, %dma_wait3A_473] : memref<2x2x50xi32, #tpu.memory_space<vmem>> -> memref<1x2x50xi32, #tpu.memory_space<vmem>>
    %dma_wait3A_475 = tpu.memref_squeeze %dma_wait3A_474 : memref<1x2x50xi32, #tpu.memory_space<vmem>> -> memref<2x50xi32, #tpu.memory_space<vmem>>
    %dma_wait3A_476 = arith.constant 0 : i32
    %dma_wait3A_477 = arith.constant 0 : i32
    %dma_wait3A_478 = tpu.memref_slice %arg3[%multiple_of3A_5, %dma_wait3A_476, %dma_wait3A_477] : memref<6400x2x50xi32, #tpu.memory_space<hbm>> -> memref<1x2x50xi32, #tpu.memory_space<hbm>>
    %dma_wait3A_479 = tpu.memref_squeeze %dma_wait3A_478 : memref<1x2x50xi32, #tpu.memory_space<hbm>> -> memref<2x50xi32, #tpu.memory_space<hbm>>
    %dma_wait3A_480 = arith.constant 0 : i32
    %dma_wait3A_481 = arith.constant 0 : i32
    %dma_wait3A_482 = tpu.memref_slice %arg8[%dma_wait3A_471, %dma_wait3A_480, %dma_wait3A_481] : memref<2x2x50xi32, #tpu.memory_space<vmem>> -> memref<1x2x50xi32, #tpu.memory_space<vmem>>
    %dma_wait3A_483 = tpu.memref_squeeze %dma_wait3A_482 : memref<1x2x50xi32, #tpu.memory_space<vmem>> -> memref<2x50xi32, #tpu.memory_space<vmem>>
    %dma_wait3A_484 = arith.constant 0 : i32
    %dma_wait3A_485 = arith.constant 0 : i32
    %dma_wait3A_486 = tpu.memref_slice %arg3[%multiple_of3A_5, %dma_wait3A_484, %dma_wait3A_485] : memref<6400x2x50xi32, #tpu.memory_space<hbm>> -> memref<1x2x50xi32, #tpu.memory_space<hbm>>
    %dma_wait3A_487 = tpu.memref_squeeze %dma_wait3A_486 : memref<1x2x50xi32, #tpu.memory_space<hbm>> -> memref<2x50xi32, #tpu.memory_space<hbm>>
    tpu.wait_dma2 semaphore(%arg19 : memref<!tpu.dma_semaphore, #tpu.memory_space<semaphore_mem>>) src(%dma_wait3A_487 : memref<2x50xi32, #tpu.memory_space<hbm>>) dst(%dma_wait3A_483 : memref<2x50xi32, #tpu.memory_space<vmem>>)
    %dma_wait3A_488 = arith.constant 0 : i32
    %dma_wait3A_489 = arith.constant 1 : i32
    %dma_wait3A_490 = arith.constant 0 : i32
    %dma_wait3A_491 = tpu.memref_slice %arg9[%dma_wait3A_488, %dma_wait3A_489, %dma_wait3A_490] : memref<2x2x50xi32, #tpu.memory_space<vmem>> -> memref<1x1x50xi32, #tpu.memory_space<vmem>>
    %dma_wait3A_492 = tpu.memref_squeeze %dma_wait3A_491 : memref<1x1x50xi32, #tpu.memory_space<vmem>> -> memref<50xi32, #tpu.memory_space<vmem>>
    %dma_wait3A_493 = arith.constant 0 : i32
    %dma_wait3A_494 = arith.constant 0 : i32
    %dma_wait3A_495 = tpu.memref_slice %arg16[%dma_wait3A_493, %dma_wait3A_494] : memref<10240x128xf32, #tpu.memory_space<vmem_shared>> -> memref<10240x128xf32, #tpu.memory_space<vmem_shared>>
    tpu.wait_indirect_dma semaphore(%arg30 : memref<!tpu.dma_semaphore, #tpu.memory_space<semaphore_mem>>) src(%arg14 : memref<50x128xf32, #tpu.memory_space<vmem>>) dst(%dma_wait3A_495 : memref<10240x128xf32, #tpu.memory_space<vmem_shared>>)
    %dma_wait3A_496 = arith.constant 0 : i32
    %dma_wait3A_497 = arith.constant 0 : i32
    %dma_wait3A_498 = arith.constant 0 : i32
    %dma_wait3A_499 = tpu.memref_slice %arg9[%dma_wait3A_496, %dma_wait3A_497, %dma_wait3A_498] : memref<2x2x50xi32, #tpu.memory_space<vmem>> -> memref<1x2x50xi32, #tpu.memory_space<vmem>>
    %dma_wait3A_500 = tpu.memref_squeeze %dma_wait3A_499 : memref<1x2x50xi32, #tpu.memory_space<vmem>> -> memref<2x50xi32, #tpu.memory_space<vmem>>
    %dma_wait3A_501 = arith.constant 0 : i32
    %dma_wait3A_502 = arith.constant 0 : i32
    %dma_wait3A_503 = tpu.memref_slice %arg3[%multiple_of3A_5, %dma_wait3A_501, %dma_wait3A_502] : memref<6400x2x50xi32, #tpu.memory_space<hbm>> -> memref<1x2x50xi32, #tpu.memory_space<hbm>>
    %dma_wait3A_504 = tpu.memref_squeeze %dma_wait3A_503 : memref<1x2x50xi32, #tpu.memory_space<hbm>> -> memref<2x50xi32, #tpu.memory_space<hbm>>
    %dma_wait3A_505 = arith.constant 0 : i32
    %dma_wait3A_506 = arith.constant 0 : i32
    %dma_wait3A_507 = tpu.memref_slice %arg9[%dma_wait3A_496, %dma_wait3A_505, %dma_wait3A_506] : memref<2x2x50xi32, #tpu.memory_space<vmem>> -> memref<1x2x50xi32, #tpu.memory_space<vmem>>
    %dma_wait3A_508 = tpu.memref_squeeze %dma_wait3A_507 : memref<1x2x50xi32, #tpu.memory_space<vmem>> -> memref<2x50xi32, #tpu.memory_space<vmem>>
    %dma_wait3A_509 = arith.constant 0 : i32
    %dma_wait3A_510 = arith.constant 0 : i32
    %dma_wait3A_511 = tpu.memref_slice %arg3[%multiple_of3A_5, %dma_wait3A_509, %dma_wait3A_510] : memref<6400x2x50xi32, #tpu.memory_space<hbm>> -> memref<1x2x50xi32, #tpu.memory_space<hbm>>
    %dma_wait3A_512 = tpu.memref_squeeze %dma_wait3A_511 : memref<1x2x50xi32, #tpu.memory_space<hbm>> -> memref<2x50xi32, #tpu.memory_space<hbm>>
    tpu.wait_dma2 semaphore(%arg20 : memref<!tpu.dma_semaphore, #tpu.memory_space<semaphore_mem>>) src(%dma_wait3A_512 : memref<2x50xi32, #tpu.memory_space<hbm>>) dst(%dma_wait3A_508 : memref<2x50xi32, #tpu.memory_space<vmem>>)
    %dma_wait3A_513 = arith.constant 0 : i32
    %dma_wait3A_514 = arith.constant 1 : i32
    %dma_wait3A_515 = arith.constant 0 : i32
    %dma_wait3A_516 = tpu.memref_slice %arg10[%dma_wait3A_513, %dma_wait3A_514, %dma_wait3A_515] : memref<2x2x50xi32, #tpu.memory_space<vmem>> -> memref<1x1x50xi32, #tpu.memory_space<vmem>>
    %dma_wait3A_517 = tpu.memref_squeeze %dma_wait3A_516 : memref<1x1x50xi32, #tpu.memory_space<vmem>> -> memref<50xi32, #tpu.memory_space<vmem>>
    %dma_wait3A_518 = arith.constant 0 : i32
    %dma_wait3A_519 = arith.constant 0 : i32
    %dma_wait3A_520 = tpu.memref_slice %arg16[%dma_wait3A_518, %dma_wait3A_519] : memref<10240x128xf32, #tpu.memory_space<vmem_shared>> -> memref<10240x128xf32, #tpu.memory_space<vmem_shared>>
    tpu.wait_indirect_dma semaphore(%arg31 : memref<!tpu.dma_semaphore, #tpu.memory_space<semaphore_mem>>) src(%arg15 : memref<50x128xf32, #tpu.memory_space<vmem>>) dst(%dma_wait3A_520 : memref<10240x128xf32, #tpu.memory_space<vmem_shared>>)
    %dma_wait3A_521 = arith.constant 0 : i32
    %dma_wait3A_522 = arith.constant 0 : i32
    %dma_wait3A_523 = arith.constant 0 : i32
    %dma_wait3A_524 = tpu.memref_slice %arg10[%dma_wait3A_521, %dma_wait3A_522, %dma_wait3A_523] : memref<2x2x50xi32, #tpu.memory_space<vmem>> -> memref<1x2x50xi32, #tpu.memory_space<vmem>>
    %dma_wait3A_525 = tpu.memref_squeeze %dma_wait3A_524 : memref<1x2x50xi32, #tpu.memory_space<vmem>> -> memref<2x50xi32, #tpu.memory_space<vmem>>
    %dma_wait3A_526 = arith.constant 0 : i32
    %dma_wait3A_527 = arith.constant 0 : i32
    %dma_wait3A_528 = tpu.memref_slice %arg3[%multiple_of3A_5, %dma_wait3A_526, %dma_wait3A_527] : memref<6400x2x50xi32, #tpu.memory_space<hbm>> -> memref<1x2x50xi32, #tpu.memory_space<hbm>>
    %dma_wait3A_529 = tpu.memref_squeeze %dma_wait3A_528 : memref<1x2x50xi32, #tpu.memory_space<hbm>> -> memref<2x50xi32, #tpu.memory_space<hbm>>
    %dma_wait3A_530 = arith.constant 0 : i32
    %dma_wait3A_531 = arith.constant 0 : i32
    %dma_wait3A_532 = tpu.memref_slice %arg10[%dma_wait3A_521, %dma_wait3A_530, %dma_wait3A_531] : memref<2x2x50xi32, #tpu.memory_space<vmem>> -> memref<1x2x50xi32, #tpu.memory_space<vmem>>
    %dma_wait3A_533 = tpu.memref_squeeze %dma_wait3A_532 : memref<1x2x50xi32, #tpu.memory_space<vmem>> -> memref<2x50xi32, #tpu.memory_space<vmem>>
    %dma_wait3A_534 = arith.constant 0 : i32
    %dma_wait3A_535 = arith.constant 0 : i32
    %dma_wait3A_536 = tpu.memref_slice %arg3[%multiple_of3A_5, %dma_wait3A_534, %dma_wait3A_535] : memref<6400x2x50xi32, #tpu.memory_space<hbm>> -> memref<1x2x50xi32, #tpu.memory_space<hbm>>
    %dma_wait3A_537 = tpu.memref_squeeze %dma_wait3A_536 : memref<1x2x50xi32, #tpu.memory_space<hbm>> -> memref<2x50xi32, #tpu.memory_space<hbm>>
    tpu.wait_dma2 semaphore(%arg21 : memref<!tpu.dma_semaphore, #tpu.memory_space<semaphore_mem>>) src(%dma_wait3A_537 : memref<2x50xi32, #tpu.memory_space<hbm>>) dst(%dma_wait3A_533 : memref<2x50xi32, #tpu.memory_space<vmem>>)
    %barrier3A_538 = arith.constant 0 : index
    tpu.barrier barrier_id(%barrier3A_538)
    %mul3A_539 = arith.constant 10240 : i32
    %mul3A_540 = arith.muli %arg0, %mul3A_539 : i32
    %mul3A_541 = arith.constant 640 : i32
    %mul3A_542 = arith.muli %arg1, %mul3A_541 : i32
    %add3A_543 = arith.addi %mul3A_540, %mul3A_542 : i32
    %multiple_of3A_544 = tpu.assume_multiple %add3A_543, 8 : i32
    "tpu.region"() ({
      %run_scoped3A = tpu.sem_alloc : memref<!tpu.dma_semaphore, #tpu.memory_space<semaphore_mem>>
      %dma_start3A_545 = arith.constant 0 : i32
      %dma_start3A_546 = tpu.memref_slice %arg5[%multiple_of3A_544, %dma_start3A_545] : memref<20480x128xf32, #tpu.memory_space<hbm>> -> memref<640x128xf32, #tpu.memory_space<hbm>>
      %dma_start3A_547 = arith.constant 0 : i32
      %dma_start3A_548 = tpu.memref_slice %arg16[%multiple_of3A, %dma_start3A_547] : memref<10240x128xf32, #tpu.memory_space<vmem_shared>> -> memref<640x128xf32, #tpu.memory_space<vmem_shared>>
      tpu.enqueue_dma source(%dma_start3A_548 : memref<640x128xf32, #tpu.memory_space<vmem_shared>>) target(%dma_start3A_546 : memref<640x128xf32, #tpu.memory_space<hbm>>) target_semaphore(%run_scoped3A : memref<!tpu.dma_semaphore, #tpu.memory_space<semaphore_mem>>)
      %dma_wait3A_549 = arith.constant 0 : i32
      %dma_wait3A_550 = tpu.memref_slice %arg5[%multiple_of3A_544, %dma_wait3A_549] : memref<20480x128xf32, #tpu.memory_space<hbm>> -> memref<640x128xf32, #tpu.memory_space<hbm>>
      %dma_wait3A_551 = arith.constant 0 : i32
      %dma_wait3A_552 = tpu.memref_slice %arg16[%multiple_of3A, %dma_wait3A_551] : memref<10240x128xf32, #tpu.memory_space<vmem_shared>> -> memref<640x128xf32, #tpu.memory_space<vmem_shared>>
      tpu.wait_dma2 semaphore(%run_scoped3A : memref<!tpu.dma_semaphore, #tpu.memory_space<semaphore_mem>>) src(%dma_wait3A_552 : memref<640x128xf32, #tpu.memory_space<vmem_shared>>) dst(%dma_wait3A_550 : memref<640x128xf32, #tpu.memory_space<hbm>>)
      tpu.yield
    }) : () -> ()
    return
  }
}

#map = affine_map<(d0, d1) -> (0, 0)>
module attributes {stable_mosaic.version = 14 : i64} {
  func.func @_deg(%arg0: i32, %arg1: i32, %arg2: memref<2560x125xi32, #tpu.memory_space<hbm>>, %arg3: memref<640x128xf32, #tpu.memory_space<hbm>>, %arg4: memref<125x128xf32, #tpu.memory_space<hbm>>, %arg5: memref<20480x128xf32, #tpu.memory_space<hbm>>, %arg6: memref<80x125xi32, #tpu.memory_space<vmem>>, %arg7: memref<125x128xf32, #tpu.memory_space<vmem>>, %arg8: memref<10240x128xf32, #tpu.memory_space<vmem_shared>>, %arg9: memref<!tpu.dma_semaphore, #tpu.memory_space<semaphore_mem>>, %arg10: memref<!tpu.dma_semaphore, #tpu.memory_space<semaphore_mem>>, %arg11: memref<!tpu.dma_semaphore, #tpu.memory_space<semaphore_mem>>, %arg12: memref<!tpu.dma_semaphore, #tpu.memory_space<semaphore_mem>>) attributes {dimension_semantics = [#tpu.dimension_semantics<core_parallel>, #tpu.dimension_semantics<subcore_parallel>], iteration_bounds = array<i64: 2, 16>, scalar_prefetch = 0 : i64, scratch_operands = 7 : i64, tpu.core_type = #tpu.core_type<sc_vector_subcore>, window_params = [{transform_indices = #map}, {transform_indices = #map}, {transform_indices = #map}, {transform_indices = #map}]} {
    %mul3A = arith.constant 2 : i32
    %mul3A_0 = arith.muli %arg1, %mul3A : i32
    %add3A = arith.addi %mul3A_0, %arg0 : i32
    %mul3A_1 = arith.constant 640 : i32
    %mul3A_2 = arith.muli %arg1, %mul3A_1 : i32
    %multiple_of3A = tpu.assume_multiple %mul3A_2, 8 : i32
    %mul3A_3 = arith.constant 80 : i32
    %mul3A_4 = arith.muli %add3A, %mul3A_3 : i32
    %multiple_of3A_5 = tpu.assume_multiple %mul3A_4, 8 : i32
    "tpu.region"() ({
      %run_scoped3A = tpu.sem_alloc : memref<!tpu.dma_semaphore, #tpu.memory_space<semaphore_mem>>
      %dma_start3A_72 = arith.constant 0 : i32
      %dma_start3A_73 = tpu.memref_slice %arg8[%multiple_of3A, %dma_start3A_72] : memref<10240x128xf32, #tpu.memory_space<vmem_shared>> -> memref<640x128xf32, #tpu.memory_space<vmem_shared>>
      tpu.enqueue_dma source(%arg3 : memref<640x128xf32, #tpu.memory_space<hbm>>) target(%dma_start3A_73 : memref<640x128xf32, #tpu.memory_space<vmem_shared>>) target_semaphore(%run_scoped3A : memref<!tpu.dma_semaphore, #tpu.memory_space<semaphore_mem>>)
      %dma_wait3A_74 = arith.constant 0 : i32
      %dma_wait3A_75 = tpu.memref_slice %arg8[%multiple_of3A, %dma_wait3A_74] : memref<10240x128xf32, #tpu.memory_space<vmem_shared>> -> memref<640x128xf32, #tpu.memory_space<vmem_shared>>
      tpu.wait_dma2 semaphore(%run_scoped3A : memref<!tpu.dma_semaphore, #tpu.memory_space<semaphore_mem>>) src(%arg3 : memref<640x128xf32, #tpu.memory_space<hbm>>) dst(%dma_wait3A_75 : memref<640x128xf32, #tpu.memory_space<vmem_shared>>)
      tpu.yield
    }) : () -> ()
    "tpu.region"() ({
      %run_scoped3A = tpu.sem_alloc : memref<!tpu.dma_semaphore, #tpu.memory_space<semaphore_mem>>
      tpu.enqueue_dma source(%arg4 : memref<125x128xf32, #tpu.memory_space<hbm>>) target(%arg7 : memref<125x128xf32, #tpu.memory_space<vmem>>) target_semaphore(%run_scoped3A : memref<!tpu.dma_semaphore, #tpu.memory_space<semaphore_mem>>)
      tpu.wait_dma2 semaphore(%run_scoped3A : memref<!tpu.dma_semaphore, #tpu.memory_space<semaphore_mem>>) src(%arg4 : memref<125x128xf32, #tpu.memory_space<hbm>>) dst(%arg7 : memref<125x128xf32, #tpu.memory_space<vmem>>)
      tpu.yield
    }) : () -> ()
    "tpu.region"() ({
      %run_scoped3A = tpu.sem_alloc : memref<!tpu.dma_semaphore, #tpu.memory_space<semaphore_mem>>
      %dma_start3A_72 = arith.constant 0 : i32
      %dma_start3A_73 = tpu.memref_slice %arg2[%multiple_of3A_5, %dma_start3A_72] : memref<2560x125xi32, #tpu.memory_space<hbm>> -> memref<80x125xi32, #tpu.memory_space<hbm>>
      %dma_start3A_74 = arith.constant 0 : i32
      %dma_start3A_75 = tpu.memref_slice %arg2[%multiple_of3A_5, %dma_start3A_74] : memref<2560x125xi32, #tpu.memory_space<hbm>> -> memref<80x125xi32, #tpu.memory_space<hbm>>
      tpu.enqueue_dma source(%dma_start3A_75 : memref<80x125xi32, #tpu.memory_space<hbm>>) target(%arg6 : memref<80x125xi32, #tpu.memory_space<vmem>>) target_semaphore(%run_scoped3A : memref<!tpu.dma_semaphore, #tpu.memory_space<semaphore_mem>>)
      %dma_wait3A_76 = arith.constant 0 : i32
      %dma_wait3A_77 = tpu.memref_slice %arg2[%multiple_of3A_5, %dma_wait3A_76] : memref<2560x125xi32, #tpu.memory_space<hbm>> -> memref<80x125xi32, #tpu.memory_space<hbm>>
      %dma_wait3A_78 = arith.constant 0 : i32
      %dma_wait3A_79 = tpu.memref_slice %arg2[%multiple_of3A_5, %dma_wait3A_78] : memref<2560x125xi32, #tpu.memory_space<hbm>> -> memref<80x125xi32, #tpu.memory_space<hbm>>
      tpu.wait_dma2 semaphore(%run_scoped3A : memref<!tpu.dma_semaphore, #tpu.memory_space<semaphore_mem>>) src(%dma_wait3A_79 : memref<80x125xi32, #tpu.memory_space<hbm>>) dst(%arg6 : memref<80x125xi32, #tpu.memory_space<vmem>>)
      tpu.yield
    }) : () -> ()
    %barrier3A = arith.constant 0 : index
    tpu.barrier barrier_id(%barrier3A)
    %dma_start3A = arith.constant 0 : i32
    %dma_start3A_6 = arith.constant 0 : i32
    %dma_start3A_7 = tpu.memref_slice %arg6[%dma_start3A, %dma_start3A_6] : memref<80x125xi32, #tpu.memory_space<vmem>> -> memref<1x125xi32, #tpu.memory_space<vmem>>
    %dma_start3A_8 = tpu.memref_squeeze %dma_start3A_7 : memref<1x125xi32, #tpu.memory_space<vmem>> -> memref<125xi32, #tpu.memory_space<vmem>>
    %dma_start3A_9 = arith.constant 0 : i32
    %dma_start3A_10 = arith.constant 0 : i32
    %dma_start3A_11 = tpu.memref_slice %arg8[%dma_start3A_9, %dma_start3A_10] : memref<10240x128xf32, #tpu.memory_space<vmem_shared>> -> memref<10240x128xf32, #tpu.memory_space<vmem_shared>>
    tpu.enqueue_indirect_dma source(%arg7 : memref<125x128xf32, #tpu.memory_space<vmem>>) target(%dma_start3A_11 : memref<10240x128xf32, #tpu.memory_space<vmem_shared>>) offsets(%dma_start3A_8 : memref<125xi32, #tpu.memory_space<vmem>>) semaphore(%arg9 : memref<!tpu.dma_semaphore, #tpu.memory_space<semaphore_mem>>) {add = true}
    %dma_start3A_12 = arith.constant 1 : i32
    %dma_start3A_13 = arith.constant 0 : i32
    %dma_start3A_14 = tpu.memref_slice %arg6[%dma_start3A_12, %dma_start3A_13] : memref<80x125xi32, #tpu.memory_space<vmem>> -> memref<1x125xi32, #tpu.memory_space<vmem>>
    %dma_start3A_15 = tpu.memref_squeeze %dma_start3A_14 : memref<1x125xi32, #tpu.memory_space<vmem>> -> memref<125xi32, #tpu.memory_space<vmem>>
    %dma_start3A_16 = arith.constant 0 : i32
    %dma_start3A_17 = arith.constant 0 : i32
    %dma_start3A_18 = tpu.memref_slice %arg8[%dma_start3A_16, %dma_start3A_17] : memref<10240x128xf32, #tpu.memory_space<vmem_shared>> -> memref<10240x128xf32, #tpu.memory_space<vmem_shared>>
    tpu.enqueue_indirect_dma source(%arg7 : memref<125x128xf32, #tpu.memory_space<vmem>>) target(%dma_start3A_18 : memref<10240x128xf32, #tpu.memory_space<vmem_shared>>) offsets(%dma_start3A_15 : memref<125xi32, #tpu.memory_space<vmem>>) semaphore(%arg10 : memref<!tpu.dma_semaphore, #tpu.memory_space<semaphore_mem>>) {add = true}
    %dma_start3A_19 = arith.constant 2 : i32
    %dma_start3A_20 = arith.constant 0 : i32
    %dma_start3A_21 = tpu.memref_slice %arg6[%dma_start3A_19, %dma_start3A_20] : memref<80x125xi32, #tpu.memory_space<vmem>> -> memref<1x125xi32, #tpu.memory_space<vmem>>
    %dma_start3A_22 = tpu.memref_squeeze %dma_start3A_21 : memref<1x125xi32, #tpu.memory_space<vmem>> -> memref<125xi32, #tpu.memory_space<vmem>>
    %dma_start3A_23 = arith.constant 0 : i32
    %dma_start3A_24 = arith.constant 0 : i32
    %dma_start3A_25 = tpu.memref_slice %arg8[%dma_start3A_23, %dma_start3A_24] : memref<10240x128xf32, #tpu.memory_space<vmem_shared>> -> memref<10240x128xf32, #tpu.memory_space<vmem_shared>>
    tpu.enqueue_indirect_dma source(%arg7 : memref<125x128xf32, #tpu.memory_space<vmem>>) target(%dma_start3A_25 : memref<10240x128xf32, #tpu.memory_space<vmem_shared>>) offsets(%dma_start3A_22 : memref<125xi32, #tpu.memory_space<vmem>>) semaphore(%arg11 : memref<!tpu.dma_semaphore, #tpu.memory_space<semaphore_mem>>) {add = true}
    %dma_start3A_26 = arith.constant 3 : i32
    %dma_start3A_27 = arith.constant 0 : i32
    %dma_start3A_28 = tpu.memref_slice %arg6[%dma_start3A_26, %dma_start3A_27] : memref<80x125xi32, #tpu.memory_space<vmem>> -> memref<1x125xi32, #tpu.memory_space<vmem>>
    %dma_start3A_29 = tpu.memref_squeeze %dma_start3A_28 : memref<1x125xi32, #tpu.memory_space<vmem>> -> memref<125xi32, #tpu.memory_space<vmem>>
    %dma_start3A_30 = arith.constant 0 : i32
    %dma_start3A_31 = arith.constant 0 : i32
    %dma_start3A_32 = tpu.memref_slice %arg8[%dma_start3A_30, %dma_start3A_31] : memref<10240x128xf32, #tpu.memory_space<vmem_shared>> -> memref<10240x128xf32, #tpu.memory_space<vmem_shared>>
    tpu.enqueue_indirect_dma source(%arg7 : memref<125x128xf32, #tpu.memory_space<vmem>>) target(%dma_start3A_32 : memref<10240x128xf32, #tpu.memory_space<vmem_shared>>) offsets(%dma_start3A_29 : memref<125xi32, #tpu.memory_space<vmem>>) semaphore(%arg12 : memref<!tpu.dma_semaphore, #tpu.memory_space<semaphore_mem>>) {add = true}
    %scan3A = arith.constant 0 : i32
    %scan3A_33 = arith.constant 0 : i32
    %scan3A_34 = arith.constant 19 : i32
    %scan3A_35 = arith.addi %scan3A_33, %scan3A_34 : i32
    %scan3A_36 = arith.constant 1 : i32
    scf.for %scan3A_72 = %scan3A_33 to %scan3A_35 step %scan3A_36  : i32 {
      %add3A_73 = arith.constant 1 : i32
      %add3A_74 = arith.addi %scan3A_72, %add3A_73 : i32
      %mul3A_75 = arith.constant 4 : i32
      %mul3A_76 = arith.muli %add3A_74, %mul3A_75 : i32
      %dma_wait3A_77 = arith.constant 0 : i32
      %dma_wait3A_78 = arith.constant 0 : i32
      %dma_wait3A_79 = tpu.memref_slice %arg6[%dma_wait3A_77, %dma_wait3A_78] : memref<80x125xi32, #tpu.memory_space<vmem>> -> memref<1x125xi32, #tpu.memory_space<vmem>>
      %dma_wait3A_80 = tpu.memref_squeeze %dma_wait3A_79 : memref<1x125xi32, #tpu.memory_space<vmem>> -> memref<125xi32, #tpu.memory_space<vmem>>
      %dma_wait3A_81 = arith.constant 0 : i32
      %dma_wait3A_82 = arith.constant 0 : i32
      %dma_wait3A_83 = tpu.memref_slice %arg8[%dma_wait3A_81, %dma_wait3A_82] : memref<10240x128xf32, #tpu.memory_space<vmem_shared>> -> memref<10240x128xf32, #tpu.memory_space<vmem_shared>>
      tpu.wait_indirect_dma semaphore(%arg9 : memref<!tpu.dma_semaphore, #tpu.memory_space<semaphore_mem>>) src(%arg7 : memref<125x128xf32, #tpu.memory_space<vmem>>) dst(%dma_wait3A_83 : memref<10240x128xf32, #tpu.memory_space<vmem_shared>>)
      %add3A_84 = arith.constant 0 : i32
      %add3A_85 = arith.addi %mul3A_76, %add3A_84 : i32
      %dma_start3A_86 = arith.constant 0 : i32
      %dma_start3A_87 = tpu.memref_slice %arg6[%add3A_85, %dma_start3A_86] : memref<80x125xi32, #tpu.memory_space<vmem>> -> memref<1x125xi32, #tpu.memory_space<vmem>>
      %dma_start3A_88 = tpu.memref_squeeze %dma_start3A_87 : memref<1x125xi32, #tpu.memory_space<vmem>> -> memref<125xi32, #tpu.memory_space<vmem>>
      %dma_start3A_89 = arith.constant 0 : i32
      %dma_start3A_90 = arith.constant 0 : i32
      %dma_start3A_91 = tpu.memref_slice %arg8[%dma_start3A_89, %dma_start3A_90] : memref<10240x128xf32, #tpu.memory_space<vmem_shared>> -> memref<10240x128xf32, #tpu.memory_space<vmem_shared>>
      tpu.enqueue_indirect_dma source(%arg7 : memref<125x128xf32, #tpu.memory_space<vmem>>) target(%dma_start3A_91 : memref<10240x128xf32, #tpu.memory_space<vmem_shared>>) offsets(%dma_start3A_88 : memref<125xi32, #tpu.memory_space<vmem>>) semaphore(%arg9 : memref<!tpu.dma_semaphore, #tpu.memory_space<semaphore_mem>>) {add = true}
      %dma_wait3A_92 = arith.constant 0 : i32
      %dma_wait3A_93 = arith.constant 0 : i32
      %dma_wait3A_94 = tpu.memref_slice %arg6[%dma_wait3A_92, %dma_wait3A_93] : memref<80x125xi32, #tpu.memory_space<vmem>> -> memref<1x125xi32, #tpu.memory_space<vmem>>
      %dma_wait3A_95 = tpu.memref_squeeze %dma_wait3A_94 : memref<1x125xi32, #tpu.memory_space<vmem>> -> memref<125xi32, #tpu.memory_space<vmem>>
      %dma_wait3A_96 = arith.constant 0 : i32
      %dma_wait3A_97 = arith.constant 0 : i32
      %dma_wait3A_98 = tpu.memref_slice %arg8[%dma_wait3A_96, %dma_wait3A_97] : memref<10240x128xf32, #tpu.memory_space<vmem_shared>> -> memref<10240x128xf32, #tpu.memory_space<vmem_shared>>
      tpu.wait_indirect_dma semaphore(%arg10 : memref<!tpu.dma_semaphore, #tpu.memory_space<semaphore_mem>>) src(%arg7 : memref<125x128xf32, #tpu.memory_space<vmem>>) dst(%dma_wait3A_98 : memref<10240x128xf32, #tpu.memory_space<vmem_shared>>)
      %add3A_99 = arith.constant 1 : i32
      %add3A_100 = arith.addi %mul3A_76, %add3A_99 : i32
      %dma_start3A_101 = arith.constant 0 : i32
      %dma_start3A_102 = tpu.memref_slice %arg6[%add3A_100, %dma_start3A_101] : memref<80x125xi32, #tpu.memory_space<vmem>> -> memref<1x125xi32, #tpu.memory_space<vmem>>
      %dma_start3A_103 = tpu.memref_squeeze %dma_start3A_102 : memref<1x125xi32, #tpu.memory_space<vmem>> -> memref<125xi32, #tpu.memory_space<vmem>>
      %dma_start3A_104 = arith.constant 0 : i32
      %dma_start3A_105 = arith.constant 0 : i32
      %dma_start3A_106 = tpu.memref_slice %arg8[%dma_start3A_104, %dma_start3A_105] : memref<10240x128xf32, #tpu.memory_space<vmem_shared>> -> memref<10240x128xf32, #tpu.memory_space<vmem_shared>>
      tpu.enqueue_indirect_dma source(%arg7 : memref<125x128xf32, #tpu.memory_space<vmem>>) target(%dma_start3A_106 : memref<10240x128xf32, #tpu.memory_space<vmem_shared>>) offsets(%dma_start3A_103 : memref<125xi32, #tpu.memory_space<vmem>>) semaphore(%arg10 : memref<!tpu.dma_semaphore, #tpu.memory_space<semaphore_mem>>) {add = true}
      %dma_wait3A_107 = arith.constant 0 : i32
      %dma_wait3A_108 = arith.constant 0 : i32
      %dma_wait3A_109 = tpu.memref_slice %arg6[%dma_wait3A_107, %dma_wait3A_108] : memref<80x125xi32, #tpu.memory_space<vmem>> -> memref<1x125xi32, #tpu.memory_space<vmem>>
      %dma_wait3A_110 = tpu.memref_squeeze %dma_wait3A_109 : memref<1x125xi32, #tpu.memory_space<vmem>> -> memref<125xi32, #tpu.memory_space<vmem>>
      %dma_wait3A_111 = arith.constant 0 : i32
      %dma_wait3A_112 = arith.constant 0 : i32
      %dma_wait3A_113 = tpu.memref_slice %arg8[%dma_wait3A_111, %dma_wait3A_112] : memref<10240x128xf32, #tpu.memory_space<vmem_shared>> -> memref<10240x128xf32, #tpu.memory_space<vmem_shared>>
      tpu.wait_indirect_dma semaphore(%arg11 : memref<!tpu.dma_semaphore, #tpu.memory_space<semaphore_mem>>) src(%arg7 : memref<125x128xf32, #tpu.memory_space<vmem>>) dst(%dma_wait3A_113 : memref<10240x128xf32, #tpu.memory_space<vmem_shared>>)
      %add3A_114 = arith.constant 2 : i32
      %add3A_115 = arith.addi %mul3A_76, %add3A_114 : i32
      %dma_start3A_116 = arith.constant 0 : i32
      %dma_start3A_117 = tpu.memref_slice %arg6[%add3A_115, %dma_start3A_116] : memref<80x125xi32, #tpu.memory_space<vmem>> -> memref<1x125xi32, #tpu.memory_space<vmem>>
      %dma_start3A_118 = tpu.memref_squeeze %dma_start3A_117 : memref<1x125xi32, #tpu.memory_space<vmem>> -> memref<125xi32, #tpu.memory_space<vmem>>
      %dma_start3A_119 = arith.constant 0 : i32
      %dma_start3A_120 = arith.constant 0 : i32
      %dma_start3A_121 = tpu.memref_slice %arg8[%dma_start3A_119, %dma_start3A_120] : memref<10240x128xf32, #tpu.memory_space<vmem_shared>> -> memref<10240x128xf32, #tpu.memory_space<vmem_shared>>
      tpu.enqueue_indirect_dma source(%arg7 : memref<125x128xf32, #tpu.memory_space<vmem>>) target(%dma_start3A_121 : memref<10240x128xf32, #tpu.memory_space<vmem_shared>>) offsets(%dma_start3A_118 : memref<125xi32, #tpu.memory_space<vmem>>) semaphore(%arg11 : memref<!tpu.dma_semaphore, #tpu.memory_space<semaphore_mem>>) {add = true}
      %dma_wait3A_122 = arith.constant 0 : i32
      %dma_wait3A_123 = arith.constant 0 : i32
      %dma_wait3A_124 = tpu.memref_slice %arg6[%dma_wait3A_122, %dma_wait3A_123] : memref<80x125xi32, #tpu.memory_space<vmem>> -> memref<1x125xi32, #tpu.memory_space<vmem>>
      %dma_wait3A_125 = tpu.memref_squeeze %dma_wait3A_124 : memref<1x125xi32, #tpu.memory_space<vmem>> -> memref<125xi32, #tpu.memory_space<vmem>>
      %dma_wait3A_126 = arith.constant 0 : i32
      %dma_wait3A_127 = arith.constant 0 : i32
      %dma_wait3A_128 = tpu.memref_slice %arg8[%dma_wait3A_126, %dma_wait3A_127] : memref<10240x128xf32, #tpu.memory_space<vmem_shared>> -> memref<10240x128xf32, #tpu.memory_space<vmem_shared>>
      tpu.wait_indirect_dma semaphore(%arg12 : memref<!tpu.dma_semaphore, #tpu.memory_space<semaphore_mem>>) src(%arg7 : memref<125x128xf32, #tpu.memory_space<vmem>>) dst(%dma_wait3A_128 : memref<10240x128xf32, #tpu.memory_space<vmem_shared>>)
      %add3A_129 = arith.constant 3 : i32
      %add3A_130 = arith.addi %mul3A_76, %add3A_129 : i32
      %dma_start3A_131 = arith.constant 0 : i32
      %dma_start3A_132 = tpu.memref_slice %arg6[%add3A_130, %dma_start3A_131] : memref<80x125xi32, #tpu.memory_space<vmem>> -> memref<1x125xi32, #tpu.memory_space<vmem>>
      %dma_start3A_133 = tpu.memref_squeeze %dma_start3A_132 : memref<1x125xi32, #tpu.memory_space<vmem>> -> memref<125xi32, #tpu.memory_space<vmem>>
      %dma_start3A_134 = arith.constant 0 : i32
      %dma_start3A_135 = arith.constant 0 : i32
      %dma_start3A_136 = tpu.memref_slice %arg8[%dma_start3A_134, %dma_start3A_135] : memref<10240x128xf32, #tpu.memory_space<vmem_shared>> -> memref<10240x128xf32, #tpu.memory_space<vmem_shared>>
      tpu.enqueue_indirect_dma source(%arg7 : memref<125x128xf32, #tpu.memory_space<vmem>>) target(%dma_start3A_136 : memref<10240x128xf32, #tpu.memory_space<vmem_shared>>) offsets(%dma_start3A_133 : memref<125xi32, #tpu.memory_space<vmem>>) semaphore(%arg12 : memref<!tpu.dma_semaphore, #tpu.memory_space<semaphore_mem>>) {add = true}
    }
    %scan3A_37 = arith.constant 19 : i32
    %dma_wait3A = arith.constant 0 : i32
    %dma_wait3A_38 = arith.constant 0 : i32
    %dma_wait3A_39 = tpu.memref_slice %arg6[%dma_wait3A, %dma_wait3A_38] : memref<80x125xi32, #tpu.memory_space<vmem>> -> memref<1x125xi32, #tpu.memory_space<vmem>>
    %dma_wait3A_40 = tpu.memref_squeeze %dma_wait3A_39 : memref<1x125xi32, #tpu.memory_space<vmem>> -> memref<125xi32, #tpu.memory_space<vmem>>
    %dma_wait3A_41 = arith.constant 0 : i32
    %dma_wait3A_42 = arith.constant 0 : i32
    %dma_wait3A_43 = tpu.memref_slice %arg8[%dma_wait3A_41, %dma_wait3A_42] : memref<10240x128xf32, #tpu.memory_space<vmem_shared>> -> memref<10240x128xf32, #tpu.memory_space<vmem_shared>>
    tpu.wait_indirect_dma semaphore(%arg9 : memref<!tpu.dma_semaphore, #tpu.memory_space<semaphore_mem>>) src(%arg7 : memref<125x128xf32, #tpu.memory_space<vmem>>) dst(%dma_wait3A_43 : memref<10240x128xf32, #tpu.memory_space<vmem_shared>>)
    %dma_wait3A_44 = arith.constant 0 : i32
    %dma_wait3A_45 = arith.constant 0 : i32
    %dma_wait3A_46 = tpu.memref_slice %arg6[%dma_wait3A_44, %dma_wait3A_45] : memref<80x125xi32, #tpu.memory_space<vmem>> -> memref<1x125xi32, #tpu.memory_space<vmem>>
    %dma_wait3A_47 = tpu.memref_squeeze %dma_wait3A_46 : memref<1x125xi32, #tpu.memory_space<vmem>> -> memref<125xi32, #tpu.memory_space<vmem>>
    %dma_wait3A_48 = arith.constant 0 : i32
    %dma_wait3A_49 = arith.constant 0 : i32
    %dma_wait3A_50 = tpu.memref_slice %arg8[%dma_wait3A_48, %dma_wait3A_49] : memref<10240x128xf32, #tpu.memory_space<vmem_shared>> -> memref<10240x128xf32, #tpu.memory_space<vmem_shared>>
    tpu.wait_indirect_dma semaphore(%arg10 : memref<!tpu.dma_semaphore, #tpu.memory_space<semaphore_mem>>) src(%arg7 : memref<125x128xf32, #tpu.memory_space<vmem>>) dst(%dma_wait3A_50 : memref<10240x128xf32, #tpu.memory_space<vmem_shared>>)
    %dma_wait3A_51 = arith.constant 0 : i32
    %dma_wait3A_52 = arith.constant 0 : i32
    %dma_wait3A_53 = tpu.memref_slice %arg6[%dma_wait3A_51, %dma_wait3A_52] : memref<80x125xi32, #tpu.memory_space<vmem>> -> memref<1x125xi32, #tpu.memory_space<vmem>>
    %dma_wait3A_54 = tpu.memref_squeeze %dma_wait3A_53 : memref<1x125xi32, #tpu.memory_space<vmem>> -> memref<125xi32, #tpu.memory_space<vmem>>
    %dma_wait3A_55 = arith.constant 0 : i32
    %dma_wait3A_56 = arith.constant 0 : i32
    %dma_wait3A_57 = tpu.memref_slice %arg8[%dma_wait3A_55, %dma_wait3A_56] : memref<10240x128xf32, #tpu.memory_space<vmem_shared>> -> memref<10240x128xf32, #tpu.memory_space<vmem_shared>>
    tpu.wait_indirect_dma semaphore(%arg11 : memref<!tpu.dma_semaphore, #tpu.memory_space<semaphore_mem>>) src(%arg7 : memref<125x128xf32, #tpu.memory_space<vmem>>) dst(%dma_wait3A_57 : memref<10240x128xf32, #tpu.memory_space<vmem_shared>>)
    %dma_wait3A_58 = arith.constant 0 : i32
    %dma_wait3A_59 = arith.constant 0 : i32
    %dma_wait3A_60 = tpu.memref_slice %arg6[%dma_wait3A_58, %dma_wait3A_59] : memref<80x125xi32, #tpu.memory_space<vmem>> -> memref<1x125xi32, #tpu.memory_space<vmem>>
    %dma_wait3A_61 = tpu.memref_squeeze %dma_wait3A_60 : memref<1x125xi32, #tpu.memory_space<vmem>> -> memref<125xi32, #tpu.memory_space<vmem>>
    %dma_wait3A_62 = arith.constant 0 : i32
    %dma_wait3A_63 = arith.constant 0 : i32
    %dma_wait3A_64 = tpu.memref_slice %arg8[%dma_wait3A_62, %dma_wait3A_63] : memref<10240x128xf32, #tpu.memory_space<vmem_shared>> -> memref<10240x128xf32, #tpu.memory_space<vmem_shared>>
    tpu.wait_indirect_dma semaphore(%arg12 : memref<!tpu.dma_semaphore, #tpu.memory_space<semaphore_mem>>) src(%arg7 : memref<125x128xf32, #tpu.memory_space<vmem>>) dst(%dma_wait3A_64 : memref<10240x128xf32, #tpu.memory_space<vmem_shared>>)
    %barrier3A_65 = arith.constant 0 : index
    tpu.barrier barrier_id(%barrier3A_65)
    %mul3A_66 = arith.constant 10240 : i32
    %mul3A_67 = arith.muli %arg0, %mul3A_66 : i32
    %mul3A_68 = arith.constant 640 : i32
    %mul3A_69 = arith.muli %arg1, %mul3A_68 : i32
    %add3A_70 = arith.addi %mul3A_67, %mul3A_69 : i32
    %multiple_of3A_71 = tpu.assume_multiple %add3A_70, 8 : i32
    "tpu.region"() ({
      %run_scoped3A = tpu.sem_alloc : memref<!tpu.dma_semaphore, #tpu.memory_space<semaphore_mem>>
      %dma_start3A_72 = arith.constant 0 : i32
      %dma_start3A_73 = tpu.memref_slice %arg5[%multiple_of3A_71, %dma_start3A_72] : memref<20480x128xf32, #tpu.memory_space<hbm>> -> memref<640x128xf32, #tpu.memory_space<hbm>>
      %dma_start3A_74 = arith.constant 0 : i32
      %dma_start3A_75 = tpu.memref_slice %arg8[%multiple_of3A, %dma_start3A_74] : memref<10240x128xf32, #tpu.memory_space<vmem_shared>> -> memref<640x128xf32, #tpu.memory_space<vmem_shared>>
      tpu.enqueue_dma source(%dma_start3A_75 : memref<640x128xf32, #tpu.memory_space<vmem_shared>>) target(%dma_start3A_73 : memref<640x128xf32, #tpu.memory_space<hbm>>) target_semaphore(%run_scoped3A : memref<!tpu.dma_semaphore, #tpu.memory_space<semaphore_mem>>)
      %dma_wait3A_76 = arith.constant 0 : i32
      %dma_wait3A_77 = tpu.memref_slice %arg5[%multiple_of3A_71, %dma_wait3A_76] : memref<20480x128xf32, #tpu.memory_space<hbm>> -> memref<640x128xf32, #tpu.memory_space<hbm>>
      %dma_wait3A_78 = arith.constant 0 : i32
      %dma_wait3A_79 = tpu.memref_slice %arg8[%multiple_of3A, %dma_wait3A_78] : memref<10240x128xf32, #tpu.memory_space<vmem_shared>> -> memref<640x128xf32, #tpu.memory_space<vmem_shared>>
      tpu.wait_dma2 semaphore(%run_scoped3A : memref<!tpu.dma_semaphore, #tpu.memory_space<semaphore_mem>>) src(%dma_wait3A_79 : memref<640x128xf32, #tpu.memory_space<vmem_shared>>) dst(%dma_wait3A_77 : memref<640x128xf32, #tpu.memory_space<hbm>>)
      tpu.yield
    }) : () -> ()
    return
  }
}

#map = affine_map<(d0, d1) -> (0, 0)>
#map1 = affine_map<(d0, d1) -> (0, 0, 0)>
module attributes {stable_mosaic.version = 14 : i64} {
  func.func @_agg(%arg0: i32, %arg1: i32, %arg2: memref<10000x128xf32, #tpu.memory_space<hbm>>, %arg3: memref<6400x2x50xi32, #tpu.memory_space<hbm>>, %arg4: memref<640x128xf32, #tpu.memory_space<hbm>>, %arg5: memref<20480x128xf32, #tpu.memory_space<hbm>>, %arg6: memref<2x2x50xi32, #tpu.memory_space<vmem>>, %arg7: memref<2x2x50xi32, #tpu.memory_space<vmem>>, %arg8: memref<2x2x50xi32, #tpu.memory_space<vmem>>, %arg9: memref<2x2x50xi32, #tpu.memory_space<vmem>>, %arg10: memref<2x2x50xi32, #tpu.memory_space<vmem>>, %arg11: memref<50x128xf32, #tpu.memory_space<vmem>>, %arg12: memref<50x128xf32, #tpu.memory_space<vmem>>, %arg13: memref<50x128xf32, #tpu.memory_space<vmem>>, %arg14: memref<50x128xf32, #tpu.memory_space<vmem>>, %arg15: memref<50x128xf32, #tpu.memory_space<vmem>>, %arg16: memref<10240x128xf32, #tpu.memory_space<vmem_shared>>, %arg17: memref<!tpu.dma_semaphore, #tpu.memory_space<semaphore_mem>>, %arg18: memref<!tpu.dma_semaphore, #tpu.memory_space<semaphore_mem>>, %arg19: memref<!tpu.dma_semaphore, #tpu.memory_space<semaphore_mem>>, %arg20: memref<!tpu.dma_semaphore, #tpu.memory_space<semaphore_mem>>, %arg21: memref<!tpu.dma_semaphore, #tpu.memory_space<semaphore_mem>>, %arg22: memref<!tpu.dma_semaphore, #tpu.memory_space<semaphore_mem>>, %arg23: memref<!tpu.dma_semaphore, #tpu.memory_space<semaphore_mem>>, %arg24: memref<!tpu.dma_semaphore, #tpu.memory_space<semaphore_mem>>, %arg25: memref<!tpu.dma_semaphore, #tpu.memory_space<semaphore_mem>>, %arg26: memref<!tpu.dma_semaphore, #tpu.memory_space<semaphore_mem>>, %arg27: memref<!tpu.dma_semaphore, #tpu.memory_space<semaphore_mem>>, %arg28: memref<!tpu.dma_semaphore, #tpu.memory_space<semaphore_mem>>, %arg29: memref<!tpu.dma_semaphore, #tpu.memory_space<semaphore_mem>>, %arg30: memref<!tpu.dma_semaphore, #tpu.memory_space<semaphore_mem>>, %arg31: memref<!tpu.dma_semaphore, #tpu.memory_space<semaphore_mem>>) attributes {dimension_semantics = [#tpu.dimension_semantics<core_parallel>, #tpu.dimension_semantics<subcore_parallel>], iteration_bounds = array<i64: 2, 16>, scalar_prefetch = 0 : i64, scratch_operands = 26 : i64, tpu.core_type = #tpu.core_type<sc_vector_subcore>, window_params = [{transform_indices = #map}, {transform_indices = #map1}, {transform_indices = #map}, {transform_indices = #map}]} {
    %mul3A = arith.constant 2 : i32
    %mul3A_0 = arith.muli %arg1, %mul3A : i32
    %add3A = arith.addi %mul3A_0, %arg0 : i32
    %mul3A_1 = arith.constant 640 : i32
    %mul3A_2 = arith.muli %arg1, %mul3A_1 : i32
    %multiple_of3A = tpu.assume_multiple %mul3A_2, 8 : i32
    %mul3A_3 = arith.constant 200 : i32
    %mul3A_4 = arith.muli %add3A, %mul3A_3 : i32
    %multiple_of3A_5 = tpu.assume_multiple %mul3A_4, 8 : i32
    "tpu.region"() ({
      %run_scoped3A = tpu.sem_alloc : memref<!tpu.dma_semaphore, #tpu.memory_space<semaphore_mem>>
      %dma_start3A_545 = arith.constant 0 : i32
      %dma_start3A_546 = tpu.memref_slice %arg16[%multiple_of3A, %dma_start3A_545] : memref<10240x128xf32, #tpu.memory_space<vmem_shared>> -> memref<640x128xf32, #tpu.memory_space<vmem_shared>>
      tpu.enqueue_dma source(%arg4 : memref<640x128xf32, #tpu.memory_space<hbm>>) target(%dma_start3A_546 : memref<640x128xf32, #tpu.memory_space<vmem_shared>>) target_semaphore(%run_scoped3A : memref<!tpu.dma_semaphore, #tpu.memory_space<semaphore_mem>>)
      %dma_wait3A_547 = arith.constant 0 : i32
      %dma_wait3A_548 = tpu.memref_slice %arg16[%multiple_of3A, %dma_wait3A_547] : memref<10240x128xf32, #tpu.memory_space<vmem_shared>> -> memref<640x128xf32, #tpu.memory_space<vmem_shared>>
      tpu.wait_dma2 semaphore(%run_scoped3A : memref<!tpu.dma_semaphore, #tpu.memory_space<semaphore_mem>>) src(%arg4 : memref<640x128xf32, #tpu.memory_space<hbm>>) dst(%dma_wait3A_548 : memref<640x128xf32, #tpu.memory_space<vmem_shared>>)
      tpu.yield
    }) : () -> ()
    %barrier3A = arith.constant 0 : index
    tpu.barrier barrier_id(%barrier3A)
    %add3A_6 = arith.constant 0 : i32
    %add3A_7 = arith.addi %multiple_of3A_5, %add3A_6 : i32
    %dma_start3A = arith.constant 0 : i32
    %dma_start3A_8 = arith.constant 0 : i32
    %dma_start3A_9 = arith.constant 0 : i32
    %dma_start3A_10 = tpu.memref_slice %arg6[%dma_start3A, %dma_start3A_8, %dma_start3A_9] : memref<2x2x50xi32, #tpu.memory_space<vmem>> -> memref<1x2x50xi32, #tpu.memory_space<vmem>>
    %dma_start3A_11 = tpu.memref_squeeze %dma_start3A_10 : memref<1x2x50xi32, #tpu.memory_space<vmem>> -> memref<2x50xi32, #tpu.memory_space<vmem>>
    %dma_start3A_12 = arith.constant 0 : i32
    %dma_start3A_13 = arith.constant 0 : i32
    %dma_start3A_14 = tpu.memref_slice %arg3[%add3A_7, %dma_start3A_12, %dma_start3A_13] : memref<6400x2x50xi32, #tpu.memory_space<hbm>> -> memref<1x2x50xi32, #tpu.memory_space<hbm>>
    %dma_start3A_15 = tpu.memref_squeeze %dma_start3A_14 : memref<1x2x50xi32, #tpu.memory_space<hbm>> -> memref<2x50xi32, #tpu.memory_space<hbm>>
    %dma_start3A_16 = arith.constant 0 : i32
    %dma_start3A_17 = arith.constant 0 : i32
    %dma_start3A_18 = tpu.memref_slice %arg6[%dma_start3A, %dma_start3A_16, %dma_start3A_17] : memref<2x2x50xi32, #tpu.memory_space<vmem>> -> memref<1x2x50xi32, #tpu.memory_space<vmem>>
    %dma_start3A_19 = tpu.memref_squeeze %dma_start3A_18 : memref<1x2x50xi32, #tpu.memory_space<vmem>> -> memref<2x50xi32, #tpu.memory_space<vmem>>
    %dma_start3A_20 = arith.constant 0 : i32
    %dma_start3A_21 = arith.constant 0 : i32
    %dma_start3A_22 = tpu.memref_slice %arg3[%add3A_7, %dma_start3A_20, %dma_start3A_21] : memref<6400x2x50xi32, #tpu.memory_space<hbm>> -> memref<1x2x50xi32, #tpu.memory_space<hbm>>
    %dma_start3A_23 = tpu.memref_squeeze %dma_start3A_22 : memref<1x2x50xi32, #tpu.memory_space<hbm>> -> memref<2x50xi32, #tpu.memory_space<hbm>>
    tpu.enqueue_dma source(%dma_start3A_23 : memref<2x50xi32, #tpu.memory_space<hbm>>) target(%dma_start3A_19 : memref<2x50xi32, #tpu.memory_space<vmem>>) target_semaphore(%arg17 : memref<!tpu.dma_semaphore, #tpu.memory_space<semaphore_mem>>)
    %add3A_24 = arith.constant 1 : i32
    %add3A_25 = arith.addi %multiple_of3A_5, %add3A_24 : i32
    %dma_start3A_26 = arith.constant 0 : i32
    %dma_start3A_27 = arith.constant 0 : i32
    %dma_start3A_28 = arith.constant 0 : i32
    %dma_start3A_29 = tpu.memref_slice %arg7[%dma_start3A_26, %dma_start3A_27, %dma_start3A_28] : memref<2x2x50xi32, #tpu.memory_space<vmem>> -> memref<1x2x50xi32, #tpu.memory_space<vmem>>
    %dma_start3A_30 = tpu.memref_squeeze %dma_start3A_29 : memref<1x2x50xi32, #tpu.memory_space<vmem>> -> memref<2x50xi32, #tpu.memory_space<vmem>>
    %dma_start3A_31 = arith.constant 0 : i32
    %dma_start3A_32 = arith.constant 0 : i32
    %dma_start3A_33 = tpu.memref_slice %arg3[%add3A_25, %dma_start3A_31, %dma_start3A_32] : memref<6400x2x50xi32, #tpu.memory_space<hbm>> -> memref<1x2x50xi32, #tpu.memory_space<hbm>>
    %dma_start3A_34 = tpu.memref_squeeze %dma_start3A_33 : memref<1x2x50xi32, #tpu.memory_space<hbm>> -> memref<2x50xi32, #tpu.memory_space<hbm>>
    %dma_start3A_35 = arith.constant 0 : i32
    %dma_start3A_36 = arith.constant 0 : i32
    %dma_start3A_37 = tpu.memref_slice %arg7[%dma_start3A_26, %dma_start3A_35, %dma_start3A_36] : memref<2x2x50xi32, #tpu.memory_space<vmem>> -> memref<1x2x50xi32, #tpu.memory_space<vmem>>
    %dma_start3A_38 = tpu.memref_squeeze %dma_start3A_37 : memref<1x2x50xi32, #tpu.memory_space<vmem>> -> memref<2x50xi32, #tpu.memory_space<vmem>>
    %dma_start3A_39 = arith.constant 0 : i32
    %dma_start3A_40 = arith.constant 0 : i32
    %dma_start3A_41 = tpu.memref_slice %arg3[%add3A_25, %dma_start3A_39, %dma_start3A_40] : memref<6400x2x50xi32, #tpu.memory_space<hbm>> -> memref<1x2x50xi32, #tpu.memory_space<hbm>>
    %dma_start3A_42 = tpu.memref_squeeze %dma_start3A_41 : memref<1x2x50xi32, #tpu.memory_space<hbm>> -> memref<2x50xi32, #tpu.memory_space<hbm>>
    tpu.enqueue_dma source(%dma_start3A_42 : memref<2x50xi32, #tpu.memory_space<hbm>>) target(%dma_start3A_38 : memref<2x50xi32, #tpu.memory_space<vmem>>) target_semaphore(%arg18 : memref<!tpu.dma_semaphore, #tpu.memory_space<semaphore_mem>>)
    %add3A_43 = arith.constant 2 : i32
    %add3A_44 = arith.addi %multiple_of3A_5, %add3A_43 : i32
    %dma_start3A_45 = arith.constant 0 : i32
    %dma_start3A_46 = arith.constant 0 : i32
    %dma_start3A_47 = arith.constant 0 : i32
    %dma_start3A_48 = tpu.memref_slice %arg8[%dma_start3A_45, %dma_start3A_46, %dma_start3A_47] : memref<2x2x50xi32, #tpu.memory_space<vmem>> -> memref<1x2x50xi32, #tpu.memory_space<vmem>>
    %dma_start3A_49 = tpu.memref_squeeze %dma_start3A_48 : memref<1x2x50xi32, #tpu.memory_space<vmem>> -> memref<2x50xi32, #tpu.memory_space<vmem>>
    %dma_start3A_50 = arith.constant 0 : i32
    %dma_start3A_51 = arith.constant 0 : i32
    %dma_start3A_52 = tpu.memref_slice %arg3[%add3A_44, %dma_start3A_50, %dma_start3A_51] : memref<6400x2x50xi32, #tpu.memory_space<hbm>> -> memref<1x2x50xi32, #tpu.memory_space<hbm>>
    %dma_start3A_53 = tpu.memref_squeeze %dma_start3A_52 : memref<1x2x50xi32, #tpu.memory_space<hbm>> -> memref<2x50xi32, #tpu.memory_space<hbm>>
    %dma_start3A_54 = arith.constant 0 : i32
    %dma_start3A_55 = arith.constant 0 : i32
    %dma_start3A_56 = tpu.memref_slice %arg8[%dma_start3A_45, %dma_start3A_54, %dma_start3A_55] : memref<2x2x50xi32, #tpu.memory_space<vmem>> -> memref<1x2x50xi32, #tpu.memory_space<vmem>>
    %dma_start3A_57 = tpu.memref_squeeze %dma_start3A_56 : memref<1x2x50xi32, #tpu.memory_space<vmem>> -> memref<2x50xi32, #tpu.memory_space<vmem>>
    %dma_start3A_58 = arith.constant 0 : i32
    %dma_start3A_59 = arith.constant 0 : i32
    %dma_start3A_60 = tpu.memref_slice %arg3[%add3A_44, %dma_start3A_58, %dma_start3A_59] : memref<6400x2x50xi32, #tpu.memory_space<hbm>> -> memref<1x2x50xi32, #tpu.memory_space<hbm>>
    %dma_start3A_61 = tpu.memref_squeeze %dma_start3A_60 : memref<1x2x50xi32, #tpu.memory_space<hbm>> -> memref<2x50xi32, #tpu.memory_space<hbm>>
    tpu.enqueue_dma source(%dma_start3A_61 : memref<2x50xi32, #tpu.memory_space<hbm>>) target(%dma_start3A_57 : memref<2x50xi32, #tpu.memory_space<vmem>>) target_semaphore(%arg19 : memref<!tpu.dma_semaphore, #tpu.memory_space<semaphore_mem>>)
    %add3A_62 = arith.constant 3 : i32
    %add3A_63 = arith.addi %multiple_of3A_5, %add3A_62 : i32
    %dma_start3A_64 = arith.constant 0 : i32
    %dma_start3A_65 = arith.constant 0 : i32
    %dma_start3A_66 = arith.constant 0 : i32
    %dma_start3A_67 = tpu.memref_slice %arg9[%dma_start3A_64, %dma_start3A_65, %dma_start3A_66] : memref<2x2x50xi32, #tpu.memory_space<vmem>> -> memref<1x2x50xi32, #tpu.memory_space<vmem>>
    %dma_start3A_68 = tpu.memref_squeeze %dma_start3A_67 : memref<1x2x50xi32, #tpu.memory_space<vmem>> -> memref<2x50xi32, #tpu.memory_space<vmem>>
    %dma_start3A_69 = arith.constant 0 : i32
    %dma_start3A_70 = arith.constant 0 : i32
    %dma_start3A_71 = tpu.memref_slice %arg3[%add3A_63, %dma_start3A_69, %dma_start3A_70] : memref<6400x2x50xi32, #tpu.memory_space<hbm>> -> memref<1x2x50xi32, #tpu.memory_space<hbm>>
    %dma_start3A_72 = tpu.memref_squeeze %dma_start3A_71 : memref<1x2x50xi32, #tpu.memory_space<hbm>> -> memref<2x50xi32, #tpu.memory_space<hbm>>
    %dma_start3A_73 = arith.constant 0 : i32
    %dma_start3A_74 = arith.constant 0 : i32
    %dma_start3A_75 = tpu.memref_slice %arg9[%dma_start3A_64, %dma_start3A_73, %dma_start3A_74] : memref<2x2x50xi32, #tpu.memory_space<vmem>> -> memref<1x2x50xi32, #tpu.memory_space<vmem>>
    %dma_start3A_76 = tpu.memref_squeeze %dma_start3A_75 : memref<1x2x50xi32, #tpu.memory_space<vmem>> -> memref<2x50xi32, #tpu.memory_space<vmem>>
    %dma_start3A_77 = arith.constant 0 : i32
    %dma_start3A_78 = arith.constant 0 : i32
    %dma_start3A_79 = tpu.memref_slice %arg3[%add3A_63, %dma_start3A_77, %dma_start3A_78] : memref<6400x2x50xi32, #tpu.memory_space<hbm>> -> memref<1x2x50xi32, #tpu.memory_space<hbm>>
    %dma_start3A_80 = tpu.memref_squeeze %dma_start3A_79 : memref<1x2x50xi32, #tpu.memory_space<hbm>> -> memref<2x50xi32, #tpu.memory_space<hbm>>
    tpu.enqueue_dma source(%dma_start3A_80 : memref<2x50xi32, #tpu.memory_space<hbm>>) target(%dma_start3A_76 : memref<2x50xi32, #tpu.memory_space<vmem>>) target_semaphore(%arg20 : memref<!tpu.dma_semaphore, #tpu.memory_space<semaphore_mem>>)
    %add3A_81 = arith.constant 4 : i32
    %add3A_82 = arith.addi %multiple_of3A_5, %add3A_81 : i32
    %dma_start3A_83 = arith.constant 0 : i32
    %dma_start3A_84 = arith.constant 0 : i32
    %dma_start3A_85 = arith.constant 0 : i32
    %dma_start3A_86 = tpu.memref_slice %arg10[%dma_start3A_83, %dma_start3A_84, %dma_start3A_85] : memref<2x2x50xi32, #tpu.memory_space<vmem>> -> memref<1x2x50xi32, #tpu.memory_space<vmem>>
    %dma_start3A_87 = tpu.memref_squeeze %dma_start3A_86 : memref<1x2x50xi32, #tpu.memory_space<vmem>> -> memref<2x50xi32, #tpu.memory_space<vmem>>
    %dma_start3A_88 = arith.constant 0 : i32
    %dma_start3A_89 = arith.constant 0 : i32
    %dma_start3A_90 = tpu.memref_slice %arg3[%add3A_82, %dma_start3A_88, %dma_start3A_89] : memref<6400x2x50xi32, #tpu.memory_space<hbm>> -> memref<1x2x50xi32, #tpu.memory_space<hbm>>
    %dma_start3A_91 = tpu.memref_squeeze %dma_start3A_90 : memref<1x2x50xi32, #tpu.memory_space<hbm>> -> memref<2x50xi32, #tpu.memory_space<hbm>>
    %dma_start3A_92 = arith.constant 0 : i32
    %dma_start3A_93 = arith.constant 0 : i32
    %dma_start3A_94 = tpu.memref_slice %arg10[%dma_start3A_83, %dma_start3A_92, %dma_start3A_93] : memref<2x2x50xi32, #tpu.memory_space<vmem>> -> memref<1x2x50xi32, #tpu.memory_space<vmem>>
    %dma_start3A_95 = tpu.memref_squeeze %dma_start3A_94 : memref<1x2x50xi32, #tpu.memory_space<vmem>> -> memref<2x50xi32, #tpu.memory_space<vmem>>
    %dma_start3A_96 = arith.constant 0 : i32
    %dma_start3A_97 = arith.constant 0 : i32
    %dma_start3A_98 = tpu.memref_slice %arg3[%add3A_82, %dma_start3A_96, %dma_start3A_97] : memref<6400x2x50xi32, #tpu.memory_space<hbm>> -> memref<1x2x50xi32, #tpu.memory_space<hbm>>
    %dma_start3A_99 = tpu.memref_squeeze %dma_start3A_98 : memref<1x2x50xi32, #tpu.memory_space<hbm>> -> memref<2x50xi32, #tpu.memory_space<hbm>>
    tpu.enqueue_dma source(%dma_start3A_99 : memref<2x50xi32, #tpu.memory_space<hbm>>) target(%dma_start3A_95 : memref<2x50xi32, #tpu.memory_space<vmem>>) target_semaphore(%arg21 : memref<!tpu.dma_semaphore, #tpu.memory_space<semaphore_mem>>)
    %dma_wait3A = arith.constant 0 : i32
    %dma_wait3A_100 = arith.constant 0 : i32
    %dma_wait3A_101 = arith.constant 0 : i32
    %dma_wait3A_102 = tpu.memref_slice %arg6[%dma_wait3A, %dma_wait3A_100, %dma_wait3A_101] : memref<2x2x50xi32, #tpu.memory_space<vmem>> -> memref<1x2x50xi32, #tpu.memory_space<vmem>>
    %dma_wait3A_103 = tpu.memref_squeeze %dma_wait3A_102 : memref<1x2x50xi32, #tpu.memory_space<vmem>> -> memref<2x50xi32, #tpu.memory_space<vmem>>
    %dma_wait3A_104 = arith.constant 0 : i32
    %dma_wait3A_105 = arith.constant 0 : i32
    %dma_wait3A_106 = tpu.memref_slice %arg3[%multiple_of3A_5, %dma_wait3A_104, %dma_wait3A_105] : memref<6400x2x50xi32, #tpu.memory_space<hbm>> -> memref<1x2x50xi32, #tpu.memory_space<hbm>>
    %dma_wait3A_107 = tpu.memref_squeeze %dma_wait3A_106 : memref<1x2x50xi32, #tpu.memory_space<hbm>> -> memref<2x50xi32, #tpu.memory_space<hbm>>
    %dma_wait3A_108 = arith.constant 0 : i32
    %dma_wait3A_109 = arith.constant 0 : i32
    %dma_wait3A_110 = tpu.memref_slice %arg6[%dma_wait3A, %dma_wait3A_108, %dma_wait3A_109] : memref<2x2x50xi32, #tpu.memory_space<vmem>> -> memref<1x2x50xi32, #tpu.memory_space<vmem>>
    %dma_wait3A_111 = tpu.memref_squeeze %dma_wait3A_110 : memref<1x2x50xi32, #tpu.memory_space<vmem>> -> memref<2x50xi32, #tpu.memory_space<vmem>>
    %dma_wait3A_112 = arith.constant 0 : i32
    %dma_wait3A_113 = arith.constant 0 : i32
    %dma_wait3A_114 = tpu.memref_slice %arg3[%multiple_of3A_5, %dma_wait3A_112, %dma_wait3A_113] : memref<6400x2x50xi32, #tpu.memory_space<hbm>> -> memref<1x2x50xi32, #tpu.memory_space<hbm>>
    %dma_wait3A_115 = tpu.memref_squeeze %dma_wait3A_114 : memref<1x2x50xi32, #tpu.memory_space<hbm>> -> memref<2x50xi32, #tpu.memory_space<hbm>>
    tpu.wait_dma2 semaphore(%arg17 : memref<!tpu.dma_semaphore, #tpu.memory_space<semaphore_mem>>) src(%dma_wait3A_115 : memref<2x50xi32, #tpu.memory_space<hbm>>) dst(%dma_wait3A_111 : memref<2x50xi32, #tpu.memory_space<vmem>>)
    %dma_start3A_116 = arith.constant 0 : i32
    %dma_start3A_117 = arith.constant 0 : i32
    %dma_start3A_118 = arith.constant 0 : i32
    %dma_start3A_119 = tpu.memref_slice %arg6[%dma_start3A_116, %dma_start3A_117, %dma_start3A_118] : memref<2x2x50xi32, #tpu.memory_space<vmem>> -> memref<1x1x50xi32, #tpu.memory_space<vmem>>
    %dma_start3A_120 = tpu.memref_squeeze %dma_start3A_119 : memref<1x1x50xi32, #tpu.memory_space<vmem>> -> memref<50xi32, #tpu.memory_space<vmem>>
    %dma_start3A_121 = arith.constant 0 : i32
    %dma_start3A_122 = arith.constant 0 : i32
    %dma_start3A_123 = tpu.memref_slice %arg2[%dma_start3A_121, %dma_start3A_122] : memref<10000x128xf32, #tpu.memory_space<hbm>> -> memref<10000x128xf32, #tpu.memory_space<hbm>>
    tpu.enqueue_indirect_dma source(%dma_start3A_123 : memref<10000x128xf32, #tpu.memory_space<hbm>>) target(%arg11 : memref<50x128xf32, #tpu.memory_space<vmem>>) offsets(%dma_start3A_120 : memref<50xi32, #tpu.memory_space<vmem>>) semaphore(%arg22 : memref<!tpu.dma_semaphore, #tpu.memory_space<semaphore_mem>>)
    %dma_wait3A_124 = arith.constant 0 : i32
    %dma_wait3A_125 = arith.constant 0 : i32
    %dma_wait3A_126 = arith.constant 0 : i32
    %dma_wait3A_127 = tpu.memref_slice %arg7[%dma_wait3A_124, %dma_wait3A_125, %dma_wait3A_126] : memref<2x2x50xi32, #tpu.memory_space<vmem>> -> memref<1x2x50xi32, #tpu.memory_space<vmem>>
    %dma_wait3A_128 = tpu.memref_squeeze %dma_wait3A_127 : memref<1x2x50xi32, #tpu.memory_space<vmem>> -> memref<2x50xi32, #tpu.memory_space<vmem>>
    %dma_wait3A_129 = arith.constant 0 : i32
    %dma_wait3A_130 = arith.constant 0 : i32
    %dma_wait3A_131 = tpu.memref_slice %arg3[%multiple_of3A_5, %dma_wait3A_129, %dma_wait3A_130] : memref<6400x2x50xi32, #tpu.memory_space<hbm>> -> memref<1x2x50xi32, #tpu.memory_space<hbm>>
    %dma_wait3A_132 = tpu.memref_squeeze %dma_wait3A_131 : memref<1x2x50xi32, #tpu.memory_space<hbm>> -> memref<2x50xi32, #tpu.memory_space<hbm>>
    %dma_wait3A_133 = arith.constant 0 : i32
    %dma_wait3A_134 = arith.constant 0 : i32
    %dma_wait3A_135 = tpu.memref_slice %arg7[%dma_wait3A_124, %dma_wait3A_133, %dma_wait3A_134] : memref<2x2x50xi32, #tpu.memory_space<vmem>> -> memref<1x2x50xi32, #tpu.memory_space<vmem>>
    %dma_wait3A_136 = tpu.memref_squeeze %dma_wait3A_135 : memref<1x2x50xi32, #tpu.memory_space<vmem>> -> memref<2x50xi32, #tpu.memory_space<vmem>>
    %dma_wait3A_137 = arith.constant 0 : i32
    %dma_wait3A_138 = arith.constant 0 : i32
    %dma_wait3A_139 = tpu.memref_slice %arg3[%multiple_of3A_5, %dma_wait3A_137, %dma_wait3A_138] : memref<6400x2x50xi32, #tpu.memory_space<hbm>> -> memref<1x2x50xi32, #tpu.memory_space<hbm>>
    %dma_wait3A_140 = tpu.memref_squeeze %dma_wait3A_139 : memref<1x2x50xi32, #tpu.memory_space<hbm>> -> memref<2x50xi32, #tpu.memory_space<hbm>>
    tpu.wait_dma2 semaphore(%arg18 : memref<!tpu.dma_semaphore, #tpu.memory_space<semaphore_mem>>) src(%dma_wait3A_140 : memref<2x50xi32, #tpu.memory_space<hbm>>) dst(%dma_wait3A_136 : memref<2x50xi32, #tpu.memory_space<vmem>>)
    %dma_start3A_141 = arith.constant 0 : i32
    %dma_start3A_142 = arith.constant 0 : i32
    %dma_start3A_143 = arith.constant 0 : i32
    %dma_start3A_144 = tpu.memref_slice %arg7[%dma_start3A_141, %dma_start3A_142, %dma_start3A_143] : memref<2x2x50xi32, #tpu.memory_space<vmem>> -> memref<1x1x50xi32, #tpu.memory_space<vmem>>
    %dma_start3A_145 = tpu.memref_squeeze %dma_start3A_144 : memref<1x1x50xi32, #tpu.memory_space<vmem>> -> memref<50xi32, #tpu.memory_space<vmem>>
    %dma_start3A_146 = arith.constant 0 : i32
    %dma_start3A_147 = arith.constant 0 : i32
    %dma_start3A_148 = tpu.memref_slice %arg2[%dma_start3A_146, %dma_start3A_147] : memref<10000x128xf32, #tpu.memory_space<hbm>> -> memref<10000x128xf32, #tpu.memory_space<hbm>>
    tpu.enqueue_indirect_dma source(%dma_start3A_148 : memref<10000x128xf32, #tpu.memory_space<hbm>>) target(%arg12 : memref<50x128xf32, #tpu.memory_space<vmem>>) offsets(%dma_start3A_145 : memref<50xi32, #tpu.memory_space<vmem>>) semaphore(%arg23 : memref<!tpu.dma_semaphore, #tpu.memory_space<semaphore_mem>>)
    %dma_wait3A_149 = arith.constant 0 : i32
    %dma_wait3A_150 = arith.constant 0 : i32
    %dma_wait3A_151 = arith.constant 0 : i32
    %dma_wait3A_152 = tpu.memref_slice %arg8[%dma_wait3A_149, %dma_wait3A_150, %dma_wait3A_151] : memref<2x2x50xi32, #tpu.memory_space<vmem>> -> memref<1x2x50xi32, #tpu.memory_space<vmem>>
    %dma_wait3A_153 = tpu.memref_squeeze %dma_wait3A_152 : memref<1x2x50xi32, #tpu.memory_space<vmem>> -> memref<2x50xi32, #tpu.memory_space<vmem>>
    %dma_wait3A_154 = arith.constant 0 : i32
    %dma_wait3A_155 = arith.constant 0 : i32
    %dma_wait3A_156 = tpu.memref_slice %arg3[%multiple_of3A_5, %dma_wait3A_154, %dma_wait3A_155] : memref<6400x2x50xi32, #tpu.memory_space<hbm>> -> memref<1x2x50xi32, #tpu.memory_space<hbm>>
    %dma_wait3A_157 = tpu.memref_squeeze %dma_wait3A_156 : memref<1x2x50xi32, #tpu.memory_space<hbm>> -> memref<2x50xi32, #tpu.memory_space<hbm>>
    %dma_wait3A_158 = arith.constant 0 : i32
    %dma_wait3A_159 = arith.constant 0 : i32
    %dma_wait3A_160 = tpu.memref_slice %arg8[%dma_wait3A_149, %dma_wait3A_158, %dma_wait3A_159] : memref<2x2x50xi32, #tpu.memory_space<vmem>> -> memref<1x2x50xi32, #tpu.memory_space<vmem>>
    %dma_wait3A_161 = tpu.memref_squeeze %dma_wait3A_160 : memref<1x2x50xi32, #tpu.memory_space<vmem>> -> memref<2x50xi32, #tpu.memory_space<vmem>>
    %dma_wait3A_162 = arith.constant 0 : i32
    %dma_wait3A_163 = arith.constant 0 : i32
    %dma_wait3A_164 = tpu.memref_slice %arg3[%multiple_of3A_5, %dma_wait3A_162, %dma_wait3A_163] : memref<6400x2x50xi32, #tpu.memory_space<hbm>> -> memref<1x2x50xi32, #tpu.memory_space<hbm>>
    %dma_wait3A_165 = tpu.memref_squeeze %dma_wait3A_164 : memref<1x2x50xi32, #tpu.memory_space<hbm>> -> memref<2x50xi32, #tpu.memory_space<hbm>>
    tpu.wait_dma2 semaphore(%arg19 : memref<!tpu.dma_semaphore, #tpu.memory_space<semaphore_mem>>) src(%dma_wait3A_165 : memref<2x50xi32, #tpu.memory_space<hbm>>) dst(%dma_wait3A_161 : memref<2x50xi32, #tpu.memory_space<vmem>>)
    %dma_start3A_166 = arith.constant 0 : i32
    %dma_start3A_167 = arith.constant 0 : i32
    %dma_start3A_168 = arith.constant 0 : i32
    %dma_start3A_169 = tpu.memref_slice %arg8[%dma_start3A_166, %dma_start3A_167, %dma_start3A_168] : memref<2x2x50xi32, #tpu.memory_space<vmem>> -> memref<1x1x50xi32, #tpu.memory_space<vmem>>
    %dma_start3A_170 = tpu.memref_squeeze %dma_start3A_169 : memref<1x1x50xi32, #tpu.memory_space<vmem>> -> memref<50xi32, #tpu.memory_space<vmem>>
    %dma_start3A_171 = arith.constant 0 : i32
    %dma_start3A_172 = arith.constant 0 : i32
    %dma_start3A_173 = tpu.memref_slice %arg2[%dma_start3A_171, %dma_start3A_172] : memref<10000x128xf32, #tpu.memory_space<hbm>> -> memref<10000x128xf32, #tpu.memory_space<hbm>>
    tpu.enqueue_indirect_dma source(%dma_start3A_173 : memref<10000x128xf32, #tpu.memory_space<hbm>>) target(%arg13 : memref<50x128xf32, #tpu.memory_space<vmem>>) offsets(%dma_start3A_170 : memref<50xi32, #tpu.memory_space<vmem>>) semaphore(%arg24 : memref<!tpu.dma_semaphore, #tpu.memory_space<semaphore_mem>>)
    %dma_wait3A_174 = arith.constant 0 : i32
    %dma_wait3A_175 = arith.constant 0 : i32
    %dma_wait3A_176 = arith.constant 0 : i32
    %dma_wait3A_177 = tpu.memref_slice %arg9[%dma_wait3A_174, %dma_wait3A_175, %dma_wait3A_176] : memref<2x2x50xi32, #tpu.memory_space<vmem>> -> memref<1x2x50xi32, #tpu.memory_space<vmem>>
    %dma_wait3A_178 = tpu.memref_squeeze %dma_wait3A_177 : memref<1x2x50xi32, #tpu.memory_space<vmem>> -> memref<2x50xi32, #tpu.memory_space<vmem>>
    %dma_wait3A_179 = arith.constant 0 : i32
    %dma_wait3A_180 = arith.constant 0 : i32
    %dma_wait3A_181 = tpu.memref_slice %arg3[%multiple_of3A_5, %dma_wait3A_179, %dma_wait3A_180] : memref<6400x2x50xi32, #tpu.memory_space<hbm>> -> memref<1x2x50xi32, #tpu.memory_space<hbm>>
    %dma_wait3A_182 = tpu.memref_squeeze %dma_wait3A_181 : memref<1x2x50xi32, #tpu.memory_space<hbm>> -> memref<2x50xi32, #tpu.memory_space<hbm>>
    %dma_wait3A_183 = arith.constant 0 : i32
    %dma_wait3A_184 = arith.constant 0 : i32
    %dma_wait3A_185 = tpu.memref_slice %arg9[%dma_wait3A_174, %dma_wait3A_183, %dma_wait3A_184] : memref<2x2x50xi32, #tpu.memory_space<vmem>> -> memref<1x2x50xi32, #tpu.memory_space<vmem>>
    %dma_wait3A_186 = tpu.memref_squeeze %dma_wait3A_185 : memref<1x2x50xi32, #tpu.memory_space<vmem>> -> memref<2x50xi32, #tpu.memory_space<vmem>>
    %dma_wait3A_187 = arith.constant 0 : i32
    %dma_wait3A_188 = arith.constant 0 : i32
    %dma_wait3A_189 = tpu.memref_slice %arg3[%multiple_of3A_5, %dma_wait3A_187, %dma_wait3A_188] : memref<6400x2x50xi32, #tpu.memory_space<hbm>> -> memref<1x2x50xi32, #tpu.memory_space<hbm>>
    %dma_wait3A_190 = tpu.memref_squeeze %dma_wait3A_189 : memref<1x2x50xi32, #tpu.memory_space<hbm>> -> memref<2x50xi32, #tpu.memory_space<hbm>>
    tpu.wait_dma2 semaphore(%arg20 : memref<!tpu.dma_semaphore, #tpu.memory_space<semaphore_mem>>) src(%dma_wait3A_190 : memref<2x50xi32, #tpu.memory_space<hbm>>) dst(%dma_wait3A_186 : memref<2x50xi32, #tpu.memory_space<vmem>>)
    %dma_start3A_191 = arith.constant 0 : i32
    %dma_start3A_192 = arith.constant 0 : i32
    %dma_start3A_193 = arith.constant 0 : i32
    %dma_start3A_194 = tpu.memref_slice %arg9[%dma_start3A_191, %dma_start3A_192, %dma_start3A_193] : memref<2x2x50xi32, #tpu.memory_space<vmem>> -> memref<1x1x50xi32, #tpu.memory_space<vmem>>
    %dma_start3A_195 = tpu.memref_squeeze %dma_start3A_194 : memref<1x1x50xi32, #tpu.memory_space<vmem>> -> memref<50xi32, #tpu.memory_space<vmem>>
    %dma_start3A_196 = arith.constant 0 : i32
    %dma_start3A_197 = arith.constant 0 : i32
    %dma_start3A_198 = tpu.memref_slice %arg2[%dma_start3A_196, %dma_start3A_197] : memref<10000x128xf32, #tpu.memory_space<hbm>> -> memref<10000x128xf32, #tpu.memory_space<hbm>>
    tpu.enqueue_indirect_dma source(%dma_start3A_198 : memref<10000x128xf32, #tpu.memory_space<hbm>>) target(%arg14 : memref<50x128xf32, #tpu.memory_space<vmem>>) offsets(%dma_start3A_195 : memref<50xi32, #tpu.memory_space<vmem>>) semaphore(%arg25 : memref<!tpu.dma_semaphore, #tpu.memory_space<semaphore_mem>>)
    %dma_wait3A_199 = arith.constant 0 : i32
    %dma_wait3A_200 = arith.constant 0 : i32
    %dma_wait3A_201 = arith.constant 0 : i32
    %dma_wait3A_202 = tpu.memref_slice %arg10[%dma_wait3A_199, %dma_wait3A_200, %dma_wait3A_201] : memref<2x2x50xi32, #tpu.memory_space<vmem>> -> memref<1x2x50xi32, #tpu.memory_space<vmem>>
    %dma_wait3A_203 = tpu.memref_squeeze %dma_wait3A_202 : memref<1x2x50xi32, #tpu.memory_space<vmem>> -> memref<2x50xi32, #tpu.memory_space<vmem>>
    %dma_wait3A_204 = arith.constant 0 : i32
    %dma_wait3A_205 = arith.constant 0 : i32
    %dma_wait3A_206 = tpu.memref_slice %arg3[%multiple_of3A_5, %dma_wait3A_204, %dma_wait3A_205] : memref<6400x2x50xi32, #tpu.memory_space<hbm>> -> memref<1x2x50xi32, #tpu.memory_space<hbm>>
    %dma_wait3A_207 = tpu.memref_squeeze %dma_wait3A_206 : memref<1x2x50xi32, #tpu.memory_space<hbm>> -> memref<2x50xi32, #tpu.memory_space<hbm>>
    %dma_wait3A_208 = arith.constant 0 : i32
    %dma_wait3A_209 = arith.constant 0 : i32
    %dma_wait3A_210 = tpu.memref_slice %arg10[%dma_wait3A_199, %dma_wait3A_208, %dma_wait3A_209] : memref<2x2x50xi32, #tpu.memory_space<vmem>> -> memref<1x2x50xi32, #tpu.memory_space<vmem>>
    %dma_wait3A_211 = tpu.memref_squeeze %dma_wait3A_210 : memref<1x2x50xi32, #tpu.memory_space<vmem>> -> memref<2x50xi32, #tpu.memory_space<vmem>>
    %dma_wait3A_212 = arith.constant 0 : i32
    %dma_wait3A_213 = arith.constant 0 : i32
    %dma_wait3A_214 = tpu.memref_slice %arg3[%multiple_of3A_5, %dma_wait3A_212, %dma_wait3A_213] : memref<6400x2x50xi32, #tpu.memory_space<hbm>> -> memref<1x2x50xi32, #tpu.memory_space<hbm>>
    %dma_wait3A_215 = tpu.memref_squeeze %dma_wait3A_214 : memref<1x2x50xi32, #tpu.memory_space<hbm>> -> memref<2x50xi32, #tpu.memory_space<hbm>>
    tpu.wait_dma2 semaphore(%arg21 : memref<!tpu.dma_semaphore, #tpu.memory_space<semaphore_mem>>) src(%dma_wait3A_215 : memref<2x50xi32, #tpu.memory_space<hbm>>) dst(%dma_wait3A_211 : memref<2x50xi32, #tpu.memory_space<vmem>>)
    %dma_start3A_216 = arith.constant 0 : i32
    %dma_start3A_217 = arith.constant 0 : i32
    %dma_start3A_218 = arith.constant 0 : i32
    %dma_start3A_219 = tpu.memref_slice %arg10[%dma_start3A_216, %dma_start3A_217, %dma_start3A_218] : memref<2x2x50xi32, #tpu.memory_space<vmem>> -> memref<1x1x50xi32, #tpu.memory_space<vmem>>
    %dma_start3A_220 = tpu.memref_squeeze %dma_start3A_219 : memref<1x1x50xi32, #tpu.memory_space<vmem>> -> memref<50xi32, #tpu.memory_space<vmem>>
    %dma_start3A_221 = arith.constant 0 : i32
    %dma_start3A_222 = arith.constant 0 : i32
    %dma_start3A_223 = tpu.memref_slice %arg2[%dma_start3A_221, %dma_start3A_222] : memref<10000x128xf32, #tpu.memory_space<hbm>> -> memref<10000x128xf32, #tpu.memory_space<hbm>>
    tpu.enqueue_indirect_dma source(%dma_start3A_223 : memref<10000x128xf32, #tpu.memory_space<hbm>>) target(%arg15 : memref<50x128xf32, #tpu.memory_space<vmem>>) offsets(%dma_start3A_220 : memref<50xi32, #tpu.memory_space<vmem>>) semaphore(%arg26 : memref<!tpu.dma_semaphore, #tpu.memory_space<semaphore_mem>>)
    %dma_wait3A_224 = arith.constant 0 : i32
    %dma_wait3A_225 = arith.constant 0 : i32
    %dma_wait3A_226 = arith.constant 0 : i32
    %dma_wait3A_227 = tpu.memref_slice %arg6[%dma_wait3A_224, %dma_wait3A_225, %dma_wait3A_226] : memref<2x2x50xi32, #tpu.memory_space<vmem>> -> memref<1x1x50xi32, #tpu.memory_space<vmem>>
    %dma_wait3A_228 = tpu.memref_squeeze %dma_wait3A_227 : memref<1x1x50xi32, #tpu.memory_space<vmem>> -> memref<50xi32, #tpu.memory_space<vmem>>
    %dma_wait3A_229 = arith.constant 0 : i32
    %dma_wait3A_230 = arith.constant 0 : i32
    %dma_wait3A_231 = tpu.memref_slice %arg2[%dma_wait3A_229, %dma_wait3A_230] : memref<10000x128xf32, #tpu.memory_space<hbm>> -> memref<10000x128xf32, #tpu.memory_space<hbm>>
    tpu.wait_indirect_dma semaphore(%arg22 : memref<!tpu.dma_semaphore, #tpu.memory_space<semaphore_mem>>) src(%dma_wait3A_231 : memref<10000x128xf32, #tpu.memory_space<hbm>>) dst(%arg11 : memref<50x128xf32, #tpu.memory_space<vmem>>)
    %dma_start3A_232 = arith.constant 0 : i32
    %dma_start3A_233 = arith.constant 1 : i32
    %dma_start3A_234 = arith.constant 0 : i32
    %dma_start3A_235 = tpu.memref_slice %arg6[%dma_start3A_232, %dma_start3A_233, %dma_start3A_234] : memref<2x2x50xi32, #tpu.memory_space<vmem>> -> memref<1x1x50xi32, #tpu.memory_space<vmem>>
    %dma_start3A_236 = tpu.memref_squeeze %dma_start3A_235 : memref<1x1x50xi32, #tpu.memory_space<vmem>> -> memref<50xi32, #tpu.memory_space<vmem>>
    %dma_start3A_237 = arith.constant 0 : i32
    %dma_start3A_238 = arith.constant 0 : i32
    %dma_start3A_239 = tpu.memref_slice %arg16[%dma_start3A_237, %dma_start3A_238] : memref<10240x128xf32, #tpu.memory_space<vmem_shared>> -> memref<10240x128xf32, #tpu.memory_space<vmem_shared>>
    tpu.enqueue_indirect_dma source(%arg11 : memref<50x128xf32, #tpu.memory_space<vmem>>) target(%dma_start3A_239 : memref<10240x128xf32, #tpu.memory_space<vmem_shared>>) offsets(%dma_start3A_236 : memref<50xi32, #tpu.memory_space<vmem>>) semaphore(%arg27 : memref<!tpu.dma_semaphore, #tpu.memory_space<semaphore_mem>>) {add = true}
    %min3A = arith.constant 5 : i32
    %min3A_240 = arith.constant 199 : i32
    %min3A_241 = arith.minsi %min3A, %min3A_240 : i32
    %add3A_242 = arith.addi %multiple_of3A_5, %min3A_241 : i32
    %dma_start3A_243 = arith.constant 1 : i32
    %dma_start3A_244 = arith.constant 0 : i32
    %dma_start3A_245 = arith.constant 0 : i32
    %dma_start3A_246 = tpu.memref_slice %arg6[%dma_start3A_243, %dma_start3A_244, %dma_start3A_245] : memref<2x2x50xi32, #tpu.memory_space<vmem>> -> memref<1x2x50xi32, #tpu.memory_space<vmem>>
    %dma_start3A_247 = tpu.memref_squeeze %dma_start3A_246 : memref<1x2x50xi32, #tpu.memory_space<vmem>> -> memref<2x50xi32, #tpu.memory_space<vmem>>
    %dma_start3A_248 = arith.constant 0 : i32
    %dma_start3A_249 = arith.constant 0 : i32
    %dma_start3A_250 = tpu.memref_slice %arg3[%add3A_242, %dma_start3A_248, %dma_start3A_249] : memref<6400x2x50xi32, #tpu.memory_space<hbm>> -> memref<1x2x50xi32, #tpu.memory_space<hbm>>
    %dma_start3A_251 = tpu.memref_squeeze %dma_start3A_250 : memref<1x2x50xi32, #tpu.memory_space<hbm>> -> memref<2x50xi32, #tpu.memory_space<hbm>>
    %dma_start3A_252 = arith.constant 0 : i32
    %dma_start3A_253 = arith.constant 0 : i32
    %dma_start3A_254 = tpu.memref_slice %arg6[%dma_start3A_243, %dma_start3A_252, %dma_start3A_253] : memref<2x2x50xi32, #tpu.memory_space<vmem>> -> memref<1x2x50xi32, #tpu.memory_space<vmem>>
    %dma_start3A_255 = tpu.memref_squeeze %dma_start3A_254 : memref<1x2x50xi32, #tpu.memory_space<vmem>> -> memref<2x50xi32, #tpu.memory_space<vmem>>
    %dma_start3A_256 = arith.constant 0 : i32
    %dma_start3A_257 = arith.constant 0 : i32
    %dma_start3A_258 = tpu.memref_slice %arg3[%add3A_242, %dma_start3A_256, %dma_start3A_257] : memref<6400x2x50xi32, #tpu.memory_space<hbm>> -> memref<1x2x50xi32, #tpu.memory_space<hbm>>
    %dma_start3A_259 = tpu.memref_squeeze %dma_start3A_258 : memref<1x2x50xi32, #tpu.memory_space<hbm>> -> memref<2x50xi32, #tpu.memory_space<hbm>>
    tpu.enqueue_dma source(%dma_start3A_259 : memref<2x50xi32, #tpu.memory_space<hbm>>) target(%dma_start3A_255 : memref<2x50xi32, #tpu.memory_space<vmem>>) target_semaphore(%arg17 : memref<!tpu.dma_semaphore, #tpu.memory_space<semaphore_mem>>)
    %dma_wait3A_260 = arith.constant 0 : i32
    %dma_wait3A_261 = arith.constant 0 : i32
    %dma_wait3A_262 = arith.constant 0 : i32
    %dma_wait3A_263 = tpu.memref_slice %arg7[%dma_wait3A_260, %dma_wait3A_261, %dma_wait3A_262] : memref<2x2x50xi32, #tpu.memory_space<vmem>> -> memref<1x1x50xi32, #tpu.memory_space<vmem>>
    %dma_wait3A_264 = tpu.memref_squeeze %dma_wait3A_263 : memref<1x1x50xi32, #tpu.memory_space<vmem>> -> memref<50xi32, #tpu.memory_space<vmem>>
    %dma_wait3A_265 = arith.constant 0 : i32
    %dma_wait3A_266 = arith.constant 0 : i32
    %dma_wait3A_267 = tpu.memref_slice %arg2[%dma_wait3A_265, %dma_wait3A_266] : memref<10000x128xf32, #tpu.memory_space<hbm>> -> memref<10000x128xf32, #tpu.memory_space<hbm>>
    tpu.wait_indirect_dma semaphore(%arg23 : memref<!tpu.dma_semaphore, #tpu.memory_space<semaphore_mem>>) src(%dma_wait3A_267 : memref<10000x128xf32, #tpu.memory_space<hbm>>) dst(%arg12 : memref<50x128xf32, #tpu.memory_space<vmem>>)
    %dma_start3A_268 = arith.constant 0 : i32
    %dma_start3A_269 = arith.constant 1 : i32
    %dma_start3A_270 = arith.constant 0 : i32
    %dma_start3A_271 = tpu.memref_slice %arg7[%dma_start3A_268, %dma_start3A_269, %dma_start3A_270] : memref<2x2x50xi32, #tpu.memory_space<vmem>> -> memref<1x1x50xi32, #tpu.memory_space<vmem>>
    %dma_start3A_272 = tpu.memref_squeeze %dma_start3A_271 : memref<1x1x50xi32, #tpu.memory_space<vmem>> -> memref<50xi32, #tpu.memory_space<vmem>>
    %dma_start3A_273 = arith.constant 0 : i32
    %dma_start3A_274 = arith.constant 0 : i32
    %dma_start3A_275 = tpu.memref_slice %arg16[%dma_start3A_273, %dma_start3A_274] : memref<10240x128xf32, #tpu.memory_space<vmem_shared>> -> memref<10240x128xf32, #tpu.memory_space<vmem_shared>>
    tpu.enqueue_indirect_dma source(%arg12 : memref<50x128xf32, #tpu.memory_space<vmem>>) target(%dma_start3A_275 : memref<10240x128xf32, #tpu.memory_space<vmem_shared>>) offsets(%dma_start3A_272 : memref<50xi32, #tpu.memory_space<vmem>>) semaphore(%arg28 : memref<!tpu.dma_semaphore, #tpu.memory_space<semaphore_mem>>) {add = true}
    %min3A_276 = arith.constant 6 : i32
    %min3A_277 = arith.constant 199 : i32
    %min3A_278 = arith.minsi %min3A_276, %min3A_277 : i32
    %add3A_279 = arith.addi %multiple_of3A_5, %min3A_278 : i32
    %dma_start3A_280 = arith.constant 1 : i32
    %dma_start3A_281 = arith.constant 0 : i32
    %dma_start3A_282 = arith.constant 0 : i32
    %dma_start3A_283 = tpu.memref_slice %arg7[%dma_start3A_280, %dma_start3A_281, %dma_start3A_282] : memref<2x2x50xi32, #tpu.memory_space<vmem>> -> memref<1x2x50xi32, #tpu.memory_space<vmem>>
    %dma_start3A_284 = tpu.memref_squeeze %dma_start3A_283 : memref<1x2x50xi32, #tpu.memory_space<vmem>> -> memref<2x50xi32, #tpu.memory_space<vmem>>
    %dma_start3A_285 = arith.constant 0 : i32
    %dma_start3A_286 = arith.constant 0 : i32
    %dma_start3A_287 = tpu.memref_slice %arg3[%add3A_279, %dma_start3A_285, %dma_start3A_286] : memref<6400x2x50xi32, #tpu.memory_space<hbm>> -> memref<1x2x50xi32, #tpu.memory_space<hbm>>
    %dma_start3A_288 = tpu.memref_squeeze %dma_start3A_287 : memref<1x2x50xi32, #tpu.memory_space<hbm>> -> memref<2x50xi32, #tpu.memory_space<hbm>>
    %dma_start3A_289 = arith.constant 0 : i32
    %dma_start3A_290 = arith.constant 0 : i32
    %dma_start3A_291 = tpu.memref_slice %arg7[%dma_start3A_280, %dma_start3A_289, %dma_start3A_290] : memref<2x2x50xi32, #tpu.memory_space<vmem>> -> memref<1x2x50xi32, #tpu.memory_space<vmem>>
    %dma_start3A_292 = tpu.memref_squeeze %dma_start3A_291 : memref<1x2x50xi32, #tpu.memory_space<vmem>> -> memref<2x50xi32, #tpu.memory_space<vmem>>
    %dma_start3A_293 = arith.constant 0 : i32
    %dma_start3A_294 = arith.constant 0 : i32
    %dma_start3A_295 = tpu.memref_slice %arg3[%add3A_279, %dma_start3A_293, %dma_start3A_294] : memref<6400x2x50xi32, #tpu.memory_space<hbm>> -> memref<1x2x50xi32, #tpu.memory_space<hbm>>
    %dma_start3A_296 = tpu.memref_squeeze %dma_start3A_295 : memref<1x2x50xi32, #tpu.memory_space<hbm>> -> memref<2x50xi32, #tpu.memory_space<hbm>>
    tpu.enqueue_dma source(%dma_start3A_296 : memref<2x50xi32, #tpu.memory_space<hbm>>) target(%dma_start3A_292 : memref<2x50xi32, #tpu.memory_space<vmem>>) target_semaphore(%arg18 : memref<!tpu.dma_semaphore, #tpu.memory_space<semaphore_mem>>)
    %dma_wait3A_297 = arith.constant 0 : i32
    %dma_wait3A_298 = arith.constant 0 : i32
    %dma_wait3A_299 = arith.constant 0 : i32
    %dma_wait3A_300 = tpu.memref_slice %arg8[%dma_wait3A_297, %dma_wait3A_298, %dma_wait3A_299] : memref<2x2x50xi32, #tpu.memory_space<vmem>> -> memref<1x1x50xi32, #tpu.memory_space<vmem>>
    %dma_wait3A_301 = tpu.memref_squeeze %dma_wait3A_300 : memref<1x1x50xi32, #tpu.memory_space<vmem>> -> memref<50xi32, #tpu.memory_space<vmem>>
    %dma_wait3A_302 = arith.constant 0 : i32
    %dma_wait3A_303 = arith.constant 0 : i32
    %dma_wait3A_304 = tpu.memref_slice %arg2[%dma_wait3A_302, %dma_wait3A_303] : memref<10000x128xf32, #tpu.memory_space<hbm>> -> memref<10000x128xf32, #tpu.memory_space<hbm>>
    tpu.wait_indirect_dma semaphore(%arg24 : memref<!tpu.dma_semaphore, #tpu.memory_space<semaphore_mem>>) src(%dma_wait3A_304 : memref<10000x128xf32, #tpu.memory_space<hbm>>) dst(%arg13 : memref<50x128xf32, #tpu.memory_space<vmem>>)
    %dma_start3A_305 = arith.constant 0 : i32
    %dma_start3A_306 = arith.constant 1 : i32
    %dma_start3A_307 = arith.constant 0 : i32
    %dma_start3A_308 = tpu.memref_slice %arg8[%dma_start3A_305, %dma_start3A_306, %dma_start3A_307] : memref<2x2x50xi32, #tpu.memory_space<vmem>> -> memref<1x1x50xi32, #tpu.memory_space<vmem>>
    %dma_start3A_309 = tpu.memref_squeeze %dma_start3A_308 : memref<1x1x50xi32, #tpu.memory_space<vmem>> -> memref<50xi32, #tpu.memory_space<vmem>>
    %dma_start3A_310 = arith.constant 0 : i32
    %dma_start3A_311 = arith.constant 0 : i32
    %dma_start3A_312 = tpu.memref_slice %arg16[%dma_start3A_310, %dma_start3A_311] : memref<10240x128xf32, #tpu.memory_space<vmem_shared>> -> memref<10240x128xf32, #tpu.memory_space<vmem_shared>>
    tpu.enqueue_indirect_dma source(%arg13 : memref<50x128xf32, #tpu.memory_space<vmem>>) target(%dma_start3A_312 : memref<10240x128xf32, #tpu.memory_space<vmem_shared>>) offsets(%dma_start3A_309 : memref<50xi32, #tpu.memory_space<vmem>>) semaphore(%arg29 : memref<!tpu.dma_semaphore, #tpu.memory_space<semaphore_mem>>) {add = true}
    %min3A_313 = arith.constant 7 : i32
    %min3A_314 = arith.constant 199 : i32
    %min3A_315 = arith.minsi %min3A_313, %min3A_314 : i32
    %add3A_316 = arith.addi %multiple_of3A_5, %min3A_315 : i32
    %dma_start3A_317 = arith.constant 1 : i32
    %dma_start3A_318 = arith.constant 0 : i32
    %dma_start3A_319 = arith.constant 0 : i32
    %dma_start3A_320 = tpu.memref_slice %arg8[%dma_start3A_317, %dma_start3A_318, %dma_start3A_319] : memref<2x2x50xi32, #tpu.memory_space<vmem>> -> memref<1x2x50xi32, #tpu.memory_space<vmem>>
    %dma_start3A_321 = tpu.memref_squeeze %dma_start3A_320 : memref<1x2x50xi32, #tpu.memory_space<vmem>> -> memref<2x50xi32, #tpu.memory_space<vmem>>
    %dma_start3A_322 = arith.constant 0 : i32
    %dma_start3A_323 = arith.constant 0 : i32
    %dma_start3A_324 = tpu.memref_slice %arg3[%add3A_316, %dma_start3A_322, %dma_start3A_323] : memref<6400x2x50xi32, #tpu.memory_space<hbm>> -> memref<1x2x50xi32, #tpu.memory_space<hbm>>
    %dma_start3A_325 = tpu.memref_squeeze %dma_start3A_324 : memref<1x2x50xi32, #tpu.memory_space<hbm>> -> memref<2x50xi32, #tpu.memory_space<hbm>>
    %dma_start3A_326 = arith.constant 0 : i32
    %dma_start3A_327 = arith.constant 0 : i32
    %dma_start3A_328 = tpu.memref_slice %arg8[%dma_start3A_317, %dma_start3A_326, %dma_start3A_327] : memref<2x2x50xi32, #tpu.memory_space<vmem>> -> memref<1x2x50xi32, #tpu.memory_space<vmem>>
    %dma_start3A_329 = tpu.memref_squeeze %dma_start3A_328 : memref<1x2x50xi32, #tpu.memory_space<vmem>> -> memref<2x50xi32, #tpu.memory_space<vmem>>
    %dma_start3A_330 = arith.constant 0 : i32
    %dma_start3A_331 = arith.constant 0 : i32
    %dma_start3A_332 = tpu.memref_slice %arg3[%add3A_316, %dma_start3A_330, %dma_start3A_331] : memref<6400x2x50xi32, #tpu.memory_space<hbm>> -> memref<1x2x50xi32, #tpu.memory_space<hbm>>
    %dma_start3A_333 = tpu.memref_squeeze %dma_start3A_332 : memref<1x2x50xi32, #tpu.memory_space<hbm>> -> memref<2x50xi32, #tpu.memory_space<hbm>>
    tpu.enqueue_dma source(%dma_start3A_333 : memref<2x50xi32, #tpu.memory_space<hbm>>) target(%dma_start3A_329 : memref<2x50xi32, #tpu.memory_space<vmem>>) target_semaphore(%arg19 : memref<!tpu.dma_semaphore, #tpu.memory_space<semaphore_mem>>)
    %dma_wait3A_334 = arith.constant 0 : i32
    %dma_wait3A_335 = arith.constant 0 : i32
    %dma_wait3A_336 = arith.constant 0 : i32
    %dma_wait3A_337 = tpu.memref_slice %arg9[%dma_wait3A_334, %dma_wait3A_335, %dma_wait3A_336] : memref<2x2x50xi32, #tpu.memory_space<vmem>> -> memref<1x1x50xi32, #tpu.memory_space<vmem>>
    %dma_wait3A_338 = tpu.memref_squeeze %dma_wait3A_337 : memref<1x1x50xi32, #tpu.memory_space<vmem>> -> memref<50xi32, #tpu.memory_space<vmem>>
    %dma_wait3A_339 = arith.constant 0 : i32
    %dma_wait3A_340 = arith.constant 0 : i32
    %dma_wait3A_341 = tpu.memref_slice %arg2[%dma_wait3A_339, %dma_wait3A_340] : memref<10000x128xf32, #tpu.memory_space<hbm>> -> memref<10000x128xf32, #tpu.memory_space<hbm>>
    tpu.wait_indirect_dma semaphore(%arg25 : memref<!tpu.dma_semaphore, #tpu.memory_space<semaphore_mem>>) src(%dma_wait3A_341 : memref<10000x128xf32, #tpu.memory_space<hbm>>) dst(%arg14 : memref<50x128xf32, #tpu.memory_space<vmem>>)
    %dma_start3A_342 = arith.constant 0 : i32
    %dma_start3A_343 = arith.constant 1 : i32
    %dma_start3A_344 = arith.constant 0 : i32
    %dma_start3A_345 = tpu.memref_slice %arg9[%dma_start3A_342, %dma_start3A_343, %dma_start3A_344] : memref<2x2x50xi32, #tpu.memory_space<vmem>> -> memref<1x1x50xi32, #tpu.memory_space<vmem>>
    %dma_start3A_346 = tpu.memref_squeeze %dma_start3A_345 : memref<1x1x50xi32, #tpu.memory_space<vmem>> -> memref<50xi32, #tpu.memory_space<vmem>>
    %dma_start3A_347 = arith.constant 0 : i32
    %dma_start3A_348 = arith.constant 0 : i32
    %dma_start3A_349 = tpu.memref_slice %arg16[%dma_start3A_347, %dma_start3A_348] : memref<10240x128xf32, #tpu.memory_space<vmem_shared>> -> memref<10240x128xf32, #tpu.memory_space<vmem_shared>>
    tpu.enqueue_indirect_dma source(%arg14 : memref<50x128xf32, #tpu.memory_space<vmem>>) target(%dma_start3A_349 : memref<10240x128xf32, #tpu.memory_space<vmem_shared>>) offsets(%dma_start3A_346 : memref<50xi32, #tpu.memory_space<vmem>>) semaphore(%arg30 : memref<!tpu.dma_semaphore, #tpu.memory_space<semaphore_mem>>) {add = true}
    %min3A_350 = arith.constant 8 : i32
    %min3A_351 = arith.constant 199 : i32
    %min3A_352 = arith.minsi %min3A_350, %min3A_351 : i32
    %add3A_353 = arith.addi %multiple_of3A_5, %min3A_352 : i32
    %dma_start3A_354 = arith.constant 1 : i32
    %dma_start3A_355 = arith.constant 0 : i32
    %dma_start3A_356 = arith.constant 0 : i32
    %dma_start3A_357 = tpu.memref_slice %arg9[%dma_start3A_354, %dma_start3A_355, %dma_start3A_356] : memref<2x2x50xi32, #tpu.memory_space<vmem>> -> memref<1x2x50xi32, #tpu.memory_space<vmem>>
    %dma_start3A_358 = tpu.memref_squeeze %dma_start3A_357 : memref<1x2x50xi32, #tpu.memory_space<vmem>> -> memref<2x50xi32, #tpu.memory_space<vmem>>
    %dma_start3A_359 = arith.constant 0 : i32
    %dma_start3A_360 = arith.constant 0 : i32
    %dma_start3A_361 = tpu.memref_slice %arg3[%add3A_353, %dma_start3A_359, %dma_start3A_360] : memref<6400x2x50xi32, #tpu.memory_space<hbm>> -> memref<1x2x50xi32, #tpu.memory_space<hbm>>
    %dma_start3A_362 = tpu.memref_squeeze %dma_start3A_361 : memref<1x2x50xi32, #tpu.memory_space<hbm>> -> memref<2x50xi32, #tpu.memory_space<hbm>>
    %dma_start3A_363 = arith.constant 0 : i32
    %dma_start3A_364 = arith.constant 0 : i32
    %dma_start3A_365 = tpu.memref_slice %arg9[%dma_start3A_354, %dma_start3A_363, %dma_start3A_364] : memref<2x2x50xi32, #tpu.memory_space<vmem>> -> memref<1x2x50xi32, #tpu.memory_space<vmem>>
    %dma_start3A_366 = tpu.memref_squeeze %dma_start3A_365 : memref<1x2x50xi32, #tpu.memory_space<vmem>> -> memref<2x50xi32, #tpu.memory_space<vmem>>
    %dma_start3A_367 = arith.constant 0 : i32
    %dma_start3A_368 = arith.constant 0 : i32
    %dma_start3A_369 = tpu.memref_slice %arg3[%add3A_353, %dma_start3A_367, %dma_start3A_368] : memref<6400x2x50xi32, #tpu.memory_space<hbm>> -> memref<1x2x50xi32, #tpu.memory_space<hbm>>
    %dma_start3A_370 = tpu.memref_squeeze %dma_start3A_369 : memref<1x2x50xi32, #tpu.memory_space<hbm>> -> memref<2x50xi32, #tpu.memory_space<hbm>>
    tpu.enqueue_dma source(%dma_start3A_370 : memref<2x50xi32, #tpu.memory_space<hbm>>) target(%dma_start3A_366 : memref<2x50xi32, #tpu.memory_space<vmem>>) target_semaphore(%arg20 : memref<!tpu.dma_semaphore, #tpu.memory_space<semaphore_mem>>)
    %dma_wait3A_371 = arith.constant 0 : i32
    %dma_wait3A_372 = arith.constant 0 : i32
    %dma_wait3A_373 = arith.constant 0 : i32
    %dma_wait3A_374 = tpu.memref_slice %arg10[%dma_wait3A_371, %dma_wait3A_372, %dma_wait3A_373] : memref<2x2x50xi32, #tpu.memory_space<vmem>> -> memref<1x1x50xi32, #tpu.memory_space<vmem>>
    %dma_wait3A_375 = tpu.memref_squeeze %dma_wait3A_374 : memref<1x1x50xi32, #tpu.memory_space<vmem>> -> memref<50xi32, #tpu.memory_space<vmem>>
    %dma_wait3A_376 = arith.constant 0 : i32
    %dma_wait3A_377 = arith.constant 0 : i32
    %dma_wait3A_378 = tpu.memref_slice %arg2[%dma_wait3A_376, %dma_wait3A_377] : memref<10000x128xf32, #tpu.memory_space<hbm>> -> memref<10000x128xf32, #tpu.memory_space<hbm>>
    tpu.wait_indirect_dma semaphore(%arg26 : memref<!tpu.dma_semaphore, #tpu.memory_space<semaphore_mem>>) src(%dma_wait3A_378 : memref<10000x128xf32, #tpu.memory_space<hbm>>) dst(%arg15 : memref<50x128xf32, #tpu.memory_space<vmem>>)
    %dma_start3A_379 = arith.constant 0 : i32
    %dma_start3A_380 = arith.constant 1 : i32
    %dma_start3A_381 = arith.constant 0 : i32
    %dma_start3A_382 = tpu.memref_slice %arg10[%dma_start3A_379, %dma_start3A_380, %dma_start3A_381] : memref<2x2x50xi32, #tpu.memory_space<vmem>> -> memref<1x1x50xi32, #tpu.memory_space<vmem>>
    %dma_start3A_383 = tpu.memref_squeeze %dma_start3A_382 : memref<1x1x50xi32, #tpu.memory_space<vmem>> -> memref<50xi32, #tpu.memory_space<vmem>>
    %dma_start3A_384 = arith.constant 0 : i32
    %dma_start3A_385 = arith.constant 0 : i32
    %dma_start3A_386 = tpu.memref_slice %arg16[%dma_start3A_384, %dma_start3A_385] : memref<10240x128xf32, #tpu.memory_space<vmem_shared>> -> memref<10240x128xf32, #tpu.memory_space<vmem_shared>>
    tpu.enqueue_indirect_dma source(%arg15 : memref<50x128xf32, #tpu.memory_space<vmem>>) target(%dma_start3A_386 : memref<10240x128xf32, #tpu.memory_space<vmem_shared>>) offsets(%dma_start3A_383 : memref<50xi32, #tpu.memory_space<vmem>>) semaphore(%arg31 : memref<!tpu.dma_semaphore, #tpu.memory_space<semaphore_mem>>) {add = true}
    %min3A_387 = arith.constant 9 : i32
    %min3A_388 = arith.constant 199 : i32
    %min3A_389 = arith.minsi %min3A_387, %min3A_388 : i32
    %add3A_390 = arith.addi %multiple_of3A_5, %min3A_389 : i32
    %dma_start3A_391 = arith.constant 1 : i32
    %dma_start3A_392 = arith.constant 0 : i32
    %dma_start3A_393 = arith.constant 0 : i32
    %dma_start3A_394 = tpu.memref_slice %arg10[%dma_start3A_391, %dma_start3A_392, %dma_start3A_393] : memref<2x2x50xi32, #tpu.memory_space<vmem>> -> memref<1x2x50xi32, #tpu.memory_space<vmem>>
    %dma_start3A_395 = tpu.memref_squeeze %dma_start3A_394 : memref<1x2x50xi32, #tpu.memory_space<vmem>> -> memref<2x50xi32, #tpu.memory_space<vmem>>
    %dma_start3A_396 = arith.constant 0 : i32
    %dma_start3A_397 = arith.constant 0 : i32
    %dma_start3A_398 = tpu.memref_slice %arg3[%add3A_390, %dma_start3A_396, %dma_start3A_397] : memref<6400x2x50xi32, #tpu.memory_space<hbm>> -> memref<1x2x50xi32, #tpu.memory_space<hbm>>
    %dma_start3A_399 = tpu.memref_squeeze %dma_start3A_398 : memref<1x2x50xi32, #tpu.memory_space<hbm>> -> memref<2x50xi32, #tpu.memory_space<hbm>>
    %dma_start3A_400 = arith.constant 0 : i32
    %dma_start3A_401 = arith.constant 0 : i32
    %dma_start3A_402 = tpu.memref_slice %arg10[%dma_start3A_391, %dma_start3A_400, %dma_start3A_401] : memref<2x2x50xi32, #tpu.memory_space<vmem>> -> memref<1x2x50xi32, #tpu.memory_space<vmem>>
    %dma_start3A_403 = tpu.memref_squeeze %dma_start3A_402 : memref<1x2x50xi32, #tpu.memory_space<vmem>> -> memref<2x50xi32, #tpu.memory_space<vmem>>
    %dma_start3A_404 = arith.constant 0 : i32
    %dma_start3A_405 = arith.constant 0 : i32
    %dma_start3A_406 = tpu.memref_slice %arg3[%add3A_390, %dma_start3A_404, %dma_start3A_405] : memref<6400x2x50xi32, #tpu.memory_space<hbm>> -> memref<1x2x50xi32, #tpu.memory_space<hbm>>
    %dma_start3A_407 = tpu.memref_squeeze %dma_start3A_406 : memref<1x2x50xi32, #tpu.memory_space<hbm>> -> memref<2x50xi32, #tpu.memory_space<hbm>>
    tpu.enqueue_dma source(%dma_start3A_407 : memref<2x50xi32, #tpu.memory_space<hbm>>) target(%dma_start3A_403 : memref<2x50xi32, #tpu.memory_space<vmem>>) target_semaphore(%arg21 : memref<!tpu.dma_semaphore, #tpu.memory_space<semaphore_mem>>)
    %scan3A = arith.constant 0 : i32
    %scan3A_408 = arith.constant 1 : i32
    %scan3A_409 = arith.constant 39 : i32
    %scan3A_410 = arith.addi %scan3A_408, %scan3A_409 : i32
    %scan3A_411 = arith.constant 1 : i32
    scf.for %scan3A_545 = %scan3A_408 to %scan3A_410 step %scan3A_411  : i32 {
      %mul3A_546 = arith.constant 5 : i32
      %mul3A_547 = arith.muli %scan3A_545, %mul3A_546 : i32
      %jit3A = arith.constant 2 : i32
      %eq3A = arith.constant 0 : i32
      %eq3A_548 = arith.cmpi eq, %jit3A, %eq3A : i32
      %jit3A_549 = arith.constant 1 : i32
      %select_n3A = arith.select %eq3A_548, %jit3A_549, %jit3A : i32
      %rem3A = arith.remsi %scan3A_545, %select_n3A : i32
      %ne3A = arith.constant 0 : i32
      %ne3A_550 = arith.cmpi ne, %rem3A, %ne3A : i32
      %lt3A = arith.constant 0 : i32
      %lt3A_551 = arith.cmpi slt, %rem3A, %lt3A : i32
      %lt3A_552 = arith.constant 0 : i32
      %lt3A_553 = arith.cmpi slt, %select_n3A, %lt3A_552 : i32
      %ne3A_554 = arith.xori %lt3A_551, %lt3A_553 : i1
      %and3A = arith.andi %ne3A_554, %ne3A_550 : i1
      %add3A_555 = arith.addi %rem3A, %select_n3A : i32
      %select_n3A_556 = arith.select %and3A, %add3A_555, %rem3A : i32
      %dma_wait3A_557 = arith.constant 0 : i32
      %dma_wait3A_558 = arith.constant 1 : i32
      %dma_wait3A_559 = arith.constant 0 : i32
      %dma_wait3A_560 = tpu.memref_slice %arg6[%dma_wait3A_557, %dma_wait3A_558, %dma_wait3A_559] : memref<2x2x50xi32, #tpu.memory_space<vmem>> -> memref<1x1x50xi32, #tpu.memory_space<vmem>>
      %dma_wait3A_561 = tpu.memref_squeeze %dma_wait3A_560 : memref<1x1x50xi32, #tpu.memory_space<vmem>> -> memref<50xi32, #tpu.memory_space<vmem>>
      %dma_wait3A_562 = arith.constant 0 : i32
      %dma_wait3A_563 = arith.constant 0 : i32
      %dma_wait3A_564 = tpu.memref_slice %arg16[%dma_wait3A_562, %dma_wait3A_563] : memref<10240x128xf32, #tpu.memory_space<vmem_shared>> -> memref<10240x128xf32, #tpu.memory_space<vmem_shared>>
      tpu.wait_indirect_dma semaphore(%arg27 : memref<!tpu.dma_semaphore, #tpu.memory_space<semaphore_mem>>) src(%arg11 : memref<50x128xf32, #tpu.memory_space<vmem>>) dst(%dma_wait3A_564 : memref<10240x128xf32, #tpu.memory_space<vmem_shared>>)
      %dma_wait3A_565 = arith.constant 0 : i32
      %dma_wait3A_566 = arith.constant 0 : i32
      %dma_wait3A_567 = arith.constant 0 : i32
      %dma_wait3A_568 = tpu.memref_slice %arg6[%dma_wait3A_565, %dma_wait3A_566, %dma_wait3A_567] : memref<2x2x50xi32, #tpu.memory_space<vmem>> -> memref<1x2x50xi32, #tpu.memory_space<vmem>>
      %dma_wait3A_569 = tpu.memref_squeeze %dma_wait3A_568 : memref<1x2x50xi32, #tpu.memory_space<vmem>> -> memref<2x50xi32, #tpu.memory_space<vmem>>
      %dma_wait3A_570 = arith.constant 0 : i32
      %dma_wait3A_571 = arith.constant 0 : i32
      %dma_wait3A_572 = tpu.memref_slice %arg3[%multiple_of3A_5, %dma_wait3A_570, %dma_wait3A_571] : memref<6400x2x50xi32, #tpu.memory_space<hbm>> -> memref<1x2x50xi32, #tpu.memory_space<hbm>>
      %dma_wait3A_573 = tpu.memref_squeeze %dma_wait3A_572 : memref<1x2x50xi32, #tpu.memory_space<hbm>> -> memref<2x50xi32, #tpu.memory_space<hbm>>
      %dma_wait3A_574 = arith.constant 0 : i32
      %dma_wait3A_575 = arith.constant 0 : i32
      %dma_wait3A_576 = tpu.memref_slice %arg6[%dma_wait3A_565, %dma_wait3A_574, %dma_wait3A_575] : memref<2x2x50xi32, #tpu.memory_space<vmem>> -> memref<1x2x50xi32, #tpu.memory_space<vmem>>
      %dma_wait3A_577 = tpu.memref_squeeze %dma_wait3A_576 : memref<1x2x50xi32, #tpu.memory_space<vmem>> -> memref<2x50xi32, #tpu.memory_space<vmem>>
      %dma_wait3A_578 = arith.constant 0 : i32
      %dma_wait3A_579 = arith.constant 0 : i32
      %dma_wait3A_580 = tpu.memref_slice %arg3[%multiple_of3A_5, %dma_wait3A_578, %dma_wait3A_579] : memref<6400x2x50xi32, #tpu.memory_space<hbm>> -> memref<1x2x50xi32, #tpu.memory_space<hbm>>
      %dma_wait3A_581 = tpu.memref_squeeze %dma_wait3A_580 : memref<1x2x50xi32, #tpu.memory_space<hbm>> -> memref<2x50xi32, #tpu.memory_space<hbm>>
      tpu.wait_dma2 semaphore(%arg17 : memref<!tpu.dma_semaphore, #tpu.memory_space<semaphore_mem>>) src(%dma_wait3A_581 : memref<2x50xi32, #tpu.memory_space<hbm>>) dst(%dma_wait3A_577 : memref<2x50xi32, #tpu.memory_space<vmem>>)
      %dma_start3A_582 = arith.constant 0 : i32
      %dma_start3A_583 = arith.constant 0 : i32
      %dma_start3A_584 = tpu.memref_slice %arg6[%select_n3A_556, %dma_start3A_582, %dma_start3A_583] : memref<2x2x50xi32, #tpu.memory_space<vmem>> -> memref<1x1x50xi32, #tpu.memory_space<vmem>>
      %dma_start3A_585 = tpu.memref_squeeze %dma_start3A_584 : memref<1x1x50xi32, #tpu.memory_space<vmem>> -> memref<50xi32, #tpu.memory_space<vmem>>
      %dma_start3A_586 = arith.constant 0 : i32
      %dma_start3A_587 = arith.constant 0 : i32
      %dma_start3A_588 = tpu.memref_slice %arg2[%dma_start3A_586, %dma_start3A_587] : memref<10000x128xf32, #tpu.memory_space<hbm>> -> memref<10000x128xf32, #tpu.memory_space<hbm>>
      tpu.enqueue_indirect_dma source(%dma_start3A_588 : memref<10000x128xf32, #tpu.memory_space<hbm>>) target(%arg11 : memref<50x128xf32, #tpu.memory_space<vmem>>) offsets(%dma_start3A_585 : memref<50xi32, #tpu.memory_space<vmem>>) semaphore(%arg22 : memref<!tpu.dma_semaphore, #tpu.memory_space<semaphore_mem>>)
      %dma_wait3A_589 = arith.constant 0 : i32
      %dma_wait3A_590 = arith.constant 1 : i32
      %dma_wait3A_591 = arith.constant 0 : i32
      %dma_wait3A_592 = tpu.memref_slice %arg7[%dma_wait3A_589, %dma_wait3A_590, %dma_wait3A_591] : memref<2x2x50xi32, #tpu.memory_space<vmem>> -> memref<1x1x50xi32, #tpu.memory_space<vmem>>
      %dma_wait3A_593 = tpu.memref_squeeze %dma_wait3A_592 : memref<1x1x50xi32, #tpu.memory_space<vmem>> -> memref<50xi32, #tpu.memory_space<vmem>>
      %dma_wait3A_594 = arith.constant 0 : i32
      %dma_wait3A_595 = arith.constant 0 : i32
      %dma_wait3A_596 = tpu.memref_slice %arg16[%dma_wait3A_594, %dma_wait3A_595] : memref<10240x128xf32, #tpu.memory_space<vmem_shared>> -> memref<10240x128xf32, #tpu.memory_space<vmem_shared>>
      tpu.wait_indirect_dma semaphore(%arg28 : memref<!tpu.dma_semaphore, #tpu.memory_space<semaphore_mem>>) src(%arg12 : memref<50x128xf32, #tpu.memory_space<vmem>>) dst(%dma_wait3A_596 : memref<10240x128xf32, #tpu.memory_space<vmem_shared>>)
      %dma_wait3A_597 = arith.constant 0 : i32
      %dma_wait3A_598 = arith.constant 0 : i32
      %dma_wait3A_599 = arith.constant 0 : i32
      %dma_wait3A_600 = tpu.memref_slice %arg7[%dma_wait3A_597, %dma_wait3A_598, %dma_wait3A_599] : memref<2x2x50xi32, #tpu.memory_space<vmem>> -> memref<1x2x50xi32, #tpu.memory_space<vmem>>
      %dma_wait3A_601 = tpu.memref_squeeze %dma_wait3A_600 : memref<1x2x50xi32, #tpu.memory_space<vmem>> -> memref<2x50xi32, #tpu.memory_space<vmem>>
      %dma_wait3A_602 = arith.constant 0 : i32
      %dma_wait3A_603 = arith.constant 0 : i32
      %dma_wait3A_604 = tpu.memref_slice %arg3[%multiple_of3A_5, %dma_wait3A_602, %dma_wait3A_603] : memref<6400x2x50xi32, #tpu.memory_space<hbm>> -> memref<1x2x50xi32, #tpu.memory_space<hbm>>
      %dma_wait3A_605 = tpu.memref_squeeze %dma_wait3A_604 : memref<1x2x50xi32, #tpu.memory_space<hbm>> -> memref<2x50xi32, #tpu.memory_space<hbm>>
      %dma_wait3A_606 = arith.constant 0 : i32
      %dma_wait3A_607 = arith.constant 0 : i32
      %dma_wait3A_608 = tpu.memref_slice %arg7[%dma_wait3A_597, %dma_wait3A_606, %dma_wait3A_607] : memref<2x2x50xi32, #tpu.memory_space<vmem>> -> memref<1x2x50xi32, #tpu.memory_space<vmem>>
      %dma_wait3A_609 = tpu.memref_squeeze %dma_wait3A_608 : memref<1x2x50xi32, #tpu.memory_space<vmem>> -> memref<2x50xi32, #tpu.memory_space<vmem>>
      %dma_wait3A_610 = arith.constant 0 : i32
      %dma_wait3A_611 = arith.constant 0 : i32
      %dma_wait3A_612 = tpu.memref_slice %arg3[%multiple_of3A_5, %dma_wait3A_610, %dma_wait3A_611] : memref<6400x2x50xi32, #tpu.memory_space<hbm>> -> memref<1x2x50xi32, #tpu.memory_space<hbm>>
      %dma_wait3A_613 = tpu.memref_squeeze %dma_wait3A_612 : memref<1x2x50xi32, #tpu.memory_space<hbm>> -> memref<2x50xi32, #tpu.memory_space<hbm>>
      tpu.wait_dma2 semaphore(%arg18 : memref<!tpu.dma_semaphore, #tpu.memory_space<semaphore_mem>>) src(%dma_wait3A_613 : memref<2x50xi32, #tpu.memory_space<hbm>>) dst(%dma_wait3A_609 : memref<2x50xi32, #tpu.memory_space<vmem>>)
      %dma_start3A_614 = arith.constant 0 : i32
      %dma_start3A_615 = arith.constant 0 : i32
      %dma_start3A_616 = tpu.memref_slice %arg7[%select_n3A_556, %dma_start3A_614, %dma_start3A_615] : memref<2x2x50xi32, #tpu.memory_space<vmem>> -> memref<1x1x50xi32, #tpu.memory_space<vmem>>
      %dma_start3A_617 = tpu.memref_squeeze %dma_start3A_616 : memref<1x1x50xi32, #tpu.memory_space<vmem>> -> memref<50xi32, #tpu.memory_space<vmem>>
      %dma_start3A_618 = arith.constant 0 : i32
      %dma_start3A_619 = arith.constant 0 : i32
      %dma_start3A_620 = tpu.memref_slice %arg2[%dma_start3A_618, %dma_start3A_619] : memref<10000x128xf32, #tpu.memory_space<hbm>> -> memref<10000x128xf32, #tpu.memory_space<hbm>>
      tpu.enqueue_indirect_dma source(%dma_start3A_620 : memref<10000x128xf32, #tpu.memory_space<hbm>>) target(%arg12 : memref<50x128xf32, #tpu.memory_space<vmem>>) offsets(%dma_start3A_617 : memref<50xi32, #tpu.memory_space<vmem>>) semaphore(%arg23 : memref<!tpu.dma_semaphore, #tpu.memory_space<semaphore_mem>>)
      %dma_wait3A_621 = arith.constant 0 : i32
      %dma_wait3A_622 = arith.constant 1 : i32
      %dma_wait3A_623 = arith.constant 0 : i32
      %dma_wait3A_624 = tpu.memref_slice %arg8[%dma_wait3A_621, %dma_wait3A_622, %dma_wait3A_623] : memref<2x2x50xi32, #tpu.memory_space<vmem>> -> memref<1x1x50xi32, #tpu.memory_space<vmem>>
      %dma_wait3A_625 = tpu.memref_squeeze %dma_wait3A_624 : memref<1x1x50xi32, #tpu.memory_space<vmem>> -> memref<50xi32, #tpu.memory_space<vmem>>
      %dma_wait3A_626 = arith.constant 0 : i32
      %dma_wait3A_627 = arith.constant 0 : i32
      %dma_wait3A_628 = tpu.memref_slice %arg16[%dma_wait3A_626, %dma_wait3A_627] : memref<10240x128xf32, #tpu.memory_space<vmem_shared>> -> memref<10240x128xf32, #tpu.memory_space<vmem_shared>>
      tpu.wait_indirect_dma semaphore(%arg29 : memref<!tpu.dma_semaphore, #tpu.memory_space<semaphore_mem>>) src(%arg13 : memref<50x128xf32, #tpu.memory_space<vmem>>) dst(%dma_wait3A_628 : memref<10240x128xf32, #tpu.memory_space<vmem_shared>>)
      %dma_wait3A_629 = arith.constant 0 : i32
      %dma_wait3A_630 = arith.constant 0 : i32
      %dma_wait3A_631 = arith.constant 0 : i32
      %dma_wait3A_632 = tpu.memref_slice %arg8[%dma_wait3A_629, %dma_wait3A_630, %dma_wait3A_631] : memref<2x2x50xi32, #tpu.memory_space<vmem>> -> memref<1x2x50xi32, #tpu.memory_space<vmem>>
      %dma_wait3A_633 = tpu.memref_squeeze %dma_wait3A_632 : memref<1x2x50xi32, #tpu.memory_space<vmem>> -> memref<2x50xi32, #tpu.memory_space<vmem>>
      %dma_wait3A_634 = arith.constant 0 : i32
      %dma_wait3A_635 = arith.constant 0 : i32
      %dma_wait3A_636 = tpu.memref_slice %arg3[%multiple_of3A_5, %dma_wait3A_634, %dma_wait3A_635] : memref<6400x2x50xi32, #tpu.memory_space<hbm>> -> memref<1x2x50xi32, #tpu.memory_space<hbm>>
      %dma_wait3A_637 = tpu.memref_squeeze %dma_wait3A_636 : memref<1x2x50xi32, #tpu.memory_space<hbm>> -> memref<2x50xi32, #tpu.memory_space<hbm>>
      %dma_wait3A_638 = arith.constant 0 : i32
      %dma_wait3A_639 = arith.constant 0 : i32
      %dma_wait3A_640 = tpu.memref_slice %arg8[%dma_wait3A_629, %dma_wait3A_638, %dma_wait3A_639] : memref<2x2x50xi32, #tpu.memory_space<vmem>> -> memref<1x2x50xi32, #tpu.memory_space<vmem>>
      %dma_wait3A_641 = tpu.memref_squeeze %dma_wait3A_640 : memref<1x2x50xi32, #tpu.memory_space<vmem>> -> memref<2x50xi32, #tpu.memory_space<vmem>>
      %dma_wait3A_642 = arith.constant 0 : i32
      %dma_wait3A_643 = arith.constant 0 : i32
      %dma_wait3A_644 = tpu.memref_slice %arg3[%multiple_of3A_5, %dma_wait3A_642, %dma_wait3A_643] : memref<6400x2x50xi32, #tpu.memory_space<hbm>> -> memref<1x2x50xi32, #tpu.memory_space<hbm>>
      %dma_wait3A_645 = tpu.memref_squeeze %dma_wait3A_644 : memref<1x2x50xi32, #tpu.memory_space<hbm>> -> memref<2x50xi32, #tpu.memory_space<hbm>>
      tpu.wait_dma2 semaphore(%arg19 : memref<!tpu.dma_semaphore, #tpu.memory_space<semaphore_mem>>) src(%dma_wait3A_645 : memref<2x50xi32, #tpu.memory_space<hbm>>) dst(%dma_wait3A_641 : memref<2x50xi32, #tpu.memory_space<vmem>>)
      %dma_start3A_646 = arith.constant 0 : i32
      %dma_start3A_647 = arith.constant 0 : i32
      %dma_start3A_648 = tpu.memref_slice %arg8[%select_n3A_556, %dma_start3A_646, %dma_start3A_647] : memref<2x2x50xi32, #tpu.memory_space<vmem>> -> memref<1x1x50xi32, #tpu.memory_space<vmem>>
      %dma_start3A_649 = tpu.memref_squeeze %dma_start3A_648 : memref<1x1x50xi32, #tpu.memory_space<vmem>> -> memref<50xi32, #tpu.memory_space<vmem>>
      %dma_start3A_650 = arith.constant 0 : i32
      %dma_start3A_651 = arith.constant 0 : i32
      %dma_start3A_652 = tpu.memref_slice %arg2[%dma_start3A_650, %dma_start3A_651] : memref<10000x128xf32, #tpu.memory_space<hbm>> -> memref<10000x128xf32, #tpu.memory_space<hbm>>
      tpu.enqueue_indirect_dma source(%dma_start3A_652 : memref<10000x128xf32, #tpu.memory_space<hbm>>) target(%arg13 : memref<50x128xf32, #tpu.memory_space<vmem>>) offsets(%dma_start3A_649 : memref<50xi32, #tpu.memory_space<vmem>>) semaphore(%arg24 : memref<!tpu.dma_semaphore, #tpu.memory_space<semaphore_mem>>)
      %dma_wait3A_653 = arith.constant 0 : i32
      %dma_wait3A_654 = arith.constant 1 : i32
      %dma_wait3A_655 = arith.constant 0 : i32
      %dma_wait3A_656 = tpu.memref_slice %arg9[%dma_wait3A_653, %dma_wait3A_654, %dma_wait3A_655] : memref<2x2x50xi32, #tpu.memory_space<vmem>> -> memref<1x1x50xi32, #tpu.memory_space<vmem>>
      %dma_wait3A_657 = tpu.memref_squeeze %dma_wait3A_656 : memref<1x1x50xi32, #tpu.memory_space<vmem>> -> memref<50xi32, #tpu.memory_space<vmem>>
      %dma_wait3A_658 = arith.constant 0 : i32
      %dma_wait3A_659 = arith.constant 0 : i32
      %dma_wait3A_660 = tpu.memref_slice %arg16[%dma_wait3A_658, %dma_wait3A_659] : memref<10240x128xf32, #tpu.memory_space<vmem_shared>> -> memref<10240x128xf32, #tpu.memory_space<vmem_shared>>
      tpu.wait_indirect_dma semaphore(%arg30 : memref<!tpu.dma_semaphore, #tpu.memory_space<semaphore_mem>>) src(%arg14 : memref<50x128xf32, #tpu.memory_space<vmem>>) dst(%dma_wait3A_660 : memref<10240x128xf32, #tpu.memory_space<vmem_shared>>)
      %dma_wait3A_661 = arith.constant 0 : i32
      %dma_wait3A_662 = arith.constant 0 : i32
      %dma_wait3A_663 = arith.constant 0 : i32
      %dma_wait3A_664 = tpu.memref_slice %arg9[%dma_wait3A_661, %dma_wait3A_662, %dma_wait3A_663] : memref<2x2x50xi32, #tpu.memory_space<vmem>> -> memref<1x2x50xi32, #tpu.memory_space<vmem>>
      %dma_wait3A_665 = tpu.memref_squeeze %dma_wait3A_664 : memref<1x2x50xi32, #tpu.memory_space<vmem>> -> memref<2x50xi32, #tpu.memory_space<vmem>>
      %dma_wait3A_666 = arith.constant 0 : i32
      %dma_wait3A_667 = arith.constant 0 : i32
      %dma_wait3A_668 = tpu.memref_slice %arg3[%multiple_of3A_5, %dma_wait3A_666, %dma_wait3A_667] : memref<6400x2x50xi32, #tpu.memory_space<hbm>> -> memref<1x2x50xi32, #tpu.memory_space<hbm>>
      %dma_wait3A_669 = tpu.memref_squeeze %dma_wait3A_668 : memref<1x2x50xi32, #tpu.memory_space<hbm>> -> memref<2x50xi32, #tpu.memory_space<hbm>>
      %dma_wait3A_670 = arith.constant 0 : i32
      %dma_wait3A_671 = arith.constant 0 : i32
      %dma_wait3A_672 = tpu.memref_slice %arg9[%dma_wait3A_661, %dma_wait3A_670, %dma_wait3A_671] : memref<2x2x50xi32, #tpu.memory_space<vmem>> -> memref<1x2x50xi32, #tpu.memory_space<vmem>>
      %dma_wait3A_673 = tpu.memref_squeeze %dma_wait3A_672 : memref<1x2x50xi32, #tpu.memory_space<vmem>> -> memref<2x50xi32, #tpu.memory_space<vmem>>
      %dma_wait3A_674 = arith.constant 0 : i32
      %dma_wait3A_675 = arith.constant 0 : i32
      %dma_wait3A_676 = tpu.memref_slice %arg3[%multiple_of3A_5, %dma_wait3A_674, %dma_wait3A_675] : memref<6400x2x50xi32, #tpu.memory_space<hbm>> -> memref<1x2x50xi32, #tpu.memory_space<hbm>>
      %dma_wait3A_677 = tpu.memref_squeeze %dma_wait3A_676 : memref<1x2x50xi32, #tpu.memory_space<hbm>> -> memref<2x50xi32, #tpu.memory_space<hbm>>
      tpu.wait_dma2 semaphore(%arg20 : memref<!tpu.dma_semaphore, #tpu.memory_space<semaphore_mem>>) src(%dma_wait3A_677 : memref<2x50xi32, #tpu.memory_space<hbm>>) dst(%dma_wait3A_673 : memref<2x50xi32, #tpu.memory_space<vmem>>)
      %dma_start3A_678 = arith.constant 0 : i32
      %dma_start3A_679 = arith.constant 0 : i32
      %dma_start3A_680 = tpu.memref_slice %arg9[%select_n3A_556, %dma_start3A_678, %dma_start3A_679] : memref<2x2x50xi32, #tpu.memory_space<vmem>> -> memref<1x1x50xi32, #tpu.memory_space<vmem>>
      %dma_start3A_681 = tpu.memref_squeeze %dma_start3A_680 : memref<1x1x50xi32, #tpu.memory_space<vmem>> -> memref<50xi32, #tpu.memory_space<vmem>>
      %dma_start3A_682 = arith.constant 0 : i32
      %dma_start3A_683 = arith.constant 0 : i32
      %dma_start3A_684 = tpu.memref_slice %arg2[%dma_start3A_682, %dma_start3A_683] : memref<10000x128xf32, #tpu.memory_space<hbm>> -> memref<10000x128xf32, #tpu.memory_space<hbm>>
      tpu.enqueue_indirect_dma source(%dma_start3A_684 : memref<10000x128xf32, #tpu.memory_space<hbm>>) target(%arg14 : memref<50x128xf32, #tpu.memory_space<vmem>>) offsets(%dma_start3A_681 : memref<50xi32, #tpu.memory_space<vmem>>) semaphore(%arg25 : memref<!tpu.dma_semaphore, #tpu.memory_space<semaphore_mem>>)
      %dma_wait3A_685 = arith.constant 0 : i32
      %dma_wait3A_686 = arith.constant 1 : i32
      %dma_wait3A_687 = arith.constant 0 : i32
      %dma_wait3A_688 = tpu.memref_slice %arg10[%dma_wait3A_685, %dma_wait3A_686, %dma_wait3A_687] : memref<2x2x50xi32, #tpu.memory_space<vmem>> -> memref<1x1x50xi32, #tpu.memory_space<vmem>>
      %dma_wait3A_689 = tpu.memref_squeeze %dma_wait3A_688 : memref<1x1x50xi32, #tpu.memory_space<vmem>> -> memref<50xi32, #tpu.memory_space<vmem>>
      %dma_wait3A_690 = arith.constant 0 : i32
      %dma_wait3A_691 = arith.constant 0 : i32
      %dma_wait3A_692 = tpu.memref_slice %arg16[%dma_wait3A_690, %dma_wait3A_691] : memref<10240x128xf32, #tpu.memory_space<vmem_shared>> -> memref<10240x128xf32, #tpu.memory_space<vmem_shared>>
      tpu.wait_indirect_dma semaphore(%arg31 : memref<!tpu.dma_semaphore, #tpu.memory_space<semaphore_mem>>) src(%arg15 : memref<50x128xf32, #tpu.memory_space<vmem>>) dst(%dma_wait3A_692 : memref<10240x128xf32, #tpu.memory_space<vmem_shared>>)
      %dma_wait3A_693 = arith.constant 0 : i32
      %dma_wait3A_694 = arith.constant 0 : i32
      %dma_wait3A_695 = arith.constant 0 : i32
      %dma_wait3A_696 = tpu.memref_slice %arg10[%dma_wait3A_693, %dma_wait3A_694, %dma_wait3A_695] : memref<2x2x50xi32, #tpu.memory_space<vmem>> -> memref<1x2x50xi32, #tpu.memory_space<vmem>>
      %dma_wait3A_697 = tpu.memref_squeeze %dma_wait3A_696 : memref<1x2x50xi32, #tpu.memory_space<vmem>> -> memref<2x50xi32, #tpu.memory_space<vmem>>
      %dma_wait3A_698 = arith.constant 0 : i32
      %dma_wait3A_699 = arith.constant 0 : i32
      %dma_wait3A_700 = tpu.memref_slice %arg3[%multiple_of3A_5, %dma_wait3A_698, %dma_wait3A_699] : memref<6400x2x50xi32, #tpu.memory_space<hbm>> -> memref<1x2x50xi32, #tpu.memory_space<hbm>>
      %dma_wait3A_701 = tpu.memref_squeeze %dma_wait3A_700 : memref<1x2x50xi32, #tpu.memory_space<hbm>> -> memref<2x50xi32, #tpu.memory_space<hbm>>
      %dma_wait3A_702 = arith.constant 0 : i32
      %dma_wait3A_703 = arith.constant 0 : i32
      %dma_wait3A_704 = tpu.memref_slice %arg10[%dma_wait3A_693, %dma_wait3A_702, %dma_wait3A_703] : memref<2x2x50xi32, #tpu.memory_space<vmem>> -> memref<1x2x50xi32, #tpu.memory_space<vmem>>
      %dma_wait3A_705 = tpu.memref_squeeze %dma_wait3A_704 : memref<1x2x50xi32, #tpu.memory_space<vmem>> -> memref<2x50xi32, #tpu.memory_space<vmem>>
      %dma_wait3A_706 = arith.constant 0 : i32
      %dma_wait3A_707 = arith.constant 0 : i32
      %dma_wait3A_708 = tpu.memref_slice %arg3[%multiple_of3A_5, %dma_wait3A_706, %dma_wait3A_707] : memref<6400x2x50xi32, #tpu.memory_space<hbm>> -> memref<1x2x50xi32, #tpu.memory_space<hbm>>
      %dma_wait3A_709 = tpu.memref_squeeze %dma_wait3A_708 : memref<1x2x50xi32, #tpu.memory_space<hbm>> -> memref<2x50xi32, #tpu.memory_space<hbm>>
      tpu.wait_dma2 semaphore(%arg21 : memref<!tpu.dma_semaphore, #tpu.memory_space<semaphore_mem>>) src(%dma_wait3A_709 : memref<2x50xi32, #tpu.memory_space<hbm>>) dst(%dma_wait3A_705 : memref<2x50xi32, #tpu.memory_space<vmem>>)
      %dma_start3A_710 = arith.constant 0 : i32
      %dma_start3A_711 = arith.constant 0 : i32
      %dma_start3A_712 = tpu.memref_slice %arg10[%select_n3A_556, %dma_start3A_710, %dma_start3A_711] : memref<2x2x50xi32, #tpu.memory_space<vmem>> -> memref<1x1x50xi32, #tpu.memory_space<vmem>>
      %dma_start3A_713 = tpu.memref_squeeze %dma_start3A_712 : memref<1x1x50xi32, #tpu.memory_space<vmem>> -> memref<50xi32, #tpu.memory_space<vmem>>
      %dma_start3A_714 = arith.constant 0 : i32
      %dma_start3A_715 = arith.constant 0 : i32
      %dma_start3A_716 = tpu.memref_slice %arg2[%dma_start3A_714, %dma_start3A_715] : memref<10000x128xf32, #tpu.memory_space<hbm>> -> memref<10000x128xf32, #tpu.memory_space<hbm>>
      tpu.enqueue_indirect_dma source(%dma_start3A_716 : memref<10000x128xf32, #tpu.memory_space<hbm>>) target(%arg15 : memref<50x128xf32, #tpu.memory_space<vmem>>) offsets(%dma_start3A_713 : memref<50xi32, #tpu.memory_space<vmem>>) semaphore(%arg26 : memref<!tpu.dma_semaphore, #tpu.memory_space<semaphore_mem>>)
      %dma_wait3A_717 = arith.constant 0 : i32
      %dma_wait3A_718 = arith.constant 0 : i32
      %dma_wait3A_719 = tpu.memref_slice %arg6[%select_n3A_556, %dma_wait3A_717, %dma_wait3A_718] : memref<2x2x50xi32, #tpu.memory_space<vmem>> -> memref<1x1x50xi32, #tpu.memory_space<vmem>>
      %dma_wait3A_720 = tpu.memref_squeeze %dma_wait3A_719 : memref<1x1x50xi32, #tpu.memory_space<vmem>> -> memref<50xi32, #tpu.memory_space<vmem>>
      %dma_wait3A_721 = arith.constant 0 : i32
      %dma_wait3A_722 = arith.constant 0 : i32
      %dma_wait3A_723 = tpu.memref_slice %arg2[%dma_wait3A_721, %dma_wait3A_722] : memref<10000x128xf32, #tpu.memory_space<hbm>> -> memref<10000x128xf32, #tpu.memory_space<hbm>>
      tpu.wait_indirect_dma semaphore(%arg22 : memref<!tpu.dma_semaphore, #tpu.memory_space<semaphore_mem>>) src(%dma_wait3A_723 : memref<10000x128xf32, #tpu.memory_space<hbm>>) dst(%arg11 : memref<50x128xf32, #tpu.memory_space<vmem>>)
      %dma_start3A_724 = arith.constant 1 : i32
      %dma_start3A_725 = arith.constant 0 : i32
      %dma_start3A_726 = tpu.memref_slice %arg6[%select_n3A_556, %dma_start3A_724, %dma_start3A_725] : memref<2x2x50xi32, #tpu.memory_space<vmem>> -> memref<1x1x50xi32, #tpu.memory_space<vmem>>
      %dma_start3A_727 = tpu.memref_squeeze %dma_start3A_726 : memref<1x1x50xi32, #tpu.memory_space<vmem>> -> memref<50xi32, #tpu.memory_space<vmem>>
      %dma_start3A_728 = arith.constant 0 : i32
      %dma_start3A_729 = arith.constant 0 : i32
      %dma_start3A_730 = tpu.memref_slice %arg16[%dma_start3A_728, %dma_start3A_729] : memref<10240x128xf32, #tpu.memory_space<vmem_shared>> -> memref<10240x128xf32, #tpu.memory_space<vmem_shared>>
      tpu.enqueue_indirect_dma source(%arg11 : memref<50x128xf32, #tpu.memory_space<vmem>>) target(%dma_start3A_730 : memref<10240x128xf32, #tpu.memory_space<vmem_shared>>) offsets(%dma_start3A_727 : memref<50xi32, #tpu.memory_space<vmem>>) semaphore(%arg27 : memref<!tpu.dma_semaphore, #tpu.memory_space<semaphore_mem>>) {add = true}
      %add3A_731 = arith.constant 5 : i32
      %add3A_732 = arith.addi %mul3A_547, %add3A_731 : i32
      %add3A_733 = arith.constant 0 : i32
      %add3A_734 = arith.addi %add3A_732, %add3A_733 : i32
      %min3A_735 = arith.constant 199 : i32
      %min3A_736 = arith.minsi %add3A_734, %min3A_735 : i32
      %sub3A = arith.constant 1 : i32
      %sub3A_737 = arith.subi %sub3A, %select_n3A_556 : i32
      %add3A_738 = arith.addi %multiple_of3A_5, %min3A_736 : i32
      %dma_start3A_739 = arith.constant 0 : i32
      %dma_start3A_740 = arith.constant 0 : i32
      %dma_start3A_741 = tpu.memref_slice %arg6[%sub3A_737, %dma_start3A_739, %dma_start3A_740] : memref<2x2x50xi32, #tpu.memory_space<vmem>> -> memref<1x2x50xi32, #tpu.memory_space<vmem>>
      %dma_start3A_742 = tpu.memref_squeeze %dma_start3A_741 : memref<1x2x50xi32, #tpu.memory_space<vmem>> -> memref<2x50xi32, #tpu.memory_space<vmem>>
      %dma_start3A_743 = arith.constant 0 : i32
      %dma_start3A_744 = arith.constant 0 : i32
      %dma_start3A_745 = tpu.memref_slice %arg3[%add3A_738, %dma_start3A_743, %dma_start3A_744] : memref<6400x2x50xi32, #tpu.memory_space<hbm>> -> memref<1x2x50xi32, #tpu.memory_space<hbm>>
      %dma_start3A_746 = tpu.memref_squeeze %dma_start3A_745 : memref<1x2x50xi32, #tpu.memory_space<hbm>> -> memref<2x50xi32, #tpu.memory_space<hbm>>
      %dma_start3A_747 = arith.constant 0 : i32
      %dma_start3A_748 = arith.constant 0 : i32
      %dma_start3A_749 = tpu.memref_slice %arg6[%sub3A_737, %dma_start3A_747, %dma_start3A_748] : memref<2x2x50xi32, #tpu.memory_space<vmem>> -> memref<1x2x50xi32, #tpu.memory_space<vmem>>
      %dma_start3A_750 = tpu.memref_squeeze %dma_start3A_749 : memref<1x2x50xi32, #tpu.memory_space<vmem>> -> memref<2x50xi32, #tpu.memory_space<vmem>>
      %dma_start3A_751 = arith.constant 0 : i32
      %dma_start3A_752 = arith.constant 0 : i32
      %dma_start3A_753 = tpu.memref_slice %arg3[%add3A_738, %dma_start3A_751, %dma_start3A_752] : memref<6400x2x50xi32, #tpu.memory_space<hbm>> -> memref<1x2x50xi32, #tpu.memory_space<hbm>>
      %dma_start3A_754 = tpu.memref_squeeze %dma_start3A_753 : memref<1x2x50xi32, #tpu.memory_space<hbm>> -> memref<2x50xi32, #tpu.memory_space<hbm>>
      tpu.enqueue_dma source(%dma_start3A_754 : memref<2x50xi32, #tpu.memory_space<hbm>>) target(%dma_start3A_750 : memref<2x50xi32, #tpu.memory_space<vmem>>) target_semaphore(%arg17 : memref<!tpu.dma_semaphore, #tpu.memory_space<semaphore_mem>>)
      %dma_wait3A_755 = arith.constant 0 : i32
      %dma_wait3A_756 = arith.constant 0 : i32
      %dma_wait3A_757 = tpu.memref_slice %arg7[%select_n3A_556, %dma_wait3A_755, %dma_wait3A_756] : memref<2x2x50xi32, #tpu.memory_space<vmem>> -> memref<1x1x50xi32, #tpu.memory_space<vmem>>
      %dma_wait3A_758 = tpu.memref_squeeze %dma_wait3A_757 : memref<1x1x50xi32, #tpu.memory_space<vmem>> -> memref<50xi32, #tpu.memory_space<vmem>>
      %dma_wait3A_759 = arith.constant 0 : i32
      %dma_wait3A_760 = arith.constant 0 : i32
      %dma_wait3A_761 = tpu.memref_slice %arg2[%dma_wait3A_759, %dma_wait3A_760] : memref<10000x128xf32, #tpu.memory_space<hbm>> -> memref<10000x128xf32, #tpu.memory_space<hbm>>
      tpu.wait_indirect_dma semaphore(%arg23 : memref<!tpu.dma_semaphore, #tpu.memory_space<semaphore_mem>>) src(%dma_wait3A_761 : memref<10000x128xf32, #tpu.memory_space<hbm>>) dst(%arg12 : memref<50x128xf32, #tpu.memory_space<vmem>>)
      %dma_start3A_762 = arith.constant 1 : i32
      %dma_start3A_763 = arith.constant 0 : i32
      %dma_start3A_764 = tpu.memref_slice %arg7[%select_n3A_556, %dma_start3A_762, %dma_start3A_763] : memref<2x2x50xi32, #tpu.memory_space<vmem>> -> memref<1x1x50xi32, #tpu.memory_space<vmem>>
      %dma_start3A_765 = tpu.memref_squeeze %dma_start3A_764 : memref<1x1x50xi32, #tpu.memory_space<vmem>> -> memref<50xi32, #tpu.memory_space<vmem>>
      %dma_start3A_766 = arith.constant 0 : i32
      %dma_start3A_767 = arith.constant 0 : i32
      %dma_start3A_768 = tpu.memref_slice %arg16[%dma_start3A_766, %dma_start3A_767] : memref<10240x128xf32, #tpu.memory_space<vmem_shared>> -> memref<10240x128xf32, #tpu.memory_space<vmem_shared>>
      tpu.enqueue_indirect_dma source(%arg12 : memref<50x128xf32, #tpu.memory_space<vmem>>) target(%dma_start3A_768 : memref<10240x128xf32, #tpu.memory_space<vmem_shared>>) offsets(%dma_start3A_765 : memref<50xi32, #tpu.memory_space<vmem>>) semaphore(%arg28 : memref<!tpu.dma_semaphore, #tpu.memory_space<semaphore_mem>>) {add = true}
      %add3A_769 = arith.constant 5 : i32
      %add3A_770 = arith.addi %mul3A_547, %add3A_769 : i32
      %add3A_771 = arith.constant 1 : i32
      %add3A_772 = arith.addi %add3A_770, %add3A_771 : i32
      %min3A_773 = arith.constant 199 : i32
      %min3A_774 = arith.minsi %add3A_772, %min3A_773 : i32
      %sub3A_775 = arith.constant 1 : i32
      %sub3A_776 = arith.subi %sub3A_775, %select_n3A_556 : i32
      %add3A_777 = arith.addi %multiple_of3A_5, %min3A_774 : i32
      %dma_start3A_778 = arith.constant 0 : i32
      %dma_start3A_779 = arith.constant 0 : i32
      %dma_start3A_780 = tpu.memref_slice %arg7[%sub3A_776, %dma_start3A_778, %dma_start3A_779] : memref<2x2x50xi32, #tpu.memory_space<vmem>> -> memref<1x2x50xi32, #tpu.memory_space<vmem>>
      %dma_start3A_781 = tpu.memref_squeeze %dma_start3A_780 : memref<1x2x50xi32, #tpu.memory_space<vmem>> -> memref<2x50xi32, #tpu.memory_space<vmem>>
      %dma_start3A_782 = arith.constant 0 : i32
      %dma_start3A_783 = arith.constant 0 : i32
      %dma_start3A_784 = tpu.memref_slice %arg3[%add3A_777, %dma_start3A_782, %dma_start3A_783] : memref<6400x2x50xi32, #tpu.memory_space<hbm>> -> memref<1x2x50xi32, #tpu.memory_space<hbm>>
      %dma_start3A_785 = tpu.memref_squeeze %dma_start3A_784 : memref<1x2x50xi32, #tpu.memory_space<hbm>> -> memref<2x50xi32, #tpu.memory_space<hbm>>
      %dma_start3A_786 = arith.constant 0 : i32
      %dma_start3A_787 = arith.constant 0 : i32
      %dma_start3A_788 = tpu.memref_slice %arg7[%sub3A_776, %dma_start3A_786, %dma_start3A_787] : memref<2x2x50xi32, #tpu.memory_space<vmem>> -> memref<1x2x50xi32, #tpu.memory_space<vmem>>
      %dma_start3A_789 = tpu.memref_squeeze %dma_start3A_788 : memref<1x2x50xi32, #tpu.memory_space<vmem>> -> memref<2x50xi32, #tpu.memory_space<vmem>>
      %dma_start3A_790 = arith.constant 0 : i32
      %dma_start3A_791 = arith.constant 0 : i32
      %dma_start3A_792 = tpu.memref_slice %arg3[%add3A_777, %dma_start3A_790, %dma_start3A_791] : memref<6400x2x50xi32, #tpu.memory_space<hbm>> -> memref<1x2x50xi32, #tpu.memory_space<hbm>>
      %dma_start3A_793 = tpu.memref_squeeze %dma_start3A_792 : memref<1x2x50xi32, #tpu.memory_space<hbm>> -> memref<2x50xi32, #tpu.memory_space<hbm>>
      tpu.enqueue_dma source(%dma_start3A_793 : memref<2x50xi32, #tpu.memory_space<hbm>>) target(%dma_start3A_789 : memref<2x50xi32, #tpu.memory_space<vmem>>) target_semaphore(%arg18 : memref<!tpu.dma_semaphore, #tpu.memory_space<semaphore_mem>>)
      %dma_wait3A_794 = arith.constant 0 : i32
      %dma_wait3A_795 = arith.constant 0 : i32
      %dma_wait3A_796 = tpu.memref_slice %arg8[%select_n3A_556, %dma_wait3A_794, %dma_wait3A_795] : memref<2x2x50xi32, #tpu.memory_space<vmem>> -> memref<1x1x50xi32, #tpu.memory_space<vmem>>
      %dma_wait3A_797 = tpu.memref_squeeze %dma_wait3A_796 : memref<1x1x50xi32, #tpu.memory_space<vmem>> -> memref<50xi32, #tpu.memory_space<vmem>>
      %dma_wait3A_798 = arith.constant 0 : i32
      %dma_wait3A_799 = arith.constant 0 : i32
      %dma_wait3A_800 = tpu.memref_slice %arg2[%dma_wait3A_798, %dma_wait3A_799] : memref<10000x128xf32, #tpu.memory_space<hbm>> -> memref<10000x128xf32, #tpu.memory_space<hbm>>
      tpu.wait_indirect_dma semaphore(%arg24 : memref<!tpu.dma_semaphore, #tpu.memory_space<semaphore_mem>>) src(%dma_wait3A_800 : memref<10000x128xf32, #tpu.memory_space<hbm>>) dst(%arg13 : memref<50x128xf32, #tpu.memory_space<vmem>>)
      %dma_start3A_801 = arith.constant 1 : i32
      %dma_start3A_802 = arith.constant 0 : i32
      %dma_start3A_803 = tpu.memref_slice %arg8[%select_n3A_556, %dma_start3A_801, %dma_start3A_802] : memref<2x2x50xi32, #tpu.memory_space<vmem>> -> memref<1x1x50xi32, #tpu.memory_space<vmem>>
      %dma_start3A_804 = tpu.memref_squeeze %dma_start3A_803 : memref<1x1x50xi32, #tpu.memory_space<vmem>> -> memref<50xi32, #tpu.memory_space<vmem>>
      %dma_start3A_805 = arith.constant 0 : i32
      %dma_start3A_806 = arith.constant 0 : i32
      %dma_start3A_807 = tpu.memref_slice %arg16[%dma_start3A_805, %dma_start3A_806] : memref<10240x128xf32, #tpu.memory_space<vmem_shared>> -> memref<10240x128xf32, #tpu.memory_space<vmem_shared>>
      tpu.enqueue_indirect_dma source(%arg13 : memref<50x128xf32, #tpu.memory_space<vmem>>) target(%dma_start3A_807 : memref<10240x128xf32, #tpu.memory_space<vmem_shared>>) offsets(%dma_start3A_804 : memref<50xi32, #tpu.memory_space<vmem>>) semaphore(%arg29 : memref<!tpu.dma_semaphore, #tpu.memory_space<semaphore_mem>>) {add = true}
      %add3A_808 = arith.constant 5 : i32
      %add3A_809 = arith.addi %mul3A_547, %add3A_808 : i32
      %add3A_810 = arith.constant 2 : i32
      %add3A_811 = arith.addi %add3A_809, %add3A_810 : i32
      %min3A_812 = arith.constant 199 : i32
      %min3A_813 = arith.minsi %add3A_811, %min3A_812 : i32
      %sub3A_814 = arith.constant 1 : i32
      %sub3A_815 = arith.subi %sub3A_814, %select_n3A_556 : i32
      %add3A_816 = arith.addi %multiple_of3A_5, %min3A_813 : i32
      %dma_start3A_817 = arith.constant 0 : i32
      %dma_start3A_818 = arith.constant 0 : i32
      %dma_start3A_819 = tpu.memref_slice %arg8[%sub3A_815, %dma_start3A_817, %dma_start3A_818] : memref<2x2x50xi32, #tpu.memory_space<vmem>> -> memref<1x2x50xi32, #tpu.memory_space<vmem>>
      %dma_start3A_820 = tpu.memref_squeeze %dma_start3A_819 : memref<1x2x50xi32, #tpu.memory_space<vmem>> -> memref<2x50xi32, #tpu.memory_space<vmem>>
      %dma_start3A_821 = arith.constant 0 : i32
      %dma_start3A_822 = arith.constant 0 : i32
      %dma_start3A_823 = tpu.memref_slice %arg3[%add3A_816, %dma_start3A_821, %dma_start3A_822] : memref<6400x2x50xi32, #tpu.memory_space<hbm>> -> memref<1x2x50xi32, #tpu.memory_space<hbm>>
      %dma_start3A_824 = tpu.memref_squeeze %dma_start3A_823 : memref<1x2x50xi32, #tpu.memory_space<hbm>> -> memref<2x50xi32, #tpu.memory_space<hbm>>
      %dma_start3A_825 = arith.constant 0 : i32
      %dma_start3A_826 = arith.constant 0 : i32
      %dma_start3A_827 = tpu.memref_slice %arg8[%sub3A_815, %dma_start3A_825, %dma_start3A_826] : memref<2x2x50xi32, #tpu.memory_space<vmem>> -> memref<1x2x50xi32, #tpu.memory_space<vmem>>
      %dma_start3A_828 = tpu.memref_squeeze %dma_start3A_827 : memref<1x2x50xi32, #tpu.memory_space<vmem>> -> memref<2x50xi32, #tpu.memory_space<vmem>>
      %dma_start3A_829 = arith.constant 0 : i32
      %dma_start3A_830 = arith.constant 0 : i32
      %dma_start3A_831 = tpu.memref_slice %arg3[%add3A_816, %dma_start3A_829, %dma_start3A_830] : memref<6400x2x50xi32, #tpu.memory_space<hbm>> -> memref<1x2x50xi32, #tpu.memory_space<hbm>>
      %dma_start3A_832 = tpu.memref_squeeze %dma_start3A_831 : memref<1x2x50xi32, #tpu.memory_space<hbm>> -> memref<2x50xi32, #tpu.memory_space<hbm>>
      tpu.enqueue_dma source(%dma_start3A_832 : memref<2x50xi32, #tpu.memory_space<hbm>>) target(%dma_start3A_828 : memref<2x50xi32, #tpu.memory_space<vmem>>) target_semaphore(%arg19 : memref<!tpu.dma_semaphore, #tpu.memory_space<semaphore_mem>>)
      %dma_wait3A_833 = arith.constant 0 : i32
      %dma_wait3A_834 = arith.constant 0 : i32
      %dma_wait3A_835 = tpu.memref_slice %arg9[%select_n3A_556, %dma_wait3A_833, %dma_wait3A_834] : memref<2x2x50xi32, #tpu.memory_space<vmem>> -> memref<1x1x50xi32, #tpu.memory_space<vmem>>
      %dma_wait3A_836 = tpu.memref_squeeze %dma_wait3A_835 : memref<1x1x50xi32, #tpu.memory_space<vmem>> -> memref<50xi32, #tpu.memory_space<vmem>>
      %dma_wait3A_837 = arith.constant 0 : i32
      %dma_wait3A_838 = arith.constant 0 : i32
      %dma_wait3A_839 = tpu.memref_slice %arg2[%dma_wait3A_837, %dma_wait3A_838] : memref<10000x128xf32, #tpu.memory_space<hbm>> -> memref<10000x128xf32, #tpu.memory_space<hbm>>
      tpu.wait_indirect_dma semaphore(%arg25 : memref<!tpu.dma_semaphore, #tpu.memory_space<semaphore_mem>>) src(%dma_wait3A_839 : memref<10000x128xf32, #tpu.memory_space<hbm>>) dst(%arg14 : memref<50x128xf32, #tpu.memory_space<vmem>>)
      %dma_start3A_840 = arith.constant 1 : i32
      %dma_start3A_841 = arith.constant 0 : i32
      %dma_start3A_842 = tpu.memref_slice %arg9[%select_n3A_556, %dma_start3A_840, %dma_start3A_841] : memref<2x2x50xi32, #tpu.memory_space<vmem>> -> memref<1x1x50xi32, #tpu.memory_space<vmem>>
      %dma_start3A_843 = tpu.memref_squeeze %dma_start3A_842 : memref<1x1x50xi32, #tpu.memory_space<vmem>> -> memref<50xi32, #tpu.memory_space<vmem>>
      %dma_start3A_844 = arith.constant 0 : i32
      %dma_start3A_845 = arith.constant 0 : i32
      %dma_start3A_846 = tpu.memref_slice %arg16[%dma_start3A_844, %dma_start3A_845] : memref<10240x128xf32, #tpu.memory_space<vmem_shared>> -> memref<10240x128xf32, #tpu.memory_space<vmem_shared>>
      tpu.enqueue_indirect_dma source(%arg14 : memref<50x128xf32, #tpu.memory_space<vmem>>) target(%dma_start3A_846 : memref<10240x128xf32, #tpu.memory_space<vmem_shared>>) offsets(%dma_start3A_843 : memref<50xi32, #tpu.memory_space<vmem>>) semaphore(%arg30 : memref<!tpu.dma_semaphore, #tpu.memory_space<semaphore_mem>>) {add = true}
      %add3A_847 = arith.constant 5 : i32
      %add3A_848 = arith.addi %mul3A_547, %add3A_847 : i32
      %add3A_849 = arith.constant 3 : i32
      %add3A_850 = arith.addi %add3A_848, %add3A_849 : i32
      %min3A_851 = arith.constant 199 : i32
      %min3A_852 = arith.minsi %add3A_850, %min3A_851 : i32
      %sub3A_853 = arith.constant 1 : i32
      %sub3A_854 = arith.subi %sub3A_853, %select_n3A_556 : i32
      %add3A_855 = arith.addi %multiple_of3A_5, %min3A_852 : i32
      %dma_start3A_856 = arith.constant 0 : i32
      %dma_start3A_857 = arith.constant 0 : i32
      %dma_start3A_858 = tpu.memref_slice %arg9[%sub3A_854, %dma_start3A_856, %dma_start3A_857] : memref<2x2x50xi32, #tpu.memory_space<vmem>> -> memref<1x2x50xi32, #tpu.memory_space<vmem>>
      %dma_start3A_859 = tpu.memref_squeeze %dma_start3A_858 : memref<1x2x50xi32, #tpu.memory_space<vmem>> -> memref<2x50xi32, #tpu.memory_space<vmem>>
      %dma_start3A_860 = arith.constant 0 : i32
      %dma_start3A_861 = arith.constant 0 : i32
      %dma_start3A_862 = tpu.memref_slice %arg3[%add3A_855, %dma_start3A_860, %dma_start3A_861] : memref<6400x2x50xi32, #tpu.memory_space<hbm>> -> memref<1x2x50xi32, #tpu.memory_space<hbm>>
      %dma_start3A_863 = tpu.memref_squeeze %dma_start3A_862 : memref<1x2x50xi32, #tpu.memory_space<hbm>> -> memref<2x50xi32, #tpu.memory_space<hbm>>
      %dma_start3A_864 = arith.constant 0 : i32
      %dma_start3A_865 = arith.constant 0 : i32
      %dma_start3A_866 = tpu.memref_slice %arg9[%sub3A_854, %dma_start3A_864, %dma_start3A_865] : memref<2x2x50xi32, #tpu.memory_space<vmem>> -> memref<1x2x50xi32, #tpu.memory_space<vmem>>
      %dma_start3A_867 = tpu.memref_squeeze %dma_start3A_866 : memref<1x2x50xi32, #tpu.memory_space<vmem>> -> memref<2x50xi32, #tpu.memory_space<vmem>>
      %dma_start3A_868 = arith.constant 0 : i32
      %dma_start3A_869 = arith.constant 0 : i32
      %dma_start3A_870 = tpu.memref_slice %arg3[%add3A_855, %dma_start3A_868, %dma_start3A_869] : memref<6400x2x50xi32, #tpu.memory_space<hbm>> -> memref<1x2x50xi32, #tpu.memory_space<hbm>>
      %dma_start3A_871 = tpu.memref_squeeze %dma_start3A_870 : memref<1x2x50xi32, #tpu.memory_space<hbm>> -> memref<2x50xi32, #tpu.memory_space<hbm>>
      tpu.enqueue_dma source(%dma_start3A_871 : memref<2x50xi32, #tpu.memory_space<hbm>>) target(%dma_start3A_867 : memref<2x50xi32, #tpu.memory_space<vmem>>) target_semaphore(%arg20 : memref<!tpu.dma_semaphore, #tpu.memory_space<semaphore_mem>>)
      %dma_wait3A_872 = arith.constant 0 : i32
      %dma_wait3A_873 = arith.constant 0 : i32
      %dma_wait3A_874 = tpu.memref_slice %arg10[%select_n3A_556, %dma_wait3A_872, %dma_wait3A_873] : memref<2x2x50xi32, #tpu.memory_space<vmem>> -> memref<1x1x50xi32, #tpu.memory_space<vmem>>
      %dma_wait3A_875 = tpu.memref_squeeze %dma_wait3A_874 : memref<1x1x50xi32, #tpu.memory_space<vmem>> -> memref<50xi32, #tpu.memory_space<vmem>>
      %dma_wait3A_876 = arith.constant 0 : i32
      %dma_wait3A_877 = arith.constant 0 : i32
      %dma_wait3A_878 = tpu.memref_slice %arg2[%dma_wait3A_876, %dma_wait3A_877] : memref<10000x128xf32, #tpu.memory_space<hbm>> -> memref<10000x128xf32, #tpu.memory_space<hbm>>
      tpu.wait_indirect_dma semaphore(%arg26 : memref<!tpu.dma_semaphore, #tpu.memory_space<semaphore_mem>>) src(%dma_wait3A_878 : memref<10000x128xf32, #tpu.memory_space<hbm>>) dst(%arg15 : memref<50x128xf32, #tpu.memory_space<vmem>>)
      %dma_start3A_879 = arith.constant 1 : i32
      %dma_start3A_880 = arith.constant 0 : i32
      %dma_start3A_881 = tpu.memref_slice %arg10[%select_n3A_556, %dma_start3A_879, %dma_start3A_880] : memref<2x2x50xi32, #tpu.memory_space<vmem>> -> memref<1x1x50xi32, #tpu.memory_space<vmem>>
      %dma_start3A_882 = tpu.memref_squeeze %dma_start3A_881 : memref<1x1x50xi32, #tpu.memory_space<vmem>> -> memref<50xi32, #tpu.memory_space<vmem>>
      %dma_start3A_883 = arith.constant 0 : i32
      %dma_start3A_884 = arith.constant 0 : i32
      %dma_start3A_885 = tpu.memref_slice %arg16[%dma_start3A_883, %dma_start3A_884] : memref<10240x128xf32, #tpu.memory_space<vmem_shared>> -> memref<10240x128xf32, #tpu.memory_space<vmem_shared>>
      tpu.enqueue_indirect_dma source(%arg15 : memref<50x128xf32, #tpu.memory_space<vmem>>) target(%dma_start3A_885 : memref<10240x128xf32, #tpu.memory_space<vmem_shared>>) offsets(%dma_start3A_882 : memref<50xi32, #tpu.memory_space<vmem>>) semaphore(%arg31 : memref<!tpu.dma_semaphore, #tpu.memory_space<semaphore_mem>>) {add = true}
      %add3A_886 = arith.constant 5 : i32
      %add3A_887 = arith.addi %mul3A_547, %add3A_886 : i32
      %add3A_888 = arith.constant 4 : i32
      %add3A_889 = arith.addi %add3A_887, %add3A_888 : i32
      %min3A_890 = arith.constant 199 : i32
      %min3A_891 = arith.minsi %add3A_889, %min3A_890 : i32
      %sub3A_892 = arith.constant 1 : i32
      %sub3A_893 = arith.subi %sub3A_892, %select_n3A_556 : i32
      %add3A_894 = arith.addi %multiple_of3A_5, %min3A_891 : i32
      %dma_start3A_895 = arith.constant 0 : i32
      %dma_start3A_896 = arith.constant 0 : i32
      %dma_start3A_897 = tpu.memref_slice %arg10[%sub3A_893, %dma_start3A_895, %dma_start3A_896] : memref<2x2x50xi32, #tpu.memory_space<vmem>> -> memref<1x2x50xi32, #tpu.memory_space<vmem>>
      %dma_start3A_898 = tpu.memref_squeeze %dma_start3A_897 : memref<1x2x50xi32, #tpu.memory_space<vmem>> -> memref<2x50xi32, #tpu.memory_space<vmem>>
      %dma_start3A_899 = arith.constant 0 : i32
      %dma_start3A_900 = arith.constant 0 : i32
      %dma_start3A_901 = tpu.memref_slice %arg3[%add3A_894, %dma_start3A_899, %dma_start3A_900] : memref<6400x2x50xi32, #tpu.memory_space<hbm>> -> memref<1x2x50xi32, #tpu.memory_space<hbm>>
      %dma_start3A_902 = tpu.memref_squeeze %dma_start3A_901 : memref<1x2x50xi32, #tpu.memory_space<hbm>> -> memref<2x50xi32, #tpu.memory_space<hbm>>
      %dma_start3A_903 = arith.constant 0 : i32
      %dma_start3A_904 = arith.constant 0 : i32
      %dma_start3A_905 = tpu.memref_slice %arg10[%sub3A_893, %dma_start3A_903, %dma_start3A_904] : memref<2x2x50xi32, #tpu.memory_space<vmem>> -> memref<1x2x50xi32, #tpu.memory_space<vmem>>
      %dma_start3A_906 = tpu.memref_squeeze %dma_start3A_905 : memref<1x2x50xi32, #tpu.memory_space<vmem>> -> memref<2x50xi32, #tpu.memory_space<vmem>>
      %dma_start3A_907 = arith.constant 0 : i32
      %dma_start3A_908 = arith.constant 0 : i32
      %dma_start3A_909 = tpu.memref_slice %arg3[%add3A_894, %dma_start3A_907, %dma_start3A_908] : memref<6400x2x50xi32, #tpu.memory_space<hbm>> -> memref<1x2x50xi32, #tpu.memory_space<hbm>>
      %dma_start3A_910 = tpu.memref_squeeze %dma_start3A_909 : memref<1x2x50xi32, #tpu.memory_space<hbm>> -> memref<2x50xi32, #tpu.memory_space<hbm>>
      tpu.enqueue_dma source(%dma_start3A_910 : memref<2x50xi32, #tpu.memory_space<hbm>>) target(%dma_start3A_906 : memref<2x50xi32, #tpu.memory_space<vmem>>) target_semaphore(%arg21 : memref<!tpu.dma_semaphore, #tpu.memory_space<semaphore_mem>>)
    }
    %scan3A_412 = arith.constant 39 : i32
    %dma_wait3A_413 = arith.constant 0 : i32
    %dma_wait3A_414 = arith.constant 1 : i32
    %dma_wait3A_415 = arith.constant 0 : i32
    %dma_wait3A_416 = tpu.memref_slice %arg6[%dma_wait3A_413, %dma_wait3A_414, %dma_wait3A_415] : memref<2x2x50xi32, #tpu.memory_space<vmem>> -> memref<1x1x50xi32, #tpu.memory_space<vmem>>
    %dma_wait3A_417 = tpu.memref_squeeze %dma_wait3A_416 : memref<1x1x50xi32, #tpu.memory_space<vmem>> -> memref<50xi32, #tpu.memory_space<vmem>>
    %dma_wait3A_418 = arith.constant 0 : i32
    %dma_wait3A_419 = arith.constant 0 : i32
    %dma_wait3A_420 = tpu.memref_slice %arg16[%dma_wait3A_418, %dma_wait3A_419] : memref<10240x128xf32, #tpu.memory_space<vmem_shared>> -> memref<10240x128xf32, #tpu.memory_space<vmem_shared>>
    tpu.wait_indirect_dma semaphore(%arg27 : memref<!tpu.dma_semaphore, #tpu.memory_space<semaphore_mem>>) src(%arg11 : memref<50x128xf32, #tpu.memory_space<vmem>>) dst(%dma_wait3A_420 : memref<10240x128xf32, #tpu.memory_space<vmem_shared>>)
    %dma_wait3A_421 = arith.constant 0 : i32
    %dma_wait3A_422 = arith.constant 0 : i32
    %dma_wait3A_423 = arith.constant 0 : i32
    %dma_wait3A_424 = tpu.memref_slice %arg6[%dma_wait3A_421, %dma_wait3A_422, %dma_wait3A_423] : memref<2x2x50xi32, #tpu.memory_space<vmem>> -> memref<1x2x50xi32, #tpu.memory_space<vmem>>
    %dma_wait3A_425 = tpu.memref_squeeze %dma_wait3A_424 : memref<1x2x50xi32, #tpu.memory_space<vmem>> -> memref<2x50xi32, #tpu.memory_space<vmem>>
    %dma_wait3A_426 = arith.constant 0 : i32
    %dma_wait3A_427 = arith.constant 0 : i32
    %dma_wait3A_428 = tpu.memref_slice %arg3[%multiple_of3A_5, %dma_wait3A_426, %dma_wait3A_427] : memref<6400x2x50xi32, #tpu.memory_space<hbm>> -> memref<1x2x50xi32, #tpu.memory_space<hbm>>
    %dma_wait3A_429 = tpu.memref_squeeze %dma_wait3A_428 : memref<1x2x50xi32, #tpu.memory_space<hbm>> -> memref<2x50xi32, #tpu.memory_space<hbm>>
    %dma_wait3A_430 = arith.constant 0 : i32
    %dma_wait3A_431 = arith.constant 0 : i32
    %dma_wait3A_432 = tpu.memref_slice %arg6[%dma_wait3A_421, %dma_wait3A_430, %dma_wait3A_431] : memref<2x2x50xi32, #tpu.memory_space<vmem>> -> memref<1x2x50xi32, #tpu.memory_space<vmem>>
    %dma_wait3A_433 = tpu.memref_squeeze %dma_wait3A_432 : memref<1x2x50xi32, #tpu.memory_space<vmem>> -> memref<2x50xi32, #tpu.memory_space<vmem>>
    %dma_wait3A_434 = arith.constant 0 : i32
    %dma_wait3A_435 = arith.constant 0 : i32
    %dma_wait3A_436 = tpu.memref_slice %arg3[%multiple_of3A_5, %dma_wait3A_434, %dma_wait3A_435] : memref<6400x2x50xi32, #tpu.memory_space<hbm>> -> memref<1x2x50xi32, #tpu.memory_space<hbm>>
    %dma_wait3A_437 = tpu.memref_squeeze %dma_wait3A_436 : memref<1x2x50xi32, #tpu.memory_space<hbm>> -> memref<2x50xi32, #tpu.memory_space<hbm>>
    tpu.wait_dma2 semaphore(%arg17 : memref<!tpu.dma_semaphore, #tpu.memory_space<semaphore_mem>>) src(%dma_wait3A_437 : memref<2x50xi32, #tpu.memory_space<hbm>>) dst(%dma_wait3A_433 : memref<2x50xi32, #tpu.memory_space<vmem>>)
    %dma_wait3A_438 = arith.constant 0 : i32
    %dma_wait3A_439 = arith.constant 1 : i32
    %dma_wait3A_440 = arith.constant 0 : i32
    %dma_wait3A_441 = tpu.memref_slice %arg7[%dma_wait3A_438, %dma_wait3A_439, %dma_wait3A_440] : memref<2x2x50xi32, #tpu.memory_space<vmem>> -> memref<1x1x50xi32, #tpu.memory_space<vmem>>
    %dma_wait3A_442 = tpu.memref_squeeze %dma_wait3A_441 : memref<1x1x50xi32, #tpu.memory_space<vmem>> -> memref<50xi32, #tpu.memory_space<vmem>>
    %dma_wait3A_443 = arith.constant 0 : i32
    %dma_wait3A_444 = arith.constant 0 : i32
    %dma_wait3A_445 = tpu.memref_slice %arg16[%dma_wait3A_443, %dma_wait3A_444] : memref<10240x128xf32, #tpu.memory_space<vmem_shared>> -> memref<10240x128xf32, #tpu.memory_space<vmem_shared>>
    tpu.wait_indirect_dma semaphore(%arg28 : memref<!tpu.dma_semaphore, #tpu.memory_space<semaphore_mem>>) src(%arg12 : memref<50x128xf32, #tpu.memory_space<vmem>>) dst(%dma_wait3A_445 : memref<10240x128xf32, #tpu.memory_space<vmem_shared>>)
    %dma_wait3A_446 = arith.constant 0 : i32
    %dma_wait3A_447 = arith.constant 0 : i32
    %dma_wait3A_448 = arith.constant 0 : i32
    %dma_wait3A_449 = tpu.memref_slice %arg7[%dma_wait3A_446, %dma_wait3A_447, %dma_wait3A_448] : memref<2x2x50xi32, #tpu.memory_space<vmem>> -> memref<1x2x50xi32, #tpu.memory_space<vmem>>
    %dma_wait3A_450 = tpu.memref_squeeze %dma_wait3A_449 : memref<1x2x50xi32, #tpu.memory_space<vmem>> -> memref<2x50xi32, #tpu.memory_space<vmem>>
    %dma_wait3A_451 = arith.constant 0 : i32
    %dma_wait3A_452 = arith.constant 0 : i32
    %dma_wait3A_453 = tpu.memref_slice %arg3[%multiple_of3A_5, %dma_wait3A_451, %dma_wait3A_452] : memref<6400x2x50xi32, #tpu.memory_space<hbm>> -> memref<1x2x50xi32, #tpu.memory_space<hbm>>
    %dma_wait3A_454 = tpu.memref_squeeze %dma_wait3A_453 : memref<1x2x50xi32, #tpu.memory_space<hbm>> -> memref<2x50xi32, #tpu.memory_space<hbm>>
    %dma_wait3A_455 = arith.constant 0 : i32
    %dma_wait3A_456 = arith.constant 0 : i32
    %dma_wait3A_457 = tpu.memref_slice %arg7[%dma_wait3A_446, %dma_wait3A_455, %dma_wait3A_456] : memref<2x2x50xi32, #tpu.memory_space<vmem>> -> memref<1x2x50xi32, #tpu.memory_space<vmem>>
    %dma_wait3A_458 = tpu.memref_squeeze %dma_wait3A_457 : memref<1x2x50xi32, #tpu.memory_space<vmem>> -> memref<2x50xi32, #tpu.memory_space<vmem>>
    %dma_wait3A_459 = arith.constant 0 : i32
    %dma_wait3A_460 = arith.constant 0 : i32
    %dma_wait3A_461 = tpu.memref_slice %arg3[%multiple_of3A_5, %dma_wait3A_459, %dma_wait3A_460] : memref<6400x2x50xi32, #tpu.memory_space<hbm>> -> memref<1x2x50xi32, #tpu.memory_space<hbm>>
    %dma_wait3A_462 = tpu.memref_squeeze %dma_wait3A_461 : memref<1x2x50xi32, #tpu.memory_space<hbm>> -> memref<2x50xi32, #tpu.memory_space<hbm>>
    tpu.wait_dma2 semaphore(%arg18 : memref<!tpu.dma_semaphore, #tpu.memory_space<semaphore_mem>>) src(%dma_wait3A_462 : memref<2x50xi32, #tpu.memory_space<hbm>>) dst(%dma_wait3A_458 : memref<2x50xi32, #tpu.memory_space<vmem>>)
    %dma_wait3A_463 = arith.constant 0 : i32
    %dma_wait3A_464 = arith.constant 1 : i32
    %dma_wait3A_465 = arith.constant 0 : i32
    %dma_wait3A_466 = tpu.memref_slice %arg8[%dma_wait3A_463, %dma_wait3A_464, %dma_wait3A_465] : memref<2x2x50xi32, #tpu.memory_space<vmem>> -> memref<1x1x50xi32, #tpu.memory_space<vmem>>
    %dma_wait3A_467 = tpu.memref_squeeze %dma_wait3A_466 : memref<1x1x50xi32, #tpu.memory_space<vmem>> -> memref<50xi32, #tpu.memory_space<vmem>>
    %dma_wait3A_468 = arith.constant 0 : i32
    %dma_wait3A_469 = arith.constant 0 : i32
    %dma_wait3A_470 = tpu.memref_slice %arg16[%dma_wait3A_468, %dma_wait3A_469] : memref<10240x128xf32, #tpu.memory_space<vmem_shared>> -> memref<10240x128xf32, #tpu.memory_space<vmem_shared>>
    tpu.wait_indirect_dma semaphore(%arg29 : memref<!tpu.dma_semaphore, #tpu.memory_space<semaphore_mem>>) src(%arg13 : memref<50x128xf32, #tpu.memory_space<vmem>>) dst(%dma_wait3A_470 : memref<10240x128xf32, #tpu.memory_space<vmem_shared>>)
    %dma_wait3A_471 = arith.constant 0 : i32
    %dma_wait3A_472 = arith.constant 0 : i32
    %dma_wait3A_473 = arith.constant 0 : i32
    %dma_wait3A_474 = tpu.memref_slice %arg8[%dma_wait3A_471, %dma_wait3A_472, %dma_wait3A_473] : memref<2x2x50xi32, #tpu.memory_space<vmem>> -> memref<1x2x50xi32, #tpu.memory_space<vmem>>
    %dma_wait3A_475 = tpu.memref_squeeze %dma_wait3A_474 : memref<1x2x50xi32, #tpu.memory_space<vmem>> -> memref<2x50xi32, #tpu.memory_space<vmem>>
    %dma_wait3A_476 = arith.constant 0 : i32
    %dma_wait3A_477 = arith.constant 0 : i32
    %dma_wait3A_478 = tpu.memref_slice %arg3[%multiple_of3A_5, %dma_wait3A_476, %dma_wait3A_477] : memref<6400x2x50xi32, #tpu.memory_space<hbm>> -> memref<1x2x50xi32, #tpu.memory_space<hbm>>
    %dma_wait3A_479 = tpu.memref_squeeze %dma_wait3A_478 : memref<1x2x50xi32, #tpu.memory_space<hbm>> -> memref<2x50xi32, #tpu.memory_space<hbm>>
    %dma_wait3A_480 = arith.constant 0 : i32
    %dma_wait3A_481 = arith.constant 0 : i32
    %dma_wait3A_482 = tpu.memref_slice %arg8[%dma_wait3A_471, %dma_wait3A_480, %dma_wait3A_481] : memref<2x2x50xi32, #tpu.memory_space<vmem>> -> memref<1x2x50xi32, #tpu.memory_space<vmem>>
    %dma_wait3A_483 = tpu.memref_squeeze %dma_wait3A_482 : memref<1x2x50xi32, #tpu.memory_space<vmem>> -> memref<2x50xi32, #tpu.memory_space<vmem>>
    %dma_wait3A_484 = arith.constant 0 : i32
    %dma_wait3A_485 = arith.constant 0 : i32
    %dma_wait3A_486 = tpu.memref_slice %arg3[%multiple_of3A_5, %dma_wait3A_484, %dma_wait3A_485] : memref<6400x2x50xi32, #tpu.memory_space<hbm>> -> memref<1x2x50xi32, #tpu.memory_space<hbm>>
    %dma_wait3A_487 = tpu.memref_squeeze %dma_wait3A_486 : memref<1x2x50xi32, #tpu.memory_space<hbm>> -> memref<2x50xi32, #tpu.memory_space<hbm>>
    tpu.wait_dma2 semaphore(%arg19 : memref<!tpu.dma_semaphore, #tpu.memory_space<semaphore_mem>>) src(%dma_wait3A_487 : memref<2x50xi32, #tpu.memory_space<hbm>>) dst(%dma_wait3A_483 : memref<2x50xi32, #tpu.memory_space<vmem>>)
    %dma_wait3A_488 = arith.constant 0 : i32
    %dma_wait3A_489 = arith.constant 1 : i32
    %dma_wait3A_490 = arith.constant 0 : i32
    %dma_wait3A_491 = tpu.memref_slice %arg9[%dma_wait3A_488, %dma_wait3A_489, %dma_wait3A_490] : memref<2x2x50xi32, #tpu.memory_space<vmem>> -> memref<1x1x50xi32, #tpu.memory_space<vmem>>
    %dma_wait3A_492 = tpu.memref_squeeze %dma_wait3A_491 : memref<1x1x50xi32, #tpu.memory_space<vmem>> -> memref<50xi32, #tpu.memory_space<vmem>>
    %dma_wait3A_493 = arith.constant 0 : i32
    %dma_wait3A_494 = arith.constant 0 : i32
    %dma_wait3A_495 = tpu.memref_slice %arg16[%dma_wait3A_493, %dma_wait3A_494] : memref<10240x128xf32, #tpu.memory_space<vmem_shared>> -> memref<10240x128xf32, #tpu.memory_space<vmem_shared>>
    tpu.wait_indirect_dma semaphore(%arg30 : memref<!tpu.dma_semaphore, #tpu.memory_space<semaphore_mem>>) src(%arg14 : memref<50x128xf32, #tpu.memory_space<vmem>>) dst(%dma_wait3A_495 : memref<10240x128xf32, #tpu.memory_space<vmem_shared>>)
    %dma_wait3A_496 = arith.constant 0 : i32
    %dma_wait3A_497 = arith.constant 0 : i32
    %dma_wait3A_498 = arith.constant 0 : i32
    %dma_wait3A_499 = tpu.memref_slice %arg9[%dma_wait3A_496, %dma_wait3A_497, %dma_wait3A_498] : memref<2x2x50xi32, #tpu.memory_space<vmem>> -> memref<1x2x50xi32, #tpu.memory_space<vmem>>
    %dma_wait3A_500 = tpu.memref_squeeze %dma_wait3A_499 : memref<1x2x50xi32, #tpu.memory_space<vmem>> -> memref<2x50xi32, #tpu.memory_space<vmem>>
    %dma_wait3A_501 = arith.constant 0 : i32
    %dma_wait3A_502 = arith.constant 0 : i32
    %dma_wait3A_503 = tpu.memref_slice %arg3[%multiple_of3A_5, %dma_wait3A_501, %dma_wait3A_502] : memref<6400x2x50xi32, #tpu.memory_space<hbm>> -> memref<1x2x50xi32, #tpu.memory_space<hbm>>
    %dma_wait3A_504 = tpu.memref_squeeze %dma_wait3A_503 : memref<1x2x50xi32, #tpu.memory_space<hbm>> -> memref<2x50xi32, #tpu.memory_space<hbm>>
    %dma_wait3A_505 = arith.constant 0 : i32
    %dma_wait3A_506 = arith.constant 0 : i32
    %dma_wait3A_507 = tpu.memref_slice %arg9[%dma_wait3A_496, %dma_wait3A_505, %dma_wait3A_506] : memref<2x2x50xi32, #tpu.memory_space<vmem>> -> memref<1x2x50xi32, #tpu.memory_space<vmem>>
    %dma_wait3A_508 = tpu.memref_squeeze %dma_wait3A_507 : memref<1x2x50xi32, #tpu.memory_space<vmem>> -> memref<2x50xi32, #tpu.memory_space<vmem>>
    %dma_wait3A_509 = arith.constant 0 : i32
    %dma_wait3A_510 = arith.constant 0 : i32
    %dma_wait3A_511 = tpu.memref_slice %arg3[%multiple_of3A_5, %dma_wait3A_509, %dma_wait3A_510] : memref<6400x2x50xi32, #tpu.memory_space<hbm>> -> memref<1x2x50xi32, #tpu.memory_space<hbm>>
    %dma_wait3A_512 = tpu.memref_squeeze %dma_wait3A_511 : memref<1x2x50xi32, #tpu.memory_space<hbm>> -> memref<2x50xi32, #tpu.memory_space<hbm>>
    tpu.wait_dma2 semaphore(%arg20 : memref<!tpu.dma_semaphore, #tpu.memory_space<semaphore_mem>>) src(%dma_wait3A_512 : memref<2x50xi32, #tpu.memory_space<hbm>>) dst(%dma_wait3A_508 : memref<2x50xi32, #tpu.memory_space<vmem>>)
    %dma_wait3A_513 = arith.constant 0 : i32
    %dma_wait3A_514 = arith.constant 1 : i32
    %dma_wait3A_515 = arith.constant 0 : i32
    %dma_wait3A_516 = tpu.memref_slice %arg10[%dma_wait3A_513, %dma_wait3A_514, %dma_wait3A_515] : memref<2x2x50xi32, #tpu.memory_space<vmem>> -> memref<1x1x50xi32, #tpu.memory_space<vmem>>
    %dma_wait3A_517 = tpu.memref_squeeze %dma_wait3A_516 : memref<1x1x50xi32, #tpu.memory_space<vmem>> -> memref<50xi32, #tpu.memory_space<vmem>>
    %dma_wait3A_518 = arith.constant 0 : i32
    %dma_wait3A_519 = arith.constant 0 : i32
    %dma_wait3A_520 = tpu.memref_slice %arg16[%dma_wait3A_518, %dma_wait3A_519] : memref<10240x128xf32, #tpu.memory_space<vmem_shared>> -> memref<10240x128xf32, #tpu.memory_space<vmem_shared>>
    tpu.wait_indirect_dma semaphore(%arg31 : memref<!tpu.dma_semaphore, #tpu.memory_space<semaphore_mem>>) src(%arg15 : memref<50x128xf32, #tpu.memory_space<vmem>>) dst(%dma_wait3A_520 : memref<10240x128xf32, #tpu.memory_space<vmem_shared>>)
    %dma_wait3A_521 = arith.constant 0 : i32
    %dma_wait3A_522 = arith.constant 0 : i32
    %dma_wait3A_523 = arith.constant 0 : i32
    %dma_wait3A_524 = tpu.memref_slice %arg10[%dma_wait3A_521, %dma_wait3A_522, %dma_wait3A_523] : memref<2x2x50xi32, #tpu.memory_space<vmem>> -> memref<1x2x50xi32, #tpu.memory_space<vmem>>
    %dma_wait3A_525 = tpu.memref_squeeze %dma_wait3A_524 : memref<1x2x50xi32, #tpu.memory_space<vmem>> -> memref<2x50xi32, #tpu.memory_space<vmem>>
    %dma_wait3A_526 = arith.constant 0 : i32
    %dma_wait3A_527 = arith.constant 0 : i32
    %dma_wait3A_528 = tpu.memref_slice %arg3[%multiple_of3A_5, %dma_wait3A_526, %dma_wait3A_527] : memref<6400x2x50xi32, #tpu.memory_space<hbm>> -> memref<1x2x50xi32, #tpu.memory_space<hbm>>
    %dma_wait3A_529 = tpu.memref_squeeze %dma_wait3A_528 : memref<1x2x50xi32, #tpu.memory_space<hbm>> -> memref<2x50xi32, #tpu.memory_space<hbm>>
    %dma_wait3A_530 = arith.constant 0 : i32
    %dma_wait3A_531 = arith.constant 0 : i32
    %dma_wait3A_532 = tpu.memref_slice %arg10[%dma_wait3A_521, %dma_wait3A_530, %dma_wait3A_531] : memref<2x2x50xi32, #tpu.memory_space<vmem>> -> memref<1x2x50xi32, #tpu.memory_space<vmem>>
    %dma_wait3A_533 = tpu.memref_squeeze %dma_wait3A_532 : memref<1x2x50xi32, #tpu.memory_space<vmem>> -> memref<2x50xi32, #tpu.memory_space<vmem>>
    %dma_wait3A_534 = arith.constant 0 : i32
    %dma_wait3A_535 = arith.constant 0 : i32
    %dma_wait3A_536 = tpu.memref_slice %arg3[%multiple_of3A_5, %dma_wait3A_534, %dma_wait3A_535] : memref<6400x2x50xi32, #tpu.memory_space<hbm>> -> memref<1x2x50xi32, #tpu.memory_space<hbm>>
    %dma_wait3A_537 = tpu.memref_squeeze %dma_wait3A_536 : memref<1x2x50xi32, #tpu.memory_space<hbm>> -> memref<2x50xi32, #tpu.memory_space<hbm>>
    tpu.wait_dma2 semaphore(%arg21 : memref<!tpu.dma_semaphore, #tpu.memory_space<semaphore_mem>>) src(%dma_wait3A_537 : memref<2x50xi32, #tpu.memory_space<hbm>>) dst(%dma_wait3A_533 : memref<2x50xi32, #tpu.memory_space<vmem>>)
    %barrier3A_538 = arith.constant 0 : index
    tpu.barrier barrier_id(%barrier3A_538)
    %mul3A_539 = arith.constant 10240 : i32
    %mul3A_540 = arith.muli %arg0, %mul3A_539 : i32
    %mul3A_541 = arith.constant 640 : i32
    %mul3A_542 = arith.muli %arg1, %mul3A_541 : i32
    %add3A_543 = arith.addi %mul3A_540, %mul3A_542 : i32
    %multiple_of3A_544 = tpu.assume_multiple %add3A_543, 8 : i32
    "tpu.region"() ({
      %run_scoped3A = tpu.sem_alloc : memref<!tpu.dma_semaphore, #tpu.memory_space<semaphore_mem>>
      %dma_start3A_545 = arith.constant 0 : i32
      %dma_start3A_546 = tpu.memref_slice %arg5[%multiple_of3A_544, %dma_start3A_545] : memref<20480x128xf32, #tpu.memory_space<hbm>> -> memref<640x128xf32, #tpu.memory_space<hbm>>
      %dma_start3A_547 = arith.constant 0 : i32
      %dma_start3A_548 = tpu.memref_slice %arg16[%multiple_of3A, %dma_start3A_547] : memref<10240x128xf32, #tpu.memory_space<vmem_shared>> -> memref<640x128xf32, #tpu.memory_space<vmem_shared>>
      tpu.enqueue_dma source(%dma_start3A_548 : memref<640x128xf32, #tpu.memory_space<vmem_shared>>) target(%dma_start3A_546 : memref<640x128xf32, #tpu.memory_space<hbm>>) target_semaphore(%run_scoped3A : memref<!tpu.dma_semaphore, #tpu.memory_space<semaphore_mem>>)
      %dma_wait3A_549 = arith.constant 0 : i32
      %dma_wait3A_550 = tpu.memref_slice %arg5[%multiple_of3A_544, %dma_wait3A_549] : memref<20480x128xf32, #tpu.memory_space<hbm>> -> memref<640x128xf32, #tpu.memory_space<hbm>>
      %dma_wait3A_551 = arith.constant 0 : i32
      %dma_wait3A_552 = tpu.memref_slice %arg16[%multiple_of3A, %dma_wait3A_551] : memref<10240x128xf32, #tpu.memory_space<vmem_shared>> -> memref<640x128xf32, #tpu.memory_space<vmem_shared>>
      tpu.wait_dma2 semaphore(%run_scoped3A : memref<!tpu.dma_semaphore, #tpu.memory_space<semaphore_mem>>) src(%dma_wait3A_552 : memref<640x128xf32, #tpu.memory_space<vmem_shared>>) dst(%dma_wait3A_550 : memref<640x128xf32, #tpu.memory_space<hbm>>)
      tpu.yield
    }) : () -> ()
    return
  }
}

#map = affine_map<(d0, d1) -> (0, 0)>
#map1 = affine_map<(d0, d1) -> (0, 0, 0)>
module attributes {stable_mosaic.version = 14 : i64} {
  func.func @_agg(%arg0: i32, %arg1: i32, %arg2: memref<10000x128xf32, #tpu.memory_space<hbm>>, %arg3: memref<6400x2x50xi32, #tpu.memory_space<hbm>>, %arg4: memref<640x128xf32, #tpu.memory_space<hbm>>, %arg5: memref<20480x128xf32, #tpu.memory_space<hbm>>, %arg6: memref<2x2x50xi32, #tpu.memory_space<vmem>>, %arg7: memref<2x2x50xi32, #tpu.memory_space<vmem>>, %arg8: memref<2x2x50xi32, #tpu.memory_space<vmem>>, %arg9: memref<2x2x50xi32, #tpu.memory_space<vmem>>, %arg10: memref<2x2x50xi32, #tpu.memory_space<vmem>>, %arg11: memref<50x128xf32, #tpu.memory_space<vmem>>, %arg12: memref<50x128xf32, #tpu.memory_space<vmem>>, %arg13: memref<50x128xf32, #tpu.memory_space<vmem>>, %arg14: memref<50x128xf32, #tpu.memory_space<vmem>>, %arg15: memref<50x128xf32, #tpu.memory_space<vmem>>, %arg16: memref<10240x128xf32, #tpu.memory_space<vmem_shared>>, %arg17: memref<!tpu.dma_semaphore, #tpu.memory_space<semaphore_mem>>, %arg18: memref<!tpu.dma_semaphore, #tpu.memory_space<semaphore_mem>>, %arg19: memref<!tpu.dma_semaphore, #tpu.memory_space<semaphore_mem>>, %arg20: memref<!tpu.dma_semaphore, #tpu.memory_space<semaphore_mem>>, %arg21: memref<!tpu.dma_semaphore, #tpu.memory_space<semaphore_mem>>, %arg22: memref<!tpu.dma_semaphore, #tpu.memory_space<semaphore_mem>>, %arg23: memref<!tpu.dma_semaphore, #tpu.memory_space<semaphore_mem>>, %arg24: memref<!tpu.dma_semaphore, #tpu.memory_space<semaphore_mem>>, %arg25: memref<!tpu.dma_semaphore, #tpu.memory_space<semaphore_mem>>, %arg26: memref<!tpu.dma_semaphore, #tpu.memory_space<semaphore_mem>>, %arg27: memref<!tpu.dma_semaphore, #tpu.memory_space<semaphore_mem>>, %arg28: memref<!tpu.dma_semaphore, #tpu.memory_space<semaphore_mem>>, %arg29: memref<!tpu.dma_semaphore, #tpu.memory_space<semaphore_mem>>, %arg30: memref<!tpu.dma_semaphore, #tpu.memory_space<semaphore_mem>>, %arg31: memref<!tpu.dma_semaphore, #tpu.memory_space<semaphore_mem>>) attributes {dimension_semantics = [#tpu.dimension_semantics<core_parallel>, #tpu.dimension_semantics<subcore_parallel>], iteration_bounds = array<i64: 2, 16>, scalar_prefetch = 0 : i64, scratch_operands = 26 : i64, tpu.core_type = #tpu.core_type<sc_vector_subcore>, window_params = [{transform_indices = #map}, {transform_indices = #map1}, {transform_indices = #map}, {transform_indices = #map}]} {
    %mul3A = arith.constant 2 : i32
    %mul3A_0 = arith.muli %arg1, %mul3A : i32
    %add3A = arith.addi %mul3A_0, %arg0 : i32
    %mul3A_1 = arith.constant 640 : i32
    %mul3A_2 = arith.muli %arg1, %mul3A_1 : i32
    %multiple_of3A = tpu.assume_multiple %mul3A_2, 8 : i32
    %mul3A_3 = arith.constant 200 : i32
    %mul3A_4 = arith.muli %add3A, %mul3A_3 : i32
    %multiple_of3A_5 = tpu.assume_multiple %mul3A_4, 8 : i32
    "tpu.region"() ({
      %run_scoped3A = tpu.sem_alloc : memref<!tpu.dma_semaphore, #tpu.memory_space<semaphore_mem>>
      %dma_start3A_545 = arith.constant 0 : i32
      %dma_start3A_546 = tpu.memref_slice %arg16[%multiple_of3A, %dma_start3A_545] : memref<10240x128xf32, #tpu.memory_space<vmem_shared>> -> memref<640x128xf32, #tpu.memory_space<vmem_shared>>
      tpu.enqueue_dma source(%arg4 : memref<640x128xf32, #tpu.memory_space<hbm>>) target(%dma_start3A_546 : memref<640x128xf32, #tpu.memory_space<vmem_shared>>) target_semaphore(%run_scoped3A : memref<!tpu.dma_semaphore, #tpu.memory_space<semaphore_mem>>)
      %dma_wait3A_547 = arith.constant 0 : i32
      %dma_wait3A_548 = tpu.memref_slice %arg16[%multiple_of3A, %dma_wait3A_547] : memref<10240x128xf32, #tpu.memory_space<vmem_shared>> -> memref<640x128xf32, #tpu.memory_space<vmem_shared>>
      tpu.wait_dma2 semaphore(%run_scoped3A : memref<!tpu.dma_semaphore, #tpu.memory_space<semaphore_mem>>) src(%arg4 : memref<640x128xf32, #tpu.memory_space<hbm>>) dst(%dma_wait3A_548 : memref<640x128xf32, #tpu.memory_space<vmem_shared>>)
      tpu.yield
    }) : () -> ()
    %barrier3A = arith.constant 0 : index
    tpu.barrier barrier_id(%barrier3A)
    %add3A_6 = arith.constant 0 : i32
    %add3A_7 = arith.addi %multiple_of3A_5, %add3A_6 : i32
    %dma_start3A = arith.constant 0 : i32
    %dma_start3A_8 = arith.constant 0 : i32
    %dma_start3A_9 = arith.constant 0 : i32
    %dma_start3A_10 = tpu.memref_slice %arg6[%dma_start3A, %dma_start3A_8, %dma_start3A_9] : memref<2x2x50xi32, #tpu.memory_space<vmem>> -> memref<1x2x50xi32, #tpu.memory_space<vmem>>
    %dma_start3A_11 = tpu.memref_squeeze %dma_start3A_10 : memref<1x2x50xi32, #tpu.memory_space<vmem>> -> memref<2x50xi32, #tpu.memory_space<vmem>>
    %dma_start3A_12 = arith.constant 0 : i32
    %dma_start3A_13 = arith.constant 0 : i32
    %dma_start3A_14 = tpu.memref_slice %arg3[%add3A_7, %dma_start3A_12, %dma_start3A_13] : memref<6400x2x50xi32, #tpu.memory_space<hbm>> -> memref<1x2x50xi32, #tpu.memory_space<hbm>>
    %dma_start3A_15 = tpu.memref_squeeze %dma_start3A_14 : memref<1x2x50xi32, #tpu.memory_space<hbm>> -> memref<2x50xi32, #tpu.memory_space<hbm>>
    %dma_start3A_16 = arith.constant 0 : i32
    %dma_start3A_17 = arith.constant 0 : i32
    %dma_start3A_18 = tpu.memref_slice %arg6[%dma_start3A, %dma_start3A_16, %dma_start3A_17] : memref<2x2x50xi32, #tpu.memory_space<vmem>> -> memref<1x2x50xi32, #tpu.memory_space<vmem>>
    %dma_start3A_19 = tpu.memref_squeeze %dma_start3A_18 : memref<1x2x50xi32, #tpu.memory_space<vmem>> -> memref<2x50xi32, #tpu.memory_space<vmem>>
    %dma_start3A_20 = arith.constant 0 : i32
    %dma_start3A_21 = arith.constant 0 : i32
    %dma_start3A_22 = tpu.memref_slice %arg3[%add3A_7, %dma_start3A_20, %dma_start3A_21] : memref<6400x2x50xi32, #tpu.memory_space<hbm>> -> memref<1x2x50xi32, #tpu.memory_space<hbm>>
    %dma_start3A_23 = tpu.memref_squeeze %dma_start3A_22 : memref<1x2x50xi32, #tpu.memory_space<hbm>> -> memref<2x50xi32, #tpu.memory_space<hbm>>
    tpu.enqueue_dma source(%dma_start3A_23 : memref<2x50xi32, #tpu.memory_space<hbm>>) target(%dma_start3A_19 : memref<2x50xi32, #tpu.memory_space<vmem>>) target_semaphore(%arg17 : memref<!tpu.dma_semaphore, #tpu.memory_space<semaphore_mem>>)
    %add3A_24 = arith.constant 1 : i32
    %add3A_25 = arith.addi %multiple_of3A_5, %add3A_24 : i32
    %dma_start3A_26 = arith.constant 0 : i32
    %dma_start3A_27 = arith.constant 0 : i32
    %dma_start3A_28 = arith.constant 0 : i32
    %dma_start3A_29 = tpu.memref_slice %arg7[%dma_start3A_26, %dma_start3A_27, %dma_start3A_28] : memref<2x2x50xi32, #tpu.memory_space<vmem>> -> memref<1x2x50xi32, #tpu.memory_space<vmem>>
    %dma_start3A_30 = tpu.memref_squeeze %dma_start3A_29 : memref<1x2x50xi32, #tpu.memory_space<vmem>> -> memref<2x50xi32, #tpu.memory_space<vmem>>
    %dma_start3A_31 = arith.constant 0 : i32
    %dma_start3A_32 = arith.constant 0 : i32
    %dma_start3A_33 = tpu.memref_slice %arg3[%add3A_25, %dma_start3A_31, %dma_start3A_32] : memref<6400x2x50xi32, #tpu.memory_space<hbm>> -> memref<1x2x50xi32, #tpu.memory_space<hbm>>
    %dma_start3A_34 = tpu.memref_squeeze %dma_start3A_33 : memref<1x2x50xi32, #tpu.memory_space<hbm>> -> memref<2x50xi32, #tpu.memory_space<hbm>>
    %dma_start3A_35 = arith.constant 0 : i32
    %dma_start3A_36 = arith.constant 0 : i32
    %dma_start3A_37 = tpu.memref_slice %arg7[%dma_start3A_26, %dma_start3A_35, %dma_start3A_36] : memref<2x2x50xi32, #tpu.memory_space<vmem>> -> memref<1x2x50xi32, #tpu.memory_space<vmem>>
    %dma_start3A_38 = tpu.memref_squeeze %dma_start3A_37 : memref<1x2x50xi32, #tpu.memory_space<vmem>> -> memref<2x50xi32, #tpu.memory_space<vmem>>
    %dma_start3A_39 = arith.constant 0 : i32
    %dma_start3A_40 = arith.constant 0 : i32
    %dma_start3A_41 = tpu.memref_slice %arg3[%add3A_25, %dma_start3A_39, %dma_start3A_40] : memref<6400x2x50xi32, #tpu.memory_space<hbm>> -> memref<1x2x50xi32, #tpu.memory_space<hbm>>
    %dma_start3A_42 = tpu.memref_squeeze %dma_start3A_41 : memref<1x2x50xi32, #tpu.memory_space<hbm>> -> memref<2x50xi32, #tpu.memory_space<hbm>>
    tpu.enqueue_dma source(%dma_start3A_42 : memref<2x50xi32, #tpu.memory_space<hbm>>) target(%dma_start3A_38 : memref<2x50xi32, #tpu.memory_space<vmem>>) target_semaphore(%arg18 : memref<!tpu.dma_semaphore, #tpu.memory_space<semaphore_mem>>)
    %add3A_43 = arith.constant 2 : i32
    %add3A_44 = arith.addi %multiple_of3A_5, %add3A_43 : i32
    %dma_start3A_45 = arith.constant 0 : i32
    %dma_start3A_46 = arith.constant 0 : i32
    %dma_start3A_47 = arith.constant 0 : i32
    %dma_start3A_48 = tpu.memref_slice %arg8[%dma_start3A_45, %dma_start3A_46, %dma_start3A_47] : memref<2x2x50xi32, #tpu.memory_space<vmem>> -> memref<1x2x50xi32, #tpu.memory_space<vmem>>
    %dma_start3A_49 = tpu.memref_squeeze %dma_start3A_48 : memref<1x2x50xi32, #tpu.memory_space<vmem>> -> memref<2x50xi32, #tpu.memory_space<vmem>>
    %dma_start3A_50 = arith.constant 0 : i32
    %dma_start3A_51 = arith.constant 0 : i32
    %dma_start3A_52 = tpu.memref_slice %arg3[%add3A_44, %dma_start3A_50, %dma_start3A_51] : memref<6400x2x50xi32, #tpu.memory_space<hbm>> -> memref<1x2x50xi32, #tpu.memory_space<hbm>>
    %dma_start3A_53 = tpu.memref_squeeze %dma_start3A_52 : memref<1x2x50xi32, #tpu.memory_space<hbm>> -> memref<2x50xi32, #tpu.memory_space<hbm>>
    %dma_start3A_54 = arith.constant 0 : i32
    %dma_start3A_55 = arith.constant 0 : i32
    %dma_start3A_56 = tpu.memref_slice %arg8[%dma_start3A_45, %dma_start3A_54, %dma_start3A_55] : memref<2x2x50xi32, #tpu.memory_space<vmem>> -> memref<1x2x50xi32, #tpu.memory_space<vmem>>
    %dma_start3A_57 = tpu.memref_squeeze %dma_start3A_56 : memref<1x2x50xi32, #tpu.memory_space<vmem>> -> memref<2x50xi32, #tpu.memory_space<vmem>>
    %dma_start3A_58 = arith.constant 0 : i32
    %dma_start3A_59 = arith.constant 0 : i32
    %dma_start3A_60 = tpu.memref_slice %arg3[%add3A_44, %dma_start3A_58, %dma_start3A_59] : memref<6400x2x50xi32, #tpu.memory_space<hbm>> -> memref<1x2x50xi32, #tpu.memory_space<hbm>>
    %dma_start3A_61 = tpu.memref_squeeze %dma_start3A_60 : memref<1x2x50xi32, #tpu.memory_space<hbm>> -> memref<2x50xi32, #tpu.memory_space<hbm>>
    tpu.enqueue_dma source(%dma_start3A_61 : memref<2x50xi32, #tpu.memory_space<hbm>>) target(%dma_start3A_57 : memref<2x50xi32, #tpu.memory_space<vmem>>) target_semaphore(%arg19 : memref<!tpu.dma_semaphore, #tpu.memory_space<semaphore_mem>>)
    %add3A_62 = arith.constant 3 : i32
    %add3A_63 = arith.addi %multiple_of3A_5, %add3A_62 : i32
    %dma_start3A_64 = arith.constant 0 : i32
    %dma_start3A_65 = arith.constant 0 : i32
    %dma_start3A_66 = arith.constant 0 : i32
    %dma_start3A_67 = tpu.memref_slice %arg9[%dma_start3A_64, %dma_start3A_65, %dma_start3A_66] : memref<2x2x50xi32, #tpu.memory_space<vmem>> -> memref<1x2x50xi32, #tpu.memory_space<vmem>>
    %dma_start3A_68 = tpu.memref_squeeze %dma_start3A_67 : memref<1x2x50xi32, #tpu.memory_space<vmem>> -> memref<2x50xi32, #tpu.memory_space<vmem>>
    %dma_start3A_69 = arith.constant 0 : i32
    %dma_start3A_70 = arith.constant 0 : i32
    %dma_start3A_71 = tpu.memref_slice %arg3[%add3A_63, %dma_start3A_69, %dma_start3A_70] : memref<6400x2x50xi32, #tpu.memory_space<hbm>> -> memref<1x2x50xi32, #tpu.memory_space<hbm>>
    %dma_start3A_72 = tpu.memref_squeeze %dma_start3A_71 : memref<1x2x50xi32, #tpu.memory_space<hbm>> -> memref<2x50xi32, #tpu.memory_space<hbm>>
    %dma_start3A_73 = arith.constant 0 : i32
    %dma_start3A_74 = arith.constant 0 : i32
    %dma_start3A_75 = tpu.memref_slice %arg9[%dma_start3A_64, %dma_start3A_73, %dma_start3A_74] : memref<2x2x50xi32, #tpu.memory_space<vmem>> -> memref<1x2x50xi32, #tpu.memory_space<vmem>>
    %dma_start3A_76 = tpu.memref_squeeze %dma_start3A_75 : memref<1x2x50xi32, #tpu.memory_space<vmem>> -> memref<2x50xi32, #tpu.memory_space<vmem>>
    %dma_start3A_77 = arith.constant 0 : i32
    %dma_start3A_78 = arith.constant 0 : i32
    %dma_start3A_79 = tpu.memref_slice %arg3[%add3A_63, %dma_start3A_77, %dma_start3A_78] : memref<6400x2x50xi32, #tpu.memory_space<hbm>> -> memref<1x2x50xi32, #tpu.memory_space<hbm>>
    %dma_start3A_80 = tpu.memref_squeeze %dma_start3A_79 : memref<1x2x50xi32, #tpu.memory_space<hbm>> -> memref<2x50xi32, #tpu.memory_space<hbm>>
    tpu.enqueue_dma source(%dma_start3A_80 : memref<2x50xi32, #tpu.memory_space<hbm>>) target(%dma_start3A_76 : memref<2x50xi32, #tpu.memory_space<vmem>>) target_semaphore(%arg20 : memref<!tpu.dma_semaphore, #tpu.memory_space<semaphore_mem>>)
    %add3A_81 = arith.constant 4 : i32
    %add3A_82 = arith.addi %multiple_of3A_5, %add3A_81 : i32
    %dma_start3A_83 = arith.constant 0 : i32
    %dma_start3A_84 = arith.constant 0 : i32
    %dma_start3A_85 = arith.constant 0 : i32
    %dma_start3A_86 = tpu.memref_slice %arg10[%dma_start3A_83, %dma_start3A_84, %dma_start3A_85] : memref<2x2x50xi32, #tpu.memory_space<vmem>> -> memref<1x2x50xi32, #tpu.memory_space<vmem>>
    %dma_start3A_87 = tpu.memref_squeeze %dma_start3A_86 : memref<1x2x50xi32, #tpu.memory_space<vmem>> -> memref<2x50xi32, #tpu.memory_space<vmem>>
    %dma_start3A_88 = arith.constant 0 : i32
    %dma_start3A_89 = arith.constant 0 : i32
    %dma_start3A_90 = tpu.memref_slice %arg3[%add3A_82, %dma_start3A_88, %dma_start3A_89] : memref<6400x2x50xi32, #tpu.memory_space<hbm>> -> memref<1x2x50xi32, #tpu.memory_space<hbm>>
    %dma_start3A_91 = tpu.memref_squeeze %dma_start3A_90 : memref<1x2x50xi32, #tpu.memory_space<hbm>> -> memref<2x50xi32, #tpu.memory_space<hbm>>
    %dma_start3A_92 = arith.constant 0 : i32
    %dma_start3A_93 = arith.constant 0 : i32
    %dma_start3A_94 = tpu.memref_slice %arg10[%dma_start3A_83, %dma_start3A_92, %dma_start3A_93] : memref<2x2x50xi32, #tpu.memory_space<vmem>> -> memref<1x2x50xi32, #tpu.memory_space<vmem>>
    %dma_start3A_95 = tpu.memref_squeeze %dma_start3A_94 : memref<1x2x50xi32, #tpu.memory_space<vmem>> -> memref<2x50xi32, #tpu.memory_space<vmem>>
    %dma_start3A_96 = arith.constant 0 : i32
    %dma_start3A_97 = arith.constant 0 : i32
    %dma_start3A_98 = tpu.memref_slice %arg3[%add3A_82, %dma_start3A_96, %dma_start3A_97] : memref<6400x2x50xi32, #tpu.memory_space<hbm>> -> memref<1x2x50xi32, #tpu.memory_space<hbm>>
    %dma_start3A_99 = tpu.memref_squeeze %dma_start3A_98 : memref<1x2x50xi32, #tpu.memory_space<hbm>> -> memref<2x50xi32, #tpu.memory_space<hbm>>
    tpu.enqueue_dma source(%dma_start3A_99 : memref<2x50xi32, #tpu.memory_space<hbm>>) target(%dma_start3A_95 : memref<2x50xi32, #tpu.memory_space<vmem>>) target_semaphore(%arg21 : memref<!tpu.dma_semaphore, #tpu.memory_space<semaphore_mem>>)
    %dma_wait3A = arith.constant 0 : i32
    %dma_wait3A_100 = arith.constant 0 : i32
    %dma_wait3A_101 = arith.constant 0 : i32
    %dma_wait3A_102 = tpu.memref_slice %arg6[%dma_wait3A, %dma_wait3A_100, %dma_wait3A_101] : memref<2x2x50xi32, #tpu.memory_space<vmem>> -> memref<1x2x50xi32, #tpu.memory_space<vmem>>
    %dma_wait3A_103 = tpu.memref_squeeze %dma_wait3A_102 : memref<1x2x50xi32, #tpu.memory_space<vmem>> -> memref<2x50xi32, #tpu.memory_space<vmem>>
    %dma_wait3A_104 = arith.constant 0 : i32
    %dma_wait3A_105 = arith.constant 0 : i32
    %dma_wait3A_106 = tpu.memref_slice %arg3[%multiple_of3A_5, %dma_wait3A_104, %dma_wait3A_105] : memref<6400x2x50xi32, #tpu.memory_space<hbm>> -> memref<1x2x50xi32, #tpu.memory_space<hbm>>
    %dma_wait3A_107 = tpu.memref_squeeze %dma_wait3A_106 : memref<1x2x50xi32, #tpu.memory_space<hbm>> -> memref<2x50xi32, #tpu.memory_space<hbm>>
    %dma_wait3A_108 = arith.constant 0 : i32
    %dma_wait3A_109 = arith.constant 0 : i32
    %dma_wait3A_110 = tpu.memref_slice %arg6[%dma_wait3A, %dma_wait3A_108, %dma_wait3A_109] : memref<2x2x50xi32, #tpu.memory_space<vmem>> -> memref<1x2x50xi32, #tpu.memory_space<vmem>>
    %dma_wait3A_111 = tpu.memref_squeeze %dma_wait3A_110 : memref<1x2x50xi32, #tpu.memory_space<vmem>> -> memref<2x50xi32, #tpu.memory_space<vmem>>
    %dma_wait3A_112 = arith.constant 0 : i32
    %dma_wait3A_113 = arith.constant 0 : i32
    %dma_wait3A_114 = tpu.memref_slice %arg3[%multiple_of3A_5, %dma_wait3A_112, %dma_wait3A_113] : memref<6400x2x50xi32, #tpu.memory_space<hbm>> -> memref<1x2x50xi32, #tpu.memory_space<hbm>>
    %dma_wait3A_115 = tpu.memref_squeeze %dma_wait3A_114 : memref<1x2x50xi32, #tpu.memory_space<hbm>> -> memref<2x50xi32, #tpu.memory_space<hbm>>
    tpu.wait_dma2 semaphore(%arg17 : memref<!tpu.dma_semaphore, #tpu.memory_space<semaphore_mem>>) src(%dma_wait3A_115 : memref<2x50xi32, #tpu.memory_space<hbm>>) dst(%dma_wait3A_111 : memref<2x50xi32, #tpu.memory_space<vmem>>)
    %dma_start3A_116 = arith.constant 0 : i32
    %dma_start3A_117 = arith.constant 0 : i32
    %dma_start3A_118 = arith.constant 0 : i32
    %dma_start3A_119 = tpu.memref_slice %arg6[%dma_start3A_116, %dma_start3A_117, %dma_start3A_118] : memref<2x2x50xi32, #tpu.memory_space<vmem>> -> memref<1x1x50xi32, #tpu.memory_space<vmem>>
    %dma_start3A_120 = tpu.memref_squeeze %dma_start3A_119 : memref<1x1x50xi32, #tpu.memory_space<vmem>> -> memref<50xi32, #tpu.memory_space<vmem>>
    %dma_start3A_121 = arith.constant 0 : i32
    %dma_start3A_122 = arith.constant 0 : i32
    %dma_start3A_123 = tpu.memref_slice %arg2[%dma_start3A_121, %dma_start3A_122] : memref<10000x128xf32, #tpu.memory_space<hbm>> -> memref<10000x128xf32, #tpu.memory_space<hbm>>
    tpu.enqueue_indirect_dma source(%dma_start3A_123 : memref<10000x128xf32, #tpu.memory_space<hbm>>) target(%arg11 : memref<50x128xf32, #tpu.memory_space<vmem>>) offsets(%dma_start3A_120 : memref<50xi32, #tpu.memory_space<vmem>>) semaphore(%arg22 : memref<!tpu.dma_semaphore, #tpu.memory_space<semaphore_mem>>)
    %dma_wait3A_124 = arith.constant 0 : i32
    %dma_wait3A_125 = arith.constant 0 : i32
    %dma_wait3A_126 = arith.constant 0 : i32
    %dma_wait3A_127 = tpu.memref_slice %arg7[%dma_wait3A_124, %dma_wait3A_125, %dma_wait3A_126] : memref<2x2x50xi32, #tpu.memory_space<vmem>> -> memref<1x2x50xi32, #tpu.memory_space<vmem>>
    %dma_wait3A_128 = tpu.memref_squeeze %dma_wait3A_127 : memref<1x2x50xi32, #tpu.memory_space<vmem>> -> memref<2x50xi32, #tpu.memory_space<vmem>>
    %dma_wait3A_129 = arith.constant 0 : i32
    %dma_wait3A_130 = arith.constant 0 : i32
    %dma_wait3A_131 = tpu.memref_slice %arg3[%multiple_of3A_5, %dma_wait3A_129, %dma_wait3A_130] : memref<6400x2x50xi32, #tpu.memory_space<hbm>> -> memref<1x2x50xi32, #tpu.memory_space<hbm>>
    %dma_wait3A_132 = tpu.memref_squeeze %dma_wait3A_131 : memref<1x2x50xi32, #tpu.memory_space<hbm>> -> memref<2x50xi32, #tpu.memory_space<hbm>>
    %dma_wait3A_133 = arith.constant 0 : i32
    %dma_wait3A_134 = arith.constant 0 : i32
    %dma_wait3A_135 = tpu.memref_slice %arg7[%dma_wait3A_124, %dma_wait3A_133, %dma_wait3A_134] : memref<2x2x50xi32, #tpu.memory_space<vmem>> -> memref<1x2x50xi32, #tpu.memory_space<vmem>>
    %dma_wait3A_136 = tpu.memref_squeeze %dma_wait3A_135 : memref<1x2x50xi32, #tpu.memory_space<vmem>> -> memref<2x50xi32, #tpu.memory_space<vmem>>
    %dma_wait3A_137 = arith.constant 0 : i32
    %dma_wait3A_138 = arith.constant 0 : i32
    %dma_wait3A_139 = tpu.memref_slice %arg3[%multiple_of3A_5, %dma_wait3A_137, %dma_wait3A_138] : memref<6400x2x50xi32, #tpu.memory_space<hbm>> -> memref<1x2x50xi32, #tpu.memory_space<hbm>>
    %dma_wait3A_140 = tpu.memref_squeeze %dma_wait3A_139 : memref<1x2x50xi32, #tpu.memory_space<hbm>> -> memref<2x50xi32, #tpu.memory_space<hbm>>
    tpu.wait_dma2 semaphore(%arg18 : memref<!tpu.dma_semaphore, #tpu.memory_space<semaphore_mem>>) src(%dma_wait3A_140 : memref<2x50xi32, #tpu.memory_space<hbm>>) dst(%dma_wait3A_136 : memref<2x50xi32, #tpu.memory_space<vmem>>)
    %dma_start3A_141 = arith.constant 0 : i32
    %dma_start3A_142 = arith.constant 0 : i32
    %dma_start3A_143 = arith.constant 0 : i32
    %dma_start3A_144 = tpu.memref_slice %arg7[%dma_start3A_141, %dma_start3A_142, %dma_start3A_143] : memref<2x2x50xi32, #tpu.memory_space<vmem>> -> memref<1x1x50xi32, #tpu.memory_space<vmem>>
    %dma_start3A_145 = tpu.memref_squeeze %dma_start3A_144 : memref<1x1x50xi32, #tpu.memory_space<vmem>> -> memref<50xi32, #tpu.memory_space<vmem>>
    %dma_start3A_146 = arith.constant 0 : i32
    %dma_start3A_147 = arith.constant 0 : i32
    %dma_start3A_148 = tpu.memref_slice %arg2[%dma_start3A_146, %dma_start3A_147] : memref<10000x128xf32, #tpu.memory_space<hbm>> -> memref<10000x128xf32, #tpu.memory_space<hbm>>
    tpu.enqueue_indirect_dma source(%dma_start3A_148 : memref<10000x128xf32, #tpu.memory_space<hbm>>) target(%arg12 : memref<50x128xf32, #tpu.memory_space<vmem>>) offsets(%dma_start3A_145 : memref<50xi32, #tpu.memory_space<vmem>>) semaphore(%arg23 : memref<!tpu.dma_semaphore, #tpu.memory_space<semaphore_mem>>)
    %dma_wait3A_149 = arith.constant 0 : i32
    %dma_wait3A_150 = arith.constant 0 : i32
    %dma_wait3A_151 = arith.constant 0 : i32
    %dma_wait3A_152 = tpu.memref_slice %arg8[%dma_wait3A_149, %dma_wait3A_150, %dma_wait3A_151] : memref<2x2x50xi32, #tpu.memory_space<vmem>> -> memref<1x2x50xi32, #tpu.memory_space<vmem>>
    %dma_wait3A_153 = tpu.memref_squeeze %dma_wait3A_152 : memref<1x2x50xi32, #tpu.memory_space<vmem>> -> memref<2x50xi32, #tpu.memory_space<vmem>>
    %dma_wait3A_154 = arith.constant 0 : i32
    %dma_wait3A_155 = arith.constant 0 : i32
    %dma_wait3A_156 = tpu.memref_slice %arg3[%multiple_of3A_5, %dma_wait3A_154, %dma_wait3A_155] : memref<6400x2x50xi32, #tpu.memory_space<hbm>> -> memref<1x2x50xi32, #tpu.memory_space<hbm>>
    %dma_wait3A_157 = tpu.memref_squeeze %dma_wait3A_156 : memref<1x2x50xi32, #tpu.memory_space<hbm>> -> memref<2x50xi32, #tpu.memory_space<hbm>>
    %dma_wait3A_158 = arith.constant 0 : i32
    %dma_wait3A_159 = arith.constant 0 : i32
    %dma_wait3A_160 = tpu.memref_slice %arg8[%dma_wait3A_149, %dma_wait3A_158, %dma_wait3A_159] : memref<2x2x50xi32, #tpu.memory_space<vmem>> -> memref<1x2x50xi32, #tpu.memory_space<vmem>>
    %dma_wait3A_161 = tpu.memref_squeeze %dma_wait3A_160 : memref<1x2x50xi32, #tpu.memory_space<vmem>> -> memref<2x50xi32, #tpu.memory_space<vmem>>
    %dma_wait3A_162 = arith.constant 0 : i32
    %dma_wait3A_163 = arith.constant 0 : i32
    %dma_wait3A_164 = tpu.memref_slice %arg3[%multiple_of3A_5, %dma_wait3A_162, %dma_wait3A_163] : memref<6400x2x50xi32, #tpu.memory_space<hbm>> -> memref<1x2x50xi32, #tpu.memory_space<hbm>>
    %dma_wait3A_165 = tpu.memref_squeeze %dma_wait3A_164 : memref<1x2x50xi32, #tpu.memory_space<hbm>> -> memref<2x50xi32, #tpu.memory_space<hbm>>
    tpu.wait_dma2 semaphore(%arg19 : memref<!tpu.dma_semaphore, #tpu.memory_space<semaphore_mem>>) src(%dma_wait3A_165 : memref<2x50xi32, #tpu.memory_space<hbm>>) dst(%dma_wait3A_161 : memref<2x50xi32, #tpu.memory_space<vmem>>)
    %dma_start3A_166 = arith.constant 0 : i32
    %dma_start3A_167 = arith.constant 0 : i32
    %dma_start3A_168 = arith.constant 0 : i32
    %dma_start3A_169 = tpu.memref_slice %arg8[%dma_start3A_166, %dma_start3A_167, %dma_start3A_168] : memref<2x2x50xi32, #tpu.memory_space<vmem>> -> memref<1x1x50xi32, #tpu.memory_space<vmem>>
    %dma_start3A_170 = tpu.memref_squeeze %dma_start3A_169 : memref<1x1x50xi32, #tpu.memory_space<vmem>> -> memref<50xi32, #tpu.memory_space<vmem>>
    %dma_start3A_171 = arith.constant 0 : i32
    %dma_start3A_172 = arith.constant 0 : i32
    %dma_start3A_173 = tpu.memref_slice %arg2[%dma_start3A_171, %dma_start3A_172] : memref<10000x128xf32, #tpu.memory_space<hbm>> -> memref<10000x128xf32, #tpu.memory_space<hbm>>
    tpu.enqueue_indirect_dma source(%dma_start3A_173 : memref<10000x128xf32, #tpu.memory_space<hbm>>) target(%arg13 : memref<50x128xf32, #tpu.memory_space<vmem>>) offsets(%dma_start3A_170 : memref<50xi32, #tpu.memory_space<vmem>>) semaphore(%arg24 : memref<!tpu.dma_semaphore, #tpu.memory_space<semaphore_mem>>)
    %dma_wait3A_174 = arith.constant 0 : i32
    %dma_wait3A_175 = arith.constant 0 : i32
    %dma_wait3A_176 = arith.constant 0 : i32
    %dma_wait3A_177 = tpu.memref_slice %arg9[%dma_wait3A_174, %dma_wait3A_175, %dma_wait3A_176] : memref<2x2x50xi32, #tpu.memory_space<vmem>> -> memref<1x2x50xi32, #tpu.memory_space<vmem>>
    %dma_wait3A_178 = tpu.memref_squeeze %dma_wait3A_177 : memref<1x2x50xi32, #tpu.memory_space<vmem>> -> memref<2x50xi32, #tpu.memory_space<vmem>>
    %dma_wait3A_179 = arith.constant 0 : i32
    %dma_wait3A_180 = arith.constant 0 : i32
    %dma_wait3A_181 = tpu.memref_slice %arg3[%multiple_of3A_5, %dma_wait3A_179, %dma_wait3A_180] : memref<6400x2x50xi32, #tpu.memory_space<hbm>> -> memref<1x2x50xi32, #tpu.memory_space<hbm>>
    %dma_wait3A_182 = tpu.memref_squeeze %dma_wait3A_181 : memref<1x2x50xi32, #tpu.memory_space<hbm>> -> memref<2x50xi32, #tpu.memory_space<hbm>>
    %dma_wait3A_183 = arith.constant 0 : i32
    %dma_wait3A_184 = arith.constant 0 : i32
    %dma_wait3A_185 = tpu.memref_slice %arg9[%dma_wait3A_174, %dma_wait3A_183, %dma_wait3A_184] : memref<2x2x50xi32, #tpu.memory_space<vmem>> -> memref<1x2x50xi32, #tpu.memory_space<vmem>>
    %dma_wait3A_186 = tpu.memref_squeeze %dma_wait3A_185 : memref<1x2x50xi32, #tpu.memory_space<vmem>> -> memref<2x50xi32, #tpu.memory_space<vmem>>
    %dma_wait3A_187 = arith.constant 0 : i32
    %dma_wait3A_188 = arith.constant 0 : i32
    %dma_wait3A_189 = tpu.memref_slice %arg3[%multiple_of3A_5, %dma_wait3A_187, %dma_wait3A_188] : memref<6400x2x50xi32, #tpu.memory_space<hbm>> -> memref<1x2x50xi32, #tpu.memory_space<hbm>>
    %dma_wait3A_190 = tpu.memref_squeeze %dma_wait3A_189 : memref<1x2x50xi32, #tpu.memory_space<hbm>> -> memref<2x50xi32, #tpu.memory_space<hbm>>
    tpu.wait_dma2 semaphore(%arg20 : memref<!tpu.dma_semaphore, #tpu.memory_space<semaphore_mem>>) src(%dma_wait3A_190 : memref<2x50xi32, #tpu.memory_space<hbm>>) dst(%dma_wait3A_186 : memref<2x50xi32, #tpu.memory_space<vmem>>)
    %dma_start3A_191 = arith.constant 0 : i32
    %dma_start3A_192 = arith.constant 0 : i32
    %dma_start3A_193 = arith.constant 0 : i32
    %dma_start3A_194 = tpu.memref_slice %arg9[%dma_start3A_191, %dma_start3A_192, %dma_start3A_193] : memref<2x2x50xi32, #tpu.memory_space<vmem>> -> memref<1x1x50xi32, #tpu.memory_space<vmem>>
    %dma_start3A_195 = tpu.memref_squeeze %dma_start3A_194 : memref<1x1x50xi32, #tpu.memory_space<vmem>> -> memref<50xi32, #tpu.memory_space<vmem>>
    %dma_start3A_196 = arith.constant 0 : i32
    %dma_start3A_197 = arith.constant 0 : i32
    %dma_start3A_198 = tpu.memref_slice %arg2[%dma_start3A_196, %dma_start3A_197] : memref<10000x128xf32, #tpu.memory_space<hbm>> -> memref<10000x128xf32, #tpu.memory_space<hbm>>
    tpu.enqueue_indirect_dma source(%dma_start3A_198 : memref<10000x128xf32, #tpu.memory_space<hbm>>) target(%arg14 : memref<50x128xf32, #tpu.memory_space<vmem>>) offsets(%dma_start3A_195 : memref<50xi32, #tpu.memory_space<vmem>>) semaphore(%arg25 : memref<!tpu.dma_semaphore, #tpu.memory_space<semaphore_mem>>)
    %dma_wait3A_199 = arith.constant 0 : i32
    %dma_wait3A_200 = arith.constant 0 : i32
    %dma_wait3A_201 = arith.constant 0 : i32
    %dma_wait3A_202 = tpu.memref_slice %arg10[%dma_wait3A_199, %dma_wait3A_200, %dma_wait3A_201] : memref<2x2x50xi32, #tpu.memory_space<vmem>> -> memref<1x2x50xi32, #tpu.memory_space<vmem>>
    %dma_wait3A_203 = tpu.memref_squeeze %dma_wait3A_202 : memref<1x2x50xi32, #tpu.memory_space<vmem>> -> memref<2x50xi32, #tpu.memory_space<vmem>>
    %dma_wait3A_204 = arith.constant 0 : i32
    %dma_wait3A_205 = arith.constant 0 : i32
    %dma_wait3A_206 = tpu.memref_slice %arg3[%multiple_of3A_5, %dma_wait3A_204, %dma_wait3A_205] : memref<6400x2x50xi32, #tpu.memory_space<hbm>> -> memref<1x2x50xi32, #tpu.memory_space<hbm>>
    %dma_wait3A_207 = tpu.memref_squeeze %dma_wait3A_206 : memref<1x2x50xi32, #tpu.memory_space<hbm>> -> memref<2x50xi32, #tpu.memory_space<hbm>>
    %dma_wait3A_208 = arith.constant 0 : i32
    %dma_wait3A_209 = arith.constant 0 : i32
    %dma_wait3A_210 = tpu.memref_slice %arg10[%dma_wait3A_199, %dma_wait3A_208, %dma_wait3A_209] : memref<2x2x50xi32, #tpu.memory_space<vmem>> -> memref<1x2x50xi32, #tpu.memory_space<vmem>>
    %dma_wait3A_211 = tpu.memref_squeeze %dma_wait3A_210 : memref<1x2x50xi32, #tpu.memory_space<vmem>> -> memref<2x50xi32, #tpu.memory_space<vmem>>
    %dma_wait3A_212 = arith.constant 0 : i32
    %dma_wait3A_213 = arith.constant 0 : i32
    %dma_wait3A_214 = tpu.memref_slice %arg3[%multiple_of3A_5, %dma_wait3A_212, %dma_wait3A_213] : memref<6400x2x50xi32, #tpu.memory_space<hbm>> -> memref<1x2x50xi32, #tpu.memory_space<hbm>>
    %dma_wait3A_215 = tpu.memref_squeeze %dma_wait3A_214 : memref<1x2x50xi32, #tpu.memory_space<hbm>> -> memref<2x50xi32, #tpu.memory_space<hbm>>
    tpu.wait_dma2 semaphore(%arg21 : memref<!tpu.dma_semaphore, #tpu.memory_space<semaphore_mem>>) src(%dma_wait3A_215 : memref<2x50xi32, #tpu.memory_space<hbm>>) dst(%dma_wait3A_211 : memref<2x50xi32, #tpu.memory_space<vmem>>)
    %dma_start3A_216 = arith.constant 0 : i32
    %dma_start3A_217 = arith.constant 0 : i32
    %dma_start3A_218 = arith.constant 0 : i32
    %dma_start3A_219 = tpu.memref_slice %arg10[%dma_start3A_216, %dma_start3A_217, %dma_start3A_218] : memref<2x2x50xi32, #tpu.memory_space<vmem>> -> memref<1x1x50xi32, #tpu.memory_space<vmem>>
    %dma_start3A_220 = tpu.memref_squeeze %dma_start3A_219 : memref<1x1x50xi32, #tpu.memory_space<vmem>> -> memref<50xi32, #tpu.memory_space<vmem>>
    %dma_start3A_221 = arith.constant 0 : i32
    %dma_start3A_222 = arith.constant 0 : i32
    %dma_start3A_223 = tpu.memref_slice %arg2[%dma_start3A_221, %dma_start3A_222] : memref<10000x128xf32, #tpu.memory_space<hbm>> -> memref<10000x128xf32, #tpu.memory_space<hbm>>
    tpu.enqueue_indirect_dma source(%dma_start3A_223 : memref<10000x128xf32, #tpu.memory_space<hbm>>) target(%arg15 : memref<50x128xf32, #tpu.memory_space<vmem>>) offsets(%dma_start3A_220 : memref<50xi32, #tpu.memory_space<vmem>>) semaphore(%arg26 : memref<!tpu.dma_semaphore, #tpu.memory_space<semaphore_mem>>)
    %dma_wait3A_224 = arith.constant 0 : i32
    %dma_wait3A_225 = arith.constant 0 : i32
    %dma_wait3A_226 = arith.constant 0 : i32
    %dma_wait3A_227 = tpu.memref_slice %arg6[%dma_wait3A_224, %dma_wait3A_225, %dma_wait3A_226] : memref<2x2x50xi32, #tpu.memory_space<vmem>> -> memref<1x1x50xi32, #tpu.memory_space<vmem>>
    %dma_wait3A_228 = tpu.memref_squeeze %dma_wait3A_227 : memref<1x1x50xi32, #tpu.memory_space<vmem>> -> memref<50xi32, #tpu.memory_space<vmem>>
    %dma_wait3A_229 = arith.constant 0 : i32
    %dma_wait3A_230 = arith.constant 0 : i32
    %dma_wait3A_231 = tpu.memref_slice %arg2[%dma_wait3A_229, %dma_wait3A_230] : memref<10000x128xf32, #tpu.memory_space<hbm>> -> memref<10000x128xf32, #tpu.memory_space<hbm>>
    tpu.wait_indirect_dma semaphore(%arg22 : memref<!tpu.dma_semaphore, #tpu.memory_space<semaphore_mem>>) src(%dma_wait3A_231 : memref<10000x128xf32, #tpu.memory_space<hbm>>) dst(%arg11 : memref<50x128xf32, #tpu.memory_space<vmem>>)
    %dma_start3A_232 = arith.constant 0 : i32
    %dma_start3A_233 = arith.constant 1 : i32
    %dma_start3A_234 = arith.constant 0 : i32
    %dma_start3A_235 = tpu.memref_slice %arg6[%dma_start3A_232, %dma_start3A_233, %dma_start3A_234] : memref<2x2x50xi32, #tpu.memory_space<vmem>> -> memref<1x1x50xi32, #tpu.memory_space<vmem>>
    %dma_start3A_236 = tpu.memref_squeeze %dma_start3A_235 : memref<1x1x50xi32, #tpu.memory_space<vmem>> -> memref<50xi32, #tpu.memory_space<vmem>>
    %dma_start3A_237 = arith.constant 0 : i32
    %dma_start3A_238 = arith.constant 0 : i32
    %dma_start3A_239 = tpu.memref_slice %arg16[%dma_start3A_237, %dma_start3A_238] : memref<10240x128xf32, #tpu.memory_space<vmem_shared>> -> memref<10240x128xf32, #tpu.memory_space<vmem_shared>>
    tpu.enqueue_indirect_dma source(%arg11 : memref<50x128xf32, #tpu.memory_space<vmem>>) target(%dma_start3A_239 : memref<10240x128xf32, #tpu.memory_space<vmem_shared>>) offsets(%dma_start3A_236 : memref<50xi32, #tpu.memory_space<vmem>>) semaphore(%arg27 : memref<!tpu.dma_semaphore, #tpu.memory_space<semaphore_mem>>) {add = true}
    %min3A = arith.constant 5 : i32
    %min3A_240 = arith.constant 199 : i32
    %min3A_241 = arith.minsi %min3A, %min3A_240 : i32
    %add3A_242 = arith.addi %multiple_of3A_5, %min3A_241 : i32
    %dma_start3A_243 = arith.constant 1 : i32
    %dma_start3A_244 = arith.constant 0 : i32
    %dma_start3A_245 = arith.constant 0 : i32
    %dma_start3A_246 = tpu.memref_slice %arg6[%dma_start3A_243, %dma_start3A_244, %dma_start3A_245] : memref<2x2x50xi32, #tpu.memory_space<vmem>> -> memref<1x2x50xi32, #tpu.memory_space<vmem>>
    %dma_start3A_247 = tpu.memref_squeeze %dma_start3A_246 : memref<1x2x50xi32, #tpu.memory_space<vmem>> -> memref<2x50xi32, #tpu.memory_space<vmem>>
    %dma_start3A_248 = arith.constant 0 : i32
    %dma_start3A_249 = arith.constant 0 : i32
    %dma_start3A_250 = tpu.memref_slice %arg3[%add3A_242, %dma_start3A_248, %dma_start3A_249] : memref<6400x2x50xi32, #tpu.memory_space<hbm>> -> memref<1x2x50xi32, #tpu.memory_space<hbm>>
    %dma_start3A_251 = tpu.memref_squeeze %dma_start3A_250 : memref<1x2x50xi32, #tpu.memory_space<hbm>> -> memref<2x50xi32, #tpu.memory_space<hbm>>
    %dma_start3A_252 = arith.constant 0 : i32
    %dma_start3A_253 = arith.constant 0 : i32
    %dma_start3A_254 = tpu.memref_slice %arg6[%dma_start3A_243, %dma_start3A_252, %dma_start3A_253] : memref<2x2x50xi32, #tpu.memory_space<vmem>> -> memref<1x2x50xi32, #tpu.memory_space<vmem>>
    %dma_start3A_255 = tpu.memref_squeeze %dma_start3A_254 : memref<1x2x50xi32, #tpu.memory_space<vmem>> -> memref<2x50xi32, #tpu.memory_space<vmem>>
    %dma_start3A_256 = arith.constant 0 : i32
    %dma_start3A_257 = arith.constant 0 : i32
    %dma_start3A_258 = tpu.memref_slice %arg3[%add3A_242, %dma_start3A_256, %dma_start3A_257] : memref<6400x2x50xi32, #tpu.memory_space<hbm>> -> memref<1x2x50xi32, #tpu.memory_space<hbm>>
    %dma_start3A_259 = tpu.memref_squeeze %dma_start3A_258 : memref<1x2x50xi32, #tpu.memory_space<hbm>> -> memref<2x50xi32, #tpu.memory_space<hbm>>
    tpu.enqueue_dma source(%dma_start3A_259 : memref<2x50xi32, #tpu.memory_space<hbm>>) target(%dma_start3A_255 : memref<2x50xi32, #tpu.memory_space<vmem>>) target_semaphore(%arg17 : memref<!tpu.dma_semaphore, #tpu.memory_space<semaphore_mem>>)
    %dma_wait3A_260 = arith.constant 0 : i32
    %dma_wait3A_261 = arith.constant 0 : i32
    %dma_wait3A_262 = arith.constant 0 : i32
    %dma_wait3A_263 = tpu.memref_slice %arg7[%dma_wait3A_260, %dma_wait3A_261, %dma_wait3A_262] : memref<2x2x50xi32, #tpu.memory_space<vmem>> -> memref<1x1x50xi32, #tpu.memory_space<vmem>>
    %dma_wait3A_264 = tpu.memref_squeeze %dma_wait3A_263 : memref<1x1x50xi32, #tpu.memory_space<vmem>> -> memref<50xi32, #tpu.memory_space<vmem>>
    %dma_wait3A_265 = arith.constant 0 : i32
    %dma_wait3A_266 = arith.constant 0 : i32
    %dma_wait3A_267 = tpu.memref_slice %arg2[%dma_wait3A_265, %dma_wait3A_266] : memref<10000x128xf32, #tpu.memory_space<hbm>> -> memref<10000x128xf32, #tpu.memory_space<hbm>>
    tpu.wait_indirect_dma semaphore(%arg23 : memref<!tpu.dma_semaphore, #tpu.memory_space<semaphore_mem>>) src(%dma_wait3A_267 : memref<10000x128xf32, #tpu.memory_space<hbm>>) dst(%arg12 : memref<50x128xf32, #tpu.memory_space<vmem>>)
    %dma_start3A_268 = arith.constant 0 : i32
    %dma_start3A_269 = arith.constant 1 : i32
    %dma_start3A_270 = arith.constant 0 : i32
    %dma_start3A_271 = tpu.memref_slice %arg7[%dma_start3A_268, %dma_start3A_269, %dma_start3A_270] : memref<2x2x50xi32, #tpu.memory_space<vmem>> -> memref<1x1x50xi32, #tpu.memory_space<vmem>>
    %dma_start3A_272 = tpu.memref_squeeze %dma_start3A_271 : memref<1x1x50xi32, #tpu.memory_space<vmem>> -> memref<50xi32, #tpu.memory_space<vmem>>
    %dma_start3A_273 = arith.constant 0 : i32
    %dma_start3A_274 = arith.constant 0 : i32
    %dma_start3A_275 = tpu.memref_slice %arg16[%dma_start3A_273, %dma_start3A_274] : memref<10240x128xf32, #tpu.memory_space<vmem_shared>> -> memref<10240x128xf32, #tpu.memory_space<vmem_shared>>
    tpu.enqueue_indirect_dma source(%arg12 : memref<50x128xf32, #tpu.memory_space<vmem>>) target(%dma_start3A_275 : memref<10240x128xf32, #tpu.memory_space<vmem_shared>>) offsets(%dma_start3A_272 : memref<50xi32, #tpu.memory_space<vmem>>) semaphore(%arg28 : memref<!tpu.dma_semaphore, #tpu.memory_space<semaphore_mem>>) {add = true}
    %min3A_276 = arith.constant 6 : i32
    %min3A_277 = arith.constant 199 : i32
    %min3A_278 = arith.minsi %min3A_276, %min3A_277 : i32
    %add3A_279 = arith.addi %multiple_of3A_5, %min3A_278 : i32
    %dma_start3A_280 = arith.constant 1 : i32
    %dma_start3A_281 = arith.constant 0 : i32
    %dma_start3A_282 = arith.constant 0 : i32
    %dma_start3A_283 = tpu.memref_slice %arg7[%dma_start3A_280, %dma_start3A_281, %dma_start3A_282] : memref<2x2x50xi32, #tpu.memory_space<vmem>> -> memref<1x2x50xi32, #tpu.memory_space<vmem>>
    %dma_start3A_284 = tpu.memref_squeeze %dma_start3A_283 : memref<1x2x50xi32, #tpu.memory_space<vmem>> -> memref<2x50xi32, #tpu.memory_space<vmem>>
    %dma_start3A_285 = arith.constant 0 : i32
    %dma_start3A_286 = arith.constant 0 : i32
    %dma_start3A_287 = tpu.memref_slice %arg3[%add3A_279, %dma_start3A_285, %dma_start3A_286] : memref<6400x2x50xi32, #tpu.memory_space<hbm>> -> memref<1x2x50xi32, #tpu.memory_space<hbm>>
    %dma_start3A_288 = tpu.memref_squeeze %dma_start3A_287 : memref<1x2x50xi32, #tpu.memory_space<hbm>> -> memref<2x50xi32, #tpu.memory_space<hbm>>
    %dma_start3A_289 = arith.constant 0 : i32
    %dma_start3A_290 = arith.constant 0 : i32
    %dma_start3A_291 = tpu.memref_slice %arg7[%dma_start3A_280, %dma_start3A_289, %dma_start3A_290] : memref<2x2x50xi32, #tpu.memory_space<vmem>> -> memref<1x2x50xi32, #tpu.memory_space<vmem>>
    %dma_start3A_292 = tpu.memref_squeeze %dma_start3A_291 : memref<1x2x50xi32, #tpu.memory_space<vmem>> -> memref<2x50xi32, #tpu.memory_space<vmem>>
    %dma_start3A_293 = arith.constant 0 : i32
    %dma_start3A_294 = arith.constant 0 : i32
    %dma_start3A_295 = tpu.memref_slice %arg3[%add3A_279, %dma_start3A_293, %dma_start3A_294] : memref<6400x2x50xi32, #tpu.memory_space<hbm>> -> memref<1x2x50xi32, #tpu.memory_space<hbm>>
    %dma_start3A_296 = tpu.memref_squeeze %dma_start3A_295 : memref<1x2x50xi32, #tpu.memory_space<hbm>> -> memref<2x50xi32, #tpu.memory_space<hbm>>
    tpu.enqueue_dma source(%dma_start3A_296 : memref<2x50xi32, #tpu.memory_space<hbm>>) target(%dma_start3A_292 : memref<2x50xi32, #tpu.memory_space<vmem>>) target_semaphore(%arg18 : memref<!tpu.dma_semaphore, #tpu.memory_space<semaphore_mem>>)
    %dma_wait3A_297 = arith.constant 0 : i32
    %dma_wait3A_298 = arith.constant 0 : i32
    %dma_wait3A_299 = arith.constant 0 : i32
    %dma_wait3A_300 = tpu.memref_slice %arg8[%dma_wait3A_297, %dma_wait3A_298, %dma_wait3A_299] : memref<2x2x50xi32, #tpu.memory_space<vmem>> -> memref<1x1x50xi32, #tpu.memory_space<vmem>>
    %dma_wait3A_301 = tpu.memref_squeeze %dma_wait3A_300 : memref<1x1x50xi32, #tpu.memory_space<vmem>> -> memref<50xi32, #tpu.memory_space<vmem>>
    %dma_wait3A_302 = arith.constant 0 : i32
    %dma_wait3A_303 = arith.constant 0 : i32
    %dma_wait3A_304 = tpu.memref_slice %arg2[%dma_wait3A_302, %dma_wait3A_303] : memref<10000x128xf32, #tpu.memory_space<hbm>> -> memref<10000x128xf32, #tpu.memory_space<hbm>>
    tpu.wait_indirect_dma semaphore(%arg24 : memref<!tpu.dma_semaphore, #tpu.memory_space<semaphore_mem>>) src(%dma_wait3A_304 : memref<10000x128xf32, #tpu.memory_space<hbm>>) dst(%arg13 : memref<50x128xf32, #tpu.memory_space<vmem>>)
    %dma_start3A_305 = arith.constant 0 : i32
    %dma_start3A_306 = arith.constant 1 : i32
    %dma_start3A_307 = arith.constant 0 : i32
    %dma_start3A_308 = tpu.memref_slice %arg8[%dma_start3A_305, %dma_start3A_306, %dma_start3A_307] : memref<2x2x50xi32, #tpu.memory_space<vmem>> -> memref<1x1x50xi32, #tpu.memory_space<vmem>>
    %dma_start3A_309 = tpu.memref_squeeze %dma_start3A_308 : memref<1x1x50xi32, #tpu.memory_space<vmem>> -> memref<50xi32, #tpu.memory_space<vmem>>
    %dma_start3A_310 = arith.constant 0 : i32
    %dma_start3A_311 = arith.constant 0 : i32
    %dma_start3A_312 = tpu.memref_slice %arg16[%dma_start3A_310, %dma_start3A_311] : memref<10240x128xf32, #tpu.memory_space<vmem_shared>> -> memref<10240x128xf32, #tpu.memory_space<vmem_shared>>
    tpu.enqueue_indirect_dma source(%arg13 : memref<50x128xf32, #tpu.memory_space<vmem>>) target(%dma_start3A_312 : memref<10240x128xf32, #tpu.memory_space<vmem_shared>>) offsets(%dma_start3A_309 : memref<50xi32, #tpu.memory_space<vmem>>) semaphore(%arg29 : memref<!tpu.dma_semaphore, #tpu.memory_space<semaphore_mem>>) {add = true}
    %min3A_313 = arith.constant 7 : i32
    %min3A_314 = arith.constant 199 : i32
    %min3A_315 = arith.minsi %min3A_313, %min3A_314 : i32
    %add3A_316 = arith.addi %multiple_of3A_5, %min3A_315 : i32
    %dma_start3A_317 = arith.constant 1 : i32
    %dma_start3A_318 = arith.constant 0 : i32
    %dma_start3A_319 = arith.constant 0 : i32
    %dma_start3A_320 = tpu.memref_slice %arg8[%dma_start3A_317, %dma_start3A_318, %dma_start3A_319] : memref<2x2x50xi32, #tpu.memory_space<vmem>> -> memref<1x2x50xi32, #tpu.memory_space<vmem>>
    %dma_start3A_321 = tpu.memref_squeeze %dma_start3A_320 : memref<1x2x50xi32, #tpu.memory_space<vmem>> -> memref<2x50xi32, #tpu.memory_space<vmem>>
    %dma_start3A_322 = arith.constant 0 : i32
    %dma_start3A_323 = arith.constant 0 : i32
    %dma_start3A_324 = tpu.memref_slice %arg3[%add3A_316, %dma_start3A_322, %dma_start3A_323] : memref<6400x2x50xi32, #tpu.memory_space<hbm>> -> memref<1x2x50xi32, #tpu.memory_space<hbm>>
    %dma_start3A_325 = tpu.memref_squeeze %dma_start3A_324 : memref<1x2x50xi32, #tpu.memory_space<hbm>> -> memref<2x50xi32, #tpu.memory_space<hbm>>
    %dma_start3A_326 = arith.constant 0 : i32
    %dma_start3A_327 = arith.constant 0 : i32
    %dma_start3A_328 = tpu.memref_slice %arg8[%dma_start3A_317, %dma_start3A_326, %dma_start3A_327] : memref<2x2x50xi32, #tpu.memory_space<vmem>> -> memref<1x2x50xi32, #tpu.memory_space<vmem>>
    %dma_start3A_329 = tpu.memref_squeeze %dma_start3A_328 : memref<1x2x50xi32, #tpu.memory_space<vmem>> -> memref<2x50xi32, #tpu.memory_space<vmem>>
    %dma_start3A_330 = arith.constant 0 : i32
    %dma_start3A_331 = arith.constant 0 : i32
    %dma_start3A_332 = tpu.memref_slice %arg3[%add3A_316, %dma_start3A_330, %dma_start3A_331] : memref<6400x2x50xi32, #tpu.memory_space<hbm>> -> memref<1x2x50xi32, #tpu.memory_space<hbm>>
    %dma_start3A_333 = tpu.memref_squeeze %dma_start3A_332 : memref<1x2x50xi32, #tpu.memory_space<hbm>> -> memref<2x50xi32, #tpu.memory_space<hbm>>
    tpu.enqueue_dma source(%dma_start3A_333 : memref<2x50xi32, #tpu.memory_space<hbm>>) target(%dma_start3A_329 : memref<2x50xi32, #tpu.memory_space<vmem>>) target_semaphore(%arg19 : memref<!tpu.dma_semaphore, #tpu.memory_space<semaphore_mem>>)
    %dma_wait3A_334 = arith.constant 0 : i32
    %dma_wait3A_335 = arith.constant 0 : i32
    %dma_wait3A_336 = arith.constant 0 : i32
    %dma_wait3A_337 = tpu.memref_slice %arg9[%dma_wait3A_334, %dma_wait3A_335, %dma_wait3A_336] : memref<2x2x50xi32, #tpu.memory_space<vmem>> -> memref<1x1x50xi32, #tpu.memory_space<vmem>>
    %dma_wait3A_338 = tpu.memref_squeeze %dma_wait3A_337 : memref<1x1x50xi32, #tpu.memory_space<vmem>> -> memref<50xi32, #tpu.memory_space<vmem>>
    %dma_wait3A_339 = arith.constant 0 : i32
    %dma_wait3A_340 = arith.constant 0 : i32
    %dma_wait3A_341 = tpu.memref_slice %arg2[%dma_wait3A_339, %dma_wait3A_340] : memref<10000x128xf32, #tpu.memory_space<hbm>> -> memref<10000x128xf32, #tpu.memory_space<hbm>>
    tpu.wait_indirect_dma semaphore(%arg25 : memref<!tpu.dma_semaphore, #tpu.memory_space<semaphore_mem>>) src(%dma_wait3A_341 : memref<10000x128xf32, #tpu.memory_space<hbm>>) dst(%arg14 : memref<50x128xf32, #tpu.memory_space<vmem>>)
    %dma_start3A_342 = arith.constant 0 : i32
    %dma_start3A_343 = arith.constant 1 : i32
    %dma_start3A_344 = arith.constant 0 : i32
    %dma_start3A_345 = tpu.memref_slice %arg9[%dma_start3A_342, %dma_start3A_343, %dma_start3A_344] : memref<2x2x50xi32, #tpu.memory_space<vmem>> -> memref<1x1x50xi32, #tpu.memory_space<vmem>>
    %dma_start3A_346 = tpu.memref_squeeze %dma_start3A_345 : memref<1x1x50xi32, #tpu.memory_space<vmem>> -> memref<50xi32, #tpu.memory_space<vmem>>
    %dma_start3A_347 = arith.constant 0 : i32
    %dma_start3A_348 = arith.constant 0 : i32
    %dma_start3A_349 = tpu.memref_slice %arg16[%dma_start3A_347, %dma_start3A_348] : memref<10240x128xf32, #tpu.memory_space<vmem_shared>> -> memref<10240x128xf32, #tpu.memory_space<vmem_shared>>
    tpu.enqueue_indirect_dma source(%arg14 : memref<50x128xf32, #tpu.memory_space<vmem>>) target(%dma_start3A_349 : memref<10240x128xf32, #tpu.memory_space<vmem_shared>>) offsets(%dma_start3A_346 : memref<50xi32, #tpu.memory_space<vmem>>) semaphore(%arg30 : memref<!tpu.dma_semaphore, #tpu.memory_space<semaphore_mem>>) {add = true}
    %min3A_350 = arith.constant 8 : i32
    %min3A_351 = arith.constant 199 : i32
    %min3A_352 = arith.minsi %min3A_350, %min3A_351 : i32
    %add3A_353 = arith.addi %multiple_of3A_5, %min3A_352 : i32
    %dma_start3A_354 = arith.constant 1 : i32
    %dma_start3A_355 = arith.constant 0 : i32
    %dma_start3A_356 = arith.constant 0 : i32
    %dma_start3A_357 = tpu.memref_slice %arg9[%dma_start3A_354, %dma_start3A_355, %dma_start3A_356] : memref<2x2x50xi32, #tpu.memory_space<vmem>> -> memref<1x2x50xi32, #tpu.memory_space<vmem>>
    %dma_start3A_358 = tpu.memref_squeeze %dma_start3A_357 : memref<1x2x50xi32, #tpu.memory_space<vmem>> -> memref<2x50xi32, #tpu.memory_space<vmem>>
    %dma_start3A_359 = arith.constant 0 : i32
    %dma_start3A_360 = arith.constant 0 : i32
    %dma_start3A_361 = tpu.memref_slice %arg3[%add3A_353, %dma_start3A_359, %dma_start3A_360] : memref<6400x2x50xi32, #tpu.memory_space<hbm>> -> memref<1x2x50xi32, #tpu.memory_space<hbm>>
    %dma_start3A_362 = tpu.memref_squeeze %dma_start3A_361 : memref<1x2x50xi32, #tpu.memory_space<hbm>> -> memref<2x50xi32, #tpu.memory_space<hbm>>
    %dma_start3A_363 = arith.constant 0 : i32
    %dma_start3A_364 = arith.constant 0 : i32
    %dma_start3A_365 = tpu.memref_slice %arg9[%dma_start3A_354, %dma_start3A_363, %dma_start3A_364] : memref<2x2x50xi32, #tpu.memory_space<vmem>> -> memref<1x2x50xi32, #tpu.memory_space<vmem>>
    %dma_start3A_366 = tpu.memref_squeeze %dma_start3A_365 : memref<1x2x50xi32, #tpu.memory_space<vmem>> -> memref<2x50xi32, #tpu.memory_space<vmem>>
    %dma_start3A_367 = arith.constant 0 : i32
    %dma_start3A_368 = arith.constant 0 : i32
    %dma_start3A_369 = tpu.memref_slice %arg3[%add3A_353, %dma_start3A_367, %dma_start3A_368] : memref<6400x2x50xi32, #tpu.memory_space<hbm>> -> memref<1x2x50xi32, #tpu.memory_space<hbm>>
    %dma_start3A_370 = tpu.memref_squeeze %dma_start3A_369 : memref<1x2x50xi32, #tpu.memory_space<hbm>> -> memref<2x50xi32, #tpu.memory_space<hbm>>
    tpu.enqueue_dma source(%dma_start3A_370 : memref<2x50xi32, #tpu.memory_space<hbm>>) target(%dma_start3A_366 : memref<2x50xi32, #tpu.memory_space<vmem>>) target_semaphore(%arg20 : memref<!tpu.dma_semaphore, #tpu.memory_space<semaphore_mem>>)
    %dma_wait3A_371 = arith.constant 0 : i32
    %dma_wait3A_372 = arith.constant 0 : i32
    %dma_wait3A_373 = arith.constant 0 : i32
    %dma_wait3A_374 = tpu.memref_slice %arg10[%dma_wait3A_371, %dma_wait3A_372, %dma_wait3A_373] : memref<2x2x50xi32, #tpu.memory_space<vmem>> -> memref<1x1x50xi32, #tpu.memory_space<vmem>>
    %dma_wait3A_375 = tpu.memref_squeeze %dma_wait3A_374 : memref<1x1x50xi32, #tpu.memory_space<vmem>> -> memref<50xi32, #tpu.memory_space<vmem>>
    %dma_wait3A_376 = arith.constant 0 : i32
    %dma_wait3A_377 = arith.constant 0 : i32
    %dma_wait3A_378 = tpu.memref_slice %arg2[%dma_wait3A_376, %dma_wait3A_377] : memref<10000x128xf32, #tpu.memory_space<hbm>> -> memref<10000x128xf32, #tpu.memory_space<hbm>>
    tpu.wait_indirect_dma semaphore(%arg26 : memref<!tpu.dma_semaphore, #tpu.memory_space<semaphore_mem>>) src(%dma_wait3A_378 : memref<10000x128xf32, #tpu.memory_space<hbm>>) dst(%arg15 : memref<50x128xf32, #tpu.memory_space<vmem>>)
    %dma_start3A_379 = arith.constant 0 : i32
    %dma_start3A_380 = arith.constant 1 : i32
    %dma_start3A_381 = arith.constant 0 : i32
    %dma_start3A_382 = tpu.memref_slice %arg10[%dma_start3A_379, %dma_start3A_380, %dma_start3A_381] : memref<2x2x50xi32, #tpu.memory_space<vmem>> -> memref<1x1x50xi32, #tpu.memory_space<vmem>>
    %dma_start3A_383 = tpu.memref_squeeze %dma_start3A_382 : memref<1x1x50xi32, #tpu.memory_space<vmem>> -> memref<50xi32, #tpu.memory_space<vmem>>
    %dma_start3A_384 = arith.constant 0 : i32
    %dma_start3A_385 = arith.constant 0 : i32
    %dma_start3A_386 = tpu.memref_slice %arg16[%dma_start3A_384, %dma_start3A_385] : memref<10240x128xf32, #tpu.memory_space<vmem_shared>> -> memref<10240x128xf32, #tpu.memory_space<vmem_shared>>
    tpu.enqueue_indirect_dma source(%arg15 : memref<50x128xf32, #tpu.memory_space<vmem>>) target(%dma_start3A_386 : memref<10240x128xf32, #tpu.memory_space<vmem_shared>>) offsets(%dma_start3A_383 : memref<50xi32, #tpu.memory_space<vmem>>) semaphore(%arg31 : memref<!tpu.dma_semaphore, #tpu.memory_space<semaphore_mem>>) {add = true}
    %min3A_387 = arith.constant 9 : i32
    %min3A_388 = arith.constant 199 : i32
    %min3A_389 = arith.minsi %min3A_387, %min3A_388 : i32
    %add3A_390 = arith.addi %multiple_of3A_5, %min3A_389 : i32
    %dma_start3A_391 = arith.constant 1 : i32
    %dma_start3A_392 = arith.constant 0 : i32
    %dma_start3A_393 = arith.constant 0 : i32
    %dma_start3A_394 = tpu.memref_slice %arg10[%dma_start3A_391, %dma_start3A_392, %dma_start3A_393] : memref<2x2x50xi32, #tpu.memory_space<vmem>> -> memref<1x2x50xi32, #tpu.memory_space<vmem>>
    %dma_start3A_395 = tpu.memref_squeeze %dma_start3A_394 : memref<1x2x50xi32, #tpu.memory_space<vmem>> -> memref<2x50xi32, #tpu.memory_space<vmem>>
    %dma_start3A_396 = arith.constant 0 : i32
    %dma_start3A_397 = arith.constant 0 : i32
    %dma_start3A_398 = tpu.memref_slice %arg3[%add3A_390, %dma_start3A_396, %dma_start3A_397] : memref<6400x2x50xi32, #tpu.memory_space<hbm>> -> memref<1x2x50xi32, #tpu.memory_space<hbm>>
    %dma_start3A_399 = tpu.memref_squeeze %dma_start3A_398 : memref<1x2x50xi32, #tpu.memory_space<hbm>> -> memref<2x50xi32, #tpu.memory_space<hbm>>
    %dma_start3A_400 = arith.constant 0 : i32
    %dma_start3A_401 = arith.constant 0 : i32
    %dma_start3A_402 = tpu.memref_slice %arg10[%dma_start3A_391, %dma_start3A_400, %dma_start3A_401] : memref<2x2x50xi32, #tpu.memory_space<vmem>> -> memref<1x2x50xi32, #tpu.memory_space<vmem>>
    %dma_start3A_403 = tpu.memref_squeeze %dma_start3A_402 : memref<1x2x50xi32, #tpu.memory_space<vmem>> -> memref<2x50xi32, #tpu.memory_space<vmem>>
    %dma_start3A_404 = arith.constant 0 : i32
    %dma_start3A_405 = arith.constant 0 : i32
    %dma_start3A_406 = tpu.memref_slice %arg3[%add3A_390, %dma_start3A_404, %dma_start3A_405] : memref<6400x2x50xi32, #tpu.memory_space<hbm>> -> memref<1x2x50xi32, #tpu.memory_space<hbm>>
    %dma_start3A_407 = tpu.memref_squeeze %dma_start3A_406 : memref<1x2x50xi32, #tpu.memory_space<hbm>> -> memref<2x50xi32, #tpu.memory_space<hbm>>
    tpu.enqueue_dma source(%dma_start3A_407 : memref<2x50xi32, #tpu.memory_space<hbm>>) target(%dma_start3A_403 : memref<2x50xi32, #tpu.memory_space<vmem>>) target_semaphore(%arg21 : memref<!tpu.dma_semaphore, #tpu.memory_space<semaphore_mem>>)
    %scan3A = arith.constant 0 : i32
    %scan3A_408 = arith.constant 1 : i32
    %scan3A_409 = arith.constant 39 : i32
    %scan3A_410 = arith.addi %scan3A_408, %scan3A_409 : i32
    %scan3A_411 = arith.constant 1 : i32
    scf.for %scan3A_545 = %scan3A_408 to %scan3A_410 step %scan3A_411  : i32 {
      %mul3A_546 = arith.constant 5 : i32
      %mul3A_547 = arith.muli %scan3A_545, %mul3A_546 : i32
      %jit3A = arith.constant 2 : i32
      %eq3A = arith.constant 0 : i32
      %eq3A_548 = arith.cmpi eq, %jit3A, %eq3A : i32
      %jit3A_549 = arith.constant 1 : i32
      %select_n3A = arith.select %eq3A_548, %jit3A_549, %jit3A : i32
      %rem3A = arith.remsi %scan3A_545, %select_n3A : i32
      %ne3A = arith.constant 0 : i32
      %ne3A_550 = arith.cmpi ne, %rem3A, %ne3A : i32
      %lt3A = arith.constant 0 : i32
      %lt3A_551 = arith.cmpi slt, %rem3A, %lt3A : i32
      %lt3A_552 = arith.constant 0 : i32
      %lt3A_553 = arith.cmpi slt, %select_n3A, %lt3A_552 : i32
      %ne3A_554 = arith.xori %lt3A_551, %lt3A_553 : i1
      %and3A = arith.andi %ne3A_554, %ne3A_550 : i1
      %add3A_555 = arith.addi %rem3A, %select_n3A : i32
      %select_n3A_556 = arith.select %and3A, %add3A_555, %rem3A : i32
      %dma_wait3A_557 = arith.constant 0 : i32
      %dma_wait3A_558 = arith.constant 1 : i32
      %dma_wait3A_559 = arith.constant 0 : i32
      %dma_wait3A_560 = tpu.memref_slice %arg6[%dma_wait3A_557, %dma_wait3A_558, %dma_wait3A_559] : memref<2x2x50xi32, #tpu.memory_space<vmem>> -> memref<1x1x50xi32, #tpu.memory_space<vmem>>
      %dma_wait3A_561 = tpu.memref_squeeze %dma_wait3A_560 : memref<1x1x50xi32, #tpu.memory_space<vmem>> -> memref<50xi32, #tpu.memory_space<vmem>>
      %dma_wait3A_562 = arith.constant 0 : i32
      %dma_wait3A_563 = arith.constant 0 : i32
      %dma_wait3A_564 = tpu.memref_slice %arg16[%dma_wait3A_562, %dma_wait3A_563] : memref<10240x128xf32, #tpu.memory_space<vmem_shared>> -> memref<10240x128xf32, #tpu.memory_space<vmem_shared>>
      tpu.wait_indirect_dma semaphore(%arg27 : memref<!tpu.dma_semaphore, #tpu.memory_space<semaphore_mem>>) src(%arg11 : memref<50x128xf32, #tpu.memory_space<vmem>>) dst(%dma_wait3A_564 : memref<10240x128xf32, #tpu.memory_space<vmem_shared>>)
      %dma_wait3A_565 = arith.constant 0 : i32
      %dma_wait3A_566 = arith.constant 0 : i32
      %dma_wait3A_567 = arith.constant 0 : i32
      %dma_wait3A_568 = tpu.memref_slice %arg6[%dma_wait3A_565, %dma_wait3A_566, %dma_wait3A_567] : memref<2x2x50xi32, #tpu.memory_space<vmem>> -> memref<1x2x50xi32, #tpu.memory_space<vmem>>
      %dma_wait3A_569 = tpu.memref_squeeze %dma_wait3A_568 : memref<1x2x50xi32, #tpu.memory_space<vmem>> -> memref<2x50xi32, #tpu.memory_space<vmem>>
      %dma_wait3A_570 = arith.constant 0 : i32
      %dma_wait3A_571 = arith.constant 0 : i32
      %dma_wait3A_572 = tpu.memref_slice %arg3[%multiple_of3A_5, %dma_wait3A_570, %dma_wait3A_571] : memref<6400x2x50xi32, #tpu.memory_space<hbm>> -> memref<1x2x50xi32, #tpu.memory_space<hbm>>
      %dma_wait3A_573 = tpu.memref_squeeze %dma_wait3A_572 : memref<1x2x50xi32, #tpu.memory_space<hbm>> -> memref<2x50xi32, #tpu.memory_space<hbm>>
      %dma_wait3A_574 = arith.constant 0 : i32
      %dma_wait3A_575 = arith.constant 0 : i32
      %dma_wait3A_576 = tpu.memref_slice %arg6[%dma_wait3A_565, %dma_wait3A_574, %dma_wait3A_575] : memref<2x2x50xi32, #tpu.memory_space<vmem>> -> memref<1x2x50xi32, #tpu.memory_space<vmem>>
      %dma_wait3A_577 = tpu.memref_squeeze %dma_wait3A_576 : memref<1x2x50xi32, #tpu.memory_space<vmem>> -> memref<2x50xi32, #tpu.memory_space<vmem>>
      %dma_wait3A_578 = arith.constant 0 : i32
      %dma_wait3A_579 = arith.constant 0 : i32
      %dma_wait3A_580 = tpu.memref_slice %arg3[%multiple_of3A_5, %dma_wait3A_578, %dma_wait3A_579] : memref<6400x2x50xi32, #tpu.memory_space<hbm>> -> memref<1x2x50xi32, #tpu.memory_space<hbm>>
      %dma_wait3A_581 = tpu.memref_squeeze %dma_wait3A_580 : memref<1x2x50xi32, #tpu.memory_space<hbm>> -> memref<2x50xi32, #tpu.memory_space<hbm>>
      tpu.wait_dma2 semaphore(%arg17 : memref<!tpu.dma_semaphore, #tpu.memory_space<semaphore_mem>>) src(%dma_wait3A_581 : memref<2x50xi32, #tpu.memory_space<hbm>>) dst(%dma_wait3A_577 : memref<2x50xi32, #tpu.memory_space<vmem>>)
      %dma_start3A_582 = arith.constant 0 : i32
      %dma_start3A_583 = arith.constant 0 : i32
      %dma_start3A_584 = tpu.memref_slice %arg6[%select_n3A_556, %dma_start3A_582, %dma_start3A_583] : memref<2x2x50xi32, #tpu.memory_space<vmem>> -> memref<1x1x50xi32, #tpu.memory_space<vmem>>
      %dma_start3A_585 = tpu.memref_squeeze %dma_start3A_584 : memref<1x1x50xi32, #tpu.memory_space<vmem>> -> memref<50xi32, #tpu.memory_space<vmem>>
      %dma_start3A_586 = arith.constant 0 : i32
      %dma_start3A_587 = arith.constant 0 : i32
      %dma_start3A_588 = tpu.memref_slice %arg2[%dma_start3A_586, %dma_start3A_587] : memref<10000x128xf32, #tpu.memory_space<hbm>> -> memref<10000x128xf32, #tpu.memory_space<hbm>>
      tpu.enqueue_indirect_dma source(%dma_start3A_588 : memref<10000x128xf32, #tpu.memory_space<hbm>>) target(%arg11 : memref<50x128xf32, #tpu.memory_space<vmem>>) offsets(%dma_start3A_585 : memref<50xi32, #tpu.memory_space<vmem>>) semaphore(%arg22 : memref<!tpu.dma_semaphore, #tpu.memory_space<semaphore_mem>>)
      %dma_wait3A_589 = arith.constant 0 : i32
      %dma_wait3A_590 = arith.constant 1 : i32
      %dma_wait3A_591 = arith.constant 0 : i32
      %dma_wait3A_592 = tpu.memref_slice %arg7[%dma_wait3A_589, %dma_wait3A_590, %dma_wait3A_591] : memref<2x2x50xi32, #tpu.memory_space<vmem>> -> memref<1x1x50xi32, #tpu.memory_space<vmem>>
      %dma_wait3A_593 = tpu.memref_squeeze %dma_wait3A_592 : memref<1x1x50xi32, #tpu.memory_space<vmem>> -> memref<50xi32, #tpu.memory_space<vmem>>
      %dma_wait3A_594 = arith.constant 0 : i32
      %dma_wait3A_595 = arith.constant 0 : i32
      %dma_wait3A_596 = tpu.memref_slice %arg16[%dma_wait3A_594, %dma_wait3A_595] : memref<10240x128xf32, #tpu.memory_space<vmem_shared>> -> memref<10240x128xf32, #tpu.memory_space<vmem_shared>>
      tpu.wait_indirect_dma semaphore(%arg28 : memref<!tpu.dma_semaphore, #tpu.memory_space<semaphore_mem>>) src(%arg12 : memref<50x128xf32, #tpu.memory_space<vmem>>) dst(%dma_wait3A_596 : memref<10240x128xf32, #tpu.memory_space<vmem_shared>>)
      %dma_wait3A_597 = arith.constant 0 : i32
      %dma_wait3A_598 = arith.constant 0 : i32
      %dma_wait3A_599 = arith.constant 0 : i32
      %dma_wait3A_600 = tpu.memref_slice %arg7[%dma_wait3A_597, %dma_wait3A_598, %dma_wait3A_599] : memref<2x2x50xi32, #tpu.memory_space<vmem>> -> memref<1x2x50xi32, #tpu.memory_space<vmem>>
      %dma_wait3A_601 = tpu.memref_squeeze %dma_wait3A_600 : memref<1x2x50xi32, #tpu.memory_space<vmem>> -> memref<2x50xi32, #tpu.memory_space<vmem>>
      %dma_wait3A_602 = arith.constant 0 : i32
      %dma_wait3A_603 = arith.constant 0 : i32
      %dma_wait3A_604 = tpu.memref_slice %arg3[%multiple_of3A_5, %dma_wait3A_602, %dma_wait3A_603] : memref<6400x2x50xi32, #tpu.memory_space<hbm>> -> memref<1x2x50xi32, #tpu.memory_space<hbm>>
      %dma_wait3A_605 = tpu.memref_squeeze %dma_wait3A_604 : memref<1x2x50xi32, #tpu.memory_space<hbm>> -> memref<2x50xi32, #tpu.memory_space<hbm>>
      %dma_wait3A_606 = arith.constant 0 : i32
      %dma_wait3A_607 = arith.constant 0 : i32
      %dma_wait3A_608 = tpu.memref_slice %arg7[%dma_wait3A_597, %dma_wait3A_606, %dma_wait3A_607] : memref<2x2x50xi32, #tpu.memory_space<vmem>> -> memref<1x2x50xi32, #tpu.memory_space<vmem>>
      %dma_wait3A_609 = tpu.memref_squeeze %dma_wait3A_608 : memref<1x2x50xi32, #tpu.memory_space<vmem>> -> memref<2x50xi32, #tpu.memory_space<vmem>>
      %dma_wait3A_610 = arith.constant 0 : i32
      %dma_wait3A_611 = arith.constant 0 : i32
      %dma_wait3A_612 = tpu.memref_slice %arg3[%multiple_of3A_5, %dma_wait3A_610, %dma_wait3A_611] : memref<6400x2x50xi32, #tpu.memory_space<hbm>> -> memref<1x2x50xi32, #tpu.memory_space<hbm>>
      %dma_wait3A_613 = tpu.memref_squeeze %dma_wait3A_612 : memref<1x2x50xi32, #tpu.memory_space<hbm>> -> memref<2x50xi32, #tpu.memory_space<hbm>>
      tpu.wait_dma2 semaphore(%arg18 : memref<!tpu.dma_semaphore, #tpu.memory_space<semaphore_mem>>) src(%dma_wait3A_613 : memref<2x50xi32, #tpu.memory_space<hbm>>) dst(%dma_wait3A_609 : memref<2x50xi32, #tpu.memory_space<vmem>>)
      %dma_start3A_614 = arith.constant 0 : i32
      %dma_start3A_615 = arith.constant 0 : i32
      %dma_start3A_616 = tpu.memref_slice %arg7[%select_n3A_556, %dma_start3A_614, %dma_start3A_615] : memref<2x2x50xi32, #tpu.memory_space<vmem>> -> memref<1x1x50xi32, #tpu.memory_space<vmem>>
      %dma_start3A_617 = tpu.memref_squeeze %dma_start3A_616 : memref<1x1x50xi32, #tpu.memory_space<vmem>> -> memref<50xi32, #tpu.memory_space<vmem>>
      %dma_start3A_618 = arith.constant 0 : i32
      %dma_start3A_619 = arith.constant 0 : i32
      %dma_start3A_620 = tpu.memref_slice %arg2[%dma_start3A_618, %dma_start3A_619] : memref<10000x128xf32, #tpu.memory_space<hbm>> -> memref<10000x128xf32, #tpu.memory_space<hbm>>
      tpu.enqueue_indirect_dma source(%dma_start3A_620 : memref<10000x128xf32, #tpu.memory_space<hbm>>) target(%arg12 : memref<50x128xf32, #tpu.memory_space<vmem>>) offsets(%dma_start3A_617 : memref<50xi32, #tpu.memory_space<vmem>>) semaphore(%arg23 : memref<!tpu.dma_semaphore, #tpu.memory_space<semaphore_mem>>)
      %dma_wait3A_621 = arith.constant 0 : i32
      %dma_wait3A_622 = arith.constant 1 : i32
      %dma_wait3A_623 = arith.constant 0 : i32
      %dma_wait3A_624 = tpu.memref_slice %arg8[%dma_wait3A_621, %dma_wait3A_622, %dma_wait3A_623] : memref<2x2x50xi32, #tpu.memory_space<vmem>> -> memref<1x1x50xi32, #tpu.memory_space<vmem>>
      %dma_wait3A_625 = tpu.memref_squeeze %dma_wait3A_624 : memref<1x1x50xi32, #tpu.memory_space<vmem>> -> memref<50xi32, #tpu.memory_space<vmem>>
      %dma_wait3A_626 = arith.constant 0 : i32
      %dma_wait3A_627 = arith.constant 0 : i32
      %dma_wait3A_628 = tpu.memref_slice %arg16[%dma_wait3A_626, %dma_wait3A_627] : memref<10240x128xf32, #tpu.memory_space<vmem_shared>> -> memref<10240x128xf32, #tpu.memory_space<vmem_shared>>
      tpu.wait_indirect_dma semaphore(%arg29 : memref<!tpu.dma_semaphore, #tpu.memory_space<semaphore_mem>>) src(%arg13 : memref<50x128xf32, #tpu.memory_space<vmem>>) dst(%dma_wait3A_628 : memref<10240x128xf32, #tpu.memory_space<vmem_shared>>)
      %dma_wait3A_629 = arith.constant 0 : i32
      %dma_wait3A_630 = arith.constant 0 : i32
      %dma_wait3A_631 = arith.constant 0 : i32
      %dma_wait3A_632 = tpu.memref_slice %arg8[%dma_wait3A_629, %dma_wait3A_630, %dma_wait3A_631] : memref<2x2x50xi32, #tpu.memory_space<vmem>> -> memref<1x2x50xi32, #tpu.memory_space<vmem>>
      %dma_wait3A_633 = tpu.memref_squeeze %dma_wait3A_632 : memref<1x2x50xi32, #tpu.memory_space<vmem>> -> memref<2x50xi32, #tpu.memory_space<vmem>>
      %dma_wait3A_634 = arith.constant 0 : i32
      %dma_wait3A_635 = arith.constant 0 : i32
      %dma_wait3A_636 = tpu.memref_slice %arg3[%multiple_of3A_5, %dma_wait3A_634, %dma_wait3A_635] : memref<6400x2x50xi32, #tpu.memory_space<hbm>> -> memref<1x2x50xi32, #tpu.memory_space<hbm>>
      %dma_wait3A_637 = tpu.memref_squeeze %dma_wait3A_636 : memref<1x2x50xi32, #tpu.memory_space<hbm>> -> memref<2x50xi32, #tpu.memory_space<hbm>>
      %dma_wait3A_638 = arith.constant 0 : i32
      %dma_wait3A_639 = arith.constant 0 : i32
      %dma_wait3A_640 = tpu.memref_slice %arg8[%dma_wait3A_629, %dma_wait3A_638, %dma_wait3A_639] : memref<2x2x50xi32, #tpu.memory_space<vmem>> -> memref<1x2x50xi32, #tpu.memory_space<vmem>>
      %dma_wait3A_641 = tpu.memref_squeeze %dma_wait3A_640 : memref<1x2x50xi32, #tpu.memory_space<vmem>> -> memref<2x50xi32, #tpu.memory_space<vmem>>
      %dma_wait3A_642 = arith.constant 0 : i32
      %dma_wait3A_643 = arith.constant 0 : i32
      %dma_wait3A_644 = tpu.memref_slice %arg3[%multiple_of3A_5, %dma_wait3A_642, %dma_wait3A_643] : memref<6400x2x50xi32, #tpu.memory_space<hbm>> -> memref<1x2x50xi32, #tpu.memory_space<hbm>>
      %dma_wait3A_645 = tpu.memref_squeeze %dma_wait3A_644 : memref<1x2x50xi32, #tpu.memory_space<hbm>> -> memref<2x50xi32, #tpu.memory_space<hbm>>
      tpu.wait_dma2 semaphore(%arg19 : memref<!tpu.dma_semaphore, #tpu.memory_space<semaphore_mem>>) src(%dma_wait3A_645 : memref<2x50xi32, #tpu.memory_space<hbm>>) dst(%dma_wait3A_641 : memref<2x50xi32, #tpu.memory_space<vmem>>)
      %dma_start3A_646 = arith.constant 0 : i32
      %dma_start3A_647 = arith.constant 0 : i32
      %dma_start3A_648 = tpu.memref_slice %arg8[%select_n3A_556, %dma_start3A_646, %dma_start3A_647] : memref<2x2x50xi32, #tpu.memory_space<vmem>> -> memref<1x1x50xi32, #tpu.memory_space<vmem>>
      %dma_start3A_649 = tpu.memref_squeeze %dma_start3A_648 : memref<1x1x50xi32, #tpu.memory_space<vmem>> -> memref<50xi32, #tpu.memory_space<vmem>>
      %dma_start3A_650 = arith.constant 0 : i32
      %dma_start3A_651 = arith.constant 0 : i32
      %dma_start3A_652 = tpu.memref_slice %arg2[%dma_start3A_650, %dma_start3A_651] : memref<10000x128xf32, #tpu.memory_space<hbm>> -> memref<10000x128xf32, #tpu.memory_space<hbm>>
      tpu.enqueue_indirect_dma source(%dma_start3A_652 : memref<10000x128xf32, #tpu.memory_space<hbm>>) target(%arg13 : memref<50x128xf32, #tpu.memory_space<vmem>>) offsets(%dma_start3A_649 : memref<50xi32, #tpu.memory_space<vmem>>) semaphore(%arg24 : memref<!tpu.dma_semaphore, #tpu.memory_space<semaphore_mem>>)
      %dma_wait3A_653 = arith.constant 0 : i32
      %dma_wait3A_654 = arith.constant 1 : i32
      %dma_wait3A_655 = arith.constant 0 : i32
      %dma_wait3A_656 = tpu.memref_slice %arg9[%dma_wait3A_653, %dma_wait3A_654, %dma_wait3A_655] : memref<2x2x50xi32, #tpu.memory_space<vmem>> -> memref<1x1x50xi32, #tpu.memory_space<vmem>>
      %dma_wait3A_657 = tpu.memref_squeeze %dma_wait3A_656 : memref<1x1x50xi32, #tpu.memory_space<vmem>> -> memref<50xi32, #tpu.memory_space<vmem>>
      %dma_wait3A_658 = arith.constant 0 : i32
      %dma_wait3A_659 = arith.constant 0 : i32
      %dma_wait3A_660 = tpu.memref_slice %arg16[%dma_wait3A_658, %dma_wait3A_659] : memref<10240x128xf32, #tpu.memory_space<vmem_shared>> -> memref<10240x128xf32, #tpu.memory_space<vmem_shared>>
      tpu.wait_indirect_dma semaphore(%arg30 : memref<!tpu.dma_semaphore, #tpu.memory_space<semaphore_mem>>) src(%arg14 : memref<50x128xf32, #tpu.memory_space<vmem>>) dst(%dma_wait3A_660 : memref<10240x128xf32, #tpu.memory_space<vmem_shared>>)
      %dma_wait3A_661 = arith.constant 0 : i32
      %dma_wait3A_662 = arith.constant 0 : i32
      %dma_wait3A_663 = arith.constant 0 : i32
      %dma_wait3A_664 = tpu.memref_slice %arg9[%dma_wait3A_661, %dma_wait3A_662, %dma_wait3A_663] : memref<2x2x50xi32, #tpu.memory_space<vmem>> -> memref<1x2x50xi32, #tpu.memory_space<vmem>>
      %dma_wait3A_665 = tpu.memref_squeeze %dma_wait3A_664 : memref<1x2x50xi32, #tpu.memory_space<vmem>> -> memref<2x50xi32, #tpu.memory_space<vmem>>
      %dma_wait3A_666 = arith.constant 0 : i32
      %dma_wait3A_667 = arith.constant 0 : i32
      %dma_wait3A_668 = tpu.memref_slice %arg3[%multiple_of3A_5, %dma_wait3A_666, %dma_wait3A_667] : memref<6400x2x50xi32, #tpu.memory_space<hbm>> -> memref<1x2x50xi32, #tpu.memory_space<hbm>>
      %dma_wait3A_669 = tpu.memref_squeeze %dma_wait3A_668 : memref<1x2x50xi32, #tpu.memory_space<hbm>> -> memref<2x50xi32, #tpu.memory_space<hbm>>
      %dma_wait3A_670 = arith.constant 0 : i32
      %dma_wait3A_671 = arith.constant 0 : i32
      %dma_wait3A_672 = tpu.memref_slice %arg9[%dma_wait3A_661, %dma_wait3A_670, %dma_wait3A_671] : memref<2x2x50xi32, #tpu.memory_space<vmem>> -> memref<1x2x50xi32, #tpu.memory_space<vmem>>
      %dma_wait3A_673 = tpu.memref_squeeze %dma_wait3A_672 : memref<1x2x50xi32, #tpu.memory_space<vmem>> -> memref<2x50xi32, #tpu.memory_space<vmem>>
      %dma_wait3A_674 = arith.constant 0 : i32
      %dma_wait3A_675 = arith.constant 0 : i32
      %dma_wait3A_676 = tpu.memref_slice %arg3[%multiple_of3A_5, %dma_wait3A_674, %dma_wait3A_675] : memref<6400x2x50xi32, #tpu.memory_space<hbm>> -> memref<1x2x50xi32, #tpu.memory_space<hbm>>
      %dma_wait3A_677 = tpu.memref_squeeze %dma_wait3A_676 : memref<1x2x50xi32, #tpu.memory_space<hbm>> -> memref<2x50xi32, #tpu.memory_space<hbm>>
      tpu.wait_dma2 semaphore(%arg20 : memref<!tpu.dma_semaphore, #tpu.memory_space<semaphore_mem>>) src(%dma_wait3A_677 : memref<2x50xi32, #tpu.memory_space<hbm>>) dst(%dma_wait3A_673 : memref<2x50xi32, #tpu.memory_space<vmem>>)
      %dma_start3A_678 = arith.constant 0 : i32
      %dma_start3A_679 = arith.constant 0 : i32
      %dma_start3A_680 = tpu.memref_slice %arg9[%select_n3A_556, %dma_start3A_678, %dma_start3A_679] : memref<2x2x50xi32, #tpu.memory_space<vmem>> -> memref<1x1x50xi32, #tpu.memory_space<vmem>>
      %dma_start3A_681 = tpu.memref_squeeze %dma_start3A_680 : memref<1x1x50xi32, #tpu.memory_space<vmem>> -> memref<50xi32, #tpu.memory_space<vmem>>
      %dma_start3A_682 = arith.constant 0 : i32
      %dma_start3A_683 = arith.constant 0 : i32
      %dma_start3A_684 = tpu.memref_slice %arg2[%dma_start3A_682, %dma_start3A_683] : memref<10000x128xf32, #tpu.memory_space<hbm>> -> memref<10000x128xf32, #tpu.memory_space<hbm>>
      tpu.enqueue_indirect_dma source(%dma_start3A_684 : memref<10000x128xf32, #tpu.memory_space<hbm>>) target(%arg14 : memref<50x128xf32, #tpu.memory_space<vmem>>) offsets(%dma_start3A_681 : memref<50xi32, #tpu.memory_space<vmem>>) semaphore(%arg25 : memref<!tpu.dma_semaphore, #tpu.memory_space<semaphore_mem>>)
      %dma_wait3A_685 = arith.constant 0 : i32
      %dma_wait3A_686 = arith.constant 1 : i32
      %dma_wait3A_687 = arith.constant 0 : i32
      %dma_wait3A_688 = tpu.memref_slice %arg10[%dma_wait3A_685, %dma_wait3A_686, %dma_wait3A_687] : memref<2x2x50xi32, #tpu.memory_space<vmem>> -> memref<1x1x50xi32, #tpu.memory_space<vmem>>
      %dma_wait3A_689 = tpu.memref_squeeze %dma_wait3A_688 : memref<1x1x50xi32, #tpu.memory_space<vmem>> -> memref<50xi32, #tpu.memory_space<vmem>>
      %dma_wait3A_690 = arith.constant 0 : i32
      %dma_wait3A_691 = arith.constant 0 : i32
      %dma_wait3A_692 = tpu.memref_slice %arg16[%dma_wait3A_690, %dma_wait3A_691] : memref<10240x128xf32, #tpu.memory_space<vmem_shared>> -> memref<10240x128xf32, #tpu.memory_space<vmem_shared>>
      tpu.wait_indirect_dma semaphore(%arg31 : memref<!tpu.dma_semaphore, #tpu.memory_space<semaphore_mem>>) src(%arg15 : memref<50x128xf32, #tpu.memory_space<vmem>>) dst(%dma_wait3A_692 : memref<10240x128xf32, #tpu.memory_space<vmem_shared>>)
      %dma_wait3A_693 = arith.constant 0 : i32
      %dma_wait3A_694 = arith.constant 0 : i32
      %dma_wait3A_695 = arith.constant 0 : i32
      %dma_wait3A_696 = tpu.memref_slice %arg10[%dma_wait3A_693, %dma_wait3A_694, %dma_wait3A_695] : memref<2x2x50xi32, #tpu.memory_space<vmem>> -> memref<1x2x50xi32, #tpu.memory_space<vmem>>
      %dma_wait3A_697 = tpu.memref_squeeze %dma_wait3A_696 : memref<1x2x50xi32, #tpu.memory_space<vmem>> -> memref<2x50xi32, #tpu.memory_space<vmem>>
      %dma_wait3A_698 = arith.constant 0 : i32
      %dma_wait3A_699 = arith.constant 0 : i32
      %dma_wait3A_700 = tpu.memref_slice %arg3[%multiple_of3A_5, %dma_wait3A_698, %dma_wait3A_699] : memref<6400x2x50xi32, #tpu.memory_space<hbm>> -> memref<1x2x50xi32, #tpu.memory_space<hbm>>
      %dma_wait3A_701 = tpu.memref_squeeze %dma_wait3A_700 : memref<1x2x50xi32, #tpu.memory_space<hbm>> -> memref<2x50xi32, #tpu.memory_space<hbm>>
      %dma_wait3A_702 = arith.constant 0 : i32
      %dma_wait3A_703 = arith.constant 0 : i32
      %dma_wait3A_704 = tpu.memref_slice %arg10[%dma_wait3A_693, %dma_wait3A_702, %dma_wait3A_703] : memref<2x2x50xi32, #tpu.memory_space<vmem>> -> memref<1x2x50xi32, #tpu.memory_space<vmem>>
      %dma_wait3A_705 = tpu.memref_squeeze %dma_wait3A_704 : memref<1x2x50xi32, #tpu.memory_space<vmem>> -> memref<2x50xi32, #tpu.memory_space<vmem>>
      %dma_wait3A_706 = arith.constant 0 : i32
      %dma_wait3A_707 = arith.constant 0 : i32
      %dma_wait3A_708 = tpu.memref_slice %arg3[%multiple_of3A_5, %dma_wait3A_706, %dma_wait3A_707] : memref<6400x2x50xi32, #tpu.memory_space<hbm>> -> memref<1x2x50xi32, #tpu.memory_space<hbm>>
      %dma_wait3A_709 = tpu.memref_squeeze %dma_wait3A_708 : memref<1x2x50xi32, #tpu.memory_space<hbm>> -> memref<2x50xi32, #tpu.memory_space<hbm>>
      tpu.wait_dma2 semaphore(%arg21 : memref<!tpu.dma_semaphore, #tpu.memory_space<semaphore_mem>>) src(%dma_wait3A_709 : memref<2x50xi32, #tpu.memory_space<hbm>>) dst(%dma_wait3A_705 : memref<2x50xi32, #tpu.memory_space<vmem>>)
      %dma_start3A_710 = arith.constant 0 : i32
      %dma_start3A_711 = arith.constant 0 : i32
      %dma_start3A_712 = tpu.memref_slice %arg10[%select_n3A_556, %dma_start3A_710, %dma_start3A_711] : memref<2x2x50xi32, #tpu.memory_space<vmem>> -> memref<1x1x50xi32, #tpu.memory_space<vmem>>
      %dma_start3A_713 = tpu.memref_squeeze %dma_start3A_712 : memref<1x1x50xi32, #tpu.memory_space<vmem>> -> memref<50xi32, #tpu.memory_space<vmem>>
      %dma_start3A_714 = arith.constant 0 : i32
      %dma_start3A_715 = arith.constant 0 : i32
      %dma_start3A_716 = tpu.memref_slice %arg2[%dma_start3A_714, %dma_start3A_715] : memref<10000x128xf32, #tpu.memory_space<hbm>> -> memref<10000x128xf32, #tpu.memory_space<hbm>>
      tpu.enqueue_indirect_dma source(%dma_start3A_716 : memref<10000x128xf32, #tpu.memory_space<hbm>>) target(%arg15 : memref<50x128xf32, #tpu.memory_space<vmem>>) offsets(%dma_start3A_713 : memref<50xi32, #tpu.memory_space<vmem>>) semaphore(%arg26 : memref<!tpu.dma_semaphore, #tpu.memory_space<semaphore_mem>>)
      %dma_wait3A_717 = arith.constant 0 : i32
      %dma_wait3A_718 = arith.constant 0 : i32
      %dma_wait3A_719 = tpu.memref_slice %arg6[%select_n3A_556, %dma_wait3A_717, %dma_wait3A_718] : memref<2x2x50xi32, #tpu.memory_space<vmem>> -> memref<1x1x50xi32, #tpu.memory_space<vmem>>
      %dma_wait3A_720 = tpu.memref_squeeze %dma_wait3A_719 : memref<1x1x50xi32, #tpu.memory_space<vmem>> -> memref<50xi32, #tpu.memory_space<vmem>>
      %dma_wait3A_721 = arith.constant 0 : i32
      %dma_wait3A_722 = arith.constant 0 : i32
      %dma_wait3A_723 = tpu.memref_slice %arg2[%dma_wait3A_721, %dma_wait3A_722] : memref<10000x128xf32, #tpu.memory_space<hbm>> -> memref<10000x128xf32, #tpu.memory_space<hbm>>
      tpu.wait_indirect_dma semaphore(%arg22 : memref<!tpu.dma_semaphore, #tpu.memory_space<semaphore_mem>>) src(%dma_wait3A_723 : memref<10000x128xf32, #tpu.memory_space<hbm>>) dst(%arg11 : memref<50x128xf32, #tpu.memory_space<vmem>>)
      %dma_start3A_724 = arith.constant 1 : i32
      %dma_start3A_725 = arith.constant 0 : i32
      %dma_start3A_726 = tpu.memref_slice %arg6[%select_n3A_556, %dma_start3A_724, %dma_start3A_725] : memref<2x2x50xi32, #tpu.memory_space<vmem>> -> memref<1x1x50xi32, #tpu.memory_space<vmem>>
      %dma_start3A_727 = tpu.memref_squeeze %dma_start3A_726 : memref<1x1x50xi32, #tpu.memory_space<vmem>> -> memref<50xi32, #tpu.memory_space<vmem>>
      %dma_start3A_728 = arith.constant 0 : i32
      %dma_start3A_729 = arith.constant 0 : i32
      %dma_start3A_730 = tpu.memref_slice %arg16[%dma_start3A_728, %dma_start3A_729] : memref<10240x128xf32, #tpu.memory_space<vmem_shared>> -> memref<10240x128xf32, #tpu.memory_space<vmem_shared>>
      tpu.enqueue_indirect_dma source(%arg11 : memref<50x128xf32, #tpu.memory_space<vmem>>) target(%dma_start3A_730 : memref<10240x128xf32, #tpu.memory_space<vmem_shared>>) offsets(%dma_start3A_727 : memref<50xi32, #tpu.memory_space<vmem>>) semaphore(%arg27 : memref<!tpu.dma_semaphore, #tpu.memory_space<semaphore_mem>>) {add = true}
      %add3A_731 = arith.constant 5 : i32
      %add3A_732 = arith.addi %mul3A_547, %add3A_731 : i32
      %add3A_733 = arith.constant 0 : i32
      %add3A_734 = arith.addi %add3A_732, %add3A_733 : i32
      %min3A_735 = arith.constant 199 : i32
      %min3A_736 = arith.minsi %add3A_734, %min3A_735 : i32
      %sub3A = arith.constant 1 : i32
      %sub3A_737 = arith.subi %sub3A, %select_n3A_556 : i32
      %add3A_738 = arith.addi %multiple_of3A_5, %min3A_736 : i32
      %dma_start3A_739 = arith.constant 0 : i32
      %dma_start3A_740 = arith.constant 0 : i32
      %dma_start3A_741 = tpu.memref_slice %arg6[%sub3A_737, %dma_start3A_739, %dma_start3A_740] : memref<2x2x50xi32, #tpu.memory_space<vmem>> -> memref<1x2x50xi32, #tpu.memory_space<vmem>>
      %dma_start3A_742 = tpu.memref_squeeze %dma_start3A_741 : memref<1x2x50xi32, #tpu.memory_space<vmem>> -> memref<2x50xi32, #tpu.memory_space<vmem>>
      %dma_start3A_743 = arith.constant 0 : i32
      %dma_start3A_744 = arith.constant 0 : i32
      %dma_start3A_745 = tpu.memref_slice %arg3[%add3A_738, %dma_start3A_743, %dma_start3A_744] : memref<6400x2x50xi32, #tpu.memory_space<hbm>> -> memref<1x2x50xi32, #tpu.memory_space<hbm>>
      %dma_start3A_746 = tpu.memref_squeeze %dma_start3A_745 : memref<1x2x50xi32, #tpu.memory_space<hbm>> -> memref<2x50xi32, #tpu.memory_space<hbm>>
      %dma_start3A_747 = arith.constant 0 : i32
      %dma_start3A_748 = arith.constant 0 : i32
      %dma_start3A_749 = tpu.memref_slice %arg6[%sub3A_737, %dma_start3A_747, %dma_start3A_748] : memref<2x2x50xi32, #tpu.memory_space<vmem>> -> memref<1x2x50xi32, #tpu.memory_space<vmem>>
      %dma_start3A_750 = tpu.memref_squeeze %dma_start3A_749 : memref<1x2x50xi32, #tpu.memory_space<vmem>> -> memref<2x50xi32, #tpu.memory_space<vmem>>
      %dma_start3A_751 = arith.constant 0 : i32
      %dma_start3A_752 = arith.constant 0 : i32
      %dma_start3A_753 = tpu.memref_slice %arg3[%add3A_738, %dma_start3A_751, %dma_start3A_752] : memref<6400x2x50xi32, #tpu.memory_space<hbm>> -> memref<1x2x50xi32, #tpu.memory_space<hbm>>
      %dma_start3A_754 = tpu.memref_squeeze %dma_start3A_753 : memref<1x2x50xi32, #tpu.memory_space<hbm>> -> memref<2x50xi32, #tpu.memory_space<hbm>>
      tpu.enqueue_dma source(%dma_start3A_754 : memref<2x50xi32, #tpu.memory_space<hbm>>) target(%dma_start3A_750 : memref<2x50xi32, #tpu.memory_space<vmem>>) target_semaphore(%arg17 : memref<!tpu.dma_semaphore, #tpu.memory_space<semaphore_mem>>)
      %dma_wait3A_755 = arith.constant 0 : i32
      %dma_wait3A_756 = arith.constant 0 : i32
      %dma_wait3A_757 = tpu.memref_slice %arg7[%select_n3A_556, %dma_wait3A_755, %dma_wait3A_756] : memref<2x2x50xi32, #tpu.memory_space<vmem>> -> memref<1x1x50xi32, #tpu.memory_space<vmem>>
      %dma_wait3A_758 = tpu.memref_squeeze %dma_wait3A_757 : memref<1x1x50xi32, #tpu.memory_space<vmem>> -> memref<50xi32, #tpu.memory_space<vmem>>
      %dma_wait3A_759 = arith.constant 0 : i32
      %dma_wait3A_760 = arith.constant 0 : i32
      %dma_wait3A_761 = tpu.memref_slice %arg2[%dma_wait3A_759, %dma_wait3A_760] : memref<10000x128xf32, #tpu.memory_space<hbm>> -> memref<10000x128xf32, #tpu.memory_space<hbm>>
      tpu.wait_indirect_dma semaphore(%arg23 : memref<!tpu.dma_semaphore, #tpu.memory_space<semaphore_mem>>) src(%dma_wait3A_761 : memref<10000x128xf32, #tpu.memory_space<hbm>>) dst(%arg12 : memref<50x128xf32, #tpu.memory_space<vmem>>)
      %dma_start3A_762 = arith.constant 1 : i32
      %dma_start3A_763 = arith.constant 0 : i32
      %dma_start3A_764 = tpu.memref_slice %arg7[%select_n3A_556, %dma_start3A_762, %dma_start3A_763] : memref<2x2x50xi32, #tpu.memory_space<vmem>> -> memref<1x1x50xi32, #tpu.memory_space<vmem>>
      %dma_start3A_765 = tpu.memref_squeeze %dma_start3A_764 : memref<1x1x50xi32, #tpu.memory_space<vmem>> -> memref<50xi32, #tpu.memory_space<vmem>>
      %dma_start3A_766 = arith.constant 0 : i32
      %dma_start3A_767 = arith.constant 0 : i32
      %dma_start3A_768 = tpu.memref_slice %arg16[%dma_start3A_766, %dma_start3A_767] : memref<10240x128xf32, #tpu.memory_space<vmem_shared>> -> memref<10240x128xf32, #tpu.memory_space<vmem_shared>>
      tpu.enqueue_indirect_dma source(%arg12 : memref<50x128xf32, #tpu.memory_space<vmem>>) target(%dma_start3A_768 : memref<10240x128xf32, #tpu.memory_space<vmem_shared>>) offsets(%dma_start3A_765 : memref<50xi32, #tpu.memory_space<vmem>>) semaphore(%arg28 : memref<!tpu.dma_semaphore, #tpu.memory_space<semaphore_mem>>) {add = true}
      %add3A_769 = arith.constant 5 : i32
      %add3A_770 = arith.addi %mul3A_547, %add3A_769 : i32
      %add3A_771 = arith.constant 1 : i32
      %add3A_772 = arith.addi %add3A_770, %add3A_771 : i32
      %min3A_773 = arith.constant 199 : i32
      %min3A_774 = arith.minsi %add3A_772, %min3A_773 : i32
      %sub3A_775 = arith.constant 1 : i32
      %sub3A_776 = arith.subi %sub3A_775, %select_n3A_556 : i32
      %add3A_777 = arith.addi %multiple_of3A_5, %min3A_774 : i32
      %dma_start3A_778 = arith.constant 0 : i32
      %dma_start3A_779 = arith.constant 0 : i32
      %dma_start3A_780 = tpu.memref_slice %arg7[%sub3A_776, %dma_start3A_778, %dma_start3A_779] : memref<2x2x50xi32, #tpu.memory_space<vmem>> -> memref<1x2x50xi32, #tpu.memory_space<vmem>>
      %dma_start3A_781 = tpu.memref_squeeze %dma_start3A_780 : memref<1x2x50xi32, #tpu.memory_space<vmem>> -> memref<2x50xi32, #tpu.memory_space<vmem>>
      %dma_start3A_782 = arith.constant 0 : i32
      %dma_start3A_783 = arith.constant 0 : i32
      %dma_start3A_784 = tpu.memref_slice %arg3[%add3A_777, %dma_start3A_782, %dma_start3A_783] : memref<6400x2x50xi32, #tpu.memory_space<hbm>> -> memref<1x2x50xi32, #tpu.memory_space<hbm>>
      %dma_start3A_785 = tpu.memref_squeeze %dma_start3A_784 : memref<1x2x50xi32, #tpu.memory_space<hbm>> -> memref<2x50xi32, #tpu.memory_space<hbm>>
      %dma_start3A_786 = arith.constant 0 : i32
      %dma_start3A_787 = arith.constant 0 : i32
      %dma_start3A_788 = tpu.memref_slice %arg7[%sub3A_776, %dma_start3A_786, %dma_start3A_787] : memref<2x2x50xi32, #tpu.memory_space<vmem>> -> memref<1x2x50xi32, #tpu.memory_space<vmem>>
      %dma_start3A_789 = tpu.memref_squeeze %dma_start3A_788 : memref<1x2x50xi32, #tpu.memory_space<vmem>> -> memref<2x50xi32, #tpu.memory_space<vmem>>
      %dma_start3A_790 = arith.constant 0 : i32
      %dma_start3A_791 = arith.constant 0 : i32
      %dma_start3A_792 = tpu.memref_slice %arg3[%add3A_777, %dma_start3A_790, %dma_start3A_791] : memref<6400x2x50xi32, #tpu.memory_space<hbm>> -> memref<1x2x50xi32, #tpu.memory_space<hbm>>
      %dma_start3A_793 = tpu.memref_squeeze %dma_start3A_792 : memref<1x2x50xi32, #tpu.memory_space<hbm>> -> memref<2x50xi32, #tpu.memory_space<hbm>>
      tpu.enqueue_dma source(%dma_start3A_793 : memref<2x50xi32, #tpu.memory_space<hbm>>) target(%dma_start3A_789 : memref<2x50xi32, #tpu.memory_space<vmem>>) target_semaphore(%arg18 : memref<!tpu.dma_semaphore, #tpu.memory_space<semaphore_mem>>)
      %dma_wait3A_794 = arith.constant 0 : i32
      %dma_wait3A_795 = arith.constant 0 : i32
      %dma_wait3A_796 = tpu.memref_slice %arg8[%select_n3A_556, %dma_wait3A_794, %dma_wait3A_795] : memref<2x2x50xi32, #tpu.memory_space<vmem>> -> memref<1x1x50xi32, #tpu.memory_space<vmem>>
      %dma_wait3A_797 = tpu.memref_squeeze %dma_wait3A_796 : memref<1x1x50xi32, #tpu.memory_space<vmem>> -> memref<50xi32, #tpu.memory_space<vmem>>
      %dma_wait3A_798 = arith.constant 0 : i32
      %dma_wait3A_799 = arith.constant 0 : i32
      %dma_wait3A_800 = tpu.memref_slice %arg2[%dma_wait3A_798, %dma_wait3A_799] : memref<10000x128xf32, #tpu.memory_space<hbm>> -> memref<10000x128xf32, #tpu.memory_space<hbm>>
      tpu.wait_indirect_dma semaphore(%arg24 : memref<!tpu.dma_semaphore, #tpu.memory_space<semaphore_mem>>) src(%dma_wait3A_800 : memref<10000x128xf32, #tpu.memory_space<hbm>>) dst(%arg13 : memref<50x128xf32, #tpu.memory_space<vmem>>)
      %dma_start3A_801 = arith.constant 1 : i32
      %dma_start3A_802 = arith.constant 0 : i32
      %dma_start3A_803 = tpu.memref_slice %arg8[%select_n3A_556, %dma_start3A_801, %dma_start3A_802] : memref<2x2x50xi32, #tpu.memory_space<vmem>> -> memref<1x1x50xi32, #tpu.memory_space<vmem>>
      %dma_start3A_804 = tpu.memref_squeeze %dma_start3A_803 : memref<1x1x50xi32, #tpu.memory_space<vmem>> -> memref<50xi32, #tpu.memory_space<vmem>>
      %dma_start3A_805 = arith.constant 0 : i32
      %dma_start3A_806 = arith.constant 0 : i32
      %dma_start3A_807 = tpu.memref_slice %arg16[%dma_start3A_805, %dma_start3A_806] : memref<10240x128xf32, #tpu.memory_space<vmem_shared>> -> memref<10240x128xf32, #tpu.memory_space<vmem_shared>>
      tpu.enqueue_indirect_dma source(%arg13 : memref<50x128xf32, #tpu.memory_space<vmem>>) target(%dma_start3A_807 : memref<10240x128xf32, #tpu.memory_space<vmem_shared>>) offsets(%dma_start3A_804 : memref<50xi32, #tpu.memory_space<vmem>>) semaphore(%arg29 : memref<!tpu.dma_semaphore, #tpu.memory_space<semaphore_mem>>) {add = true}
      %add3A_808 = arith.constant 5 : i32
      %add3A_809 = arith.addi %mul3A_547, %add3A_808 : i32
      %add3A_810 = arith.constant 2 : i32
      %add3A_811 = arith.addi %add3A_809, %add3A_810 : i32
      %min3A_812 = arith.constant 199 : i32
      %min3A_813 = arith.minsi %add3A_811, %min3A_812 : i32
      %sub3A_814 = arith.constant 1 : i32
      %sub3A_815 = arith.subi %sub3A_814, %select_n3A_556 : i32
      %add3A_816 = arith.addi %multiple_of3A_5, %min3A_813 : i32
      %dma_start3A_817 = arith.constant 0 : i32
      %dma_start3A_818 = arith.constant 0 : i32
      %dma_start3A_819 = tpu.memref_slice %arg8[%sub3A_815, %dma_start3A_817, %dma_start3A_818] : memref<2x2x50xi32, #tpu.memory_space<vmem>> -> memref<1x2x50xi32, #tpu.memory_space<vmem>>
      %dma_start3A_820 = tpu.memref_squeeze %dma_start3A_819 : memref<1x2x50xi32, #tpu.memory_space<vmem>> -> memref<2x50xi32, #tpu.memory_space<vmem>>
      %dma_start3A_821 = arith.constant 0 : i32
      %dma_start3A_822 = arith.constant 0 : i32
      %dma_start3A_823 = tpu.memref_slice %arg3[%add3A_816, %dma_start3A_821, %dma_start3A_822] : memref<6400x2x50xi32, #tpu.memory_space<hbm>> -> memref<1x2x50xi32, #tpu.memory_space<hbm>>
      %dma_start3A_824 = tpu.memref_squeeze %dma_start3A_823 : memref<1x2x50xi32, #tpu.memory_space<hbm>> -> memref<2x50xi32, #tpu.memory_space<hbm>>
      %dma_start3A_825 = arith.constant 0 : i32
      %dma_start3A_826 = arith.constant 0 : i32
      %dma_start3A_827 = tpu.memref_slice %arg8[%sub3A_815, %dma_start3A_825, %dma_start3A_826] : memref<2x2x50xi32, #tpu.memory_space<vmem>> -> memref<1x2x50xi32, #tpu.memory_space<vmem>>
      %dma_start3A_828 = tpu.memref_squeeze %dma_start3A_827 : memref<1x2x50xi32, #tpu.memory_space<vmem>> -> memref<2x50xi32, #tpu.memory_space<vmem>>
      %dma_start3A_829 = arith.constant 0 : i32
      %dma_start3A_830 = arith.constant 0 : i32
      %dma_start3A_831 = tpu.memref_slice %arg3[%add3A_816, %dma_start3A_829, %dma_start3A_830] : memref<6400x2x50xi32, #tpu.memory_space<hbm>> -> memref<1x2x50xi32, #tpu.memory_space<hbm>>
      %dma_start3A_832 = tpu.memref_squeeze %dma_start3A_831 : memref<1x2x50xi32, #tpu.memory_space<hbm>> -> memref<2x50xi32, #tpu.memory_space<hbm>>
      tpu.enqueue_dma source(%dma_start3A_832 : memref<2x50xi32, #tpu.memory_space<hbm>>) target(%dma_start3A_828 : memref<2x50xi32, #tpu.memory_space<vmem>>) target_semaphore(%arg19 : memref<!tpu.dma_semaphore, #tpu.memory_space<semaphore_mem>>)
      %dma_wait3A_833 = arith.constant 0 : i32
      %dma_wait3A_834 = arith.constant 0 : i32
      %dma_wait3A_835 = tpu.memref_slice %arg9[%select_n3A_556, %dma_wait3A_833, %dma_wait3A_834] : memref<2x2x50xi32, #tpu.memory_space<vmem>> -> memref<1x1x50xi32, #tpu.memory_space<vmem>>
      %dma_wait3A_836 = tpu.memref_squeeze %dma_wait3A_835 : memref<1x1x50xi32, #tpu.memory_space<vmem>> -> memref<50xi32, #tpu.memory_space<vmem>>
      %dma_wait3A_837 = arith.constant 0 : i32
      %dma_wait3A_838 = arith.constant 0 : i32
      %dma_wait3A_839 = tpu.memref_slice %arg2[%dma_wait3A_837, %dma_wait3A_838] : memref<10000x128xf32, #tpu.memory_space<hbm>> -> memref<10000x128xf32, #tpu.memory_space<hbm>>
      tpu.wait_indirect_dma semaphore(%arg25 : memref<!tpu.dma_semaphore, #tpu.memory_space<semaphore_mem>>) src(%dma_wait3A_839 : memref<10000x128xf32, #tpu.memory_space<hbm>>) dst(%arg14 : memref<50x128xf32, #tpu.memory_space<vmem>>)
      %dma_start3A_840 = arith.constant 1 : i32
      %dma_start3A_841 = arith.constant 0 : i32
      %dma_start3A_842 = tpu.memref_slice %arg9[%select_n3A_556, %dma_start3A_840, %dma_start3A_841] : memref<2x2x50xi32, #tpu.memory_space<vmem>> -> memref<1x1x50xi32, #tpu.memory_space<vmem>>
      %dma_start3A_843 = tpu.memref_squeeze %dma_start3A_842 : memref<1x1x50xi32, #tpu.memory_space<vmem>> -> memref<50xi32, #tpu.memory_space<vmem>>
      %dma_start3A_844 = arith.constant 0 : i32
      %dma_start3A_845 = arith.constant 0 : i32
      %dma_start3A_846 = tpu.memref_slice %arg16[%dma_start3A_844, %dma_start3A_845] : memref<10240x128xf32, #tpu.memory_space<vmem_shared>> -> memref<10240x128xf32, #tpu.memory_space<vmem_shared>>
      tpu.enqueue_indirect_dma source(%arg14 : memref<50x128xf32, #tpu.memory_space<vmem>>) target(%dma_start3A_846 : memref<10240x128xf32, #tpu.memory_space<vmem_shared>>) offsets(%dma_start3A_843 : memref<50xi32, #tpu.memory_space<vmem>>) semaphore(%arg30 : memref<!tpu.dma_semaphore, #tpu.memory_space<semaphore_mem>>) {add = true}
      %add3A_847 = arith.constant 5 : i32
      %add3A_848 = arith.addi %mul3A_547, %add3A_847 : i32
      %add3A_849 = arith.constant 3 : i32
      %add3A_850 = arith.addi %add3A_848, %add3A_849 : i32
      %min3A_851 = arith.constant 199 : i32
      %min3A_852 = arith.minsi %add3A_850, %min3A_851 : i32
      %sub3A_853 = arith.constant 1 : i32
      %sub3A_854 = arith.subi %sub3A_853, %select_n3A_556 : i32
      %add3A_855 = arith.addi %multiple_of3A_5, %min3A_852 : i32
      %dma_start3A_856 = arith.constant 0 : i32
      %dma_start3A_857 = arith.constant 0 : i32
      %dma_start3A_858 = tpu.memref_slice %arg9[%sub3A_854, %dma_start3A_856, %dma_start3A_857] : memref<2x2x50xi32, #tpu.memory_space<vmem>> -> memref<1x2x50xi32, #tpu.memory_space<vmem>>
      %dma_start3A_859 = tpu.memref_squeeze %dma_start3A_858 : memref<1x2x50xi32, #tpu.memory_space<vmem>> -> memref<2x50xi32, #tpu.memory_space<vmem>>
      %dma_start3A_860 = arith.constant 0 : i32
      %dma_start3A_861 = arith.constant 0 : i32
      %dma_start3A_862 = tpu.memref_slice %arg3[%add3A_855, %dma_start3A_860, %dma_start3A_861] : memref<6400x2x50xi32, #tpu.memory_space<hbm>> -> memref<1x2x50xi32, #tpu.memory_space<hbm>>
      %dma_start3A_863 = tpu.memref_squeeze %dma_start3A_862 : memref<1x2x50xi32, #tpu.memory_space<hbm>> -> memref<2x50xi32, #tpu.memory_space<hbm>>
      %dma_start3A_864 = arith.constant 0 : i32
      %dma_start3A_865 = arith.constant 0 : i32
      %dma_start3A_866 = tpu.memref_slice %arg9[%sub3A_854, %dma_start3A_864, %dma_start3A_865] : memref<2x2x50xi32, #tpu.memory_space<vmem>> -> memref<1x2x50xi32, #tpu.memory_space<vmem>>
      %dma_start3A_867 = tpu.memref_squeeze %dma_start3A_866 : memref<1x2x50xi32, #tpu.memory_space<vmem>> -> memref<2x50xi32, #tpu.memory_space<vmem>>
      %dma_start3A_868 = arith.constant 0 : i32
      %dma_start3A_869 = arith.constant 0 : i32
      %dma_start3A_870 = tpu.memref_slice %arg3[%add3A_855, %dma_start3A_868, %dma_start3A_869] : memref<6400x2x50xi32, #tpu.memory_space<hbm>> -> memref<1x2x50xi32, #tpu.memory_space<hbm>>
      %dma_start3A_871 = tpu.memref_squeeze %dma_start3A_870 : memref<1x2x50xi32, #tpu.memory_space<hbm>> -> memref<2x50xi32, #tpu.memory_space<hbm>>
      tpu.enqueue_dma source(%dma_start3A_871 : memref<2x50xi32, #tpu.memory_space<hbm>>) target(%dma_start3A_867 : memref<2x50xi32, #tpu.memory_space<vmem>>) target_semaphore(%arg20 : memref<!tpu.dma_semaphore, #tpu.memory_space<semaphore_mem>>)
      %dma_wait3A_872 = arith.constant 0 : i32
      %dma_wait3A_873 = arith.constant 0 : i32
      %dma_wait3A_874 = tpu.memref_slice %arg10[%select_n3A_556, %dma_wait3A_872, %dma_wait3A_873] : memref<2x2x50xi32, #tpu.memory_space<vmem>> -> memref<1x1x50xi32, #tpu.memory_space<vmem>>
      %dma_wait3A_875 = tpu.memref_squeeze %dma_wait3A_874 : memref<1x1x50xi32, #tpu.memory_space<vmem>> -> memref<50xi32, #tpu.memory_space<vmem>>
      %dma_wait3A_876 = arith.constant 0 : i32
      %dma_wait3A_877 = arith.constant 0 : i32
      %dma_wait3A_878 = tpu.memref_slice %arg2[%dma_wait3A_876, %dma_wait3A_877] : memref<10000x128xf32, #tpu.memory_space<hbm>> -> memref<10000x128xf32, #tpu.memory_space<hbm>>
      tpu.wait_indirect_dma semaphore(%arg26 : memref<!tpu.dma_semaphore, #tpu.memory_space<semaphore_mem>>) src(%dma_wait3A_878 : memref<10000x128xf32, #tpu.memory_space<hbm>>) dst(%arg15 : memref<50x128xf32, #tpu.memory_space<vmem>>)
      %dma_start3A_879 = arith.constant 1 : i32
      %dma_start3A_880 = arith.constant 0 : i32
      %dma_start3A_881 = tpu.memref_slice %arg10[%select_n3A_556, %dma_start3A_879, %dma_start3A_880] : memref<2x2x50xi32, #tpu.memory_space<vmem>> -> memref<1x1x50xi32, #tpu.memory_space<vmem>>
      %dma_start3A_882 = tpu.memref_squeeze %dma_start3A_881 : memref<1x1x50xi32, #tpu.memory_space<vmem>> -> memref<50xi32, #tpu.memory_space<vmem>>
      %dma_start3A_883 = arith.constant 0 : i32
      %dma_start3A_884 = arith.constant 0 : i32
      %dma_start3A_885 = tpu.memref_slice %arg16[%dma_start3A_883, %dma_start3A_884] : memref<10240x128xf32, #tpu.memory_space<vmem_shared>> -> memref<10240x128xf32, #tpu.memory_space<vmem_shared>>
      tpu.enqueue_indirect_dma source(%arg15 : memref<50x128xf32, #tpu.memory_space<vmem>>) target(%dma_start3A_885 : memref<10240x128xf32, #tpu.memory_space<vmem_shared>>) offsets(%dma_start3A_882 : memref<50xi32, #tpu.memory_space<vmem>>) semaphore(%arg31 : memref<!tpu.dma_semaphore, #tpu.memory_space<semaphore_mem>>) {add = true}
      %add3A_886 = arith.constant 5 : i32
      %add3A_887 = arith.addi %mul3A_547, %add3A_886 : i32
      %add3A_888 = arith.constant 4 : i32
      %add3A_889 = arith.addi %add3A_887, %add3A_888 : i32
      %min3A_890 = arith.constant 199 : i32
      %min3A_891 = arith.minsi %add3A_889, %min3A_890 : i32
      %sub3A_892 = arith.constant 1 : i32
      %sub3A_893 = arith.subi %sub3A_892, %select_n3A_556 : i32
      %add3A_894 = arith.addi %multiple_of3A_5, %min3A_891 : i32
      %dma_start3A_895 = arith.constant 0 : i32
      %dma_start3A_896 = arith.constant 0 : i32
      %dma_start3A_897 = tpu.memref_slice %arg10[%sub3A_893, %dma_start3A_895, %dma_start3A_896] : memref<2x2x50xi32, #tpu.memory_space<vmem>> -> memref<1x2x50xi32, #tpu.memory_space<vmem>>
      %dma_start3A_898 = tpu.memref_squeeze %dma_start3A_897 : memref<1x2x50xi32, #tpu.memory_space<vmem>> -> memref<2x50xi32, #tpu.memory_space<vmem>>
      %dma_start3A_899 = arith.constant 0 : i32
      %dma_start3A_900 = arith.constant 0 : i32
      %dma_start3A_901 = tpu.memref_slice %arg3[%add3A_894, %dma_start3A_899, %dma_start3A_900] : memref<6400x2x50xi32, #tpu.memory_space<hbm>> -> memref<1x2x50xi32, #tpu.memory_space<hbm>>
      %dma_start3A_902 = tpu.memref_squeeze %dma_start3A_901 : memref<1x2x50xi32, #tpu.memory_space<hbm>> -> memref<2x50xi32, #tpu.memory_space<hbm>>
      %dma_start3A_903 = arith.constant 0 : i32
      %dma_start3A_904 = arith.constant 0 : i32
      %dma_start3A_905 = tpu.memref_slice %arg10[%sub3A_893, %dma_start3A_903, %dma_start3A_904] : memref<2x2x50xi32, #tpu.memory_space<vmem>> -> memref<1x2x50xi32, #tpu.memory_space<vmem>>
      %dma_start3A_906 = tpu.memref_squeeze %dma_start3A_905 : memref<1x2x50xi32, #tpu.memory_space<vmem>> -> memref<2x50xi32, #tpu.memory_space<vmem>>
      %dma_start3A_907 = arith.constant 0 : i32
      %dma_start3A_908 = arith.constant 0 : i32
      %dma_start3A_909 = tpu.memref_slice %arg3[%add3A_894, %dma_start3A_907, %dma_start3A_908] : memref<6400x2x50xi32, #tpu.memory_space<hbm>> -> memref<1x2x50xi32, #tpu.memory_space<hbm>>
      %dma_start3A_910 = tpu.memref_squeeze %dma_start3A_909 : memref<1x2x50xi32, #tpu.memory_space<hbm>> -> memref<2x50xi32, #tpu.memory_space<hbm>>
      tpu.enqueue_dma source(%dma_start3A_910 : memref<2x50xi32, #tpu.memory_space<hbm>>) target(%dma_start3A_906 : memref<2x50xi32, #tpu.memory_space<vmem>>) target_semaphore(%arg21 : memref<!tpu.dma_semaphore, #tpu.memory_space<semaphore_mem>>)
    }
    %scan3A_412 = arith.constant 39 : i32
    %dma_wait3A_413 = arith.constant 0 : i32
    %dma_wait3A_414 = arith.constant 1 : i32
    %dma_wait3A_415 = arith.constant 0 : i32
    %dma_wait3A_416 = tpu.memref_slice %arg6[%dma_wait3A_413, %dma_wait3A_414, %dma_wait3A_415] : memref<2x2x50xi32, #tpu.memory_space<vmem>> -> memref<1x1x50xi32, #tpu.memory_space<vmem>>
    %dma_wait3A_417 = tpu.memref_squeeze %dma_wait3A_416 : memref<1x1x50xi32, #tpu.memory_space<vmem>> -> memref<50xi32, #tpu.memory_space<vmem>>
    %dma_wait3A_418 = arith.constant 0 : i32
    %dma_wait3A_419 = arith.constant 0 : i32
    %dma_wait3A_420 = tpu.memref_slice %arg16[%dma_wait3A_418, %dma_wait3A_419] : memref<10240x128xf32, #tpu.memory_space<vmem_shared>> -> memref<10240x128xf32, #tpu.memory_space<vmem_shared>>
    tpu.wait_indirect_dma semaphore(%arg27 : memref<!tpu.dma_semaphore, #tpu.memory_space<semaphore_mem>>) src(%arg11 : memref<50x128xf32, #tpu.memory_space<vmem>>) dst(%dma_wait3A_420 : memref<10240x128xf32, #tpu.memory_space<vmem_shared>>)
    %dma_wait3A_421 = arith.constant 0 : i32
    %dma_wait3A_422 = arith.constant 0 : i32
    %dma_wait3A_423 = arith.constant 0 : i32
    %dma_wait3A_424 = tpu.memref_slice %arg6[%dma_wait3A_421, %dma_wait3A_422, %dma_wait3A_423] : memref<2x2x50xi32, #tpu.memory_space<vmem>> -> memref<1x2x50xi32, #tpu.memory_space<vmem>>
    %dma_wait3A_425 = tpu.memref_squeeze %dma_wait3A_424 : memref<1x2x50xi32, #tpu.memory_space<vmem>> -> memref<2x50xi32, #tpu.memory_space<vmem>>
    %dma_wait3A_426 = arith.constant 0 : i32
    %dma_wait3A_427 = arith.constant 0 : i32
    %dma_wait3A_428 = tpu.memref_slice %arg3[%multiple_of3A_5, %dma_wait3A_426, %dma_wait3A_427] : memref<6400x2x50xi32, #tpu.memory_space<hbm>> -> memref<1x2x50xi32, #tpu.memory_space<hbm>>
    %dma_wait3A_429 = tpu.memref_squeeze %dma_wait3A_428 : memref<1x2x50xi32, #tpu.memory_space<hbm>> -> memref<2x50xi32, #tpu.memory_space<hbm>>
    %dma_wait3A_430 = arith.constant 0 : i32
    %dma_wait3A_431 = arith.constant 0 : i32
    %dma_wait3A_432 = tpu.memref_slice %arg6[%dma_wait3A_421, %dma_wait3A_430, %dma_wait3A_431] : memref<2x2x50xi32, #tpu.memory_space<vmem>> -> memref<1x2x50xi32, #tpu.memory_space<vmem>>
    %dma_wait3A_433 = tpu.memref_squeeze %dma_wait3A_432 : memref<1x2x50xi32, #tpu.memory_space<vmem>> -> memref<2x50xi32, #tpu.memory_space<vmem>>
    %dma_wait3A_434 = arith.constant 0 : i32
    %dma_wait3A_435 = arith.constant 0 : i32
    %dma_wait3A_436 = tpu.memref_slice %arg3[%multiple_of3A_5, %dma_wait3A_434, %dma_wait3A_435] : memref<6400x2x50xi32, #tpu.memory_space<hbm>> -> memref<1x2x50xi32, #tpu.memory_space<hbm>>
    %dma_wait3A_437 = tpu.memref_squeeze %dma_wait3A_436 : memref<1x2x50xi32, #tpu.memory_space<hbm>> -> memref<2x50xi32, #tpu.memory_space<hbm>>
    tpu.wait_dma2 semaphore(%arg17 : memref<!tpu.dma_semaphore, #tpu.memory_space<semaphore_mem>>) src(%dma_wait3A_437 : memref<2x50xi32, #tpu.memory_space<hbm>>) dst(%dma_wait3A_433 : memref<2x50xi32, #tpu.memory_space<vmem>>)
    %dma_wait3A_438 = arith.constant 0 : i32
    %dma_wait3A_439 = arith.constant 1 : i32
    %dma_wait3A_440 = arith.constant 0 : i32
    %dma_wait3A_441 = tpu.memref_slice %arg7[%dma_wait3A_438, %dma_wait3A_439, %dma_wait3A_440] : memref<2x2x50xi32, #tpu.memory_space<vmem>> -> memref<1x1x50xi32, #tpu.memory_space<vmem>>
    %dma_wait3A_442 = tpu.memref_squeeze %dma_wait3A_441 : memref<1x1x50xi32, #tpu.memory_space<vmem>> -> memref<50xi32, #tpu.memory_space<vmem>>
    %dma_wait3A_443 = arith.constant 0 : i32
    %dma_wait3A_444 = arith.constant 0 : i32
    %dma_wait3A_445 = tpu.memref_slice %arg16[%dma_wait3A_443, %dma_wait3A_444] : memref<10240x128xf32, #tpu.memory_space<vmem_shared>> -> memref<10240x128xf32, #tpu.memory_space<vmem_shared>>
    tpu.wait_indirect_dma semaphore(%arg28 : memref<!tpu.dma_semaphore, #tpu.memory_space<semaphore_mem>>) src(%arg12 : memref<50x128xf32, #tpu.memory_space<vmem>>) dst(%dma_wait3A_445 : memref<10240x128xf32, #tpu.memory_space<vmem_shared>>)
    %dma_wait3A_446 = arith.constant 0 : i32
    %dma_wait3A_447 = arith.constant 0 : i32
    %dma_wait3A_448 = arith.constant 0 : i32
    %dma_wait3A_449 = tpu.memref_slice %arg7[%dma_wait3A_446, %dma_wait3A_447, %dma_wait3A_448] : memref<2x2x50xi32, #tpu.memory_space<vmem>> -> memref<1x2x50xi32, #tpu.memory_space<vmem>>
    %dma_wait3A_450 = tpu.memref_squeeze %dma_wait3A_449 : memref<1x2x50xi32, #tpu.memory_space<vmem>> -> memref<2x50xi32, #tpu.memory_space<vmem>>
    %dma_wait3A_451 = arith.constant 0 : i32
    %dma_wait3A_452 = arith.constant 0 : i32
    %dma_wait3A_453 = tpu.memref_slice %arg3[%multiple_of3A_5, %dma_wait3A_451, %dma_wait3A_452] : memref<6400x2x50xi32, #tpu.memory_space<hbm>> -> memref<1x2x50xi32, #tpu.memory_space<hbm>>
    %dma_wait3A_454 = tpu.memref_squeeze %dma_wait3A_453 : memref<1x2x50xi32, #tpu.memory_space<hbm>> -> memref<2x50xi32, #tpu.memory_space<hbm>>
    %dma_wait3A_455 = arith.constant 0 : i32
    %dma_wait3A_456 = arith.constant 0 : i32
    %dma_wait3A_457 = tpu.memref_slice %arg7[%dma_wait3A_446, %dma_wait3A_455, %dma_wait3A_456] : memref<2x2x50xi32, #tpu.memory_space<vmem>> -> memref<1x2x50xi32, #tpu.memory_space<vmem>>
    %dma_wait3A_458 = tpu.memref_squeeze %dma_wait3A_457 : memref<1x2x50xi32, #tpu.memory_space<vmem>> -> memref<2x50xi32, #tpu.memory_space<vmem>>
    %dma_wait3A_459 = arith.constant 0 : i32
    %dma_wait3A_460 = arith.constant 0 : i32
    %dma_wait3A_461 = tpu.memref_slice %arg3[%multiple_of3A_5, %dma_wait3A_459, %dma_wait3A_460] : memref<6400x2x50xi32, #tpu.memory_space<hbm>> -> memref<1x2x50xi32, #tpu.memory_space<hbm>>
    %dma_wait3A_462 = tpu.memref_squeeze %dma_wait3A_461 : memref<1x2x50xi32, #tpu.memory_space<hbm>> -> memref<2x50xi32, #tpu.memory_space<hbm>>
    tpu.wait_dma2 semaphore(%arg18 : memref<!tpu.dma_semaphore, #tpu.memory_space<semaphore_mem>>) src(%dma_wait3A_462 : memref<2x50xi32, #tpu.memory_space<hbm>>) dst(%dma_wait3A_458 : memref<2x50xi32, #tpu.memory_space<vmem>>)
    %dma_wait3A_463 = arith.constant 0 : i32
    %dma_wait3A_464 = arith.constant 1 : i32
    %dma_wait3A_465 = arith.constant 0 : i32
    %dma_wait3A_466 = tpu.memref_slice %arg8[%dma_wait3A_463, %dma_wait3A_464, %dma_wait3A_465] : memref<2x2x50xi32, #tpu.memory_space<vmem>> -> memref<1x1x50xi32, #tpu.memory_space<vmem>>
    %dma_wait3A_467 = tpu.memref_squeeze %dma_wait3A_466 : memref<1x1x50xi32, #tpu.memory_space<vmem>> -> memref<50xi32, #tpu.memory_space<vmem>>
    %dma_wait3A_468 = arith.constant 0 : i32
    %dma_wait3A_469 = arith.constant 0 : i32
    %dma_wait3A_470 = tpu.memref_slice %arg16[%dma_wait3A_468, %dma_wait3A_469] : memref<10240x128xf32, #tpu.memory_space<vmem_shared>> -> memref<10240x128xf32, #tpu.memory_space<vmem_shared>>
    tpu.wait_indirect_dma semaphore(%arg29 : memref<!tpu.dma_semaphore, #tpu.memory_space<semaphore_mem>>) src(%arg13 : memref<50x128xf32, #tpu.memory_space<vmem>>) dst(%dma_wait3A_470 : memref<10240x128xf32, #tpu.memory_space<vmem_shared>>)
    %dma_wait3A_471 = arith.constant 0 : i32
    %dma_wait3A_472 = arith.constant 0 : i32
    %dma_wait3A_473 = arith.constant 0 : i32
    %dma_wait3A_474 = tpu.memref_slice %arg8[%dma_wait3A_471, %dma_wait3A_472, %dma_wait3A_473] : memref<2x2x50xi32, #tpu.memory_space<vmem>> -> memref<1x2x50xi32, #tpu.memory_space<vmem>>
    %dma_wait3A_475 = tpu.memref_squeeze %dma_wait3A_474 : memref<1x2x50xi32, #tpu.memory_space<vmem>> -> memref<2x50xi32, #tpu.memory_space<vmem>>
    %dma_wait3A_476 = arith.constant 0 : i32
    %dma_wait3A_477 = arith.constant 0 : i32
    %dma_wait3A_478 = tpu.memref_slice %arg3[%multiple_of3A_5, %dma_wait3A_476, %dma_wait3A_477] : memref<6400x2x50xi32, #tpu.memory_space<hbm>> -> memref<1x2x50xi32, #tpu.memory_space<hbm>>
    %dma_wait3A_479 = tpu.memref_squeeze %dma_wait3A_478 : memref<1x2x50xi32, #tpu.memory_space<hbm>> -> memref<2x50xi32, #tpu.memory_space<hbm>>
    %dma_wait3A_480 = arith.constant 0 : i32
    %dma_wait3A_481 = arith.constant 0 : i32
    %dma_wait3A_482 = tpu.memref_slice %arg8[%dma_wait3A_471, %dma_wait3A_480, %dma_wait3A_481] : memref<2x2x50xi32, #tpu.memory_space<vmem>> -> memref<1x2x50xi32, #tpu.memory_space<vmem>>
    %dma_wait3A_483 = tpu.memref_squeeze %dma_wait3A_482 : memref<1x2x50xi32, #tpu.memory_space<vmem>> -> memref<2x50xi32, #tpu.memory_space<vmem>>
    %dma_wait3A_484 = arith.constant 0 : i32
    %dma_wait3A_485 = arith.constant 0 : i32
    %dma_wait3A_486 = tpu.memref_slice %arg3[%multiple_of3A_5, %dma_wait3A_484, %dma_wait3A_485] : memref<6400x2x50xi32, #tpu.memory_space<hbm>> -> memref<1x2x50xi32, #tpu.memory_space<hbm>>
    %dma_wait3A_487 = tpu.memref_squeeze %dma_wait3A_486 : memref<1x2x50xi32, #tpu.memory_space<hbm>> -> memref<2x50xi32, #tpu.memory_space<hbm>>
    tpu.wait_dma2 semaphore(%arg19 : memref<!tpu.dma_semaphore, #tpu.memory_space<semaphore_mem>>) src(%dma_wait3A_487 : memref<2x50xi32, #tpu.memory_space<hbm>>) dst(%dma_wait3A_483 : memref<2x50xi32, #tpu.memory_space<vmem>>)
    %dma_wait3A_488 = arith.constant 0 : i32
    %dma_wait3A_489 = arith.constant 1 : i32
    %dma_wait3A_490 = arith.constant 0 : i32
    %dma_wait3A_491 = tpu.memref_slice %arg9[%dma_wait3A_488, %dma_wait3A_489, %dma_wait3A_490] : memref<2x2x50xi32, #tpu.memory_space<vmem>> -> memref<1x1x50xi32, #tpu.memory_space<vmem>>
    %dma_wait3A_492 = tpu.memref_squeeze %dma_wait3A_491 : memref<1x1x50xi32, #tpu.memory_space<vmem>> -> memref<50xi32, #tpu.memory_space<vmem>>
    %dma_wait3A_493 = arith.constant 0 : i32
    %dma_wait3A_494 = arith.constant 0 : i32
    %dma_wait3A_495 = tpu.memref_slice %arg16[%dma_wait3A_493, %dma_wait3A_494] : memref<10240x128xf32, #tpu.memory_space<vmem_shared>> -> memref<10240x128xf32, #tpu.memory_space<vmem_shared>>
    tpu.wait_indirect_dma semaphore(%arg30 : memref<!tpu.dma_semaphore, #tpu.memory_space<semaphore_mem>>) src(%arg14 : memref<50x128xf32, #tpu.memory_space<vmem>>) dst(%dma_wait3A_495 : memref<10240x128xf32, #tpu.memory_space<vmem_shared>>)
    %dma_wait3A_496 = arith.constant 0 : i32
    %dma_wait3A_497 = arith.constant 0 : i32
    %dma_wait3A_498 = arith.constant 0 : i32
    %dma_wait3A_499 = tpu.memref_slice %arg9[%dma_wait3A_496, %dma_wait3A_497, %dma_wait3A_498] : memref<2x2x50xi32, #tpu.memory_space<vmem>> -> memref<1x2x50xi32, #tpu.memory_space<vmem>>
    %dma_wait3A_500 = tpu.memref_squeeze %dma_wait3A_499 : memref<1x2x50xi32, #tpu.memory_space<vmem>> -> memref<2x50xi32, #tpu.memory_space<vmem>>
    %dma_wait3A_501 = arith.constant 0 : i32
    %dma_wait3A_502 = arith.constant 0 : i32
    %dma_wait3A_503 = tpu.memref_slice %arg3[%multiple_of3A_5, %dma_wait3A_501, %dma_wait3A_502] : memref<6400x2x50xi32, #tpu.memory_space<hbm>> -> memref<1x2x50xi32, #tpu.memory_space<hbm>>
    %dma_wait3A_504 = tpu.memref_squeeze %dma_wait3A_503 : memref<1x2x50xi32, #tpu.memory_space<hbm>> -> memref<2x50xi32, #tpu.memory_space<hbm>>
    %dma_wait3A_505 = arith.constant 0 : i32
    %dma_wait3A_506 = arith.constant 0 : i32
    %dma_wait3A_507 = tpu.memref_slice %arg9[%dma_wait3A_496, %dma_wait3A_505, %dma_wait3A_506] : memref<2x2x50xi32, #tpu.memory_space<vmem>> -> memref<1x2x50xi32, #tpu.memory_space<vmem>>
    %dma_wait3A_508 = tpu.memref_squeeze %dma_wait3A_507 : memref<1x2x50xi32, #tpu.memory_space<vmem>> -> memref<2x50xi32, #tpu.memory_space<vmem>>
    %dma_wait3A_509 = arith.constant 0 : i32
    %dma_wait3A_510 = arith.constant 0 : i32
    %dma_wait3A_511 = tpu.memref_slice %arg3[%multiple_of3A_5, %dma_wait3A_509, %dma_wait3A_510] : memref<6400x2x50xi32, #tpu.memory_space<hbm>> -> memref<1x2x50xi32, #tpu.memory_space<hbm>>
    %dma_wait3A_512 = tpu.memref_squeeze %dma_wait3A_511 : memref<1x2x50xi32, #tpu.memory_space<hbm>> -> memref<2x50xi32, #tpu.memory_space<hbm>>
    tpu.wait_dma2 semaphore(%arg20 : memref<!tpu.dma_semaphore, #tpu.memory_space<semaphore_mem>>) src(%dma_wait3A_512 : memref<2x50xi32, #tpu.memory_space<hbm>>) dst(%dma_wait3A_508 : memref<2x50xi32, #tpu.memory_space<vmem>>)
    %dma_wait3A_513 = arith.constant 0 : i32
    %dma_wait3A_514 = arith.constant 1 : i32
    %dma_wait3A_515 = arith.constant 0 : i32
    %dma_wait3A_516 = tpu.memref_slice %arg10[%dma_wait3A_513, %dma_wait3A_514, %dma_wait3A_515] : memref<2x2x50xi32, #tpu.memory_space<vmem>> -> memref<1x1x50xi32, #tpu.memory_space<vmem>>
    %dma_wait3A_517 = tpu.memref_squeeze %dma_wait3A_516 : memref<1x1x50xi32, #tpu.memory_space<vmem>> -> memref<50xi32, #tpu.memory_space<vmem>>
    %dma_wait3A_518 = arith.constant 0 : i32
    %dma_wait3A_519 = arith.constant 0 : i32
    %dma_wait3A_520 = tpu.memref_slice %arg16[%dma_wait3A_518, %dma_wait3A_519] : memref<10240x128xf32, #tpu.memory_space<vmem_shared>> -> memref<10240x128xf32, #tpu.memory_space<vmem_shared>>
    tpu.wait_indirect_dma semaphore(%arg31 : memref<!tpu.dma_semaphore, #tpu.memory_space<semaphore_mem>>) src(%arg15 : memref<50x128xf32, #tpu.memory_space<vmem>>) dst(%dma_wait3A_520 : memref<10240x128xf32, #tpu.memory_space<vmem_shared>>)
    %dma_wait3A_521 = arith.constant 0 : i32
    %dma_wait3A_522 = arith.constant 0 : i32
    %dma_wait3A_523 = arith.constant 0 : i32
    %dma_wait3A_524 = tpu.memref_slice %arg10[%dma_wait3A_521, %dma_wait3A_522, %dma_wait3A_523] : memref<2x2x50xi32, #tpu.memory_space<vmem>> -> memref<1x2x50xi32, #tpu.memory_space<vmem>>
    %dma_wait3A_525 = tpu.memref_squeeze %dma_wait3A_524 : memref<1x2x50xi32, #tpu.memory_space<vmem>> -> memref<2x50xi32, #tpu.memory_space<vmem>>
    %dma_wait3A_526 = arith.constant 0 : i32
    %dma_wait3A_527 = arith.constant 0 : i32
    %dma_wait3A_528 = tpu.memref_slice %arg3[%multiple_of3A_5, %dma_wait3A_526, %dma_wait3A_527] : memref<6400x2x50xi32, #tpu.memory_space<hbm>> -> memref<1x2x50xi32, #tpu.memory_space<hbm>>
    %dma_wait3A_529 = tpu.memref_squeeze %dma_wait3A_528 : memref<1x2x50xi32, #tpu.memory_space<hbm>> -> memref<2x50xi32, #tpu.memory_space<hbm>>
    %dma_wait3A_530 = arith.constant 0 : i32
    %dma_wait3A_531 = arith.constant 0 : i32
    %dma_wait3A_532 = tpu.memref_slice %arg10[%dma_wait3A_521, %dma_wait3A_530, %dma_wait3A_531] : memref<2x2x50xi32, #tpu.memory_space<vmem>> -> memref<1x2x50xi32, #tpu.memory_space<vmem>>
    %dma_wait3A_533 = tpu.memref_squeeze %dma_wait3A_532 : memref<1x2x50xi32, #tpu.memory_space<vmem>> -> memref<2x50xi32, #tpu.memory_space<vmem>>
    %dma_wait3A_534 = arith.constant 0 : i32
    %dma_wait3A_535 = arith.constant 0 : i32
    %dma_wait3A_536 = tpu.memref_slice %arg3[%multiple_of3A_5, %dma_wait3A_534, %dma_wait3A_535] : memref<6400x2x50xi32, #tpu.memory_space<hbm>> -> memref<1x2x50xi32, #tpu.memory_space<hbm>>
    %dma_wait3A_537 = tpu.memref_squeeze %dma_wait3A_536 : memref<1x2x50xi32, #tpu.memory_space<hbm>> -> memref<2x50xi32, #tpu.memory_space<hbm>>
    tpu.wait_dma2 semaphore(%arg21 : memref<!tpu.dma_semaphore, #tpu.memory_space<semaphore_mem>>) src(%dma_wait3A_537 : memref<2x50xi32, #tpu.memory_space<hbm>>) dst(%dma_wait3A_533 : memref<2x50xi32, #tpu.memory_space<vmem>>)
    %barrier3A_538 = arith.constant 0 : index
    tpu.barrier barrier_id(%barrier3A_538)
    %mul3A_539 = arith.constant 10240 : i32
    %mul3A_540 = arith.muli %arg0, %mul3A_539 : i32
    %mul3A_541 = arith.constant 640 : i32
    %mul3A_542 = arith.muli %arg1, %mul3A_541 : i32
    %add3A_543 = arith.addi %mul3A_540, %mul3A_542 : i32
    %multiple_of3A_544 = tpu.assume_multiple %add3A_543, 8 : i32
    "tpu.region"() ({
      %run_scoped3A = tpu.sem_alloc : memref<!tpu.dma_semaphore, #tpu.memory_space<semaphore_mem>>
      %dma_start3A_545 = arith.constant 0 : i32
      %dma_start3A_546 = tpu.memref_slice %arg5[%multiple_of3A_544, %dma_start3A_545] : memref<20480x128xf32, #tpu.memory_space<hbm>> -> memref<640x128xf32, #tpu.memory_space<hbm>>
      %dma_start3A_547 = arith.constant 0 : i32
      %dma_start3A_548 = tpu.memref_slice %arg16[%multiple_of3A, %dma_start3A_547] : memref<10240x128xf32, #tpu.memory_space<vmem_shared>> -> memref<640x128xf32, #tpu.memory_space<vmem_shared>>
      tpu.enqueue_dma source(%dma_start3A_548 : memref<640x128xf32, #tpu.memory_space<vmem_shared>>) target(%dma_start3A_546 : memref<640x128xf32, #tpu.memory_space<hbm>>) target_semaphore(%run_scoped3A : memref<!tpu.dma_semaphore, #tpu.memory_space<semaphore_mem>>)
      %dma_wait3A_549 = arith.constant 0 : i32
      %dma_wait3A_550 = tpu.memref_slice %arg5[%multiple_of3A_544, %dma_wait3A_549] : memref<20480x128xf32, #tpu.memory_space<hbm>> -> memref<640x128xf32, #tpu.memory_space<hbm>>
      %dma_wait3A_551 = arith.constant 0 : i32
      %dma_wait3A_552 = tpu.memref_slice %arg16[%multiple_of3A, %dma_wait3A_551] : memref<10240x128xf32, #tpu.memory_space<vmem_shared>> -> memref<640x128xf32, #tpu.memory_space<vmem_shared>>
      tpu.wait_dma2 semaphore(%run_scoped3A : memref<!tpu.dma_semaphore, #tpu.memory_space<semaphore_mem>>) src(%dma_wait3A_552 : memref<640x128xf32, #tpu.memory_space<vmem_shared>>) dst(%dma_wait3A_550 : memref<640x128xf32, #tpu.memory_space<hbm>>)
      tpu.yield
    }) : () -> ()
    return
  }
}

module attributes {stable_mosaic.version = 14 : i64} {
  func.func @_tc_in(%arg0: memref<10000x128xf32, #tpu.memory_space<vmem>>, %arg1: memref<128x128xf32, #tpu.memory_space<vmem>>, %arg2: memref<128x128xf32, #tpu.memory_space<vmem>>, %arg3: memref<1x128xf32, #tpu.memory_space<vmem>>, %arg4: memref<10000x128xf32, #tpu.memory_space<vmem>>, %arg5: memref<10000x128xf32, #tpu.memory_space<vmem>>) attributes {dimension_semantics = [], scalar_prefetch = 0 : i64, scratch_operands = 0 : i64, tpu.core_type = #tpu.core_type<tc>} {
    %get3A = arith.constant 0 : index
    %get3A_0 = arith.constant 0 : index
    %get3A_1 = vector.load %arg0[%get3A, %get3A_0] : memref<10000x128xf32, #tpu.memory_space<vmem>>, vector<10000x128xf32>
    %get3A_2 = arith.constant 0 : index
    %get3A_3 = arith.constant 0 : index
    %get3A_4 = vector.load %arg1[%get3A_2, %get3A_3] : memref<128x128xf32, #tpu.memory_space<vmem>>, vector<128x128xf32>
    %dot_general3A = arith.constant dense<0.000000e+00> : vector<10000x128xf32>
    %dot_general3A_5 = tpu.matmul %get3A_1, %get3A_4, %dot_general3A {dimension_numbers = #tpu.dot_dimension_numbers<[1], [0], [0], [1], [0, 0, 1, 1], [], []>, transpose_lhs_hint = false} : vector<10000x128xf32>, vector<128x128xf32>, vector<10000x128xf32> -> vector<10000x128xf32>
    %get3A_6 = arith.constant 0 : index
    %get3A_7 = arith.constant 0 : index
    %get3A_8 = vector.load %arg3[%get3A_6, %get3A_7] : memref<1x128xf32, #tpu.memory_space<vmem>>, vector<1x128xf32>
    %add3A = vector.broadcast %get3A_8 : vector<1x128xf32> to vector<10000x128xf32>
    %add3A_9 = arith.addf %dot_general3A_5, %add3A : vector<10000x128xf32>
    %swap3A = arith.constant 0 : index
    %swap3A_10 = arith.constant 0 : index
    %swap3A_11 = vector.load %arg4[%swap3A, %swap3A_10] : memref<10000x128xf32, #tpu.memory_space<vmem>>, vector<10000x128xf32>
    tpu.vector_store %arg4[%swap3A, %swap3A_10], %add3A_9 {strides = array<i32>} : memref<10000x128xf32, #tpu.memory_space<vmem>>, vector<10000x128xf32>,
    %get3A_12 = arith.constant 0 : index
    %get3A_13 = arith.constant 0 : index
    %get3A_14 = vector.load %arg2[%get3A_12, %get3A_13] : memref<128x128xf32, #tpu.memory_space<vmem>>, vector<128x128xf32>
    %dot_general3A_15 = arith.constant dense<0.000000e+00> : vector<10000x128xf32>
    %dot_general3A_16 = tpu.matmul %get3A_1, %get3A_14, %dot_general3A_15 {dimension_numbers = #tpu.dot_dimension_numbers<[1], [0], [0], [1], [0, 0, 1, 1], [], []>, transpose_lhs_hint = false} : vector<10000x128xf32>, vector<128x128xf32>, vector<10000x128xf32> -> vector<10000x128xf32>
    %swap3A_17 = arith.constant 0 : index
    %swap3A_18 = arith.constant 0 : index
    %swap3A_19 = vector.load %arg5[%swap3A_17, %swap3A_18] : memref<10000x128xf32, #tpu.memory_space<vmem>>, vector<10000x128xf32>
    tpu.vector_store %arg5[%swap3A_17, %swap3A_18], %dot_general3A_16 {strides = array<i32>} : memref<10000x128xf32, #tpu.memory_space<vmem>>, vector<10000x128xf32>,
    return
  }
}

module attributes {stable_mosaic.version = 14 : i64} {
  func.func @_tc_mid(%arg0: memref<10000x128xf32, #tpu.memory_space<vmem>>, %arg1: memref<20480x128xf32, #tpu.memory_space<vmem>>, %arg2: memref<2x10000x8xf32, #tpu.memory_space<vmem>>, %arg3: memref<1x128xf32, #tpu.memory_space<vmem>>, %arg4: memref<1x128xf32, #tpu.memory_space<vmem>>, %arg5: memref<128x128xf32, #tpu.memory_space<vmem>>, %arg6: memref<128x128xf32, #tpu.memory_space<vmem>>, %arg7: memref<1x128xf32, #tpu.memory_space<vmem>>, %arg8: memref<10000x128xf32, #tpu.memory_space<vmem>>, %arg9: memref<10000x128xf32, #tpu.memory_space<vmem>>) attributes {dimension_semantics = [], scalar_prefetch = 0 : i64, scratch_operands = 0 : i64, tpu.core_type = #tpu.core_type<tc>} {
    %get3A = arith.constant 0 : index
    %get3A_0 = arith.constant 0 : index
    %get3A_1 = arith.constant 0 : index
    %get3A_2 = vector.load %arg2[%get3A, %get3A_0, %get3A_1] : memref<2x10000x8xf32, #tpu.memory_space<vmem>>, vector<1x10000x1xf32>
    %get3A_3 = vector.shape_cast %get3A_2 : vector<1x10000x1xf32> to vector<10000x1xf32>
    %get3A_4 = arith.constant 1 : index
    %get3A_5 = arith.constant 0 : index
    %get3A_6 = arith.constant 0 : index
    %get3A_7 = vector.load %arg2[%get3A_4, %get3A_5, %get3A_6] : memref<2x10000x8xf32, #tpu.memory_space<vmem>>, vector<1x10000x1xf32>
    %get3A_8 = vector.shape_cast %get3A_7 : vector<1x10000x1xf32> to vector<10000x1xf32>
    %add3A = arith.addf %get3A_3, %get3A_8 : vector<10000x1xf32>
    %get3A_9 = arith.constant 0 : index
    %get3A_10 = arith.constant 0 : index
    %get3A_11 = vector.load %arg1[%get3A_9, %get3A_10] : memref<20480x128xf32, #tpu.memory_space<vmem>>, vector<10000x128xf32>
    %get3A_12 = arith.constant 10240 : index
    %get3A_13 = arith.constant 0 : index
    %get3A_14 = vector.load %arg1[%get3A_12, %get3A_13] : memref<20480x128xf32, #tpu.memory_space<vmem>>, vector<10000x128xf32>
    %add3A_15 = arith.addf %get3A_11, %get3A_14 : vector<10000x128xf32>
    %get3A_16 = arith.constant 0 : index
    %get3A_17 = arith.constant 0 : index
    %get3A_18 = vector.load %arg0[%get3A_16, %get3A_17] : memref<10000x128xf32, #tpu.memory_space<vmem>>, vector<10000x128xf32>
    %max3A = arith.constant 1.000000e+00 : f32
    %max3A_19 = vector.broadcast %max3A : f32 to vector<10000x1xf32>
    %max3A_20 = arith.maximumf %add3A, %max3A_19 : vector<10000x1xf32>
    %div3A = vector.broadcast %max3A_20 : vector<10000x1xf32> to vector<10000x128xf32>
    %div3A_21 = arith.divf %add3A_15, %div3A : vector<10000x128xf32>
    %add3A_22 = arith.addf %get3A_18, %div3A_21 : vector<10000x128xf32>
    %reduce_sum3A = arith.constant dense<0.000000e+00> : vector<128xf32>
    %reduce_sum3A_23 = vector.multi_reduction <add>, %add3A_22, %reduce_sum3A [0] : vector<10000x128xf32> to vector<128xf32>
    %broadcast_in_dim3A = vector.shape_cast %reduce_sum3A_23 : vector<128xf32> to vector<1x128xf32>
    %div3A_24 = arith.constant 1.000000e+04 : f32
    %div3A_25 = vector.broadcast %div3A_24 : f32 to vector<1x128xf32>
    %div3A_26 = arith.divf %broadcast_in_dim3A, %div3A_25 : vector<1x128xf32>
    %sub3A = vector.broadcast %div3A_26 : vector<1x128xf32> to vector<10000x128xf32>
    %sub3A_27 = arith.subf %add3A_22, %sub3A : vector<10000x128xf32>
    %integer_pow3A = arith.mulf %sub3A_27, %sub3A_27 : vector<10000x128xf32>
    %reduce_sum3A_28 = arith.constant dense<0.000000e+00> : vector<128xf32>
    %reduce_sum3A_29 = vector.multi_reduction <add>, %integer_pow3A, %reduce_sum3A_28 [0] : vector<10000x128xf32> to vector<128xf32>
    %broadcast_in_dim3A_30 = vector.shape_cast %reduce_sum3A_29 : vector<128xf32> to vector<1x128xf32>
    %div3A_31 = arith.constant 1.000000e+04 : f32
    %div3A_32 = vector.broadcast %div3A_31 : f32 to vector<1x128xf32>
    %div3A_33 = arith.divf %broadcast_in_dim3A_30, %div3A_32 : vector<1x128xf32>
    %sub3A_34 = vector.broadcast %div3A_26 : vector<1x128xf32> to vector<10000x128xf32>
    %sub3A_35 = arith.subf %add3A_22, %sub3A_34 : vector<10000x128xf32>
    %add3A_36 = arith.constant 9.99999974E-6 : f32
    %add3A_37 = vector.broadcast %add3A_36 : f32 to vector<1x128xf32>
    %add3A_38 = arith.addf %div3A_33, %add3A_37 : vector<1x128xf32>
    %sqrt3A = math.sqrt %add3A_38 : vector<1x128xf32>
    %div3A_39 = vector.broadcast %sqrt3A : vector<1x128xf32> to vector<10000x128xf32>
    %div3A_40 = arith.divf %sub3A_35, %div3A_39 : vector<10000x128xf32>
    %get3A_41 = arith.constant 0 : index
    %get3A_42 = arith.constant 0 : index
    %get3A_43 = vector.load %arg3[%get3A_41, %get3A_42] : memref<1x128xf32, #tpu.memory_space<vmem>>, vector<1x128xf32>
    %mul3A = vector.broadcast %get3A_43 : vector<1x128xf32> to vector<10000x128xf32>
    %mul3A_44 = arith.mulf %div3A_40, %mul3A : vector<10000x128xf32>
    %get3A_45 = arith.constant 0 : index
    %get3A_46 = arith.constant 0 : index
    %get3A_47 = vector.load %arg4[%get3A_45, %get3A_46] : memref<1x128xf32, #tpu.memory_space<vmem>>, vector<1x128xf32>
    %add3A_48 = vector.broadcast %get3A_47 : vector<1x128xf32> to vector<10000x128xf32>
    %add3A_49 = arith.addf %mul3A_44, %add3A_48 : vector<10000x128xf32>
    %max3A_50 = arith.constant 0.000000e+00 : f32
    %max3A_51 = vector.broadcast %max3A_50 : f32 to vector<10000x128xf32>
    %max3A_52 = arith.maximumf %add3A_49, %max3A_51 : vector<10000x128xf32>
    %get3A_53 = arith.constant 0 : index
    %get3A_54 = arith.constant 0 : index
    %get3A_55 = vector.load %arg5[%get3A_53, %get3A_54] : memref<128x128xf32, #tpu.memory_space<vmem>>, vector<128x128xf32>
    %dot_general3A = arith.constant dense<0.000000e+00> : vector<10000x128xf32>
    %dot_general3A_56 = tpu.matmul %max3A_52, %get3A_55, %dot_general3A {dimension_numbers = #tpu.dot_dimension_numbers<[1], [0], [0], [1], [0, 0, 1, 1], [], []>, transpose_lhs_hint = false} : vector<10000x128xf32>, vector<128x128xf32>, vector<10000x128xf32> -> vector<10000x128xf32>
    %get3A_57 = arith.constant 0 : index
    %get3A_58 = arith.constant 0 : index
    %get3A_59 = vector.load %arg7[%get3A_57, %get3A_58] : memref<1x128xf32, #tpu.memory_space<vmem>>, vector<1x128xf32>
    %add3A_60 = vector.broadcast %get3A_59 : vector<1x128xf32> to vector<10000x128xf32>
    %add3A_61 = arith.addf %dot_general3A_56, %add3A_60 : vector<10000x128xf32>
    %swap3A = arith.constant 0 : index
    %swap3A_62 = arith.constant 0 : index
    %swap3A_63 = vector.load %arg8[%swap3A, %swap3A_62] : memref<10000x128xf32, #tpu.memory_space<vmem>>, vector<10000x128xf32>
    tpu.vector_store %arg8[%swap3A, %swap3A_62], %add3A_61 {strides = array<i32>} : memref<10000x128xf32, #tpu.memory_space<vmem>>, vector<10000x128xf32>,
    %get3A_64 = arith.constant 0 : index
    %get3A_65 = arith.constant 0 : index
    %get3A_66 = vector.load %arg6[%get3A_64, %get3A_65] : memref<128x128xf32, #tpu.memory_space<vmem>>, vector<128x128xf32>
    %dot_general3A_67 = arith.constant dense<0.000000e+00> : vector<10000x128xf32>
    %dot_general3A_68 = tpu.matmul %max3A_52, %get3A_66, %dot_general3A_67 {dimension_numbers = #tpu.dot_dimension_numbers<[1], [0], [0], [1], [0, 0, 1, 1], [], []>, transpose_lhs_hint = false} : vector<10000x128xf32>, vector<128x128xf32>, vector<10000x128xf32> -> vector<10000x128xf32>
    %swap3A_69 = arith.constant 0 : index
    %swap3A_70 = arith.constant 0 : index
    %swap3A_71 = vector.load %arg9[%swap3A_69, %swap3A_70] : memref<10000x128xf32, #tpu.memory_space<vmem>>, vector<10000x128xf32>
    tpu.vector_store %arg9[%swap3A_69, %swap3A_70], %dot_general3A_68 {strides = array<i32>} : memref<10000x128xf32, #tpu.memory_space<vmem>>, vector<10000x128xf32>,
    return
  }
}

module attributes {stable_mosaic.version = 14 : i64} {
  func.func @_tc_fin(%arg0: memref<10000x128xf32, #tpu.memory_space<vmem>>, %arg1: memref<20480x128xf32, #tpu.memory_space<vmem>>, %arg2: memref<2x10000x8xf32, #tpu.memory_space<vmem>>, %arg3: memref<10000x128xf32, #tpu.memory_space<vmem>>) attributes {dimension_semantics = [], scalar_prefetch = 0 : i64, scratch_operands = 0 : i64, tpu.core_type = #tpu.core_type<tc>} {
    %get3A = arith.constant 0 : index
    %get3A_0 = arith.constant 0 : index
    %get3A_1 = arith.constant 0 : index
    %get3A_2 = vector.load %arg2[%get3A, %get3A_0, %get3A_1] : memref<2x10000x8xf32, #tpu.memory_space<vmem>>, vector<1x10000x1xf32>
    %get3A_3 = vector.shape_cast %get3A_2 : vector<1x10000x1xf32> to vector<10000x1xf32>
    %get3A_4 = arith.constant 1 : index
    %get3A_5 = arith.constant 0 : index
    %get3A_6 = arith.constant 0 : index
    %get3A_7 = vector.load %arg2[%get3A_4, %get3A_5, %get3A_6] : memref<2x10000x8xf32, #tpu.memory_space<vmem>>, vector<1x10000x1xf32>
    %get3A_8 = vector.shape_cast %get3A_7 : vector<1x10000x1xf32> to vector<10000x1xf32>
    %add3A = arith.addf %get3A_3, %get3A_8 : vector<10000x1xf32>
    %get3A_9 = arith.constant 0 : index
    %get3A_10 = arith.constant 0 : index
    %get3A_11 = vector.load %arg1[%get3A_9, %get3A_10] : memref<20480x128xf32, #tpu.memory_space<vmem>>, vector<10000x128xf32>
    %get3A_12 = arith.constant 10240 : index
    %get3A_13 = arith.constant 0 : index
    %get3A_14 = vector.load %arg1[%get3A_12, %get3A_13] : memref<20480x128xf32, #tpu.memory_space<vmem>>, vector<10000x128xf32>
    %add3A_15 = arith.addf %get3A_11, %get3A_14 : vector<10000x128xf32>
    %get3A_16 = arith.constant 0 : index
    %get3A_17 = arith.constant 0 : index
    %get3A_18 = vector.load %arg0[%get3A_16, %get3A_17] : memref<10000x128xf32, #tpu.memory_space<vmem>>, vector<10000x128xf32>
    %max3A = arith.constant 1.000000e+00 : f32
    %max3A_19 = vector.broadcast %max3A : f32 to vector<10000x1xf32>
    %max3A_20 = arith.maximumf %add3A, %max3A_19 : vector<10000x1xf32>
    %div3A = vector.broadcast %max3A_20 : vector<10000x1xf32> to vector<10000x128xf32>
    %div3A_21 = arith.divf %add3A_15, %div3A : vector<10000x128xf32>
    %add3A_22 = arith.addf %get3A_18, %div3A_21 : vector<10000x128xf32>
    %reduce_max3A = arith.constant dense<0xFF800000> : vector<10000xf32>
    %reduce_max3A_23 = vector.multi_reduction <maximumf>, %add3A_22, %reduce_max3A [1] : vector<10000x128xf32> to vector<10000xf32>
    %broadcast_in_dim3A = vector.shape_cast %reduce_max3A_23 : vector<10000xf32> to vector<10000x1xf32>
    %sub3A = vector.broadcast %broadcast_in_dim3A : vector<10000x1xf32> to vector<10000x128xf32>
    %sub3A_24 = arith.subf %add3A_22, %sub3A : vector<10000x128xf32>
    %exp3A = math.exp %sub3A_24 : vector<10000x128xf32>
    %reduce_sum3A = arith.constant dense<0.000000e+00> : vector<10000xf32>
    %reduce_sum3A_25 = vector.multi_reduction <add>, %exp3A, %reduce_sum3A [1] : vector<10000x128xf32> to vector<10000xf32>
    %broadcast_in_dim3A_26 = vector.shape_cast %reduce_sum3A_25 : vector<10000xf32> to vector<10000x1xf32>
    %log3A = math.log %broadcast_in_dim3A_26 : vector<10000x1xf32>
    %sub3A_27 = vector.broadcast %log3A : vector<10000x1xf32> to vector<10000x128xf32>
    %sub3A_28 = arith.subf %sub3A_24, %sub3A_27 : vector<10000x128xf32>
    %swap3A = arith.constant 0 : index
    %swap3A_29 = arith.constant 0 : index
    %swap3A_30 = vector.load %arg3[%swap3A, %swap3A_29] : memref<10000x128xf32, #tpu.memory_space<vmem>>, vector<10000x128xf32>
    tpu.vector_store %arg3[%swap3A, %swap3A_29], %sub3A_28 {strides = array<i32>} : memref<10000x128xf32, #tpu.memory_space<vmem>>, vector<10000x128xf32>,
    return
  }
}

</mosaic_0001>

<sc_bundles>
// kernel: kernel.10.cloned.1.call-start
scs
__scs_entry_jumppad:
0x0: {  	(pc) =	sbr.rel $0x88, $3  }
0x1: {  	(tag) =	ssettag $0x0;
	lr =	simm.s32 $0x1  }
0x2: {  	[smem:$0x3F92] =	sst lr;
	_ =	strace $0xD0000000  }
0x3: {  	_ = 	snop  }
0x4: {  	_ = 	snop  }
0x5: {  	_ = 	snop  }
0x6: {  	_ = 	snop  }
0x7: {  	_ = 	snop  }
__scs_overlays_trampoline_lowered:
0x8: {  	[smem:$0x3FA1] =	sst s0  }
0x9: {  	[smem:$0x3FA2] =	sst s1  }
0xa: {  	[smem:$0x3FA3] =	sst s2  }
0xb: {  	[smem:$0x3FA4] =	sst s3  }
0xc: {  	[smem:$0x3FA5] =	sst s4  }
0xd: {  	[smem:$0x3FA6] =	sst s5  }
0xe: {  	[smem:$0x3FA7] =	sst s6  }
0xf: {  	[smem:$0x3FA8] =	sst s7  }
0x10: {  	[smem:$0x3FA9] =	sst s8  }
0x11: {  	[smem:$0x3FAA] =	sst s9;
	s0 =	simm.s32 @!p0 $0x0  }
0x12: {  	s1 =	sld [smem:$0x3F90];
	s0 =	simm.s32 @p0 $0x1  }
0x13: {  	[smem:$0x3FAB] =	sst s0;
	s0 =	simm.s32 @!p1 $0x0  }
0x14: {  	s2 =	sld [smem:$0x3F8F];
	s0 =	simm.s32 @p1 $0x1  }
0x15: {  	[smem:$0x3FAC] =	sst s0;
	s0 =	simm.s32 @!p2 $0x0  }
0x16: {  	s3 =	sld [smem:$0x3FDB];
	s0 =	simm.s32 @p2 $0x1  }
0x17: {  	s4 =	simm.s32 $0x1BF5;
	[smem:$0x3FAE] =	sst s0  }
0x18: {  	s0 =	sld [smem:$0x3F91];
	_ =	swait.ge [sflag:s4], $0x0  }
0x19: {  	s7 =	sld [smem:$0x3F92]  }
0x1a: {  	s8 =	sadd.s32 $0xFFFFE003, lr  }
0x1b: {  	s9 =	sadd.s32 $0xFFFFFEF7, lr;
	s5 =	simm.s32 $0xFFFFFFFF;
	p2 =	slt.u32 s8, $0xFFFFF086  }
0x1c: {  	p1 =	slt.u32 s9, $0xF7A;
	s5 =	simm.s32 @!p2 $0x0  }
0x1d: {  	s5 =	simm.s32 @p1 $0x1;
	p0 =	seq.s32 s7, s2  }
0x1e: {  	s7 =	smul.u32 @!p0 $0xF7A, s2;
	p2 =	seq.s32 @!p0 s5, $0x0  }
0x1f: {  	s9 =	smul.u32 $0xF7A, s1;
	s8 =	simm.s32 @!p0 $0x1BF5;
	p2 =	por !p2, p0  }
0x20: {  	[sflag:s8] =	ssyncset.s32 @!p0 $0xFFFFF086;
	s6 =	sadd.s32 @!p0 s3, s7;
	s7 =	simm.s32 @!p0 $0x108  }
0x21: {  	s3 =	sadd.s32 s3, s9;
	s6 =	sadd.s32 @!p0 $0x88, s6;
	s7 =	simm.s32 @p2 $0x1082  }
0x22: {  	[simem:s7], [sflag:s8] =	dma.local @!p0 [hbm:s6], $0xF7A  }
0x23: {  	s9 =	sor.u32 $0xD0000000, s2;
	s6 =	simm.s32 $0x108;
	_ =	swait.ge @!p0 [sflag:s8], $0x0  }
0x24: {  	s3 =	sadd.s32 $0x88, s3;
	s6 =	simm.s32 @!p1 $0x1082;
	[sflag:s4] =	ssyncset.s32 $0xFFFFF086  }
0x25: {  	[simem:s6], [sflag:s4] =	dma.local [hbm:s3], $0xF7A  }
0x26: {  	[smem:$0x3F92] =	sst s1;
	(tag) =	ssettag s2;
	_ =	strace s9  }
0x27: {  	s1 =	sld [smem:$0x3FA2]  }
0x28: {  	s2 =	sld [smem:$0x3FA3]  }
0x29: {  	s4 =	sld [smem:$0x3FA5]  }
0x2a: {  	p0 =	seq.s32 s5, $0x0;
	s5 =	sld [smem:$0x3FA6]  }
0x2b: {  	s6 =	sld [smem:$0x3FA7]  }
0x2c: {  	s7 =	sld [smem:$0x3FA8]  }
0x2d: {  	s3 =	simm.s32 $0x108;
	s8 =	sld [smem:$0x3FA9]  }
0x2e: {  	s3 =	simm.s32 @!p0 $0x1082;
	s9 =	sld [smem:$0x3FAA]  }
0x2f: {  	lr =	sadd.s32 s0, s3;
	s0 =	sld [smem:$0x3FA1]  }
0x30: {  	s3 =	sld [smem:$0x3FA4]  }
0x31: {  	[smem:$0x3FAD] =	sst s10  }
0x32: {  	s10 =	sld [smem:$0x3FAB];
	_ =	sdelay $0x3  }
0x33: {  	p0 =	seq.s32 s10, $0x1;
	s10 =	sld [smem:$0x3FAD];
	_ =	sdelay $0x3  }
0x34: {  	[smem:$0x3FAD] =	sst s10  }
0x35: {  	s10 =	sld [smem:$0x3FAC];
	_ =	sdelay $0x3  }
0x36: {  	p1 =	seq.s32 s10, $0x1;
	s10 =	sld [smem:$0x3FAD];
	_ =	sdelay $0x3  }
0x37: {  	[smem:$0x3FAD] =	sst s10  }
0x38: {  	s10 =	sld [smem:$0x3FAE]  }
0x39: {  	_ = 	snop;
	(pc) =	sbr.ind lr, $3  }
0x3a: {  	_ = 	snop  }
0x3b: {  	_ = 	snop  }
0x3c: {  	p2 =	seq.s32 s10, $0x1;
	s10 =	sld [smem:$0x3FAD]  }
0x3d: {  	_ =	shalt  }
0x3e: {  	_ =	shalt  }
0x3f: {  	_ =	shalt  }
0x40: {  	_ =	shalt  }
0x41: {  	_ =	shalt  }
0x42: {  	_ =	shalt  }
0x43: {  	_ =	shalt  }
0x44: {  	_ =	shalt  }
0x45: {  	_ =	shalt  }
0x46: {  	_ =	shalt  }
0x47: {  	_ =	shalt  }
0x48: {  	_ =	shalt  }
0x49: {  	_ =	shalt  }
0x4a: {  	_ =	shalt  }
0x4b: {  	_ =	shalt  }
0x4c: {  	_ =	shalt  }
0x4d: {  	_ =	shalt  }
0x4e: {  	_ =	shalt  }
0x4f: {  	_ =	shalt  }
0x50: {  	_ =	shalt  }
0x51: {  	_ =	shalt  }
0x52: {  	_ =	shalt  }
0x53: {  	_ =	shalt  }
0x54: {  	_ =	shalt  }
0x55: {  	_ =	shalt  }
0x56: {  	_ =	shalt  }
0x57: {  	_ =	shalt  }
0x58: {  	_ =	shalt  }
0x59: {  	_ =	shalt  }
0x5a: {  	_ =	shalt  }
0x5b: {  	_ =	shalt  }
0x5c: {  	_ =	shalt  }
0x5d: {  	_ =	shalt  }
0x5e: {  	_ =	shalt  }
0x5f: {  	_ =	shalt  }
0x60: {  	_ =	shalt  }
0x61: {  	_ =	shalt  }
0x62: {  	_ =	shalt  }
0x63: {  	_ =	shalt  }
0x64: {  	_ =	shalt  }
0x65: {  	_ =	shalt  }
0x66: {  	_ =	shalt  }
0x67: {  	_ =	shalt  }
0x68: {  	_ =	shalt  }
0x69: {  	_ =	shalt  }
0x6a: {  	_ =	shalt  }
0x6b: {  	_ =	shalt  }
0x6c: {  	_ =	shalt  }
0x6d: {  	_ =	shalt  }
0x6e: {  	_ =	shalt  }
0x6f: {  	_ =	shalt  }
0x70: {  	_ =	shalt  }
0x71: {  	_ =	shalt  }
0x72: {  	_ =	shalt  }
0x73: {  	_ =	shalt  }
0x74: {  	_ =	shalt  }
0x75: {  	_ =	shalt  }
0x76: {  	_ =	shalt  }
0x77: {  	_ =	shalt  }
0x78: {  	_ =	shalt  }
0x79: {  	_ =	shalt  }
0x7a: {  	_ =	shalt  }
0x7b: {  	_ =	shalt  }
0x7c: {  	_ =	shalt  }
0x7d: {  	_ =	shalt  }
0x7e: {  	_ =	shalt  }
0x7f: {  	_ =	shalt  }
0x80: {  	_ =	shalt  }
0x81: {  	_ =	shalt  }
0x82: {  	_ =	shalt  }
0x83: {  	_ =	shalt  }
0x84: {  	_ =	shalt  }
0x85: {  	_ =	shalt  }
0x86: {  	_ =	shalt  }
0x87: {  	_ =	shalt  }
.Lfunc_end0:
.L_simem_size_0:
called_computation_lowered:
.L_overlay_start_0:
0x88: {  	s2 =	sld [smem:$0x3FD9]  }
0x89: {  	s3 =	sld [smem:$0x3FFE];
	_ =	sdelay $0x1  }
0x8a: {  	s1 =	srdreg.scid  }
0x8b: {  	s0 =	sand.u32 $0x1, s1  }
0x8c: {  	s16 =	sshll.u32 s0, $0xA;
	s2 =	sadd.s32 s3, s2  }
0x8d: {  	s2 =	sadd.s32 s2, s16  }
0x8e: {  	[smem:$0x3FB9] =	sst s2  }
0x8f: {  	_ = 	snop  }
0x90: {  	(tm) =	ssettm $0x1  }
0x91: {  	s17 =	sld [smem:$0x3FFB];
	_ =	sdelay $0x3  }
0x92: {  	_ =	strace s17  }
0x93: {  	s2 =	sld [smem:$0x3FFC];
	_ =	sdelay $0x3  }
0x94: {  	_ =	strace s2  }
0x95: {  	s2 =	sld [smem:$0x3FFD];
	_ =	sdelay $0x3  }
0x96: {  	_ =	strace s2  }
0x97: {  	_ =	strace $0x8FFFFFFF  }
0x98: {  	s18 =	sld [smem:$0x3FDB];
	_ =	sdelay $0x1  }
0x99: {  	s19 =	simm.s32 $_scs_section_size  }
0x9a: {  	s4 =	simm.s32 $_size__tile_overlayer_lowered;
	s5 =	simm.s32 $_tile_overlayer_lowered  }
0x9b: {  	s22 =	simm.s32 $0x1BFF;
	s21 =	sshll.u32 s5, $0x1;
	s2 =	sadd.s32 s19, s18  }
0x9c: {  	s6 =	simm.s32 $0x0;
	s20 =	sshll.u32 s4, $0x1;
	s4 =	sadd.s32 s21, s2  }
0x9d: {  	[timem:s6], [sflag:s22] =	dma.local [hbm:s4], s20  }
0x9e: {  	_ =	swait.ge [sflag:s22], s20  }
0x9f: {  	s3 =	ssub.s32 $0x0, s20;
	[sflag:s22] =	ssyncset.done $0x0  }
0xa0: {  	[sflag:s22] =	ssyncadd.s32 s3;
	_ =	sdelay $0x1  }
0xa1: {  	s23 =	simm.s32 $0x1B8B  }
0xa2: {  	_ =	swait.ge [sflag:s23], $0x1  }
0xa3: {  	[sflag:s23] =	ssyncset.done $0x0  }
0xa4: {  	s25 =	simm.s32 $0x1B8E;
	s24 =	sld [smem:$0x3FFE];
	[sflag:s23] =	ssyncadd.s32 $0xFFFFFFFF  }
0xa5: {  	s26 =	simm.s32 $execute0_lowered;
	[smem:$0x3FD2] =	sst s25  }
0xa6: {  	s4 =	sshll.u32 s26, $0x1;
	_ =	strace $0x80000046;
	[dreg:$0x1] =	wrdreg $0xFFFFFFFF  }
0xa7: {  	s28 =	simm.s32 $_size_execute0_lowered;
	s2 =	sadd.s32 s2, s4;
	[dreg:$0x0] =	wrdreg $0x0  }
0xa8: {  	s4 =	sshll.u32 s28, $0x1;
	[dreg:$0x2] =	wrdreg s2  }
0xa9: {  	[dreg:$0x3] =	wrdreg s4  }
0xaa: {  	[dreg:$0x4] =	wrdreg $0xC0  }
0xab: {  	_ =	task [dreg:s6], $0x5FFFF  }
0xac: {  	[dreg:$0x1] =	wrdreg $0xFFFFFFFF  }
0xad: {  	[dreg:$0x0] =	wrdreg $0x60  }
0xae: {  	[dreg:$0x2] =	wrdreg s24  }
0xaf: {  	[dreg:$0x3] =	wrdreg $0x68000  }
0xb0: {  	[dreg:$0x4] =	wrdreg $0x9  }
0xb1: {  	_ =	task.clear_ibuf [dreg:s6], $0x5FFFF;
	_ =	strace $0x90000046  }
0xb2: {  	s29 =	simm.s32 $0x9;
	_ =	strace $0x80000048  }
0xb3: {  	_ =	swait.ge [sflag:s29], $0x1  }
0xb4: {  	[sflag:s29] =	ssyncadd.s32 $0xFFFFFFFF  }
0xb5: {  	_ =	strace $0x90000048  }
0xb6: {  	_ =	sfence  }
0xb7: {  	s30 =	sld [smem:$0x0];
	_ =	sdelay $0x2  }
0xb8: {  	s31 =	sshll.u32 s1, $0xD;
	s1 =	sshrl.u32 s1, $0x2  }
0xb9: {  	s3 =	sand.u32 $0x4000, s31;
	s1 =	sadd.s32 s1, s30  }
0xba: {  	s0 =	sor.u32 s3, s0;
	s1 =	sshll.u32 s1, $0x11  }
0xbb: {  	s0 =	sor.u32 s1, s0  }
0xbc: {  	s0 =	sadd.s32 $0x8F2B, s0  }
0xbd: {  	[sflag:s0] =	ssyncadd.remote.s32 $0x1  }
0xbe: {  	_ =	sfence.sel $0xFFFF  }
0xbf: {  	[dreg:$0x0] =	wrdreg $0xFFFFFFFF;
	(pc) =	sbr.abs _section_cstart, $3  }
0xc0: {  	[dreg:$0x1] =	wrdreg $0xFFFFFFFF  }
0xc1: {  	_ =	task.clear_ibuf [dreg:s6], $0x2FFFF;
	_ =	strace $0x9FFFFFFF  }
0xc2: {  	(tm) =	ssettm $0x7FFFFFFF  }
0xc3: {  	_ =	shalt  }
tec
execute0_lowered:
.L_overlay_start_1:
0x0: {  	(tag) =	ssettag $0x1  }
0x1: {  	s1 =	srdreg.scid  }
0x2: {  	s0 =	stileid.u32;
	s7 =	rddreg [dreg:$0x0]  }
0x3: {  	s2 =	rddreg [dreg:$0x1];
	s3 =	simm.s32 $0x0;
	s13 =	simm.s32 $0x7D  }
0x4: {  	s14 =	simm.s32 $0x80;
	s15 =	simm.s32 $0x100;
	s16 =	simm.s32 $0x180  }
0x5: {  	s17 =	simm.s32 $0x1;
	s18 =	simm.s32 $0x2;
	s19 =	simm.s32 $0x3  }
0x6: {  	s20 =	simm.s32 $0x4;
	s21 =	simm.s32 $0x0;
	s5 =	smul.u32 $0x2800, s0  }
0x7: {  	s6 =	sand.u32 $0x1, s1;
	s30 =	sshll.u32 s0, $0x1;
	s10 =	smul.u32 $0x50000, s0  }
0x8: {  	[smem:$0x7FF] =	sst s3;
	s1 =	sor.u32 s6, s30;
	s8 =	smul.u32 $0x28000, s6  }
0x9: {  	s11 =	sshll.u32 s0, $0x6;
	s6 =	ssub.s32 $0x2, s6;
	s4 =	smul.u32 $0x500, s1  }
0xa: {  	s1 =	rddreg [dreg:$0x2];
	_ =	strace $0x80000047;
	s31 =	sshrl.u32 s6, $0x1  }
0xb: {  	s10 =	sshrl.u32 s10, $0x2;
	s8 =	sadd.s32 s5, s8;
	s5 =	sadd.s32 $0x10A00, s7  }
0xc: {  	s12 =	ssub.s32 s6, s31;
	s10 =	sadd.s32 s10, s2;
	s6 =	sor.u32 $0x1C05, s11  }
0xd: {  	s11 =	simm.s32 $0x5;
	s9 =	sadd.s32 s4, s7;
	s4 =	sadd.s32 $0xE200, s7  }
0xe: {  	s8 =	sadd.s32 s8, s7;
	s10 =	sshrl.u32 s10, $0x3;
	s7 =	sadd.s32 $0x4200, s9  }
0xf: {  	s8 =	sadd.s32 $0x11200, s8;
	s9 =	smax.u32 s12, $0x1;
	s12 =	simm.s32 $0x2800  }
.LBB2_1:
0x10: {  	[spmem:s10], [sflag:s6] =	dma.local [hbm:s4], $0x2800  }
0x11: {  	_ =	swait.ge [sflag:s11], $0x2800  }
0x12: {  	[sflag:s11] =	ssyncset.done $0x0  }
0x13: {  	[sflag:s11] =	ssyncadd.s32 $0xFFFFD800  }
0x14: {  	[tilespmem:s12], [sflag:$0x5] =	stream.linear.gather [hbm4b:s5+s3], $0x3E80, $0x38;
	[tilespmem:$0x1A800] =	vst v63  }
0x15: {  	_ =	swait.ge [sflag:s11], $0x3E80  }
0x16: {  	[sflag:s11] =	ssyncset.done $0x0  }
0x17: {  	[sflag:s11] =	ssyncadd.s32 $0xFFFFC180  }
0x18: {  	[tilespmem:s3], [sflag:$0x5] =	stream.linear.gather [hbm4b:s7+s3], $0x2800, $0x38;
	[tilespmem:$0x1A800] =	vst v63  }
0x19: {  	_ =	swait.ge [sflag:s11], $0x2800  }
0x1a: {  	[sflag:s11] =	ssyncset.done $0x0  }
0x1b: {  	[sflag:s11] =	ssyncadd.s32 $0xFFFFD800  }
0x1c: {  	[bflag:$0x0] =	sbarrier.arrive $0xFFFF  }
0x1d: {  	[spmem:s2] =	stream.indirect.scatter.add.f32 [tilespmem:s12], [sflag:$0x1], $0x80, s3, s13, $0xb8;
	[tilespmem:$0x1A800] =	vst v63  }
0x1e: {  	_ = 	snop  }
0x1f: {  	[spmem:s2] =	stream.indirect.scatter.add.f32 [tilespmem:s12], [sflag:$0x2], $0x80, s14, s13, $0xb8;
	[tilespmem:$0x1A800] =	vst v63  }
0x20: {  	_ = 	snop  }
0x21: {  	[spmem:s2] =	stream.indirect.scatter.add.f32 [tilespmem:s12], [sflag:$0x3], $0x80, s15, s13, $0xb8;
	[tilespmem:$0x1A800] =	vst v63  }
0x22: {  	_ = 	snop  }
0x23: {  	[spmem:s2] =	stream.indirect.scatter.add.f32 [tilespmem:s12], [sflag:$0x4], $0x80, s16, s13, $0xb8;
	[tilespmem:$0x1A800] =	vst v63  }
0x24: {  	_ =	swait.ge [sflag:s17], $0x3E80  }
0x25: {  	[sflag:s17] =	ssyncset.done $0x0  }
0x26: {  	s22 =	simm.s32 $0x200;
	[sflag:s17] =	ssyncadd.s32 $0xFFFFC180  }
0x27: {  	[spmem:s2] =	stream.indirect.scatter.add.f32 [tilespmem:s12], [sflag:$0x1], $0x80, s22, s13, $0xb8;
	[tilespmem:$0x1A800] =	vst v63  }
0x28: {  	_ =	swait.ge [sflag:s18], $0x3E80  }
0x29: {  	[sflag:s18] =	ssyncset.done $0x0  }
0x2a: {  	s30 =	simm.s32 $0x280;
	[sflag:s18] =	ssyncadd.s32 $0xFFFFC180  }
0x2b: {  	[spmem:s2] =	stream.indirect.scatter.add.f32 [tilespmem:s12], [sflag:$0x2], $0x80, s30, s13, $0xb8;
	[tilespmem:$0x1A800] =	vst v63  }
0x2c: {  	_ =	swait.ge [sflag:s19], $0x3E80  }
0x2d: {  	[sflag:s19] =	ssyncset.done $0x0  }
0x2e: {  	s31 =	simm.s32 $0x300;
	[sflag:s19] =	ssyncadd.s32 $0xFFFFC180  }
0x2f: {  	[spmem:s2] =	stream.indirect.scatter.add.f32 [tilespmem:s12], [sflag:$0x3], $0x80, s31, s13, $0xb8;
	[tilespmem:$0x1A800] =	vst v63  }
0x30: {  	_ =	swait.ge [sflag:s20], $0x3E80  }
0x31: {  	[sflag:s20] =	ssyncset.done $0x0  }
0x32: {  	s23 =	simm.s32 $0x380;
	s22 =	simm.s32 $0xFFFF7000;
	[sflag:s20] =	ssyncadd.s32 $0xFFFFC180  }
.LBB2_2:
0x33: {  	[spmem:s2] =	stream.indirect.scatter.add.f32 [tilespmem:s12], [sflag:$0x4], $0x80, s23, s13, $0xb8;
	[tilespmem:$0x1A800] =	vst v63  }
0x34: {  	s23 =	smov.u32 s22  }
0x35: {  	p0 =	sne.s32 s22, $0xFFFFF800;
	s22 =	sadd.s32 $0x800, s22;
	_ =	swait.ge [sflag:s17], $0x3E80  }
0x36: {  	s23 =	sshra.s32 s23, $0x2;
	[sflag:s17] =	ssyncset.done $0x0  }
0x37: {  	s24 =	sadd.s32 $0x2800, s23;
	[sflag:s17] =	ssyncadd.s32 $0xFFFFC180  }
0x38: {  	[spmem:s2] =	stream.indirect.scatter.add.f32 [tilespmem:s12], [sflag:$0x1], $0x80, s24, s13, $0xb8;
	[tilespmem:$0x1A800] =	vst v63  }
0x39: {  	_ =	swait.ge [sflag:s18], $0x3E80  }
0x3a: {  	[sflag:s18] =	ssyncset.done $0x0  }
0x3b: {  	s24 =	sadd.s32 $0x2880, s23;
	[sflag:s18] =	ssyncadd.s32 $0xFFFFC180  }
0x3c: {  	[spmem:s2] =	stream.indirect.scatter.add.f32 [tilespmem:s12], [sflag:$0x2], $0x80, s24, s13, $0xb8;
	[tilespmem:$0x1A800] =	vst v63  }
0x3d: {  	_ =	swait.ge [sflag:s19], $0x3E80  }
0x3e: {  	[sflag:s19] =	ssyncset.done $0x0  }
.Ltmp0:
0x3f: {  	s24 =	sadd.s32 $0x2900, s23;
	[sflag:s19] =	ssyncadd.s32 $0xFFFFC180;
	(pc) =	sbr.rel @p0 .LBB2_2-.Ltmp0, $4  }
0x40: {  	[spmem:s2] =	stream.indirect.scatter.add.f32 [tilespmem:s12], [sflag:$0x3], $0x80, s24, s13, $0xb8;
	[tilespmem:$0x1A800] =	vst v63  }
0x41: {  	_ =	swait.ge [sflag:s20], $0x3E80  }
0x42: {  	[sflag:s20] =	ssyncset.done $0x0  }
0x43: {  	s23 =	sadd.s32 $0x2980, s23;
	[sflag:s20] =	ssyncadd.s32 $0xFFFFC180  }
0x44: {  	[spmem:s2] =	stream.indirect.scatter.add.f32 [tilespmem:s12], [sflag:$0x4], $0x80, s23, s13, $0xb8;
	[tilespmem:$0x1A800] =	vst v63  }
0x45: {  	_ =	swait.ge [sflag:s17], $0x3E80  }
0x46: {  	[sflag:s17] =	ssyncset.done $0x0  }
0x47: {  	[sflag:s17] =	ssyncadd.s32 $0xFFFFC180  }
0x48: {  	_ =	swait.ge [sflag:s18], $0x3E80  }
0x49: {  	[sflag:s18] =	ssyncset.done $0x0  }
0x4a: {  	[sflag:s18] =	ssyncadd.s32 $0xFFFFC180  }
0x4b: {  	_ =	swait.ge [sflag:s19], $0x3E80  }
0x4c: {  	[sflag:s19] =	ssyncset.done $0x0  }
0x4d: {  	[sflag:s19] =	ssyncadd.s32 $0xFFFFC180  }
0x4e: {  	_ =	swait.ge [sflag:s20], $0x3E80  }
0x4f: {  	s21 =	sadd.s32 $0x1, s21;
	[sflag:s20] =	ssyncset.done $0x0  }
0x50: {  	p0 =	sne.s32 s21, s9;
	[sflag:s20] =	ssyncadd.s32 $0xFFFFC180  }
.Ltmp1:
0x51: {  	[bflag:$0x0] =	sbarrier.arrive $0xFFFF;
	(pc) =	sbr.rel @p0 .LBB2_1-.Ltmp1, $4  }
0x52: {  	[hbm:s8], [sflag:s6] =	dma.local [spmem:s10], $0x2800  }
0x53: {  	_ =	swait.ge [sflag:s11], $0x2800  }
0x54: {  	[sflag:s11] =	ssyncset.done $0x0  }
0x55: {  	[sflag:s11] =	ssyncadd.s32 $0xFFFFD800  }
0x56: {  	_ =	sfence.sel $0x180000  }
0x57: {  	[bflag:$0x0] =	sbarrier.arrive $0xFFFF  }
0x58: {  	p0 =	sne.s32 s0, $0x0;
	_ =	strace $0x90000047  }
0x59: {  	s0 =	sadd.s32 @!p0 $0x100000, s1;
	[bflag:$0x2] =	sbarrier.arrive $0xFFFF  }
0x5a: {  	[sflag:s0] =	ssyncadd.tile.s32 @!p0 $0x1;
	_ =	shalt  }
.Lfunc_end2:
_tile_overlayer_lowered:
.L_overlay_start_2:
0x5b: {  	(tag) =	ssettag $0x2  }
0x5c: {  	s0 =	rddreg [dreg:$0x0];
	s2 =	stileid.u32  }
0x5d: {  	s1 =	rddreg [dreg:$0x1];
	p0 =	sne.s32 s2, $0x0  }
0x5e: {  	s3 =	rddreg [dreg:$0x2];
	[bflag:$0x3] =	sbarrier.arrive $0xFFFF;
	s2 =	simm.s32 @!p0 $0x1C05  }
0x5f: {  	[timem:s3], [sflag:s2] =	dma.local @!p0 [hbm:s0], s1  }
0x60: {  	s0 =	simm.s32 @!p0 $0x5  }
0x61: {  	_ =	swait.ge @!p0 [sflag:s0], s1  }
0x62: {  	s1 =	ssub.s32 @!p0 $0x0, s1;
	[sflag:s0] =	ssyncset.done @!p0 $0x0  }
0x63: {  	[sflag:s0] =	ssyncadd.s32 @!p0 s1  }
0x64: {  	[bflag:$0x3] =	sbarrier.arrive $0xFFFF  }
0x65: {  	_ =	shalt  }

// kernel: kernel.13.cloned.1.call-start
scs
__scs_entry_jumppad:
0x0: {  	(pc) =	sbr.rel $0x88, $3  }
0x1: {  	(tag) =	ssettag $0x0;
	lr =	simm.s32 $0x1  }
0x2: {  	[smem:$0x3F92] =	sst lr;
	_ =	strace $0xD0000000  }
0x3: {  	_ = 	snop  }
0x4: {  	_ = 	snop  }
0x5: {  	_ = 	snop  }
0x6: {  	_ = 	snop  }
0x7: {  	_ = 	snop  }
__scs_overlays_trampoline_lowered:
0x8: {  	[smem:$0x3FA1] =	sst s0  }
0x9: {  	[smem:$0x3FA2] =	sst s1  }
0xa: {  	[smem:$0x3FA3] =	sst s2  }
0xb: {  	[smem:$0x3FA4] =	sst s3  }
0xc: {  	[smem:$0x3FA5] =	sst s4  }
0xd: {  	[smem:$0x3FA6] =	sst s5  }
0xe: {  	[smem:$0x3FA7] =	sst s6  }
0xf: {  	[smem:$0x3FA8] =	sst s7  }
0x10: {  	[smem:$0x3FA9] =	sst s8  }
0x11: {  	[smem:$0x3FAA] =	sst s9;
	s0 =	simm.s32 @!p0 $0x0  }
0x12: {  	s1 =	sld [smem:$0x3F90];
	s0 =	simm.s32 @p0 $0x1  }
0x13: {  	[smem:$0x3FAB] =	sst s0;
	s0 =	simm.s32 @!p1 $0x0  }
0x14: {  	s2 =	sld [smem:$0x3F8F];
	s0 =	simm.s32 @p1 $0x1  }
0x15: {  	[smem:$0x3FAC] =	sst s0;
	s0 =	simm.s32 @!p2 $0x0  }
0x16: {  	s3 =	sld [smem:$0x3FDB];
	s0 =	simm.s32 @p2 $0x1  }
0x17: {  	s4 =	simm.s32 $0x1BF5;
	[smem:$0x3FAE] =	sst s0  }
0x18: {  	s0 =	sld [smem:$0x3F91];
	_ =	swait.ge [sflag:s4], $0x0  }
0x19: {  	s7 =	sld [smem:$0x3F92]  }
0x1a: {  	s8 =	sadd.s32 $0xFFFFE003, lr  }
0x1b: {  	s9 =	sadd.s32 $0xFFFFFEF7, lr;
	s5 =	simm.s32 $0xFFFFFFFF;
	p2 =	slt.u32 s8, $0xFFFFF086  }
0x1c: {  	p1 =	slt.u32 s9, $0xF7A;
	s5 =	simm.s32 @!p2 $0x0  }
0x1d: {  	s5 =	simm.s32 @p1 $0x1;
	p0 =	seq.s32 s7, s2  }
0x1e: {  	s7 =	smul.u32 @!p0 $0xF7A, s2;
	p2 =	seq.s32 @!p0 s5, $0x0  }
0x1f: {  	s9 =	smul.u32 $0xF7A, s1;
	s8 =	simm.s32 @!p0 $0x1BF5;
	p2 =	por !p2, p0  }
0x20: {  	[sflag:s8] =	ssyncset.s32 @!p0 $0xFFFFF086;
	s6 =	sadd.s32 @!p0 s3, s7;
	s7 =	simm.s32 @!p0 $0x108  }
0x21: {  	s3 =	sadd.s32 s3, s9;
	s6 =	sadd.s32 @!p0 $0x88, s6;
	s7 =	simm.s32 @p2 $0x1082  }
0x22: {  	[simem:s7], [sflag:s8] =	dma.local @!p0 [hbm:s6], $0xF7A  }
0x23: {  	s9 =	sor.u32 $0xD0000000, s2;
	s6 =	simm.s32 $0x108;
	_ =	swait.ge @!p0 [sflag:s8], $0x0  }
0x24: {  	s3 =	sadd.s32 $0x88, s3;
	s6 =	simm.s32 @!p1 $0x1082;
	[sflag:s4] =	ssyncset.s32 $0xFFFFF086  }
0x25: {  	[simem:s6], [sflag:s4] =	dma.local [hbm:s3], $0xF7A  }
0x26: {  	[smem:$0x3F92] =	sst s1;
	(tag) =	ssettag s2;
	_ =	strace s9  }
0x27: {  	s1 =	sld [smem:$0x3FA2]  }
0x28: {  	s2 =	sld [smem:$0x3FA3]  }
0x29: {  	s4 =	sld [smem:$0x3FA5]  }
0x2a: {  	p0 =	seq.s32 s5, $0x0;
	s5 =	sld [smem:$0x3FA6]  }
0x2b: {  	s6 =	sld [smem:$0x3FA7]  }
0x2c: {  	s7 =	sld [smem:$0x3FA8]  }
0x2d: {  	s3 =	simm.s32 $0x108;
	s8 =	sld [smem:$0x3FA9]  }
0x2e: {  	s3 =	simm.s32 @!p0 $0x1082;
	s9 =	sld [smem:$0x3FAA]  }
0x2f: {  	lr =	sadd.s32 s0, s3;
	s0 =	sld [smem:$0x3FA1]  }
0x30: {  	s3 =	sld [smem:$0x3FA4]  }
0x31: {  	[smem:$0x3FAD] =	sst s10  }
0x32: {  	s10 =	sld [smem:$0x3FAB];
	_ =	sdelay $0x3  }
0x33: {  	p0 =	seq.s32 s10, $0x1;
	s10 =	sld [smem:$0x3FAD];
	_ =	sdelay $0x3  }
0x34: {  	[smem:$0x3FAD] =	sst s10  }
0x35: {  	s10 =	sld [smem:$0x3FAC];
	_ =	sdelay $0x3  }
0x36: {  	p1 =	seq.s32 s10, $0x1;
	s10 =	sld [smem:$0x3FAD];
	_ =	sdelay $0x3  }
0x37: {  	[smem:$0x3FAD] =	sst s10  }
0x38: {  	s10 =	sld [smem:$0x3FAE]  }
0x39: {  	_ = 	snop;
	(pc) =	sbr.ind lr, $3  }
0x3a: {  	_ = 	snop  }
0x3b: {  	_ = 	snop  }
0x3c: {  	p2 =	seq.s32 s10, $0x1;
	s10 =	sld [smem:$0x3FAD]  }
0x3d: {  	_ =	shalt  }
0x3e: {  	_ =	shalt  }
0x3f: {  	_ =	shalt  }
0x40: {  	_ =	shalt  }
0x41: {  	_ =	shalt  }
0x42: {  	_ =	shalt  }
0x43: {  	_ =	shalt  }
0x44: {  	_ =	shalt  }
0x45: {  	_ =	shalt  }
0x46: {  	_ =	shalt  }
0x47: {  	_ =	shalt  }
0x48: {  	_ =	shalt  }
0x49: {  	_ =	shalt  }
0x4a: {  	_ =	shalt  }
0x4b: {  	_ =	shalt  }
0x4c: {  	_ =	shalt  }
0x4d: {  	_ =	shalt  }
0x4e: {  	_ =	shalt  }
0x4f: {  	_ =	shalt  }
0x50: {  	_ =	shalt  }
0x51: {  	_ =	shalt  }
0x52: {  	_ =	shalt  }
0x53: {  	_ =	shalt  }
0x54: {  	_ =	shalt  }
0x55: {  	_ =	shalt  }
0x56: {  	_ =	shalt  }
0x57: {  	_ =	shalt  }
0x58: {  	_ =	shalt  }
0x59: {  	_ =	shalt  }
0x5a: {  	_ =	shalt  }
0x5b: {  	_ =	shalt  }
0x5c: {  	_ =	shalt  }
0x5d: {  	_ =	shalt  }
0x5e: {  	_ =	shalt  }
0x5f: {  	_ =	shalt  }
0x60: {  	_ =	shalt  }
0x61: {  	_ =	shalt  }
0x62: {  	_ =	shalt  }
0x63: {  	_ =	shalt  }
0x64: {  	_ =	shalt  }
0x65: {  	_ =	shalt  }
0x66: {  	_ =	shalt  }
0x67: {  	_ =	shalt  }
0x68: {  	_ =	shalt  }
0x69: {  	_ =	shalt  }
0x6a: {  	_ =	shalt  }
0x6b: {  	_ =	shalt  }
0x6c: {  	_ =	shalt  }
0x6d: {  	_ =	shalt  }
0x6e: {  	_ =	shalt  }
0x6f: {  	_ =	shalt  }
0x70: {  	_ =	shalt  }
0x71: {  	_ =	shalt  }
0x72: {  	_ =	shalt  }
0x73: {  	_ =	shalt  }
0x74: {  	_ =	shalt  }
0x75: {  	_ =	shalt  }
0x76: {  	_ =	shalt  }
0x77: {  	_ =	shalt  }
0x78: {  	_ =	shalt  }
0x79: {  	_ =	shalt  }
0x7a: {  	_ =	shalt  }
0x7b: {  	_ =	shalt  }
0x7c: {  	_ =	shalt  }
0x7d: {  	_ =	shalt  }
0x7e: {  	_ =	shalt  }
0x7f: {  	_ =	shalt  }
0x80: {  	_ =	shalt  }
0x81: {  	_ =	shalt  }
0x82: {  	_ =	shalt  }
0x83: {  	_ =	shalt  }
0x84: {  	_ =	shalt  }
0x85: {  	_ =	shalt  }
0x86: {  	_ =	shalt  }
0x87: {  	_ =	shalt  }
.Lfunc_end0:
.L_simem_size_0:
called_computation.1_lowered:
.L_overlay_start_0:
0x88: {  	s2 =	sld [smem:$0x3FD9]  }
0x89: {  	s3 =	sld [smem:$0x3FFE];
	_ =	sdelay $0x1  }
0x8a: {  	s1 =	srdreg.scid  }
0x8b: {  	s0 =	sand.u32 $0x1, s1  }
0x8c: {  	s17 =	sshll.u32 s0, $0xA;
	s2 =	sadd.s32 s3, s2  }
0x8d: {  	s2 =	sadd.s32 s2, s17  }
0x8e: {  	[smem:$0x3FB9] =	sst s2  }
0x8f: {  	_ = 	snop  }
0x90: {  	s18 =	sld [smem:$0x3FD0];
	(tm) =	ssettm $0x1  }
0x91: {  	s19 =	sld [smem:$0x3FFB];
	_ =	sdelay $0x3  }
0x92: {  	_ =	strace s19  }
0x93: {  	s2 =	sld [smem:$0x3FFC];
	_ =	sdelay $0x3  }
0x94: {  	_ =	strace s2  }
0x95: {  	s2 =	sld [smem:$0x3FFD];
	_ =	sdelay $0x3  }
0x96: {  	_ =	strace s2  }
0x97: {  	_ =	strace $0x8FFFFFFF  }
0x98: {  	s20 =	sld [smem:$0x3FDB];
	_ =	sdelay $0x1  }
0x99: {  	s4 =	simm.s32 $_scs_section_size  }
0x9a: {  	s5 =	simm.s32 $_size__tile_overlayer_lowered;
	s6 =	simm.s32 $_tile_overlayer_lowered  }
0x9b: {  	s7 =	simm.s32 $0x1BFF;
	s21 =	sshll.u32 s6, $0x1;
	s4 =	sadd.s32 s4, s20  }
0x9c: {  	s22 =	simm.s32 $0x0;
	s5 =	sshll.u32 s5, $0x1;
	s6 =	sadd.s32 s21, s4  }
0x9d: {  	[timem:s22], [sflag:s7] =	dma.local [hbm:s6], s5  }
0x9e: {  	_ =	swait.ge [sflag:s7], s5  }
0x9f: {  	s5 =	ssub.s32 $0x0, s5;
	[sflag:s7] =	ssyncset.done $0x0  }
0xa0: {  	[sflag:s7] =	ssyncadd.s32 s5;
	_ =	sdelay $0x1  }
0xa1: {  	s23 =	simm.s32 $0x1B8B  }
0xa2: {  	_ =	swait.ge [sflag:s23], $0x1  }
0xa3: {  	[sflag:s23] =	ssyncset.done $0x0  }
0xa4: {  	[sflag:s23] =	ssyncadd.s32 $0xFFFFFFFF  }
0xa5: {  	s5 =	sld [smem:$0x0]  }
0xa6: {  	s6 =	sand.u32 $0xFFFFFFFE, s1  }
0xa7: {  	p0 =	sne.s32 s1, s6  }
0xa8: {  	s6 =	sshll.u32 @p0 s6, $0xE  }
0xa9: {  	s6 =	sadd.s32 @p0 $0x11B8D, s6;
	s7 =	sshll.u32 @p0 s5, $0x11  }
0xaa: {  	s6 =	sor.u32 @p0 s7, s6  }
0xab: {  	[sflag:s6] =	ssyncadd.remote.s32 @p0 $0x1;
	_ =	sdelay $0x1  }
0xac: {  	s6 =	simm.s32 @p0 $0x1B8D  }
0xad: {  	_ =	swait.eq @p0 [sflag:s6], $0x1  }
0xae: {  	[sflag:s6] =	ssyncadd.s32 @p0 $0xFFFFFFFF  }
0xaf: {  	s7 =	sshll.u32 @!p0 s1, $0xE  }
0xb0: {  	s7 =	sor.u32 @!p0 $0x4000, s7;
	s6 =	simm.s32 @!p0 $0x1B8D  }
0xb1: {  	s5 =	sshll.u32 @!p0 s5, $0x11;
	s7 =	sadd.s32 @!p0 $0x11B8D, s7;
	_ =	swait.eq @!p0 [sflag:s6], $0x1  }
0xb2: {  	s5 =	sor.u32 @!p0 s5, s7;
	[sflag:s6] =	ssyncadd.s32 @!p0 $0xFFFFFFFF  }
0xb3: {  	s25 =	simm.s32 $0x1B8E;
	s24 =	sld [smem:$0x3FFE];
	[sflag:s5] =	ssyncadd.remote.s32 @!p0 $0x1  }
0xb4: {  	s26 =	simm.s32 $execute0_lowered;
	[smem:$0x3FD2] =	sst s25  }
0xb5: {  	s6 =	sshll.u32 s26, $0x1;
	_ =	strace $0x80000049;
	[dreg:$0x1] =	wrdreg $0xFFFFFFFF  }
0xb6: {  	s28 =	simm.s32 $_size_execute0_lowered;
	s4 =	sadd.s32 s4, s6;
	[dreg:$0x0] =	wrdreg $0x0  }
0xb7: {  	s6 =	sshll.u32 s28, $0x1;
	[dreg:$0x2] =	wrdreg s4  }
0xb8: {  	[dreg:$0x3] =	wrdreg s6  }
0xb9: {  	[dreg:$0x4] =	wrdreg $0xC0  }
0xba: {  	_ =	task [dreg:s22], $0x5FFFF  }
0xbb: {  	[dreg:$0x1] =	wrdreg $0xFFFFFFFF  }
0xbc: {  	[dreg:$0x0] =	wrdreg $0x60  }
0xbd: {  	[dreg:$0x2] =	wrdreg s18  }
0xbe: {  	[dreg:$0x3] =	wrdreg s24  }
0xbf: {  	[dreg:$0x4] =	wrdreg $0x96000  }
0xc0: {  	[dreg:$0x5] =	wrdreg $0xA  }
0xc1: {  	_ =	task.clear_ibuf [dreg:s22], $0x6FFFF;
	_ =	strace $0x90000049  }
0xc2: {  	s29 =	simm.s32 $0xA;
	_ =	strace $0x8000004B  }
0xc3: {  	_ =	swait.ge [sflag:s29], $0x1  }
0xc4: {  	[sflag:s29] =	ssyncadd.s32 $0xFFFFFFFF  }
0xc5: {  	_ =	strace $0x9000004B  }
0xc6: {  	_ =	sfence  }
0xc7: {  	s30 =	sld [smem:$0x0];
	_ =	sdelay $0x2  }
0xc8: {  	s31 =	sshll.u32 s1, $0xD;
	s1 =	sshrl.u32 s1, $0x2  }
0xc9: {  	s4 =	sand.u32 $0x4000, s31;
	s1 =	sadd.s32 s1, s30  }
0xca: {  	s0 =	sor.u32 s4, s0;
	s1 =	sshll.u32 s1, $0x11  }
0xcb: {  	s0 =	sor.u32 s1, s0  }
0xcc: {  	s0 =	sadd.s32 $0x8F2B, s0  }
0xcd: {  	[sflag:s0] =	ssyncadd.remote.s32 $0x1  }
0xce: {  	_ =	sfence.sel $0xFFFF  }
0xcf: {  	[dreg:$0x0] =	wrdreg $0xFFFFFFFF;
	(pc) =	sbr.abs _section_cstart, $3  }
0xd0: {  	[dreg:$0x1] =	wrdreg $0xFFFFFFFF  }
0xd1: {  	_ =	task.clear_ibuf [dreg:s22], $0x2FFFF;
	_ =	strace $0x9FFFFFFF  }
0xd2: {  	(tm) =	ssettm $0x7FFFFFFF  }
0xd3: {  	_ =	shalt  }
tec
execute0_lowered:
.L_overlay_start_1:
0x0: {  	(tag) =	ssettag $0x1  }
0x1: {  	s1 =	rddreg [dreg:$0x0]  }
0x2: {  	s0 =	rddreg [dreg:$0x1]  }
0x3: {  	s3 =	rddreg [dreg:$0x2]  }
0x4: {  	s2 =	srdreg.scid;
	s10 =	stileid.u32;
	s4 =	simm.s32 $0x0  }
0x5: {  	s28 =	simm.s32 $0x32;
	s29 =	simm.s32 $0xA00;
	s30 =	simm.s32 $0x2  }
0x6: {  	s31 =	simm.s32 $0x2600;
	s2 =	sand.u32 $0x1, s2;
	s6 =	smul.u32 $0x2800, s10  }
0x7: {  	[smem:$0x7FF] =	sst s4;
	s5 =	sadd.s32 $0x61200, s0;
	s8 =	sadd.s32 $0xE200, s0  }
0x8: {  	s24 =	sshll.u32 s10, $0x1;
	s25 =	smul.u32 $0x50000, s10;
	s10 =	sshll.u32 s10, $0x6  }
0x9: {  	s7 =	smul.u32 $0x28000, s2;
	_ =	strace $0x8000004A;
	[dreg:$0x9] =	wrdreg s8  }
0xa: {  	s23 =	ssub.s32 $0x2, s2;
	s2 =	sor.u32 s2, s24;
	s19 =	sor.u32 $0x1C10, s10  }
0xb: {  	s10 =	simm.s32 $0x7A00;
	s11 =	smul.u32 $0x1900, s2;
	s8 =	sshrl.u32 s25, $0x2  }
0xc: {  	s12 =	smul.u32 $0xC8, s2;
	[dreg:$0xb] =	wrdreg s19;
	s8 =	sadd.s32 s8, s3  }
0xd: {  	s6 =	sadd.s32 s6, s7;
	[dreg:$0xa] =	wrdreg s8;
	s7 =	sadd.s32 s5, s11  }
0xe: {  	s9 =	sshrl.u32 s23, $0x1;
	s20 =	sor.u32 $0x5, s12;
	[dreg:$0xc] =	wrdreg s7  }
0xf: {  	s2 =	smul.u32 $0xC800, s2;
	s21 =	sor.u32 $0x6, s12;
	[dreg:$0x4] =	wrdreg s20  }
0x10: {  	s26 =	ssub.s32 s23, s9;
	s22 =	sor.u32 $0x7, s12;
	[dreg:$0x5] =	wrdreg s21  }
0x11: {  	s9 =	simm.s32 $0x10;
	s24 =	sadd.s32 $0x8, s12;
	[dreg:$0x6] =	wrdreg s22  }
0x12: {  	s0 =	sadd.s32 s6, s0;
	s25 =	sadd.s32 $0x9, s12;
	[dreg:$0x7] =	wrdreg s24  }
0x13: {  	s2 =	sshrl.u32 s2, $0x3;
	s26 =	smax.u32 s26, $0x1;
	[dreg:$0x8] =	wrdreg s25  }
0x14: {  	s6 =	simm.s32 $0x4;
	s13 =	sadd.s32 $0x20, s7;
	[dreg:$0x17] =	wrdreg s26  }
0x15: {  	s11 =	simm.s32 $0x6;
	s14 =	sadd.s32 $0x40, s7;
	[dreg:$0xd] =	wrdreg s13  }
0x16: {  	s12 =	simm.s32 $0x7;
	s15 =	sadd.s32 $0x60, s7;
	[dreg:$0xe] =	wrdreg s14  }
0x17: {  	s16 =	sadd.s32 $0x80, s7;
	s17 =	sadd.s32 $0xA0, s7;
	[dreg:$0xf] =	wrdreg s15  }
0x18: {  	s18 =	sadd.s32 $0xC0, s7;
	s7 =	sadd.s32 $0xE0, s7;
	[dreg:$0x10] =	wrdreg s16  }
0x19: {  	s2 =	sadd.s32 s5, s2;
	s0 =	sadd.s32 $0x93200, s0;
	[dreg:$0x11] =	wrdreg s17  }
0x1a: {  	s26 =	simm.s32 $0x1;
	s22 =	simm.s32 $0xE;
	[dreg:$0x12] =	wrdreg s18  }
0x1b: {  	s24 =	simm.s32 $0x5;
	s20 =	simm.s32 $0x0;
	[dreg:$0x13] =	wrdreg s7  }
0x1c: {  	s23 =	sadd.s32 $0x100, s2;
	s2 =	sadd.s32 $0x120, s2;
	[dreg:$0x16] =	wrdreg s0  }
0x1d: {  	s0 =	simm.s32 $0x3;
	s7 =	simm.s32 $0x5E00;
	s13 =	simm.s32 $0x8  }
0x1e: {  	s14 =	simm.s32 $0x9;
	s15 =	simm.s32 $0xA;
	s16 =	simm.s32 $0xB  }
0x1f: {  	s17 =	simm.s32 $0xC;
	s18 =	simm.s32 $0xD;
	[dreg:$0x14] =	wrdreg s23  }
0x20: {  	[dreg:$0x15] =	wrdreg s2;
	s2 =	simm.s32 $0x4200;
	s23 =	simm.s32 $0xF  }
.LBB2_1:
0x21: {  	[dreg:$0x18] =	wrdreg s20  }
0x22: {  	s8 =	rddreg [dreg:$0xa]  }
0x23: {  	s25 =	rddreg [dreg:$0x9];
	s21 =	sshrl.u32 s8, $0x3  }
0x24: {  	[dreg:$0x19] =	wrdreg s21  }
0x25: {  	[spmem:s21], [sflag:s19] =	dma.local [hbm:s25], $0x2800  }
0x26: {  	_ =	swait.ge [sflag:s9], $0x2800  }
0x27: {  	[sflag:s9] =	ssyncset.done $0x0  }
0x28: {  	[sflag:s9] =	ssyncadd.s32 $0xFFFFD800  }
0x29: {  	[bflag:$0x0] =	sbarrier.arrive $0xFFFF  }
0x2a: {  	s9 =	rddreg [dreg:$0xc]  }
0x2b: {  	[tilespmem:s4], [sflag:$0x1] =	stream.linear.gather [hbm4b:s9+s4], $0x100, $0x38;
	[tilespmem:$0x1D600] =	vst v63  }
0x2c: {  	s19 =	rddreg [dreg:$0xd];
	s9 =	simm.s32 $0x200  }
0x2d: {  	[tilespmem:s9], [sflag:$0x2] =	stream.linear.gather [hbm4b:s19+s4], $0x100, $0x38;
	[tilespmem:$0x1D600] =	vst v63  }
0x2e: {  	s20 =	rddreg [dreg:$0xe];
	s19 =	simm.s32 $0x400  }
0x2f: {  	[tilespmem:s19], [sflag:$0x3] =	stream.linear.gather [hbm4b:s20+s4], $0x100, $0x38;
	[tilespmem:$0x1D600] =	vst v63  }
0x30: {  	s21 =	rddreg [dreg:$0xf];
	s20 =	simm.s32 $0x600  }
0x31: {  	[tilespmem:s20], [sflag:$0x4] =	stream.linear.gather [hbm4b:s21+s4], $0x100, $0x38;
	[tilespmem:$0x1D600] =	vst v63  }
0x32: {  	s25 =	rddreg [dreg:$0x10];
	s21 =	simm.s32 $0x800  }
0x33: {  	[tilespmem:s21], [sflag:$0x5] =	stream.linear.gather [hbm4b:s25+s4], $0x100, $0x38;
	[tilespmem:$0x1D600] =	vst v63  }
0x34: {  	_ =	swait.ge [sflag:s26], $0x100  }
0x35: {  	[sflag:s26] =	ssyncset.done $0x0  }
0x36: {  	[sflag:s26] =	ssyncadd.s32 $0xFFFFFF00  }
0x37: {  	[tilespmem:s29], [sflag:$0x6] =	stream.indirect.gather [hbm4b:s1+s28], $0x80, s4, s28, $0xb8;
	[tilespmem:$0x1D600] =	vst v63  }
0x38: {  	_ =	swait.ge [sflag:s30], $0x100  }
0x39: {  	[sflag:s30] =	ssyncset.done $0x0  }
0x3a: {  	[sflag:s30] =	ssyncadd.s32 $0xFFFFFF00  }
0x3b: {  	[tilespmem:s31], [sflag:$0x7] =	stream.indirect.gather [hbm4b:s1+s28], $0x80, s9, s28, $0xb8;
	[tilespmem:$0x1D600] =	vst v63  }
0x3c: {  	_ =	swait.ge [sflag:s0], $0x100  }
0x3d: {  	[sflag:s0] =	ssyncset.done $0x0  }
0x3e: {  	[sflag:s0] =	ssyncadd.s32 $0xFFFFFF00  }
0x3f: {  	[tilespmem:s2], [sflag:$0x8] =	stream.indirect.gather [hbm4b:s1+s28], $0x80, s19, s28, $0xb8;
	[tilespmem:$0x1D600] =	vst v63  }
0x40: {  	_ =	swait.ge [sflag:s6], $0x100  }
0x41: {  	[sflag:s6] =	ssyncset.done $0x0  }
0x42: {  	[sflag:s6] =	ssyncadd.s32 $0xFFFFFF00  }
0x43: {  	[tilespmem:s7], [sflag:$0x9] =	stream.indirect.gather [hbm4b:s1+s28], $0x80, s20, s28, $0xb8;
	[tilespmem:$0x1D600] =	vst v63  }
0x44: {  	_ =	swait.ge [sflag:s24], $0x100  }
0x45: {  	[sflag:s24] =	ssyncset.done $0x0  }
0x46: {  	[sflag:s24] =	ssyncadd.s32 $0xFFFFFF00  }
0x47: {  	[tilespmem:s10], [sflag:$0xA] =	stream.indirect.gather [hbm4b:s1+s28], $0x80, s21, s28, $0xb8;
	[tilespmem:$0x1D600] =	vst v63  }
0x48: {  	_ =	swait.ge [sflag:s11], $0x1900  }
0x49: {  	[sflag:s11] =	ssyncset.done $0x0  }
0x4a: {  	s9 =	simm.s32 $0x80;
	[sflag:s11] =	ssyncadd.s32 $0xFFFFE700  }
0x4b: {  	[spmem:s3] =	stream.indirect.scatter.add.f32 [tilespmem:s29], [sflag:$0xB], $0x80, s9, s28, $0xb8;
	[tilespmem:$0x1D600] =	vst v63  }
0x4c: {  	s8 =	simm.s32 $0x100;
	s19 =	rddreg [dreg:$0x11]  }
0x4d: {  	[tilespmem:s8], [sflag:$0x1] =	stream.linear.gather [hbm4b:s19+s4], $0x100, $0x38;
	[tilespmem:$0x1D600] =	vst v63  }
0x4e: {  	_ =	swait.ge [sflag:s12], $0x1900  }
0x4f: {  	[sflag:s12] =	ssyncset.done $0x0  }
0x50: {  	s20 =	simm.s32 $0x280;
	[sflag:s12] =	ssyncadd.s32 $0xFFFFE700  }
0x51: {  	[spmem:s3] =	stream.indirect.scatter.add.f32 [tilespmem:s31], [sflag:$0xC], $0x80, s20, s28, $0xb8;
	[tilespmem:$0x1D600] =	vst v63  }
0x52: {  	s25 =	simm.s32 $0x300;
	s21 =	rddreg [dreg:$0x12]  }
0x53: {  	[tilespmem:s25], [sflag:$0x2] =	stream.linear.gather [hbm4b:s21+s4], $0x100, $0x38;
	[tilespmem:$0x1D600] =	vst v63  }
0x54: {  	_ =	swait.ge [sflag:s13], $0x1900  }
0x55: {  	[sflag:s13] =	ssyncset.done $0x0  }
0x56: {  	s20 =	simm.s32 $0x480;
	[sflag:s13] =	ssyncadd.s32 $0xFFFFE700  }
0x57: {  	[spmem:s3] =	stream.indirect.scatter.add.f32 [tilespmem:s2], [sflag:$0xD], $0x80, s20, s28, $0xb8;
	[tilespmem:$0x1D600] =	vst v63  }
0x58: {  	s25 =	simm.s32 $0x500;
	s21 =	rddreg [dreg:$0x13]  }
0x59: {  	[tilespmem:s25], [sflag:$0x3] =	stream.linear.gather [hbm4b:s21+s4], $0x100, $0x38;
	[tilespmem:$0x1D600] =	vst v63  }
0x5a: {  	_ =	swait.ge [sflag:s14], $0x1900  }
0x5b: {  	[sflag:s14] =	ssyncset.done $0x0  }
0x5c: {  	s20 =	simm.s32 $0x680;
	[sflag:s14] =	ssyncadd.s32 $0xFFFFE700  }
0x5d: {  	[spmem:s3] =	stream.indirect.scatter.add.f32 [tilespmem:s7], [sflag:$0xE], $0x80, s20, s28, $0xb8;
	[tilespmem:$0x1D600] =	vst v63  }
0x5e: {  	s25 =	simm.s32 $0x700;
	s21 =	rddreg [dreg:$0x14]  }
0x5f: {  	[tilespmem:s25], [sflag:$0x4] =	stream.linear.gather [hbm4b:s21+s4], $0x100, $0x38;
	[tilespmem:$0x1D600] =	vst v63  }
0x60: {  	_ =	swait.ge [sflag:s15], $0x1900  }
0x61: {  	[sflag:s15] =	ssyncset.done $0x0  }
0x62: {  	s19 =	simm.s32 $0x880;
	[sflag:s15] =	ssyncadd.s32 $0xFFFFE700  }
0x63: {  	[spmem:s3] =	stream.indirect.scatter.add.f32 [tilespmem:s10], [sflag:$0xF], $0x80, s19, s28, $0xb8;
	[tilespmem:$0x1D600] =	vst v63  }
0x64: {  	s21 =	simm.s32 $0x900;
	s20 =	rddreg [dreg:$0x15]  }
0x65: {  	[tilespmem:s21], [sflag:$0x5] =	stream.linear.gather [hbm4b:s20+s4], $0x100, $0x38;
	[tilespmem:$0x1D600] =	vst v63  }
0x66: {  	_ =	swait.ge [sflag:s16], $0x1900  }
0x67: {  	[sflag:s16] =	ssyncset.done $0x0  }
0x68: {  	[sflag:s16] =	ssyncadd.s32 $0xFFFFE700  }
0x69: {  	_ =	swait.ge [sflag:s26], $0x100  }
0x6a: {  	[sflag:s26] =	ssyncset.done $0x0  }
0x6b: {  	s8 =	sand.u32 $0x100, s8;
	[sflag:s26] =	ssyncadd.s32 $0xFFFFFF00  }
0x6c: {  	[tilespmem:s29], [sflag:$0x6] =	stream.indirect.gather [hbm4b:s1+s28], $0x80, s8, s28, $0xb8;
	[tilespmem:$0x1D600] =	vst v63  }
0x6d: {  	_ =	swait.ge [sflag:s17], $0x1900  }
0x6e: {  	[sflag:s17] =	ssyncset.done $0x0  }
0x6f: {  	[sflag:s17] =	ssyncadd.s32 $0xFFFFE700  }
0x70: {  	_ =	swait.ge [sflag:s30], $0x100  }
0x71: {  	[sflag:s30] =	ssyncset.done $0x0  }
0x72: {  	s25 =	sor.u32 $0x200, s8;
	[sflag:s30] =	ssyncadd.s32 $0xFFFFFF00  }
0x73: {  	[tilespmem:s31], [sflag:$0x7] =	stream.indirect.gather [hbm4b:s1+s28], $0x80, s25, s28, $0xb8;
	[tilespmem:$0x1D600] =	vst v63  }
0x74: {  	_ =	swait.ge [sflag:s18], $0x1900  }
0x75: {  	[sflag:s18] =	ssyncset.done $0x0  }
0x76: {  	[sflag:s18] =	ssyncadd.s32 $0xFFFFE700  }
0x77: {  	_ =	swait.ge [sflag:s0], $0x100  }
0x78: {  	[sflag:s0] =	ssyncset.done $0x0  }
0x79: {  	s19 =	sor.u32 $0x400, s8;
	[sflag:s0] =	ssyncadd.s32 $0xFFFFFF00  }
0x7a: {  	[tilespmem:s2], [sflag:$0x8] =	stream.indirect.gather [hbm4b:s1+s28], $0x80, s19, s28, $0xb8;
	[tilespmem:$0x1D600] =	vst v63  }
0x7b: {  	_ =	swait.ge [sflag:s22], $0x1900  }
0x7c: {  	[sflag:s22] =	ssyncset.done $0x0  }
0x7d: {  	[sflag:s22] =	ssyncadd.s32 $0xFFFFE700  }
0x7e: {  	_ =	swait.ge [sflag:s6], $0x100  }
0x7f: {  	[sflag:s6] =	ssyncset.done $0x0  }
0x80: {  	s20 =	sor.u32 $0x600, s8;
	[sflag:s6] =	ssyncadd.s32 $0xFFFFFF00  }
0x81: {  	[tilespmem:s7], [sflag:$0x9] =	stream.indirect.gather [hbm4b:s1+s28], $0x80, s20, s28, $0xb8;
	[tilespmem:$0x1D600] =	vst v63  }
0x82: {  	_ =	swait.ge [sflag:s23], $0x1900  }
0x83: {  	[sflag:s23] =	ssyncset.done $0x0  }
0x84: {  	[sflag:s23] =	ssyncadd.s32 $0xFFFFE700  }
0x85: {  	_ =	swait.ge [sflag:s24], $0x100  }
0x86: {  	[sflag:s24] =	ssyncset.done $0x0  }
0x87: {  	s21 =	sor.u32 $0x800, s8;
	[sflag:s24] =	ssyncadd.s32 $0xFFFFFF00  }
0x88: {  	[tilespmem:s10], [sflag:$0xA] =	stream.indirect.gather [hbm4b:s1+s28], $0x80, s21, s28, $0xb8;
	[tilespmem:$0x1D600] =	vst v63  }
0x89: {  	_ =	swait.ge [sflag:s11], $0x1900  }
0x8a: {  	s19 =	smin.u32 s24, $0xC2;
	s25 =	rddreg [dreg:$0x4]  }
0x8b: {  	[sflag:s11] =	ssyncset.done $0x0;
	s9 =	sadd.s32 s19, s25  }
0x8c: {  	s21 =	sor.u32 $0x80, s8;
	[sflag:s11] =	ssyncadd.s32 $0xFFFFE700;
	s9 =	sshll.u32 s9, $0x5  }
0x8d: {  	[spmem:s3] =	stream.indirect.scatter.add.f32 [tilespmem:s29], [sflag:$0xB], $0x80, s21, s28, $0xb8;
	[tilespmem:$0x1D600] =	vst v63  }
0x8e: {  	s21 =	sxor.u32 $0x100, s8;
	s9 =	sadd.s32 s5, s9  }
0x8f: {  	[tilespmem:s21], [sflag:$0x1] =	stream.linear.gather [hbm4b:s9+s4], $0x100, $0x38;
	[tilespmem:$0x1D600] =	vst v63  }
0x90: {  	_ =	swait.ge [sflag:s12], $0x1900  }
0x91: {  	s19 =	smin.u32 s24, $0xC1;
	[sflag:s12] =	ssyncset.done $0x0;
	s9 =	rddreg [dreg:$0x5]  }
0x92: {  	s25 =	sor.u32 $0x280, s8;
	[sflag:s12] =	ssyncadd.s32 $0xFFFFE700;
	s9 =	sadd.s32 s19, s9  }
0x93: {  	[spmem:s3] =	stream.indirect.scatter.add.f32 [tilespmem:s31], [sflag:$0xC], $0x80, s25, s28, $0xb8;
	[tilespmem:$0x1D600] =	vst v63  }
0x94: {  	s9 =	sshll.u32 s9, $0x5  }
0x95: {  	s25 =	sor.u32 $0x200, s21;
	s9 =	sadd.s32 s5, s9  }
0x96: {  	[tilespmem:s25], [sflag:$0x2] =	stream.linear.gather [hbm4b:s9+s4], $0x100, $0x38;
	[tilespmem:$0x1D600] =	vst v63  }
0x97: {  	_ =	swait.ge [sflag:s13], $0x1900  }
0x98: {  	s25 =	smin.u32 s24, $0xC0;
	[sflag:s13] =	ssyncset.done $0x0;
	s9 =	rddreg [dreg:$0x6]  }
0x99: {  	s19 =	sor.u32 $0x480, s8;
	[sflag:s13] =	ssyncadd.s32 $0xFFFFE700;
	s9 =	sadd.s32 s25, s9  }
0x9a: {  	[spmem:s3] =	stream.indirect.scatter.add.f32 [tilespmem:s2], [sflag:$0xD], $0x80, s19, s28, $0xb8;
	[tilespmem:$0x1D600] =	vst v63  }
0x9b: {  	s9 =	sshll.u32 s9, $0x5  }
0x9c: {  	s19 =	sor.u32 $0x400, s21;
	s9 =	sadd.s32 s5, s9  }
0x9d: {  	[tilespmem:s19], [sflag:$0x3] =	stream.linear.gather [hbm4b:s9+s4], $0x100, $0x38;
	[tilespmem:$0x1D600] =	vst v63  }
0x9e: {  	_ =	swait.ge [sflag:s14], $0x1900  }
0x9f: {  	s19 =	smin.u32 s24, $0xBF;
	[sflag:s14] =	ssyncset.done $0x0;
	s9 =	rddreg [dreg:$0x7]  }
0xa0: {  	s25 =	sor.u32 $0x680, s8;
	[sflag:s14] =	ssyncadd.s32 $0xFFFFE700;
	s9 =	sadd.s32 s19, s9  }
0xa1: {  	[spmem:s3] =	stream.indirect.scatter.add.f32 [tilespmem:s7], [sflag:$0xE], $0x80, s25, s28, $0xb8;
	[tilespmem:$0x1D600] =	vst v63  }
0xa2: {  	s9 =	sshll.u32 s9, $0x5  }
0xa3: {  	s25 =	sor.u32 $0x600, s21;
	s9 =	sadd.s32 s5, s9  }
0xa4: {  	[tilespmem:s25], [sflag:$0x4] =	stream.linear.gather [hbm4b:s9+s4], $0x100, $0x38;
	[tilespmem:$0x1D600] =	vst v63  }
0xa5: {  	_ =	swait.ge [sflag:s15], $0x1900  }
0xa6: {  	s20 =	simm.s32 $0x200;
	s8 =	sor.u32 $0x880, s8;
	[sflag:s15] =	ssyncset.done $0x0  }
0xa7: {  	s25 =	smin.u32 s24, $0xBE;
	s19 =	rddreg [dreg:$0x8];
	[sflag:s15] =	ssyncadd.s32 $0xFFFFE700  }
0xa8: {  	[spmem:s3] =	stream.indirect.scatter.add.f32 [tilespmem:s10], [sflag:$0xF], $0x80, s8, s28, $0xb8;
	[tilespmem:$0x1D600] =	vst v63  }
0xa9: {  	s9 =	simm.s32 $0x5;
	s8 =	sor.u32 $0x800, s21;
	s21 =	sadd.s32 s25, s19  }
.LBB2_2:
0xaa: {  	s19 =	sshll.u32 s21, $0x5  }
0xab: {  	s19 =	sadd.s32 s5, s19  }
0xac: {  	[tilespmem:s8], [sflag:$0x5] =	stream.linear.gather [hbm4b:s19+s4], $0x100, $0x38;
	[tilespmem:$0x1D600] =	vst v63  }
0xad: {  	_ =	swait.ge [sflag:s16], $0x1900  }
0xae: {  	[sflag:s16] =	ssyncset.done $0x0  }
0xaf: {  	[sflag:s16] =	ssyncadd.s32 $0xFFFFE700  }
0xb0: {  	_ =	swait.ge [sflag:s26], $0x100  }
0xb1: {  	s25 =	smov.u32 s20;
	[sflag:s26] =	ssyncset.done $0x0  }
0xb2: {  	s8 =	sand.u32 $0x100, s25;
	[sflag:s26] =	ssyncadd.s32 $0xFFFFFF00  }
0xb3: {  	[tilespmem:s29], [sflag:$0x6] =	stream.indirect.gather [hbm4b:s1+s28], $0x80, s8, s28, $0xb8;
	[tilespmem:$0x1D600] =	vst v63  }
0xb4: {  	_ =	swait.ge [sflag:s17], $0x1900  }
0xb5: {  	[sflag:s17] =	ssyncset.done $0x0  }
0xb6: {  	[sflag:s17] =	ssyncadd.s32 $0xFFFFE700  }
0xb7: {  	_ =	swait.ge [sflag:s30], $0x100  }
0xb8: {  	[sflag:s30] =	ssyncset.done $0x0  }
0xb9: {  	s21 =	sor.u32 $0x200, s8;
	[sflag:s30] =	ssyncadd.s32 $0xFFFFFF00  }
0xba: {  	[tilespmem:s31], [sflag:$0x7] =	stream.indirect.gather [hbm4b:s1+s28], $0x80, s21, s28, $0xb8;
	[tilespmem:$0x1D600] =	vst v63  }
0xbb: {  	_ =	swait.ge [sflag:s18], $0x1900  }
0xbc: {  	[sflag:s18] =	ssyncset.done $0x0  }
0xbd: {  	[sflag:s18] =	ssyncadd.s32 $0xFFFFE700  }
0xbe: {  	_ =	swait.ge [sflag:s0], $0x100  }
0xbf: {  	[sflag:s0] =	ssyncset.done $0x0  }
0xc0: {  	s25 =	sor.u32 $0x400, s8;
	[sflag:s0] =	ssyncadd.s32 $0xFFFFFF00  }
0xc1: {  	[tilespmem:s2], [sflag:$0x8] =	stream.indirect.gather [hbm4b:s1+s28], $0x80, s25, s28, $0xb8;
	[tilespmem:$0x1D600] =	vst v63  }
0xc2: {  	_ =	swait.ge [sflag:s22], $0x1900  }
0xc3: {  	[sflag:s22] =	ssyncset.done $0x0  }
0xc4: {  	[sflag:s22] =	ssyncadd.s32 $0xFFFFE700  }
0xc5: {  	_ =	swait.ge [sflag:s6], $0x100  }
0xc6: {  	[sflag:s6] =	ssyncset.done $0x0  }
0xc7: {  	s21 =	sor.u32 $0x600, s8;
	[sflag:s6] =	ssyncadd.s32 $0xFFFFFF00  }
0xc8: {  	[tilespmem:s7], [sflag:$0x9] =	stream.indirect.gather [hbm4b:s1+s28], $0x80, s21, s28, $0xb8;
	[tilespmem:$0x1D600] =	vst v63  }
0xc9: {  	_ =	swait.ge [sflag:s23], $0x1900  }
0xca: {  	[sflag:s23] =	ssyncset.done $0x0  }
0xcb: {  	[sflag:s23] =	ssyncadd.s32 $0xFFFFE700  }
0xcc: {  	_ =	swait.ge [sflag:s24], $0x100  }
0xcd: {  	[sflag:s24] =	ssyncset.done $0x0  }
0xce: {  	s25 =	sor.u32 $0x800, s8;
	[sflag:s24] =	ssyncadd.s32 $0xFFFFFF00  }
0xcf: {  	[tilespmem:s10], [sflag:$0xA] =	stream.indirect.gather [hbm4b:s1+s28], $0x80, s25, s28, $0xb8;
	[tilespmem:$0x1D600] =	vst v63  }
0xd0: {  	s9 =	sadd.s32 $0x5, s9;
	_ =	swait.ge [sflag:s11], $0x1900  }
0xd1: {  	s25 =	smin.u32 s9, $0xC2;
	s21 =	rddreg [dreg:$0x4]  }
0xd2: {  	[sflag:s11] =	ssyncset.done $0x0;
	s19 =	sadd.s32 s25, s21  }
0xd3: {  	[sflag:s11] =	ssyncadd.s32 $0xFFFFE700;
	s25 =	sor.u32 $0x80, s8;
	s19 =	sshll.u32 s19, $0x5  }
0xd4: {  	[spmem:s3] =	stream.indirect.scatter.add.f32 [tilespmem:s29], [sflag:$0xB], $0x80, s25, s28, $0xb8;
	[tilespmem:$0x1D600] =	vst v63  }
0xd5: {  	s21 =	sxor.u32 $0x100, s8;
	s19 =	sadd.s32 s5, s19  }
0xd6: {  	[tilespmem:s21], [sflag:$0x1] =	stream.linear.gather [hbm4b:s19+s4], $0x100, $0x38;
	[tilespmem:$0x1D600] =	vst v63  }
0xd7: {  	_ =	swait.ge [sflag:s12], $0x1900  }
0xd8: {  	s19 =	smin.u32 s9, $0xC1;
	[sflag:s12] =	ssyncset.done $0x0;
	s25 =	rddreg [dreg:$0x5]  }
0xd9: {  	s29 =	sor.u32 $0x280, s8;
	[sflag:s12] =	ssyncadd.s32 $0xFFFFE700;
	s19 =	sadd.s32 s19, s25  }
0xda: {  	[spmem:s3] =	stream.indirect.scatter.add.f32 [tilespmem:s31], [sflag:$0xC], $0x80, s29, s28, $0xb8;
	[tilespmem:$0x1D600] =	vst v63  }
0xdb: {  	s19 =	sshll.u32 s19, $0x5  }
0xdc: {  	s29 =	sor.u32 $0x200, s21;
	s19 =	sadd.s32 s5, s19  }
0xdd: {  	[tilespmem:s29], [sflag:$0x2] =	stream.linear.gather [hbm4b:s19+s4], $0x100, $0x38;
	[tilespmem:$0x1D600] =	vst v63  }
0xde: {  	_ =	swait.ge [sflag:s13], $0x1900  }
0xdf: {  	s19 =	smin.u32 s9, $0xC0;
	[sflag:s13] =	ssyncset.done $0x0;
	s25 =	rddreg [dreg:$0x6]  }
0xe0: {  	s29 =	sor.u32 $0x480, s8;
	[sflag:s13] =	ssyncadd.s32 $0xFFFFE700;
	s19 =	sadd.s32 s19, s25  }
0xe1: {  	[spmem:s3] =	stream.indirect.scatter.add.f32 [tilespmem:s2], [sflag:$0xD], $0x80, s29, s28, $0xb8;
	[tilespmem:$0x1D600] =	vst v63  }
0xe2: {  	s19 =	sshll.u32 s19, $0x5  }
0xe3: {  	s29 =	sor.u32 $0x400, s21;
	s19 =	sadd.s32 s5, s19  }
0xe4: {  	[tilespmem:s29], [sflag:$0x3] =	stream.linear.gather [hbm4b:s19+s4], $0x100, $0x38;
	[tilespmem:$0x1D600] =	vst v63  }
0xe5: {  	_ =	swait.ge [sflag:s14], $0x1900  }
0xe6: {  	s19 =	smin.u32 s9, $0xBF;
	[sflag:s14] =	ssyncset.done $0x0;
	s25 =	rddreg [dreg:$0x7]  }
0xe7: {  	s29 =	sor.u32 $0x680, s8;
	[sflag:s14] =	ssyncadd.s32 $0xFFFFE700;
	s19 =	sadd.s32 s19, s25  }
0xe8: {  	[spmem:s3] =	stream.indirect.scatter.add.f32 [tilespmem:s7], [sflag:$0xE], $0x80, s29, s28, $0xb8;
	[tilespmem:$0x1D600] =	vst v63  }
0xe9: {  	s19 =	sshll.u32 s19, $0x5  }
0xea: {  	p0 =	sne.s32 s20, $0x2700;
	s29 =	sor.u32 $0x600, s21;
	s19 =	sadd.s32 s5, s19  }
0xeb: {  	[tilespmem:s29], [sflag:$0x4] =	stream.linear.gather [hbm4b:s19+s4], $0x100, $0x38;
	[tilespmem:$0x1D600] =	vst v63  }
.Ltmp0:
0xec: {  	_ =	swait.ge [sflag:s15], $0x1900;
	(pc) =	sbr.rel @p0 .LBB2_2-.Ltmp0, $4  }
0xed: {  	s20 =	sadd.s32 $0x100, s20;
	s8 =	sor.u32 $0x880, s8;
	[sflag:s15] =	ssyncset.done $0x0  }
0xee: {  	s19 =	smin.u32 s9, $0xBE;
	s25 =	rddreg [dreg:$0x8];
	[sflag:s15] =	ssyncadd.s32 $0xFFFFE700  }
0xef: {  	[spmem:s3] =	stream.indirect.scatter.add.f32 [tilespmem:s10], [sflag:$0xF], $0x80, s8, s28, $0xb8;
	[tilespmem:$0x1D600] =	vst v63  }
0xf0: {  	s29 =	simm.s32 $0xA00;
	s8 =	sor.u32 $0x800, s21;
	s21 =	sadd.s32 s19, s25  }
0xf1: {  	s9 =	sshll.u32 s21, $0x5  }
0xf2: {  	s9 =	sadd.s32 s5, s9  }
0xf3: {  	[tilespmem:s8], [sflag:$0x5] =	stream.linear.gather [hbm4b:s9+s4], $0x100, $0x38;
	[tilespmem:$0x1D600] =	vst v63  }
0xf4: {  	_ =	swait.ge [sflag:s16], $0x1900  }
0xf5: {  	[sflag:s16] =	ssyncset.done $0x0  }
0xf6: {  	[sflag:s16] =	ssyncadd.s32 $0xFFFFE700  }
0xf7: {  	_ =	swait.ge [sflag:s26], $0x100  }
0xf8: {  	[sflag:s26] =	ssyncset.done $0x0  }
0xf9: {  	[sflag:s26] =	ssyncadd.s32 $0xFFFFFF00  }
0xfa: {  	_ =	swait.ge [sflag:s17], $0x1900  }
0xfb: {  	[sflag:s17] =	ssyncset.done $0x0  }
0xfc: {  	[sflag:s17] =	ssyncadd.s32 $0xFFFFE700  }
0xfd: {  	_ =	swait.ge [sflag:s30], $0x100  }
0xfe: {  	[sflag:s30] =	ssyncset.done $0x0  }
0xff: {  	[sflag:s30] =	ssyncadd.s32 $0xFFFFFF00  }
0x100: {  	_ =	swait.ge [sflag:s18], $0x1900  }
0x101: {  	[sflag:s18] =	ssyncset.done $0x0  }
0x102: {  	[sflag:s18] =	ssyncadd.s32 $0xFFFFE700  }
0x103: {  	_ =	swait.ge [sflag:s0], $0x100  }
0x104: {  	[sflag:s0] =	ssyncset.done $0x0  }
0x105: {  	[sflag:s0] =	ssyncadd.s32 $0xFFFFFF00  }
0x106: {  	_ =	swait.ge [sflag:s22], $0x1900  }
0x107: {  	[sflag:s22] =	ssyncset.done $0x0  }
0x108: {  	[sflag:s22] =	ssyncadd.s32 $0xFFFFE700  }
0x109: {  	_ =	swait.ge [sflag:s6], $0x100  }
0x10a: {  	[sflag:s6] =	ssyncset.done $0x0  }
0x10b: {  	[sflag:s6] =	ssyncadd.s32 $0xFFFFFF00  }
0x10c: {  	_ =	swait.ge [sflag:s23], $0x1900  }
0x10d: {  	[sflag:s23] =	ssyncset.done $0x0  }
0x10e: {  	[sflag:s23] =	ssyncadd.s32 $0xFFFFE700  }
0x10f: {  	_ =	swait.ge [sflag:s24], $0x100  }
0x110: {  	[sflag:s24] =	ssyncset.done $0x0  }
0x111: {  	[sflag:s24] =	ssyncadd.s32 $0xFFFFFF00  }
0x112: {  	[bflag:$0x0] =	sbarrier.arrive $0xFFFF  }
0x113: {  	s19 =	rddreg [dreg:$0xb]  }
0x114: {  	s20 =	rddreg [dreg:$0x16]  }
0x115: {  	s9 =	simm.s32 $0x10;
	s21 =	rddreg [dreg:$0x19]  }
0x116: {  	[hbm:s20], [sflag:s19] =	dma.local [spmem:s21], $0x2800  }
0x117: {  	_ =	swait.ge [sflag:s9], $0x2800  }
0x118: {  	s20 =	rddreg [dreg:$0x18]  }
0x119: {  	s25 =	rddreg [dreg:$0x17];
	s20 =	sadd.s32 $0x1, s20  }
0x11a: {  	p0 =	sne.s32 s20, s25  }
.Ltmp1:
0x11b: {  	_ = 	snop;
	(pc) =	sbr.rel @p0 .LBB2_1-.Ltmp1, $3  }
0x11c: {  	_ =	sdelay $0x1  }
0x11d: {  	[sflag:s9] =	ssyncset.done $0x0  }
0x11e: {  	[sflag:s9] =	ssyncadd.s32 $0xFFFFD800  }
0x11f: {  	_ =	sfence.sel $0x180000  }
0x120: {  	[bflag:$0x0] =	sbarrier.arrive $0xFFFF  }
0x121: {  	_ =	strace $0x9000004A  }
0x122: {  	s0 =	stileid.u32;
	[bflag:$0x2] =	sbarrier.arrive $0xFFFF  }
0x123: {  	p0 =	sne.s32 s0, $0x0;
	s0 =	rddreg [dreg:$0x3]  }
0x124: {  	s0 =	sadd.s32 @!p0 $0x100000, s0  }
0x125: {  	[sflag:s0] =	ssyncadd.tile.s32 @!p0 $0x1;
	_ =	shalt  }
.Lfunc_end2:
_tile_overlayer_lowered:
.L_overlay_start_2:
0x126: {  	(tag) =	ssettag $0x2  }
0x127: {  	s0 =	rddreg [dreg:$0x0];
	s2 =	stileid.u32  }
0x128: {  	s1 =	rddreg [dreg:$0x1];
	p0 =	sne.s32 s2, $0x0  }
0x129: {  	s3 =	rddreg [dreg:$0x2];
	[bflag:$0x3] =	sbarrier.arrive $0xFFFF;
	s2 =	simm.s32 @!p0 $0x1C10  }
0x12a: {  	[timem:s3], [sflag:s2] =	dma.local @!p0 [hbm:s0], s1  }
0x12b: {  	s0 =	simm.s32 @!p0 $0x10  }
0x12c: {  	_ =	swait.ge @!p0 [sflag:s0], s1  }
0x12d: {  	s1 =	ssub.s32 @!p0 $0x0, s1;
	[sflag:s0] =	ssyncset.done @!p0 $0x0  }
0x12e: {  	[sflag:s0] =	ssyncadd.s32 @!p0 s1  }
0x12f: {  	[bflag:$0x3] =	sbarrier.arrive $0xFFFF  }
0x130: {  	_ =	shalt  }

// kernel: kernel.16.cloned.1.call-start
scs
__scs_entry_jumppad:
0x0: {  	(pc) =	sbr.rel $0x88, $3  }
0x1: {  	(tag) =	ssettag $0x0;
	lr =	simm.s32 $0x1  }
0x2: {  	[smem:$0x3F92] =	sst lr;
	_ =	strace $0xD0000000  }
0x3: {  	_ = 	snop  }
0x4: {  	_ = 	snop  }
0x5: {  	_ = 	snop  }
0x6: {  	_ = 	snop  }
0x7: {  	_ = 	snop  }
__scs_overlays_trampoline_lowered:
0x8: {  	[smem:$0x3FA1] =	sst s0  }
0x9: {  	[smem:$0x3FA2] =	sst s1  }
0xa: {  	[smem:$0x3FA3] =	sst s2  }
0xb: {  	[smem:$0x3FA4] =	sst s3  }
0xc: {  	[smem:$0x3FA5] =	sst s4  }
0xd: {  	[smem:$0x3FA6] =	sst s5  }
0xe: {  	[smem:$0x3FA7] =	sst s6  }
0xf: {  	[smem:$0x3FA8] =	sst s7  }
0x10: {  	[smem:$0x3FA9] =	sst s8  }
0x11: {  	[smem:$0x3FAA] =	sst s9;
	s0 =	simm.s32 @!p0 $0x0  }
0x12: {  	s1 =	sld [smem:$0x3F90];
	s0 =	simm.s32 @p0 $0x1  }
0x13: {  	[smem:$0x3FAB] =	sst s0;
	s0 =	simm.s32 @!p1 $0x0  }
0x14: {  	s2 =	sld [smem:$0x3F8F];
	s0 =	simm.s32 @p1 $0x1  }
0x15: {  	[smem:$0x3FAC] =	sst s0;
	s0 =	simm.s32 @!p2 $0x0  }
0x16: {  	s3 =	sld [smem:$0x3FDB];
	s0 =	simm.s32 @p2 $0x1  }
0x17: {  	s4 =	simm.s32 $0x1BF5;
	[smem:$0x3FAE] =	sst s0  }
0x18: {  	s0 =	sld [smem:$0x3F91];
	_ =	swait.ge [sflag:s4], $0x0  }
0x19: {  	s7 =	sld [smem:$0x3F92]  }
0x1a: {  	s8 =	sadd.s32 $0xFFFFE003, lr  }
0x1b: {  	s9 =	sadd.s32 $0xFFFFFEF7, lr;
	s5 =	simm.s32 $0xFFFFFFFF;
	p2 =	slt.u32 s8, $0xFFFFF086  }
0x1c: {  	p1 =	slt.u32 s9, $0xF7A;
	s5 =	simm.s32 @!p2 $0x0  }
0x1d: {  	s5 =	simm.s32 @p1 $0x1;
	p0 =	seq.s32 s7, s2  }
0x1e: {  	s7 =	smul.u32 @!p0 $0xF7A, s2;
	p2 =	seq.s32 @!p0 s5, $0x0  }
0x1f: {  	s9 =	smul.u32 $0xF7A, s1;
	s8 =	simm.s32 @!p0 $0x1BF5;
	p2 =	por !p2, p0  }
0x20: {  	[sflag:s8] =	ssyncset.s32 @!p0 $0xFFFFF086;
	s6 =	sadd.s32 @!p0 s3, s7;
	s7 =	simm.s32 @!p0 $0x108  }
0x21: {  	s3 =	sadd.s32 s3, s9;
	s6 =	sadd.s32 @!p0 $0x88, s6;
	s7 =	simm.s32 @p2 $0x1082  }
0x22: {  	[simem:s7], [sflag:s8] =	dma.local @!p0 [hbm:s6], $0xF7A  }
0x23: {  	s9 =	sor.u32 $0xD0000000, s2;
	s6 =	simm.s32 $0x108;
	_ =	swait.ge @!p0 [sflag:s8], $0x0  }
0x24: {  	s3 =	sadd.s32 $0x88, s3;
	s6 =	simm.s32 @!p1 $0x1082;
	[sflag:s4] =	ssyncset.s32 $0xFFFFF086  }
0x25: {  	[simem:s6], [sflag:s4] =	dma.local [hbm:s3], $0xF7A  }
0x26: {  	[smem:$0x3F92] =	sst s1;
	(tag) =	ssettag s2;
	_ =	strace s9  }
0x27: {  	s1 =	sld [smem:$0x3FA2]  }
0x28: {  	s2 =	sld [smem:$0x3FA3]  }
0x29: {  	s4 =	sld [smem:$0x3FA5]  }
0x2a: {  	p0 =	seq.s32 s5, $0x0;
	s5 =	sld [smem:$0x3FA6]  }
0x2b: {  	s6 =	sld [smem:$0x3FA7]  }
0x2c: {  	s7 =	sld [smem:$0x3FA8]  }
0x2d: {  	s3 =	simm.s32 $0x108;
	s8 =	sld [smem:$0x3FA9]  }
0x2e: {  	s3 =	simm.s32 @!p0 $0x1082;
	s9 =	sld [smem:$0x3FAA]  }
0x2f: {  	lr =	sadd.s32 s0, s3;
	s0 =	sld [smem:$0x3FA1]  }
0x30: {  	s3 =	sld [smem:$0x3FA4]  }
0x31: {  	[smem:$0x3FAD] =	sst s10  }
0x32: {  	s10 =	sld [smem:$0x3FAB];
	_ =	sdelay $0x3  }
0x33: {  	p0 =	seq.s32 s10, $0x1;
	s10 =	sld [smem:$0x3FAD];
	_ =	sdelay $0x3  }
0x34: {  	[smem:$0x3FAD] =	sst s10  }
0x35: {  	s10 =	sld [smem:$0x3FAC];
	_ =	sdelay $0x3  }
0x36: {  	p1 =	seq.s32 s10, $0x1;
	s10 =	sld [smem:$0x3FAD];
	_ =	sdelay $0x3  }
0x37: {  	[smem:$0x3FAD] =	sst s10  }
0x38: {  	s10 =	sld [smem:$0x3FAE]  }
0x39: {  	_ = 	snop;
	(pc) =	sbr.ind lr, $3  }
0x3a: {  	_ = 	snop  }
0x3b: {  	_ = 	snop  }
0x3c: {  	p2 =	seq.s32 s10, $0x1;
	s10 =	sld [smem:$0x3FAD]  }
0x3d: {  	_ =	shalt  }
0x3e: {  	_ =	shalt  }
0x3f: {  	_ =	shalt  }
0x40: {  	_ =	shalt  }
0x41: {  	_ =	shalt  }
0x42: {  	_ =	shalt  }
0x43: {  	_ =	shalt  }
0x44: {  	_ =	shalt  }
0x45: {  	_ =	shalt  }
0x46: {  	_ =	shalt  }
0x47: {  	_ =	shalt  }
0x48: {  	_ =	shalt  }
0x49: {  	_ =	shalt  }
0x4a: {  	_ =	shalt  }
0x4b: {  	_ =	shalt  }
0x4c: {  	_ =	shalt  }
0x4d: {  	_ =	shalt  }
0x4e: {  	_ =	shalt  }
0x4f: {  	_ =	shalt  }
0x50: {  	_ =	shalt  }
0x51: {  	_ =	shalt  }
0x52: {  	_ =	shalt  }
0x53: {  	_ =	shalt  }
0x54: {  	_ =	shalt  }
0x55: {  	_ =	shalt  }
0x56: {  	_ =	shalt  }
0x57: {  	_ =	shalt  }
0x58: {  	_ =	shalt  }
0x59: {  	_ =	shalt  }
0x5a: {  	_ =	shalt  }
0x5b: {  	_ =	shalt  }
0x5c: {  	_ =	shalt  }
0x5d: {  	_ =	shalt  }
0x5e: {  	_ =	shalt  }
0x5f: {  	_ =	shalt  }
0x60: {  	_ =	shalt  }
0x61: {  	_ =	shalt  }
0x62: {  	_ =	shalt  }
0x63: {  	_ =	shalt  }
0x64: {  	_ =	shalt  }
0x65: {  	_ =	shalt  }
0x66: {  	_ =	shalt  }
0x67: {  	_ =	shalt  }
0x68: {  	_ =	shalt  }
0x69: {  	_ =	shalt  }
0x6a: {  	_ =	shalt  }
0x6b: {  	_ =	shalt  }
0x6c: {  	_ =	shalt  }
0x6d: {  	_ =	shalt  }
0x6e: {  	_ =	shalt  }
0x6f: {  	_ =	shalt  }
0x70: {  	_ =	shalt  }
0x71: {  	_ =	shalt  }
0x72: {  	_ =	shalt  }
0x73: {  	_ =	shalt  }
0x74: {  	_ =	shalt  }
0x75: {  	_ =	shalt  }
0x76: {  	_ =	shalt  }
0x77: {  	_ =	shalt  }
0x78: {  	_ =	shalt  }
0x79: {  	_ =	shalt  }
0x7a: {  	_ =	shalt  }
0x7b: {  	_ =	shalt  }
0x7c: {  	_ =	shalt  }
0x7d: {  	_ =	shalt  }
0x7e: {  	_ =	shalt  }
0x7f: {  	_ =	shalt  }
0x80: {  	_ =	shalt  }
0x81: {  	_ =	shalt  }
0x82: {  	_ =	shalt  }
0x83: {  	_ =	shalt  }
0x84: {  	_ =	shalt  }
0x85: {  	_ =	shalt  }
0x86: {  	_ =	shalt  }
0x87: {  	_ =	shalt  }
.Lfunc_end0:
.L_simem_size_0:
called_computation.2_lowered:
.L_overlay_start_0:
0x88: {  	s2 =	sld [smem:$0x3FD9]  }
0x89: {  	s3 =	sld [smem:$0x3FFE];
	_ =	sdelay $0x1  }
0x8a: {  	s1 =	srdreg.scid  }
0x8b: {  	s0 =	sand.u32 $0x1, s1  }
0x8c: {  	s17 =	sshll.u32 s0, $0xA;
	s2 =	sadd.s32 s3, s2  }
0x8d: {  	s2 =	sadd.s32 s2, s17  }
0x8e: {  	[smem:$0x3FB9] =	sst s2  }
0x8f: {  	_ = 	snop  }
0x90: {  	s2 =	sld [smem:$0x3FD0];
	(tm) =	ssettm $0x1  }
0x91: {  	s18 =	sld [smem:$0x3FFB];
	_ =	sdelay $0x3  }
0x92: {  	_ =	strace s18  }
0x93: {  	s3 =	sld [smem:$0x3FFC];
	_ =	sdelay $0x3  }
0x94: {  	_ =	strace s3  }
0x95: {  	s3 =	sld [smem:$0x3FFD];
	_ =	sdelay $0x3  }
0x96: {  	_ =	strace s3  }
0x97: {  	_ =	strace $0x8FFFFFFF  }
0x98: {  	s19 =	sld [smem:$0x3FDB];
	_ =	sdelay $0x1  }
0x99: {  	s4 =	simm.s32 $_scs_section_size  }
0x9a: {  	s5 =	simm.s32 $_size__tile_overlayer_lowered;
	s6 =	simm.s32 $_tile_overlayer_lowered  }
0x9b: {  	s22 =	simm.s32 $0x1BFF;
	s21 =	sshll.u32 s6, $0x1;
	s3 =	sadd.s32 s4, s19  }
0x9c: {  	s7 =	simm.s32 $0x0;
	s20 =	sshll.u32 s5, $0x1;
	s5 =	sadd.s32 s21, s3  }
0x9d: {  	[timem:s7], [sflag:s22] =	dma.local [hbm:s5], s20  }
0x9e: {  	_ =	swait.ge [sflag:s22], s20  }
0x9f: {  	s4 =	ssub.s32 $0x0, s20;
	[sflag:s22] =	ssyncset.done $0x0  }
0xa0: {  	[sflag:s22] =	ssyncadd.s32 s4;
	_ =	sdelay $0x1  }
0xa1: {  	s23 =	simm.s32 $0x1B8B  }
0xa2: {  	_ =	swait.ge [sflag:s23], $0x1  }
0xa3: {  	[sflag:s23] =	ssyncset.done $0x0  }
0xa4: {  	s25 =	simm.s32 $0x1B8E;
	s24 =	sld [smem:$0x3FFE];
	[sflag:s23] =	ssyncadd.s32 $0xFFFFFFFF  }
0xa5: {  	s26 =	simm.s32 $execute0_lowered;
	[smem:$0x3FD2] =	sst s25  }
0xa6: {  	s5 =	sshll.u32 s26, $0x1;
	_ =	strace $0x8000004C;
	[dreg:$0x1] =	wrdreg $0xFFFFFFFF  }
0xa7: {  	s28 =	simm.s32 $_size_execute0_lowered;
	s3 =	sadd.s32 s3, s5;
	[dreg:$0x0] =	wrdreg $0x0  }
0xa8: {  	s5 =	sshll.u32 s28, $0x1;
	[dreg:$0x2] =	wrdreg s3  }
0xa9: {  	[dreg:$0x3] =	wrdreg s5  }
0xaa: {  	[dreg:$0x4] =	wrdreg $0xC0  }
0xab: {  	_ =	task [dreg:s7], $0x5FFFF  }
0xac: {  	[dreg:$0x1] =	wrdreg $0xFFFFFFFF  }
0xad: {  	[dreg:$0x0] =	wrdreg $0x60  }
0xae: {  	[dreg:$0x2] =	wrdreg s2  }
0xaf: {  	[dreg:$0x3] =	wrdreg s24  }
0xb0: {  	[dreg:$0x4] =	wrdreg $0x96000  }
0xb1: {  	[dreg:$0x5] =	wrdreg $0x9  }
0xb2: {  	_ =	task.clear_ibuf [dreg:s7], $0x6FFFF;
	_ =	strace $0x9000004C  }
0xb3: {  	s29 =	simm.s32 $0x9;
	_ =	strace $0x8000004E  }
0xb4: {  	_ =	swait.ge [sflag:s29], $0x1  }
0xb5: {  	[sflag:s29] =	ssyncadd.s32 $0xFFFFFFFF  }
0xb6: {  	_ =	strace $0x9000004E  }
0xb7: {  	_ =	sfence  }
0xb8: {  	s30 =	sld [smem:$0x0];
	_ =	sdelay $0x2  }
0xb9: {  	s31 =	sshll.u32 s1, $0xD;
	s1 =	sshrl.u32 s1, $0x2  }
0xba: {  	s3 =	sand.u32 $0x4000, s31;
	s1 =	sadd.s32 s1, s30  }
0xbb: {  	s0 =	sor.u32 s3, s0;
	s1 =	sshll.u32 s1, $0x11  }
0xbc: {  	s0 =	sor.u32 s1, s0  }
0xbd: {  	s0 =	sadd.s32 $0x8F2B, s0  }
0xbe: {  	[sflag:s0] =	ssyncadd.remote.s32 $0x1  }
0xbf: {  	_ =	sfence.sel $0xFFFF  }
0xc0: {  	[dreg:$0x0] =	wrdreg $0xFFFFFFFF;
	(pc) =	sbr.abs _section_cstart, $3  }
0xc1: {  	[dreg:$0x1] =	wrdreg $0xFFFFFFFF  }
0xc2: {  	_ =	task.clear_ibuf [dreg:s7], $0x2FFFF;
	_ =	strace $0x9FFFFFFF  }
0xc3: {  	(tm) =	ssettm $0x7FFFFFFF  }
tec
execute0_lowered:
.L_overlay_start_1:
0x0: {  	(tag) =	ssettag $0x1  }
0x1: {  	s1 =	rddreg [dreg:$0x0]  }
0x2: {  	s0 =	rddreg [dreg:$0x1]  }
0x3: {  	s3 =	rddreg [dreg:$0x2]  }
0x4: {  	s2 =	srdreg.scid;
	s10 =	stileid.u32;
	s4 =	simm.s32 $0x0  }
0x5: {  	s28 =	simm.s32 $0x32;
	s29 =	simm.s32 $0xA00;
	s30 =	simm.s32 $0x2  }
0x6: {  	s31 =	simm.s32 $0x2600;
	s2 =	sand.u32 $0x1, s2;
	s6 =	smul.u32 $0x2800, s10  }
0x7: {  	[smem:$0x7FF] =	sst s4;
	s5 =	sadd.s32 $0x61200, s0;
	s8 =	sadd.s32 $0xE200, s0  }
0x8: {  	s24 =	sshll.u32 s10, $0x1;
	s25 =	smul.u32 $0x50000, s10;
	s10 =	sshll.u32 s10, $0x6  }
0x9: {  	s7 =	smul.u32 $0x28000, s2;
	_ =	strace $0x8000004D;
	[dreg:$0x9] =	wrdreg s8  }
0xa: {  	s23 =	ssub.s32 $0x2, s2;
	s2 =	sor.u32 s2, s24;
	s19 =	sor.u32 $0x1C10, s10  }
0xb: {  	s10 =	simm.s32 $0x7A00;
	s11 =	smul.u32 $0x1900, s2;
	s8 =	sshrl.u32 s25, $0x2  }
0xc: {  	s12 =	smul.u32 $0xC8, s2;
	[dreg:$0xb] =	wrdreg s19;
	s8 =	sadd.s32 s8, s3  }
0xd: {  	s6 =	sadd.s32 s6, s7;
	[dreg:$0xa] =	wrdreg s8;
	s7 =	sadd.s32 s5, s11  }
0xe: {  	s9 =	sshrl.u32 s23, $0x1;
	s20 =	sor.u32 $0x5, s12;
	[dreg:$0xc] =	wrdreg s7  }
0xf: {  	s2 =	smul.u32 $0xC800, s2;
	s21 =	sor.u32 $0x6, s12;
	[dreg:$0x4] =	wrdreg s20  }
0x10: {  	s26 =	ssub.s32 s23, s9;
	s22 =	sor.u32 $0x7, s12;
	[dreg:$0x5] =	wrdreg s21  }
0x11: {  	s9 =	simm.s32 $0x10;
	s24 =	sadd.s32 $0x8, s12;
	[dreg:$0x6] =	wrdreg s22  }
0x12: {  	s0 =	sadd.s32 s6, s0;
	s25 =	sadd.s32 $0x9, s12;
	[dreg:$0x7] =	wrdreg s24  }
0x13: {  	s2 =	sshrl.u32 s2, $0x3;
	s26 =	smax.u32 s26, $0x1;
	[dreg:$0x8] =	wrdreg s25  }
0x14: {  	s6 =	simm.s32 $0x4;
	s13 =	sadd.s32 $0x20, s7;
	[dreg:$0x17] =	wrdreg s26  }
0x15: {  	s11 =	simm.s32 $0x6;
	s14 =	sadd.s32 $0x40, s7;
	[dreg:$0xd] =	wrdreg s13  }
0x16: {  	s12 =	simm.s32 $0x7;
	s15 =	sadd.s32 $0x60, s7;
	[dreg:$0xe] =	wrdreg s14  }
0x17: {  	s16 =	sadd.s32 $0x80, s7;
	s17 =	sadd.s32 $0xA0, s7;
	[dreg:$0xf] =	wrdreg s15  }
0x18: {  	s18 =	sadd.s32 $0xC0, s7;
	s7 =	sadd.s32 $0xE0, s7;
	[dreg:$0x10] =	wrdreg s16  }
0x19: {  	s2 =	sadd.s32 s5, s2;
	s0 =	sadd.s32 $0x93200, s0;
	[dreg:$0x11] =	wrdreg s17  }
0x1a: {  	s26 =	simm.s32 $0x1;
	s22 =	simm.s32 $0xE;
	[dreg:$0x12] =	wrdreg s18  }
0x1b: {  	s24 =	simm.s32 $0x5;
	s20 =	simm.s32 $0x0;
	[dreg:$0x13] =	wrdreg s7  }
0x1c: {  	s23 =	sadd.s32 $0x100, s2;
	s2 =	sadd.s32 $0x120, s2;
	[dreg:$0x16] =	wrdreg s0  }
0x1d: {  	s0 =	simm.s32 $0x3;
	s7 =	simm.s32 $0x5E00;
	s13 =	simm.s32 $0x8  }
0x1e: {  	s14 =	simm.s32 $0x9;
	s15 =	simm.s32 $0xA;
	s16 =	simm.s32 $0xB  }
0x1f: {  	s17 =	simm.s32 $0xC;
	s18 =	simm.s32 $0xD;
	[dreg:$0x14] =	wrdreg s23  }
0x20: {  	[dreg:$0x15] =	wrdreg s2;
	s2 =	simm.s32 $0x4200;
	s23 =	simm.s32 $0xF  }
.LBB2_1:
0x21: {  	[dreg:$0x18] =	wrdreg s20  }
0x22: {  	s8 =	rddreg [dreg:$0xa]  }
0x23: {  	s25 =	rddreg [dreg:$0x9];
	s21 =	sshrl.u32 s8, $0x3  }
0x24: {  	[dreg:$0x19] =	wrdreg s21  }
0x25: {  	[spmem:s21], [sflag:s19] =	dma.local [hbm:s25], $0x2800  }
0x26: {  	_ =	swait.ge [sflag:s9], $0x2800  }
0x27: {  	[sflag:s9] =	ssyncset.done $0x0  }
0x28: {  	[sflag:s9] =	ssyncadd.s32 $0xFFFFD800  }
0x29: {  	[bflag:$0x0] =	sbarrier.arrive $0xFFFF  }
0x2a: {  	s9 =	rddreg [dreg:$0xc]  }
0x2b: {  	[tilespmem:s4], [sflag:$0x1] =	stream.linear.gather [hbm4b:s9+s4], $0x100, $0x38;
	[tilespmem:$0x1D600] =	vst v63  }
0x2c: {  	s19 =	rddreg [dreg:$0xd];
	s9 =	simm.s32 $0x200  }
0x2d: {  	[tilespmem:s9], [sflag:$0x2] =	stream.linear.gather [hbm4b:s19+s4], $0x100, $0x38;
	[tilespmem:$0x1D600] =	vst v63  }
0x2e: {  	s20 =	rddreg [dreg:$0xe];
	s19 =	simm.s32 $0x400  }
0x2f: {  	[tilespmem:s19], [sflag:$0x3] =	stream.linear.gather [hbm4b:s20+s4], $0x100, $0x38;
	[tilespmem:$0x1D600] =	vst v63  }
0x30: {  	s21 =	rddreg [dreg:$0xf];
	s20 =	simm.s32 $0x600  }
0x31: {  	[tilespmem:s20], [sflag:$0x4] =	stream.linear.gather [hbm4b:s21+s4], $0x100, $0x38;
	[tilespmem:$0x1D600] =	vst v63  }
0x32: {  	s25 =	rddreg [dreg:$0x10];
	s21 =	simm.s32 $0x800  }
0x33: {  	[tilespmem:s21], [sflag:$0x5] =	stream.linear.gather [hbm4b:s25+s4], $0x100, $0x38;
	[tilespmem:$0x1D600] =	vst v63  }
0x34: {  	_ =	swait.ge [sflag:s26], $0x100  }
0x35: {  	[sflag:s26] =	ssyncset.done $0x0  }
0x36: {  	[sflag:s26] =	ssyncadd.s32 $0xFFFFFF00  }
0x37: {  	[tilespmem:s29], [sflag:$0x6] =	stream.indirect.gather [hbm4b:s1+s28], $0x80, s4, s28, $0xb8;
	[tilespmem:$0x1D600] =	vst v63  }
0x38: {  	_ =	swait.ge [sflag:s30], $0x100  }
0x39: {  	[sflag:s30] =	ssyncset.done $0x0  }
0x3a: {  	[sflag:s30] =	ssyncadd.s32 $0xFFFFFF00  }
0x3b: {  	[tilespmem:s31], [sflag:$0x7] =	stream.indirect.gather [hbm4b:s1+s28], $0x80, s9, s28, $0xb8;
	[tilespmem:$0x1D600] =	vst v63  }
0x3c: {  	_ =	swait.ge [sflag:s0], $0x100  }
0x3d: {  	[sflag:s0] =	ssyncset.done $0x0  }
0x3e: {  	[sflag:s0] =	ssyncadd.s32 $0xFFFFFF00  }
0x3f: {  	[tilespmem:s2], [sflag:$0x8] =	stream.indirect.gather [hbm4b:s1+s28], $0x80, s19, s28, $0xb8;
	[tilespmem:$0x1D600] =	vst v63  }
0x40: {  	_ =	swait.ge [sflag:s6], $0x100  }
0x41: {  	[sflag:s6] =	ssyncset.done $0x0  }
0x42: {  	[sflag:s6] =	ssyncadd.s32 $0xFFFFFF00  }
0x43: {  	[tilespmem:s7], [sflag:$0x9] =	stream.indirect.gather [hbm4b:s1+s28], $0x80, s20, s28, $0xb8;
	[tilespmem:$0x1D600] =	vst v63  }
0x44: {  	_ =	swait.ge [sflag:s24], $0x100  }
0x45: {  	[sflag:s24] =	ssyncset.done $0x0  }
0x46: {  	[sflag:s24] =	ssyncadd.s32 $0xFFFFFF00  }
0x47: {  	[tilespmem:s10], [sflag:$0xA] =	stream.indirect.gather [hbm4b:s1+s28], $0x80, s21, s28, $0xb8;
	[tilespmem:$0x1D600] =	vst v63  }
0x48: {  	_ =	swait.ge [sflag:s11], $0x1900  }
0x49: {  	[sflag:s11] =	ssyncset.done $0x0  }
0x4a: {  	s9 =	simm.s32 $0x80;
	[sflag:s11] =	ssyncadd.s32 $0xFFFFE700  }
0x4b: {  	[spmem:s3] =	stream.indirect.scatter.add.f32 [tilespmem:s29], [sflag:$0xB], $0x80, s9, s28, $0xb8;
	[tilespmem:$0x1D600] =	vst v63  }
0x4c: {  	s8 =	simm.s32 $0x100;
	s19 =	rddreg [dreg:$0x11]  }
0x4d: {  	[tilespmem:s8], [sflag:$0x1] =	stream.linear.gather [hbm4b:s19+s4], $0x100, $0x38;
	[tilespmem:$0x1D600] =	vst v63  }
0x4e: {  	_ =	swait.ge [sflag:s12], $0x1900  }
0x4f: {  	[sflag:s12] =	ssyncset.done $0x0  }
0x50: {  	s20 =	simm.s32 $0x280;
	[sflag:s12] =	ssyncadd.s32 $0xFFFFE700  }
0x51: {  	[spmem:s3] =	stream.indirect.scatter.add.f32 [tilespmem:s31], [sflag:$0xC], $0x80, s20, s28, $0xb8;
	[tilespmem:$0x1D600] =	vst v63  }
0x52: {  	s25 =	simm.s32 $0x300;
	s21 =	rddreg [dreg:$0x12]  }
0x53: {  	[tilespmem:s25], [sflag:$0x2] =	stream.linear.gather [hbm4b:s21+s4], $0x100, $0x38;
	[tilespmem:$0x1D600] =	vst v63  }
0x54: {  	_ =	swait.ge [sflag:s13], $0x1900  }
0x55: {  	[sflag:s13] =	ssyncset.done $0x0  }
0x56: {  	s20 =	simm.s32 $0x480;
	[sflag:s13] =	ssyncadd.s32 $0xFFFFE700  }
0x57: {  	[spmem:s3] =	stream.indirect.scatter.add.f32 [tilespmem:s2], [sflag:$0xD], $0x80, s20, s28, $0xb8;
	[tilespmem:$0x1D600] =	vst v63  }
0x58: {  	s25 =	simm.s32 $0x500;
	s21 =	rddreg [dreg:$0x13]  }
0x59: {  	[tilespmem:s25], [sflag:$0x3] =	stream.linear.gather [hbm4b:s21+s4], $0x100, $0x38;
	[tilespmem:$0x1D600] =	vst v63  }
0x5a: {  	_ =	swait.ge [sflag:s14], $0x1900  }
0x5b: {  	[sflag:s14] =	ssyncset.done $0x0  }
0x5c: {  	s20 =	simm.s32 $0x680;
	[sflag:s14] =	ssyncadd.s32 $0xFFFFE700  }
0x5d: {  	[spmem:s3] =	stream.indirect.scatter.add.f32 [tilespmem:s7], [sflag:$0xE], $0x80, s20, s28, $0xb8;
	[tilespmem:$0x1D600] =	vst v63  }
0x5e: {  	s25 =	simm.s32 $0x700;
	s21 =	rddreg [dreg:$0x14]  }
0x5f: {  	[tilespmem:s25], [sflag:$0x4] =	stream.linear.gather [hbm4b:s21+s4], $0x100, $0x38;
	[tilespmem:$0x1D600] =	vst v63  }
0x60: {  	_ =	swait.ge [sflag:s15], $0x1900  }
0x61: {  	[sflag:s15] =	ssyncset.done $0x0  }
0x62: {  	s19 =	simm.s32 $0x880;
	[sflag:s15] =	ssyncadd.s32 $0xFFFFE700  }
0x63: {  	[spmem:s3] =	stream.indirect.scatter.add.f32 [tilespmem:s10], [sflag:$0xF], $0x80, s19, s28, $0xb8;
	[tilespmem:$0x1D600] =	vst v63  }
0x64: {  	s21 =	simm.s32 $0x900;
	s20 =	rddreg [dreg:$0x15]  }
0x65: {  	[tilespmem:s21], [sflag:$0x5] =	stream.linear.gather [hbm4b:s20+s4], $0x100, $0x38;
	[tilespmem:$0x1D600] =	vst v63  }
0x66: {  	_ =	swait.ge [sflag:s16], $0x1900  }
0x67: {  	[sflag:s16] =	ssyncset.done $0x0  }
0x68: {  	[sflag:s16] =	ssyncadd.s32 $0xFFFFE700  }
0x69: {  	_ =	swait.ge [sflag:s26], $0x100  }
0x6a: {  	[sflag:s26] =	ssyncset.done $0x0  }
0x6b: {  	s8 =	sand.u32 $0x100, s8;
	[sflag:s26] =	ssyncadd.s32 $0xFFFFFF00  }
0x6c: {  	[tilespmem:s29], [sflag:$0x6] =	stream.indirect.gather [hbm4b:s1+s28], $0x80, s8, s28, $0xb8;
	[tilespmem:$0x1D600] =	vst v63  }
0x6d: {  	_ =	swait.ge [sflag:s17], $0x1900  }
0x6e: {  	[sflag:s17] =	ssyncset.done $0x0  }
0x6f: {  	[sflag:s17] =	ssyncadd.s32 $0xFFFFE700  }
0x70: {  	_ =	swait.ge [sflag:s30], $0x100  }
0x71: {  	[sflag:s30] =	ssyncset.done $0x0  }
0x72: {  	s25 =	sor.u32 $0x200, s8;
	[sflag:s30] =	ssyncadd.s32 $0xFFFFFF00  }
0x73: {  	[tilespmem:s31], [sflag:$0x7] =	stream.indirect.gather [hbm4b:s1+s28], $0x80, s25, s28, $0xb8;
	[tilespmem:$0x1D600] =	vst v63  }
0x74: {  	_ =	swait.ge [sflag:s18], $0x1900  }
0x75: {  	[sflag:s18] =	ssyncset.done $0x0  }
0x76: {  	[sflag:s18] =	ssyncadd.s32 $0xFFFFE700  }
0x77: {  	_ =	swait.ge [sflag:s0], $0x100  }
0x78: {  	[sflag:s0] =	ssyncset.done $0x0  }
0x79: {  	s19 =	sor.u32 $0x400, s8;
	[sflag:s0] =	ssyncadd.s32 $0xFFFFFF00  }
0x7a: {  	[tilespmem:s2], [sflag:$0x8] =	stream.indirect.gather [hbm4b:s1+s28], $0x80, s19, s28, $0xb8;
	[tilespmem:$0x1D600] =	vst v63  }
0x7b: {  	_ =	swait.ge [sflag:s22], $0x1900  }
0x7c: {  	[sflag:s22] =	ssyncset.done $0x0  }
0x7d: {  	[sflag:s22] =	ssyncadd.s32 $0xFFFFE700  }
0x7e: {  	_ =	swait.ge [sflag:s6], $0x100  }
0x7f: {  	[sflag:s6] =	ssyncset.done $0x0  }
0x80: {  	s20 =	sor.u32 $0x600, s8;
	[sflag:s6] =	ssyncadd.s32 $0xFFFFFF00  }
0x81: {  	[tilespmem:s7], [sflag:$0x9] =	stream.indirect.gather [hbm4b:s1+s28], $0x80, s20, s28, $0xb8;
	[tilespmem:$0x1D600] =	vst v63  }
0x82: {  	_ =	swait.ge [sflag:s23], $0x1900  }
0x83: {  	[sflag:s23] =	ssyncset.done $0x0  }
0x84: {  	[sflag:s23] =	ssyncadd.s32 $0xFFFFE700  }
0x85: {  	_ =	swait.ge [sflag:s24], $0x100  }
0x86: {  	[sflag:s24] =	ssyncset.done $0x0  }
0x87: {  	s21 =	sor.u32 $0x800, s8;
	[sflag:s24] =	ssyncadd.s32 $0xFFFFFF00  }
0x88: {  	[tilespmem:s10], [sflag:$0xA] =	stream.indirect.gather [hbm4b:s1+s28], $0x80, s21, s28, $0xb8;
	[tilespmem:$0x1D600] =	vst v63  }
0x89: {  	_ =	swait.ge [sflag:s11], $0x1900  }
0x8a: {  	s19 =	smin.u32 s24, $0xC2;
	s25 =	rddreg [dreg:$0x4]  }
0x8b: {  	[sflag:s11] =	ssyncset.done $0x0;
	s9 =	sadd.s32 s19, s25  }
0x8c: {  	s21 =	sor.u32 $0x80, s8;
	[sflag:s11] =	ssyncadd.s32 $0xFFFFE700;
	s9 =	sshll.u32 s9, $0x5  }
0x8d: {  	[spmem:s3] =	stream.indirect.scatter.add.f32 [tilespmem:s29], [sflag:$0xB], $0x80, s21, s28, $0xb8;
	[tilespmem:$0x1D600] =	vst v63  }
0x8e: {  	s21 =	sxor.u32 $0x100, s8;
	s9 =	sadd.s32 s5, s9  }
0x8f: {  	[tilespmem:s21], [sflag:$0x1] =	stream.linear.gather [hbm4b:s9+s4], $0x100, $0x38;
	[tilespmem:$0x1D600] =	vst v63  }
0x90: {  	_ =	swait.ge [sflag:s12], $0x1900  }
0x91: {  	s19 =	smin.u32 s24, $0xC1;
	[sflag:s12] =	ssyncset.done $0x0;
	s9 =	rddreg [dreg:$0x5]  }
0x92: {  	s25 =	sor.u32 $0x280, s8;
	[sflag:s12] =	ssyncadd.s32 $0xFFFFE700;
	s9 =	sadd.s32 s19, s9  }
0x93: {  	[spmem:s3] =	stream.indirect.scatter.add.f32 [tilespmem:s31], [sflag:$0xC], $0x80, s25, s28, $0xb8;
	[tilespmem:$0x1D600] =	vst v63  }
0x94: {  	s9 =	sshll.u32 s9, $0x5  }
0x95: {  	s25 =	sor.u32 $0x200, s21;
	s9 =	sadd.s32 s5, s9  }
0x96: {  	[tilespmem:s25], [sflag:$0x2] =	stream.linear.gather [hbm4b:s9+s4], $0x100, $0x38;
	[tilespmem:$0x1D600] =	vst v63  }
0x97: {  	_ =	swait.ge [sflag:s13], $0x1900  }
0x98: {  	s25 =	smin.u32 s24, $0xC0;
	[sflag:s13] =	ssyncset.done $0x0;
	s9 =	rddreg [dreg:$0x6]  }
0x99: {  	s19 =	sor.u32 $0x480, s8;
	[sflag:s13] =	ssyncadd.s32 $0xFFFFE700;
	s9 =	sadd.s32 s25, s9  }
0x9a: {  	[spmem:s3] =	stream.indirect.scatter.add.f32 [tilespmem:s2], [sflag:$0xD], $0x80, s19, s28, $0xb8;
	[tilespmem:$0x1D600] =	vst v63  }
0x9b: {  	s9 =	sshll.u32 s9, $0x5  }
0x9c: {  	s19 =	sor.u32 $0x400, s21;
	s9 =	sadd.s32 s5, s9  }
0x9d: {  	[tilespmem:s19], [sflag:$0x3] =	stream.linear.gather [hbm4b:s9+s4], $0x100, $0x38;
	[tilespmem:$0x1D600] =	vst v63  }
0x9e: {  	_ =	swait.ge [sflag:s14], $0x1900  }
0x9f: {  	s19 =	smin.u32 s24, $0xBF;
	[sflag:s14] =	ssyncset.done $0x0;
	s9 =	rddreg [dreg:$0x7]  }
0xa0: {  	s25 =	sor.u32 $0x680, s8;
	[sflag:s14] =	ssyncadd.s32 $0xFFFFE700;
	s9 =	sadd.s32 s19, s9  }
0xa1: {  	[spmem:s3] =	stream.indirect.scatter.add.f32 [tilespmem:s7], [sflag:$0xE], $0x80, s25, s28, $0xb8;
	[tilespmem:$0x1D600] =	vst v63  }
0xa2: {  	s9 =	sshll.u32 s9, $0x5  }
0xa3: {  	s25 =	sor.u32 $0x600, s21;
	s9 =	sadd.s32 s5, s9  }
0xa4: {  	[tilespmem:s25], [sflag:$0x4] =	stream.linear.gather [hbm4b:s9+s4], $0x100, $0x38;
	[tilespmem:$0x1D600] =	vst v63  }
0xa5: {  	_ =	swait.ge [sflag:s15], $0x1900  }
0xa6: {  	s20 =	simm.s32 $0x200;
	s8 =	sor.u32 $0x880, s8;
	[sflag:s15] =	ssyncset.done $0x0  }
0xa7: {  	s25 =	smin.u32 s24, $0xBE;
	s19 =	rddreg [dreg:$0x8];
	[sflag:s15] =	ssyncadd.s32 $0xFFFFE700  }
0xa8: {  	[spmem:s3] =	stream.indirect.scatter.add.f32 [tilespmem:s10], [sflag:$0xF], $0x80, s8, s28, $0xb8;
	[tilespmem:$0x1D600] =	vst v63  }
0xa9: {  	s9 =	simm.s32 $0x5;
	s8 =	sor.u32 $0x800, s21;
	s21 =	sadd.s32 s25, s19  }
.LBB2_2:
0xaa: {  	s19 =	sshll.u32 s21, $0x5  }
0xab: {  	s19 =	sadd.s32 s5, s19  }
0xac: {  	[tilespmem:s8], [sflag:$0x5] =	stream.linear.gather [hbm4b:s19+s4], $0x100, $0x38;
	[tilespmem:$0x1D600] =	vst v63  }
0xad: {  	_ =	swait.ge [sflag:s16], $0x1900  }
0xae: {  	[sflag:s16] =	ssyncset.done $0x0  }
0xaf: {  	[sflag:s16] =	ssyncadd.s32 $0xFFFFE700  }
0xb0: {  	_ =	swait.ge [sflag:s26], $0x100  }
0xb1: {  	s25 =	smov.u32 s20;
	[sflag:s26] =	ssyncset.done $0x0  }
0xb2: {  	s8 =	sand.u32 $0x100, s25;
	[sflag:s26] =	ssyncadd.s32 $0xFFFFFF00  }
0xb3: {  	[tilespmem:s29], [sflag:$0x6] =	stream.indirect.gather [hbm4b:s1+s28], $0x80, s8, s28, $0xb8;
	[tilespmem:$0x1D600] =	vst v63  }
0xb4: {  	_ =	swait.ge [sflag:s17], $0x1900  }
0xb5: {  	[sflag:s17] =	ssyncset.done $0x0  }
0xb6: {  	[sflag:s17] =	ssyncadd.s32 $0xFFFFE700  }
0xb7: {  	_ =	swait.ge [sflag:s30], $0x100  }
0xb8: {  	[sflag:s30] =	ssyncset.done $0x0  }
0xb9: {  	s21 =	sor.u32 $0x200, s8;
	[sflag:s30] =	ssyncadd.s32 $0xFFFFFF00  }
0xba: {  	[tilespmem:s31], [sflag:$0x7] =	stream.indirect.gather [hbm4b:s1+s28], $0x80, s21, s28, $0xb8;
	[tilespmem:$0x1D600] =	vst v63  }
0xbb: {  	_ =	swait.ge [sflag:s18], $0x1900  }
0xbc: {  	[sflag:s18] =	ssyncset.done $0x0  }
0xbd: {  	[sflag:s18] =	ssyncadd.s32 $0xFFFFE700  }
0xbe: {  	_ =	swait.ge [sflag:s0], $0x100  }
0xbf: {  	[sflag:s0] =	ssyncset.done $0x0  }
0xc0: {  	s25 =	sor.u32 $0x400, s8;
	[sflag:s0] =	ssyncadd.s32 $0xFFFFFF00  }
0xc1: {  	[tilespmem:s2], [sflag:$0x8] =	stream.indirect.gather [hbm4b:s1+s28], $0x80, s25, s28, $0xb8;
	[tilespmem:$0x1D600] =	vst v63  }
0xc2: {  	_ =	swait.ge [sflag:s22], $0x1900  }
0xc3: {  	[sflag:s22] =	ssyncset.done $0x0  }
0xc4: {  	[sflag:s22] =	ssyncadd.s32 $0xFFFFE700  }
0xc5: {  	_ =	swait.ge [sflag:s6], $0x100  }
0xc6: {  	[sflag:s6] =	ssyncset.done $0x0  }
0xc7: {  	s21 =	sor.u32 $0x600, s8;
	[sflag:s6] =	ssyncadd.s32 $0xFFFFFF00  }
0xc8: {  	[tilespmem:s7], [sflag:$0x9] =	stream.indirect.gather [hbm4b:s1+s28], $0x80, s21, s28, $0xb8;
	[tilespmem:$0x1D600] =	vst v63  }
0xc9: {  	_ =	swait.ge [sflag:s23], $0x1900  }
0xca: {  	[sflag:s23] =	ssyncset.done $0x0  }
0xcb: {  	[sflag:s23] =	ssyncadd.s32 $0xFFFFE700  }
0xcc: {  	_ =	swait.ge [sflag:s24], $0x100  }
0xcd: {  	[sflag:s24] =	ssyncset.done $0x0  }
0xce: {  	s25 =	sor.u32 $0x800, s8;
	[sflag:s24] =	ssyncadd.s32 $0xFFFFFF00  }
0xcf: {  	[tilespmem:s10], [sflag:$0xA] =	stream.indirect.gather [hbm4b:s1+s28], $0x80, s25, s28, $0xb8;
	[tilespmem:$0x1D600] =	vst v63  }
0xd0: {  	s9 =	sadd.s32 $0x5, s9;
	_ =	swait.ge [sflag:s11], $0x1900  }
0xd1: {  	s25 =	smin.u32 s9, $0xC2;
	s21 =	rddreg [dreg:$0x4]  }
0xd2: {  	[sflag:s11] =	ssyncset.done $0x0;
	s19 =	sadd.s32 s25, s21  }
0xd3: {  	[sflag:s11] =	ssyncadd.s32 $0xFFFFE700;
	s25 =	sor.u32 $0x80, s8;
	s19 =	sshll.u32 s19, $0x5  }
0xd4: {  	[spmem:s3] =	stream.indirect.scatter.add.f32 [tilespmem:s29], [sflag:$0xB], $0x80, s25, s28, $0xb8;
	[tilespmem:$0x1D600] =	vst v63  }
0xd5: {  	s21 =	sxor.u32 $0x100, s8;
	s19 =	sadd.s32 s5, s19  }
0xd6: {  	[tilespmem:s21], [sflag:$0x1] =	stream.linear.gather [hbm4b:s19+s4], $0x100, $0x38;
	[tilespmem:$0x1D600] =	vst v63  }
0xd7: {  	_ =	swait.ge [sflag:s12], $0x1900  }
0xd8: {  	s19 =	smin.u32 s9, $0xC1;
	[sflag:s12] =	ssyncset.done $0x0;
	s25 =	rddreg [dreg:$0x5]  }
0xd9: {  	s29 =	sor.u32 $0x280, s8;
	[sflag:s12] =	ssyncadd.s32 $0xFFFFE700;
	s19 =	sadd.s32 s19, s25  }
0xda: {  	[spmem:s3] =	stream.indirect.scatter.add.f32 [tilespmem:s31], [sflag:$0xC], $0x80, s29, s28, $0xb8;
	[tilespmem:$0x1D600] =	vst v63  }
0xdb: {  	s19 =	sshll.u32 s19, $0x5  }
0xdc: {  	s29 =	sor.u32 $0x200, s21;
	s19 =	sadd.s32 s5, s19  }
0xdd: {  	[tilespmem:s29], [sflag:$0x2] =	stream.linear.gather [hbm4b:s19+s4], $0x100, $0x38;
	[tilespmem:$0x1D600] =	vst v63  }
0xde: {  	_ =	swait.ge [sflag:s13], $0x1900  }
0xdf: {  	s19 =	smin.u32 s9, $0xC0;
	[sflag:s13] =	ssyncset.done $0x0;
	s25 =	rddreg [dreg:$0x6]  }
0xe0: {  	s29 =	sor.u32 $0x480, s8;
	[sflag:s13] =	ssyncadd.s32 $0xFFFFE700;
	s19 =	sadd.s32 s19, s25  }
0xe1: {  	[spmem:s3] =	stream.indirect.scatter.add.f32 [tilespmem:s2], [sflag:$0xD], $0x80, s29, s28, $0xb8;
	[tilespmem:$0x1D600] =	vst v63  }
0xe2: {  	s19 =	sshll.u32 s19, $0x5  }
0xe3: {  	s29 =	sor.u32 $0x400, s21;
	s19 =	sadd.s32 s5, s19  }
0xe4: {  	[tilespmem:s29], [sflag:$0x3] =	stream.linear.gather [hbm4b:s19+s4], $0x100, $0x38;
	[tilespmem:$0x1D600] =	vst v63  }
0xe5: {  	_ =	swait.ge [sflag:s14], $0x1900  }
0xe6: {  	s19 =	smin.u32 s9, $0xBF;
	[sflag:s14] =	ssyncset.done $0x0;
	s25 =	rddreg [dreg:$0x7]  }
0xe7: {  	s29 =	sor.u32 $0x680, s8;
	[sflag:s14] =	ssyncadd.s32 $0xFFFFE700;
	s19 =	sadd.s32 s19, s25  }
0xe8: {  	[spmem:s3] =	stream.indirect.scatter.add.f32 [tilespmem:s7], [sflag:$0xE], $0x80, s29, s28, $0xb8;
	[tilespmem:$0x1D600] =	vst v63  }
0xe9: {  	s19 =	sshll.u32 s19, $0x5  }
0xea: {  	p0 =	sne.s32 s20, $0x2700;
	s29 =	sor.u32 $0x600, s21;
	s19 =	sadd.s32 s5, s19  }
0xeb: {  	[tilespmem:s29], [sflag:$0x4] =	stream.linear.gather [hbm4b:s19+s4], $0x100, $0x38;
	[tilespmem:$0x1D600] =	vst v63  }
.Ltmp0:
0xec: {  	_ =	swait.ge [sflag:s15], $0x1900;
	(pc) =	sbr.rel @p0 .LBB2_2-.Ltmp0, $4  }
0xed: {  	s20 =	sadd.s32 $0x100, s20;
	s8 =	sor.u32 $0x880, s8;
	[sflag:s15] =	ssyncset.done $0x0  }
0xee: {  	s19 =	smin.u32 s9, $0xBE;
	s25 =	rddreg [dreg:$0x8];
	[sflag:s15] =	ssyncadd.s32 $0xFFFFE700  }
0xef: {  	[spmem:s3] =	stream.indirect.scatter.add.f32 [tilespmem:s10], [sflag:$0xF], $0x80, s8, s28, $0xb8;
	[tilespmem:$0x1D600] =	vst v63  }
0xf0: {  	s29 =	simm.s32 $0xA00;
	s8 =	sor.u32 $0x800, s21;
	s21 =	sadd.s32 s19, s25  }
0xf1: {  	s9 =	sshll.u32 s21, $0x5  }
0xf2: {  	s9 =	sadd.s32 s5, s9  }
0xf3: {  	[tilespmem:s8], [sflag:$0x5] =	stream.linear.gather [hbm4b:s9+s4], $0x100, $0x38;
	[tilespmem:$0x1D600] =	vst v63  }
0xf4: {  	_ =	swait.ge [sflag:s16], $0x1900  }
0xf5: {  	[sflag:s16] =	ssyncset.done $0x0  }
0xf6: {  	[sflag:s16] =	ssyncadd.s32 $0xFFFFE700  }
0xf7: {  	_ =	swait.ge [sflag:s26], $0x100  }
0xf8: {  	[sflag:s26] =	ssyncset.done $0x0  }
0xf9: {  	[sflag:s26] =	ssyncadd.s32 $0xFFFFFF00  }
0xfa: {  	_ =	swait.ge [sflag:s17], $0x1900  }
0xfb: {  	[sflag:s17] =	ssyncset.done $0x0  }
0xfc: {  	[sflag:s17] =	ssyncadd.s32 $0xFFFFE700  }
0xfd: {  	_ =	swait.ge [sflag:s30], $0x100  }
0xfe: {  	[sflag:s30] =	ssyncset.done $0x0  }
0xff: {  	[sflag:s30] =	ssyncadd.s32 $0xFFFFFF00  }
0x100: {  	_ =	swait.ge [sflag:s18], $0x1900  }
0x101: {  	[sflag:s18] =	ssyncset.done $0x0  }
0x102: {  	[sflag:s18] =	ssyncadd.s32 $0xFFFFE700  }
0x103: {  	_ =	swait.ge [sflag:s0], $0x100  }
0x104: {  	[sflag:s0] =	ssyncset.done $0x0  }
0x105: {  	[sflag:s0] =	ssyncadd.s32 $0xFFFFFF00  }
0x106: {  	_ =	swait.ge [sflag:s22], $0x1900  }
0x107: {  	[sflag:s22] =	ssyncset.done $0x0  }
0x108: {  	[sflag:s22] =	ssyncadd.s32 $0xFFFFE700  }
0x109: {  	_ =	swait.ge [sflag:s6], $0x100  }
0x10a: {  	[sflag:s6] =	ssyncset.done $0x0  }
0x10b: {  	[sflag:s6] =	ssyncadd.s32 $0xFFFFFF00  }
0x10c: {  	_ =	swait.ge [sflag:s23], $0x1900  }
0x10d: {  	[sflag:s23] =	ssyncset.done $0x0  }
0x10e: {  	[sflag:s23] =	ssyncadd.s32 $0xFFFFE700  }
0x10f: {  	_ =	swait.ge [sflag:s24], $0x100  }
0x110: {  	[sflag:s24] =	ssyncset.done $0x0  }
0x111: {  	[sflag:s24] =	ssyncadd.s32 $0xFFFFFF00  }
0x112: {  	[bflag:$0x0] =	sbarrier.arrive $0xFFFF  }
0x113: {  	s19 =	rddreg [dreg:$0xb]  }
0x114: {  	s20 =	rddreg [dreg:$0x16]  }
0x115: {  	s9 =	simm.s32 $0x10;
	s21 =	rddreg [dreg:$0x19]  }
0x116: {  	[hbm:s20], [sflag:s19] =	dma.local [spmem:s21], $0x2800  }
0x117: {  	_ =	swait.ge [sflag:s9], $0x2800  }
0x118: {  	s20 =	rddreg [dreg:$0x18]  }
0x119: {  	s25 =	rddreg [dreg:$0x17];
	s20 =	sadd.s32 $0x1, s20  }
0x11a: {  	p0 =	sne.s32 s20, s25  }
.Ltmp1:
0x11b: {  	_ = 	snop;
	(pc) =	sbr.rel @p0 .LBB2_1-.Ltmp1, $3  }
0x11c: {  	_ =	sdelay $0x1  }
0x11d: {  	[sflag:s9] =	ssyncset.done $0x0  }
0x11e: {  	[sflag:s9] =	ssyncadd.s32 $0xFFFFD800  }
0x11f: {  	_ =	sfence.sel $0x180000  }
0x120: {  	[bflag:$0x0] =	sbarrier.arrive $0xFFFF  }
0x121: {  	_ =	strace $0x9000004D  }
0x122: {  	s0 =	stileid.u32;
	[bflag:$0x2] =	sbarrier.arrive $0xFFFF  }
0x123: {  	p0 =	sne.s32 s0, $0x0;
	s0 =	rddreg [dreg:$0x3]  }
0x124: {  	s0 =	sadd.s32 @!p0 $0x100000, s0  }
0x125: {  	[sflag:s0] =	ssyncadd.tile.s32 @!p0 $0x1;
	_ =	shalt  }
.Lfunc_end2:
_tile_overlayer_lowered:
.L_overlay_start_2:
0x126: {  	(tag) =	ssettag $0x2  }
0x127: {  	s0 =	rddreg [dreg:$0x0];
	s2 =	stileid.u32  }
0x128: {  	s1 =	rddreg [dreg:$0x1];
	p0 =	sne.s32 s2, $0x0  }
0x129: {  	s3 =	rddreg [dreg:$0x2];
	[bflag:$0x3] =	sbarrier.arrive $0xFFFF;
	s2 =	simm.s32 @!p0 $0x1C10  }
0x12a: {  	[timem:s3], [sflag:s2] =	dma.local @!p0 [hbm:s0], s1  }
0x12b: {  	s0 =	simm.s32 @!p0 $0x10  }
0x12c: {  	_ =	swait.ge @!p0 [sflag:s0], s1  }
0x12d: {  	s1 =	ssub.s32 @!p0 $0x0, s1;
	[sflag:s0] =	ssyncset.done @!p0 $0x0  }
0x12e: {  	[sflag:s0] =	ssyncadd.s32 @!p0 s1  }
0x12f: {  	[bflag:$0x3] =	sbarrier.arrive $0xFFFF  }
0x130: {  	_ =	shalt  }

// kernel: kernel.19.cloned.1.call-start
scs
__scs_entry_jumppad:
0x0: {  	(pc) =	sbr.rel $0x88, $3  }
0x1: {  	(tag) =	ssettag $0x0;
	lr =	simm.s32 $0x1  }
0x2: {  	[smem:$0x3F92] =	sst lr;
	_ =	strace $0xD0000000  }
0x3: {  	_ = 	snop  }
0x4: {  	_ = 	snop  }
0x5: {  	_ = 	snop  }
0x6: {  	_ = 	snop  }
0x7: {  	_ = 	snop  }
__scs_overlays_trampoline_lowered:
0x8: {  	[smem:$0x3FA1] =	sst s0  }
0x9: {  	[smem:$0x3FA2] =	sst s1  }
0xa: {  	[smem:$0x3FA3] =	sst s2  }
0xb: {  	[smem:$0x3FA4] =	sst s3  }
0xc: {  	[smem:$0x3FA5] =	sst s4  }
0xd: {  	[smem:$0x3FA6] =	sst s5  }
0xe: {  	[smem:$0x3FA7] =	sst s6  }
0xf: {  	[smem:$0x3FA8] =	sst s7  }
0x10: {  	[smem:$0x3FA9] =	sst s8  }
0x11: {  	[smem:$0x3FAA] =	sst s9;
	s0 =	simm.s32 @!p0 $0x0  }
0x12: {  	s1 =	sld [smem:$0x3F90];
	s0 =	simm.s32 @p0 $0x1  }
0x13: {  	[smem:$0x3FAB] =	sst s0;
	s0 =	simm.s32 @!p1 $0x0  }
0x14: {  	s2 =	sld [smem:$0x3F8F];
	s0 =	simm.s32 @p1 $0x1  }
0x15: {  	[smem:$0x3FAC] =	sst s0;
	s0 =	simm.s32 @!p2 $0x0  }
0x16: {  	s3 =	sld [smem:$0x3FDB];
	s0 =	simm.s32 @p2 $0x1  }
0x17: {  	s4 =	simm.s32 $0x1BF5;
	[smem:$0x3FAE] =	sst s0  }
0x18: {  	s0 =	sld [smem:$0x3F91];
	_ =	swait.ge [sflag:s4], $0x0  }
0x19: {  	s7 =	sld [smem:$0x3F92]  }
0x1a: {  	s8 =	sadd.s32 $0xFFFFE003, lr  }
0x1b: {  	s9 =	sadd.s32 $0xFFFFFEF7, lr;
	s5 =	simm.s32 $0xFFFFFFFF;
	p2 =	slt.u32 s8, $0xFFFFF086  }
0x1c: {  	p1 =	slt.u32 s9, $0xF7A;
	s5 =	simm.s32 @!p2 $0x0  }
0x1d: {  	s5 =	simm.s32 @p1 $0x1;
	p0 =	seq.s32 s7, s2  }
0x1e: {  	s7 =	smul.u32 @!p0 $0xF7A, s2;
	p2 =	seq.s32 @!p0 s5, $0x0  }
0x1f: {  	s9 =	smul.u32 $0xF7A, s1;
	s8 =	simm.s32 @!p0 $0x1BF5;
	p2 =	por !p2, p0  }
0x20: {  	[sflag:s8] =	ssyncset.s32 @!p0 $0xFFFFF086;
	s6 =	sadd.s32 @!p0 s3, s7;
	s7 =	simm.s32 @!p0 $0x108  }
0x21: {  	s3 =	sadd.s32 s3, s9;
	s6 =	sadd.s32 @!p0 $0x88, s6;
	s7 =	simm.s32 @p2 $0x1082  }
0x22: {  	[simem:s7], [sflag:s8] =	dma.local @!p0 [hbm:s6], $0xF7A  }
0x23: {  	s9 =	sor.u32 $0xD0000000, s2;
	s6 =	simm.s32 $0x108;
	_ =	swait.ge @!p0 [sflag:s8], $0x0  }
0x24: {  	s3 =	sadd.s32 $0x88, s3;
	s6 =	simm.s32 @!p1 $0x1082;
	[sflag:s4] =	ssyncset.s32 $0xFFFFF086  }
0x25: {  	[simem:s6], [sflag:s4] =	dma.local [hbm:s3], $0xF7A  }
0x26: {  	[smem:$0x3F92] =	sst s1;
	(tag) =	ssettag s2;
	_ =	strace s9  }
0x27: {  	s1 =	sld [smem:$0x3FA2]  }
0x28: {  	s2 =	sld [smem:$0x3FA3]  }
0x29: {  	s4 =	sld [smem:$0x3FA5]  }
0x2a: {  	p0 =	seq.s32 s5, $0x0;
	s5 =	sld [smem:$0x3FA6]  }
0x2b: {  	s6 =	sld [smem:$0x3FA7]  }
0x2c: {  	s7 =	sld [smem:$0x3FA8]  }
0x2d: {  	s3 =	simm.s32 $0x108;
	s8 =	sld [smem:$0x3FA9]  }
0x2e: {  	s3 =	simm.s32 @!p0 $0x1082;
	s9 =	sld [smem:$0x3FAA]  }
0x2f: {  	lr =	sadd.s32 s0, s3;
	s0 =	sld [smem:$0x3FA1]  }
0x30: {  	s3 =	sld [smem:$0x3FA4]  }
0x31: {  	[smem:$0x3FAD] =	sst s10  }
0x32: {  	s10 =	sld [smem:$0x3FAB];
	_ =	sdelay $0x3  }
0x33: {  	p0 =	seq.s32 s10, $0x1;
	s10 =	sld [smem:$0x3FAD];
	_ =	sdelay $0x3  }
0x34: {  	[smem:$0x3FAD] =	sst s10  }
0x35: {  	s10 =	sld [smem:$0x3FAC];
	_ =	sdelay $0x3  }
0x36: {  	p1 =	seq.s32 s10, $0x1;
	s10 =	sld [smem:$0x3FAD];
	_ =	sdelay $0x3  }
0x37: {  	[smem:$0x3FAD] =	sst s10  }
0x38: {  	s10 =	sld [smem:$0x3FAE]  }
0x39: {  	_ = 	snop;
	(pc) =	sbr.ind lr, $3  }
0x3a: {  	_ = 	snop  }
0x3b: {  	_ = 	snop  }
0x3c: {  	p2 =	seq.s32 s10, $0x1;
	s10 =	sld [smem:$0x3FAD]  }
0x3d: {  	_ =	shalt  }
0x3e: {  	_ =	shalt  }
0x3f: {  	_ =	shalt  }
0x40: {  	_ =	shalt  }
0x41: {  	_ =	shalt  }
0x42: {  	_ =	shalt  }
0x43: {  	_ =	shalt  }
0x44: {  	_ =	shalt  }
0x45: {  	_ =	shalt  }
0x46: {  	_ =	shalt  }
0x47: {  	_ =	shalt  }
0x48: {  	_ =	shalt  }
0x49: {  	_ =	shalt  }
0x4a: {  	_ =	shalt  }
0x4b: {  	_ =	shalt  }
0x4c: {  	_ =	shalt  }
0x4d: {  	_ =	shalt  }
0x4e: {  	_ =	shalt  }
0x4f: {  	_ =	shalt  }
0x50: {  	_ =	shalt  }
0x51: {  	_ =	shalt  }
0x52: {  	_ =	shalt  }
0x53: {  	_ =	shalt  }
0x54: {  	_ =	shalt  }
0x55: {  	_ =	shalt  }
0x56: {  	_ =	shalt  }
0x57: {  	_ =	shalt  }
0x58: {  	_ =	shalt  }
0x59: {  	_ =	shalt  }
0x5a: {  	_ =	shalt  }
0x5b: {  	_ =	shalt  }
0x5c: {  	_ =	shalt  }
0x5d: {  	_ =	shalt  }
0x5e: {  	_ =	shalt  }
0x5f: {  	_ =	shalt  }
0x60: {  	_ =	shalt  }
0x61: {  	_ =	shalt  }
0x62: {  	_ =	shalt  }
0x63: {  	_ =	shalt  }
0x64: {  	_ =	shalt  }
0x65: {  	_ =	shalt  }
0x66: {  	_ =	shalt  }
0x67: {  	_ =	shalt  }
0x68: {  	_ =	shalt  }
0x69: {  	_ =	shalt  }
0x6a: {  	_ =	shalt  }
0x6b: {  	_ =	shalt  }
0x6c: {  	_ =	shalt  }
0x6d: {  	_ =	shalt  }
0x6e: {  	_ =	shalt  }
0x6f: {  	_ =	shalt  }
0x70: {  	_ =	shalt  }
0x71: {  	_ =	shalt  }
0x72: {  	_ =	shalt  }
0x73: {  	_ =	shalt  }
0x74: {  	_ =	shalt  }
0x75: {  	_ =	shalt  }
0x76: {  	_ =	shalt  }
0x77: {  	_ =	shalt  }
0x78: {  	_ =	shalt  }
0x79: {  	_ =	shalt  }
0x7a: {  	_ =	shalt  }
0x7b: {  	_ =	shalt  }
0x7c: {  	_ =	shalt  }
0x7d: {  	_ =	shalt  }
0x7e: {  	_ =	shalt  }
0x7f: {  	_ =	shalt  }
0x80: {  	_ =	shalt  }
0x81: {  	_ =	shalt  }
0x82: {  	_ =	shalt  }
0x83: {  	_ =	shalt  }
0x84: {  	_ =	shalt  }
0x85: {  	_ =	shalt  }
0x86: {  	_ =	shalt  }
0x87: {  	_ =	shalt  }
.Lfunc_end0:
.L_simem_size_0:
called_computation.3_lowered:
.L_overlay_start_0:
0x88: {  	s2 =	sld [smem:$0x3FD9]  }
0x89: {  	s3 =	sld [smem:$0x3FFE];
	_ =	sdelay $0x1  }
0x8a: {  	s1 =	srdreg.scid  }
0x8b: {  	s0 =	sand.u32 $0x1, s1  }
0x8c: {  	s17 =	sshll.u32 s0, $0xA;
	s2 =	sadd.s32 s3, s2  }
0x8d: {  	s2 =	sadd.s32 s2, s17  }
0x8e: {  	[smem:$0x3FB9] =	sst s2  }
0x8f: {  	_ = 	snop  }
0x90: {  	s2 =	sld [smem:$0x3FD0];
	(tm) =	ssettm $0x1  }
0x91: {  	s18 =	sld [smem:$0x3FFB];
	_ =	sdelay $0x3  }
0x92: {  	_ =	strace s18  }
0x93: {  	s3 =	sld [smem:$0x3FFC];
	_ =	sdelay $0x3  }
0x94: {  	_ =	strace s3  }
0x95: {  	s3 =	sld [smem:$0x3FFD];
	_ =	sdelay $0x3  }
0x96: {  	_ =	strace s3  }
0x97: {  	_ =	strace $0x8FFFFFFF  }
0x98: {  	s19 =	sld [smem:$0x3FDB];
	_ =	sdelay $0x1  }
0x99: {  	s4 =	simm.s32 $_scs_section_size  }
0x9a: {  	s5 =	simm.s32 $_size__tile_overlayer_lowered;
	s6 =	simm.s32 $_tile_overlayer_lowered  }
0x9b: {  	s22 =	simm.s32 $0x1BFF;
	s21 =	sshll.u32 s6, $0x1;
	s3 =	sadd.s32 s4, s19  }
0x9c: {  	s7 =	simm.s32 $0x0;
	s20 =	sshll.u32 s5, $0x1;
	s5 =	sadd.s32 s21, s3  }
0x9d: {  	[timem:s7], [sflag:s22] =	dma.local [hbm:s5], s20  }
0x9e: {  	_ =	swait.ge [sflag:s22], s20  }
0x9f: {  	s4 =	ssub.s32 $0x0, s20;
	[sflag:s22] =	ssyncset.done $0x0  }
0xa0: {  	[sflag:s22] =	ssyncadd.s32 s4;
	_ =	sdelay $0x1  }
0xa1: {  	s23 =	simm.s32 $0x1B8B  }
0xa2: {  	_ =	swait.ge [sflag:s23], $0x1  }
0xa3: {  	[sflag:s23] =	ssyncset.done $0x0  }
0xa4: {  	s25 =	simm.s32 $0x1B8E;
	s24 =	sld [smem:$0x3FFE];
	[sflag:s23] =	ssyncadd.s32 $0xFFFFFFFF  }
0xa5: {  	s26 =	simm.s32 $execute0_lowered;
	[smem:$0x3FD2] =	sst s25  }
0xa6: {  	s5 =	sshll.u32 s26, $0x1;
	_ =	strace $0x8000004F;
	[dreg:$0x1] =	wrdreg $0xFFFFFFFF  }
0xa7: {  	s28 =	simm.s32 $_size_execute0_lowered;
	s3 =	sadd.s32 s3, s5;
	[dreg:$0x0] =	wrdreg $0x0  }
0xa8: {  	s5 =	sshll.u32 s28, $0x1;
	[dreg:$0x2] =	wrdreg s3  }
0xa9: {  	[dreg:$0x3] =	wrdreg s5  }
0xaa: {  	[dreg:$0x4] =	wrdreg $0xC0  }
0xab: {  	_ =	task [dreg:s7], $0x5FFFF  }
0xac: {  	[dreg:$0x1] =	wrdreg $0xFFFFFFFF  }
0xad: {  	[dreg:$0x0] =	wrdreg $0x60  }
0xae: {  	[dreg:$0x2] =	wrdreg s2  }
0xaf: {  	[dreg:$0x3] =	wrdreg s24  }
0xb0: {  	[dreg:$0x4] =	wrdreg $0x96000  }
0xb1: {  	[dreg:$0x5] =	wrdreg $0x9  }
0xb2: {  	_ =	task.clear_ibuf [dreg:s7], $0x6FFFF;
	_ =	strace $0x9000004F  }
0xb3: {  	s29 =	simm.s32 $0x9;
	_ =	strace $0x80000051  }
0xb4: {  	_ =	swait.ge [sflag:s29], $0x1  }
0xb5: {  	[sflag:s29] =	ssyncadd.s32 $0xFFFFFFFF  }
0xb6: {  	_ =	strace $0x90000051  }
0xb7: {  	_ =	sfence  }
0xb8: {  	s30 =	sld [smem:$0x0];
	_ =	sdelay $0x2  }
0xb9: {  	s31 =	sshll.u32 s1, $0xD;
	s1 =	sshrl.u32 s1, $0x2  }
0xba: {  	s3 =	sand.u32 $0x4000, s31;
	s1 =	sadd.s32 s1, s30  }
0xbb: {  	s0 =	sor.u32 s3, s0;
	s1 =	sshll.u32 s1, $0x11  }
0xbc: {  	s0 =	sor.u32 s1, s0  }
0xbd: {  	s0 =	sadd.s32 $0x8F2B, s0  }
0xbe: {  	[sflag:s0] =	ssyncadd.remote.s32 $0x1  }
0xbf: {  	_ =	sfence.sel $0xFFFF  }
0xc0: {  	[dreg:$0x0] =	wrdreg $0xFFFFFFFF;
	(pc) =	sbr.abs _section_cstart, $3  }
0xc1: {  	[dreg:$0x1] =	wrdreg $0xFFFFFFFF  }
0xc2: {  	_ =	task.clear_ibuf [dreg:s7], $0x2FFFF;
	_ =	strace $0x9FFFFFFF  }
0xc3: {  	(tm) =	ssettm $0x7FFFFFFF  }
tec
execute0_lowered:
.L_overlay_start_1:
0x0: {  	(tag) =	ssettag $0x1  }
0x1: {  	s1 =	rddreg [dreg:$0x0]  }
0x2: {  	s0 =	rddreg [dreg:$0x1]  }
0x3: {  	s3 =	rddreg [dreg:$0x2]  }
0x4: {  	s2 =	srdreg.scid;
	s10 =	stileid.u32;
	s4 =	simm.s32 $0x0  }
0x5: {  	s28 =	simm.s32 $0x32;
	s29 =	simm.s32 $0xA00;
	s30 =	simm.s32 $0x2  }
0x6: {  	s31 =	simm.s32 $0x2600;
	s2 =	sand.u32 $0x1, s2;
	s6 =	smul.u32 $0x2800, s10  }
0x7: {  	[smem:$0x7FF] =	sst s4;
	s5 =	sadd.s32 $0x61200, s0;
	s8 =	sadd.s32 $0xE200, s0  }
0x8: {  	s24 =	sshll.u32 s10, $0x1;
	s25 =	smul.u32 $0x50000, s10;
	s10 =	sshll.u32 s10, $0x6  }
0x9: {  	s7 =	smul.u32 $0x28000, s2;
	_ =	strace $0x80000050;
	[dreg:$0x9] =	wrdreg s8  }
0xa: {  	s23 =	ssub.s32 $0x2, s2;
	s2 =	sor.u32 s2, s24;
	s19 =	sor.u32 $0x1C10, s10  }
0xb: {  	s10 =	simm.s32 $0x7A00;
	s11 =	smul.u32 $0x1900, s2;
	s8 =	sshrl.u32 s25, $0x2  }
0xc: {  	s12 =	smul.u32 $0xC8, s2;
	[dreg:$0xb] =	wrdreg s19;
	s8 =	sadd.s32 s8, s3  }
0xd: {  	s6 =	sadd.s32 s6, s7;
	[dreg:$0xa] =	wrdreg s8;
	s7 =	sadd.s32 s5, s11  }
0xe: {  	s9 =	sshrl.u32 s23, $0x1;
	s20 =	sor.u32 $0x5, s12;
	[dreg:$0xc] =	wrdreg s7  }
0xf: {  	s2 =	smul.u32 $0xC800, s2;
	s21 =	sor.u32 $0x6, s12;
	[dreg:$0x4] =	wrdreg s20  }
0x10: {  	s26 =	ssub.s32 s23, s9;
	s22 =	sor.u32 $0x7, s12;
	[dreg:$0x5] =	wrdreg s21  }
0x11: {  	s9 =	simm.s32 $0x10;
	s24 =	sadd.s32 $0x8, s12;
	[dreg:$0x6] =	wrdreg s22  }
0x12: {  	s0 =	sadd.s32 s6, s0;
	s25 =	sadd.s32 $0x9, s12;
	[dreg:$0x7] =	wrdreg s24  }
0x13: {  	s2 =	sshrl.u32 s2, $0x3;
	s26 =	smax.u32 s26, $0x1;
	[dreg:$0x8] =	wrdreg s25  }
0x14: {  	s6 =	simm.s32 $0x4;
	s13 =	sadd.s32 $0x20, s7;
	[dreg:$0x17] =	wrdreg s26  }
0x15: {  	s11 =	simm.s32 $0x6;
	s14 =	sadd.s32 $0x40, s7;
	[dreg:$0xd] =	wrdreg s13  }
0x16: {  	s12 =	simm.s32 $0x7;
	s15 =	sadd.s32 $0x60, s7;
	[dreg:$0xe] =	wrdreg s14  }
0x17: {  	s16 =	sadd.s32 $0x80, s7;
	s17 =	sadd.s32 $0xA0, s7;
	[dreg:$0xf] =	wrdreg s15  }
0x18: {  	s18 =	sadd.s32 $0xC0, s7;
	s7 =	sadd.s32 $0xE0, s7;
	[dreg:$0x10] =	wrdreg s16  }
0x19: {  	s2 =	sadd.s32 s5, s2;
	s0 =	sadd.s32 $0x93200, s0;
	[dreg:$0x11] =	wrdreg s17  }
0x1a: {  	s26 =	simm.s32 $0x1;
	s22 =	simm.s32 $0xE;
	[dreg:$0x12] =	wrdreg s18  }
0x1b: {  	s24 =	simm.s32 $0x5;
	s20 =	simm.s32 $0x0;
	[dreg:$0x13] =	wrdreg s7  }
0x1c: {  	s23 =	sadd.s32 $0x100, s2;
	s2 =	sadd.s32 $0x120, s2;
	[dreg:$0x16] =	wrdreg s0  }
0x1d: {  	s0 =	simm.s32 $0x3;
	s7 =	simm.s32 $0x5E00;
	s13 =	simm.s32 $0x8  }
0x1e: {  	s14 =	simm.s32 $0x9;
	s15 =	simm.s32 $0xA;
	s16 =	simm.s32 $0xB  }
0x1f: {  	s17 =	simm.s32 $0xC;
	s18 =	simm.s32 $0xD;
	[dreg:$0x14] =	wrdreg s23  }
0x20: {  	[dreg:$0x15] =	wrdreg s2;
	s2 =	simm.s32 $0x4200;
	s23 =	simm.s32 $0xF  }
.LBB2_1:
0x21: {  	[dreg:$0x18] =	wrdreg s20  }
0x22: {  	s8 =	rddreg [dreg:$0xa]  }
0x23: {  	s25 =	rddreg [dreg:$0x9];
	s21 =	sshrl.u32 s8, $0x3  }
0x24: {  	[dreg:$0x19] =	wrdreg s21  }
0x25: {  	[spmem:s21], [sflag:s19] =	dma.local [hbm:s25], $0x2800  }
0x26: {  	_ =	swait.ge [sflag:s9], $0x2800  }
0x27: {  	[sflag:s9] =	ssyncset.done $0x0  }
0x28: {  	[sflag:s9] =	ssyncadd.s32 $0xFFFFD800  }
0x29: {  	[bflag:$0x0] =	sbarrier.arrive $0xFFFF  }
0x2a: {  	s9 =	rddreg [dreg:$0xc]  }
0x2b: {  	[tilespmem:s4], [sflag:$0x1] =	stream.linear.gather [hbm4b:s9+s4], $0x100, $0x38;
	[tilespmem:$0x1D600] =	vst v63  }
0x2c: {  	s19 =	rddreg [dreg:$0xd];
	s9 =	simm.s32 $0x200  }
0x2d: {  	[tilespmem:s9], [sflag:$0x2] =	stream.linear.gather [hbm4b:s19+s4], $0x100, $0x38;
	[tilespmem:$0x1D600] =	vst v63  }
0x2e: {  	s20 =	rddreg [dreg:$0xe];
	s19 =	simm.s32 $0x400  }
0x2f: {  	[tilespmem:s19], [sflag:$0x3] =	stream.linear.gather [hbm4b:s20+s4], $0x100, $0x38;
	[tilespmem:$0x1D600] =	vst v63  }
0x30: {  	s21 =	rddreg [dreg:$0xf];
	s20 =	simm.s32 $0x600  }
0x31: {  	[tilespmem:s20], [sflag:$0x4] =	stream.linear.gather [hbm4b:s21+s4], $0x100, $0x38;
	[tilespmem:$0x1D600] =	vst v63  }
0x32: {  	s25 =	rddreg [dreg:$0x10];
	s21 =	simm.s32 $0x800  }
0x33: {  	[tilespmem:s21], [sflag:$0x5] =	stream.linear.gather [hbm4b:s25+s4], $0x100, $0x38;
	[tilespmem:$0x1D600] =	vst v63  }
0x34: {  	_ =	swait.ge [sflag:s26], $0x100  }
0x35: {  	[sflag:s26] =	ssyncset.done $0x0  }
0x36: {  	[sflag:s26] =	ssyncadd.s32 $0xFFFFFF00  }
0x37: {  	[tilespmem:s29], [sflag:$0x6] =	stream.indirect.gather [hbm4b:s1+s28], $0x80, s4, s28, $0xb8;
	[tilespmem:$0x1D600] =	vst v63  }
0x38: {  	_ =	swait.ge [sflag:s30], $0x100  }
0x39: {  	[sflag:s30] =	ssyncset.done $0x0  }
0x3a: {  	[sflag:s30] =	ssyncadd.s32 $0xFFFFFF00  }
0x3b: {  	[tilespmem:s31], [sflag:$0x7] =	stream.indirect.gather [hbm4b:s1+s28], $0x80, s9, s28, $0xb8;
	[tilespmem:$0x1D600] =	vst v63  }
0x3c: {  	_ =	swait.ge [sflag:s0], $0x100  }
0x3d: {  	[sflag:s0] =	ssyncset.done $0x0  }
0x3e: {  	[sflag:s0] =	ssyncadd.s32 $0xFFFFFF00  }
0x3f: {  	[tilespmem:s2], [sflag:$0x8] =	stream.indirect.gather [hbm4b:s1+s28], $0x80, s19, s28, $0xb8;
	[tilespmem:$0x1D600] =	vst v63  }
0x40: {  	_ =	swait.ge [sflag:s6], $0x100  }
0x41: {  	[sflag:s6] =	ssyncset.done $0x0  }
0x42: {  	[sflag:s6] =	ssyncadd.s32 $0xFFFFFF00  }
0x43: {  	[tilespmem:s7], [sflag:$0x9] =	stream.indirect.gather [hbm4b:s1+s28], $0x80, s20, s28, $0xb8;
	[tilespmem:$0x1D600] =	vst v63  }
0x44: {  	_ =	swait.ge [sflag:s24], $0x100  }
0x45: {  	[sflag:s24] =	ssyncset.done $0x0  }
0x46: {  	[sflag:s24] =	ssyncadd.s32 $0xFFFFFF00  }
0x47: {  	[tilespmem:s10], [sflag:$0xA] =	stream.indirect.gather [hbm4b:s1+s28], $0x80, s21, s28, $0xb8;
	[tilespmem:$0x1D600] =	vst v63  }
0x48: {  	_ =	swait.ge [sflag:s11], $0x1900  }
0x49: {  	[sflag:s11] =	ssyncset.done $0x0  }
0x4a: {  	s9 =	simm.s32 $0x80;
	[sflag:s11] =	ssyncadd.s32 $0xFFFFE700  }
0x4b: {  	[spmem:s3] =	stream.indirect.scatter.add.f32 [tilespmem:s29], [sflag:$0xB], $0x80, s9, s28, $0xb8;
	[tilespmem:$0x1D600] =	vst v63  }
0x4c: {  	s8 =	simm.s32 $0x100;
	s19 =	rddreg [dreg:$0x11]  }
0x4d: {  	[tilespmem:s8], [sflag:$0x1] =	stream.linear.gather [hbm4b:s19+s4], $0x100, $0x38;
	[tilespmem:$0x1D600] =	vst v63  }
0x4e: {  	_ =	swait.ge [sflag:s12], $0x1900  }
0x4f: {  	[sflag:s12] =	ssyncset.done $0x0  }
0x50: {  	s20 =	simm.s32 $0x280;
	[sflag:s12] =	ssyncadd.s32 $0xFFFFE700  }
0x51: {  	[spmem:s3] =	stream.indirect.scatter.add.f32 [tilespmem:s31], [sflag:$0xC], $0x80, s20, s28, $0xb8;
	[tilespmem:$0x1D600] =	vst v63  }
0x52: {  	s25 =	simm.s32 $0x300;
	s21 =	rddreg [dreg:$0x12]  }
0x53: {  	[tilespmem:s25], [sflag:$0x2] =	stream.linear.gather [hbm4b:s21+s4], $0x100, $0x38;
	[tilespmem:$0x1D600] =	vst v63  }
0x54: {  	_ =	swait.ge [sflag:s13], $0x1900  }
0x55: {  	[sflag:s13] =	ssyncset.done $0x0  }
0x56: {  	s20 =	simm.s32 $0x480;
	[sflag:s13] =	ssyncadd.s32 $0xFFFFE700  }
0x57: {  	[spmem:s3] =	stream.indirect.scatter.add.f32 [tilespmem:s2], [sflag:$0xD], $0x80, s20, s28, $0xb8;
	[tilespmem:$0x1D600] =	vst v63  }
0x58: {  	s25 =	simm.s32 $0x500;
	s21 =	rddreg [dreg:$0x13]  }
0x59: {  	[tilespmem:s25], [sflag:$0x3] =	stream.linear.gather [hbm4b:s21+s4], $0x100, $0x38;
	[tilespmem:$0x1D600] =	vst v63  }
0x5a: {  	_ =	swait.ge [sflag:s14], $0x1900  }
0x5b: {  	[sflag:s14] =	ssyncset.done $0x0  }
0x5c: {  	s20 =	simm.s32 $0x680;
	[sflag:s14] =	ssyncadd.s32 $0xFFFFE700  }
0x5d: {  	[spmem:s3] =	stream.indirect.scatter.add.f32 [tilespmem:s7], [sflag:$0xE], $0x80, s20, s28, $0xb8;
	[tilespmem:$0x1D600] =	vst v63  }
0x5e: {  	s25 =	simm.s32 $0x700;
	s21 =	rddreg [dreg:$0x14]  }
0x5f: {  	[tilespmem:s25], [sflag:$0x4] =	stream.linear.gather [hbm4b:s21+s4], $0x100, $0x38;
	[tilespmem:$0x1D600] =	vst v63  }
0x60: {  	_ =	swait.ge [sflag:s15], $0x1900  }
0x61: {  	[sflag:s15] =	ssyncset.done $0x0  }
0x62: {  	s19 =	simm.s32 $0x880;
	[sflag:s15] =	ssyncadd.s32 $0xFFFFE700  }
0x63: {  	[spmem:s3] =	stream.indirect.scatter.add.f32 [tilespmem:s10], [sflag:$0xF], $0x80, s19, s28, $0xb8;
	[tilespmem:$0x1D600] =	vst v63  }
0x64: {  	s21 =	simm.s32 $0x900;
	s20 =	rddreg [dreg:$0x15]  }
0x65: {  	[tilespmem:s21], [sflag:$0x5] =	stream.linear.gather [hbm4b:s20+s4], $0x100, $0x38;
	[tilespmem:$0x1D600] =	vst v63  }
0x66: {  	_ =	swait.ge [sflag:s16], $0x1900  }
0x67: {  	[sflag:s16] =	ssyncset.done $0x0  }
0x68: {  	[sflag:s16] =	ssyncadd.s32 $0xFFFFE700  }
0x69: {  	_ =	swait.ge [sflag:s26], $0x100  }
0x6a: {  	[sflag:s26] =	ssyncset.done $0x0  }
0x6b: {  	s8 =	sand.u32 $0x100, s8;
	[sflag:s26] =	ssyncadd.s32 $0xFFFFFF00  }
0x6c: {  	[tilespmem:s29], [sflag:$0x6] =	stream.indirect.gather [hbm4b:s1+s28], $0x80, s8, s28, $0xb8;
	[tilespmem:$0x1D600] =	vst v63  }
0x6d: {  	_ =	swait.ge [sflag:s17], $0x1900  }
0x6e: {  	[sflag:s17] =	ssyncset.done $0x0  }
0x6f: {  	[sflag:s17] =	ssyncadd.s32 $0xFFFFE700  }
0x70: {  	_ =	swait.ge [sflag:s30], $0x100  }
0x71: {  	[sflag:s30] =	ssyncset.done $0x0  }
0x72: {  	s25 =	sor.u32 $0x200, s8;
	[sflag:s30] =	ssyncadd.s32 $0xFFFFFF00  }
0x73: {  	[tilespmem:s31], [sflag:$0x7] =	stream.indirect.gather [hbm4b:s1+s28], $0x80, s25, s28, $0xb8;
	[tilespmem:$0x1D600] =	vst v63  }
0x74: {  	_ =	swait.ge [sflag:s18], $0x1900  }
0x75: {  	[sflag:s18] =	ssyncset.done $0x0  }
0x76: {  	[sflag:s18] =	ssyncadd.s32 $0xFFFFE700  }
0x77: {  	_ =	swait.ge [sflag:s0], $0x100  }
0x78: {  	[sflag:s0] =	ssyncset.done $0x0  }
0x79: {  	s19 =	sor.u32 $0x400, s8;
	[sflag:s0] =	ssyncadd.s32 $0xFFFFFF00  }
0x7a: {  	[tilespmem:s2], [sflag:$0x8] =	stream.indirect.gather [hbm4b:s1+s28], $0x80, s19, s28, $0xb8;
	[tilespmem:$0x1D600] =	vst v63  }
0x7b: {  	_ =	swait.ge [sflag:s22], $0x1900  }
0x7c: {  	[sflag:s22] =	ssyncset.done $0x0  }
0x7d: {  	[sflag:s22] =	ssyncadd.s32 $0xFFFFE700  }
0x7e: {  	_ =	swait.ge [sflag:s6], $0x100  }
0x7f: {  	[sflag:s6] =	ssyncset.done $0x0  }
0x80: {  	s20 =	sor.u32 $0x600, s8;
	[sflag:s6] =	ssyncadd.s32 $0xFFFFFF00  }
0x81: {  	[tilespmem:s7], [sflag:$0x9] =	stream.indirect.gather [hbm4b:s1+s28], $0x80, s20, s28, $0xb8;
	[tilespmem:$0x1D600] =	vst v63  }
0x82: {  	_ =	swait.ge [sflag:s23], $0x1900  }
0x83: {  	[sflag:s23] =	ssyncset.done $0x0  }
0x84: {  	[sflag:s23] =	ssyncadd.s32 $0xFFFFE700  }
0x85: {  	_ =	swait.ge [sflag:s24], $0x100  }
0x86: {  	[sflag:s24] =	ssyncset.done $0x0  }
0x87: {  	s21 =	sor.u32 $0x800, s8;
	[sflag:s24] =	ssyncadd.s32 $0xFFFFFF00  }
0x88: {  	[tilespmem:s10], [sflag:$0xA] =	stream.indirect.gather [hbm4b:s1+s28], $0x80, s21, s28, $0xb8;
	[tilespmem:$0x1D600] =	vst v63  }
0x89: {  	_ =	swait.ge [sflag:s11], $0x1900  }
0x8a: {  	s19 =	smin.u32 s24, $0xC2;
	s25 =	rddreg [dreg:$0x4]  }
0x8b: {  	[sflag:s11] =	ssyncset.done $0x0;
	s9 =	sadd.s32 s19, s25  }
0x8c: {  	s21 =	sor.u32 $0x80, s8;
	[sflag:s11] =	ssyncadd.s32 $0xFFFFE700;
	s9 =	sshll.u32 s9, $0x5  }
0x8d: {  	[spmem:s3] =	stream.indirect.scatter.add.f32 [tilespmem:s29], [sflag:$0xB], $0x80, s21, s28, $0xb8;
	[tilespmem:$0x1D600] =	vst v63  }
0x8e: {  	s21 =	sxor.u32 $0x100, s8;
	s9 =	sadd.s32 s5, s9  }
0x8f: {  	[tilespmem:s21], [sflag:$0x1] =	stream.linear.gather [hbm4b:s9+s4], $0x100, $0x38;
	[tilespmem:$0x1D600] =	vst v63  }
0x90: {  	_ =	swait.ge [sflag:s12], $0x1900  }
0x91: {  	s19 =	smin.u32 s24, $0xC1;
	[sflag:s12] =	ssyncset.done $0x0;
	s9 =	rddreg [dreg:$0x5]  }
0x92: {  	s25 =	sor.u32 $0x280, s8;
	[sflag:s12] =	ssyncadd.s32 $0xFFFFE700;
	s9 =	sadd.s32 s19, s9  }
0x93: {  	[spmem:s3] =	stream.indirect.scatter.add.f32 [tilespmem:s31], [sflag:$0xC], $0x80, s25, s28, $0xb8;
	[tilespmem:$0x1D600] =	vst v63  }
0x94: {  	s9 =	sshll.u32 s9, $0x5  }
0x95: {  	s25 =	sor.u32 $0x200, s21;
	s9 =	sadd.s32 s5, s9  }
0x96: {  	[tilespmem:s25], [sflag:$0x2] =	stream.linear.gather [hbm4b:s9+s4], $0x100, $0x38;
	[tilespmem:$0x1D600] =	vst v63  }
0x97: {  	_ =	swait.ge [sflag:s13], $0x1900  }
0x98: {  	s25 =	smin.u32 s24, $0xC0;
	[sflag:s13] =	ssyncset.done $0x0;
	s9 =	rddreg [dreg:$0x6]  }
0x99: {  	s19 =	sor.u32 $0x480, s8;
	[sflag:s13] =	ssyncadd.s32 $0xFFFFE700;
	s9 =	sadd.s32 s25, s9  }
0x9a: {  	[spmem:s3] =	stream.indirect.scatter.add.f32 [tilespmem:s2], [sflag:$0xD], $0x80, s19, s28, $0xb8;
	[tilespmem:$0x1D600] =	vst v63  }
0x9b: {  	s9 =	sshll.u32 s9, $0x5  }
0x9c: {  	s19 =	sor.u32 $0x400, s21;
	s9 =	sadd.s32 s5, s9  }
0x9d: {  	[tilespmem:s19], [sflag:$0x3] =	stream.linear.gather [hbm4b:s9+s4], $0x100, $0x38;
	[tilespmem:$0x1D600] =	vst v63  }
0x9e: {  	_ =	swait.ge [sflag:s14], $0x1900  }
0x9f: {  	s19 =	smin.u32 s24, $0xBF;
	[sflag:s14] =	ssyncset.done $0x0;
	s9 =	rddreg [dreg:$0x7]  }
0xa0: {  	s25 =	sor.u32 $0x680, s8;
	[sflag:s14] =	ssyncadd.s32 $0xFFFFE700;
	s9 =	sadd.s32 s19, s9  }
0xa1: {  	[spmem:s3] =	stream.indirect.scatter.add.f32 [tilespmem:s7], [sflag:$0xE], $0x80, s25, s28, $0xb8;
	[tilespmem:$0x1D600] =	vst v63  }
0xa2: {  	s9 =	sshll.u32 s9, $0x5  }
0xa3: {  	s25 =	sor.u32 $0x600, s21;
	s9 =	sadd.s32 s5, s9  }
0xa4: {  	[tilespmem:s25], [sflag:$0x4] =	stream.linear.gather [hbm4b:s9+s4], $0x100, $0x38;
	[tilespmem:$0x1D600] =	vst v63  }
0xa5: {  	_ =	swait.ge [sflag:s15], $0x1900  }
0xa6: {  	s20 =	simm.s32 $0x200;
	s8 =	sor.u32 $0x880, s8;
	[sflag:s15] =	ssyncset.done $0x0  }
0xa7: {  	s25 =	smin.u32 s24, $0xBE;
	s19 =	rddreg [dreg:$0x8];
	[sflag:s15] =	ssyncadd.s32 $0xFFFFE700  }
0xa8: {  	[spmem:s3] =	stream.indirect.scatter.add.f32 [tilespmem:s10], [sflag:$0xF], $0x80, s8, s28, $0xb8;
	[tilespmem:$0x1D600] =	vst v63  }
0xa9: {  	s9 =	simm.s32 $0x5;
	s8 =	sor.u32 $0x800, s21;
	s21 =	sadd.s32 s25, s19  }
.LBB2_2:
0xaa: {  	s19 =	sshll.u32 s21, $0x5  }
0xab: {  	s19 =	sadd.s32 s5, s19  }
0xac: {  	[tilespmem:s8], [sflag:$0x5] =	stream.linear.gather [hbm4b:s19+s4], $0x100, $0x38;
	[tilespmem:$0x1D600] =	vst v63  }
0xad: {  	_ =	swait.ge [sflag:s16], $0x1900  }
0xae: {  	[sflag:s16] =	ssyncset.done $0x0  }
0xaf: {  	[sflag:s16] =	ssyncadd.s32 $0xFFFFE700  }
0xb0: {  	_ =	swait.ge [sflag:s26], $0x100  }
0xb1: {  	s25 =	smov.u32 s20;
	[sflag:s26] =	ssyncset.done $0x0  }
0xb2: {  	s8 =	sand.u32 $0x100, s25;
	[sflag:s26] =	ssyncadd.s32 $0xFFFFFF00  }
0xb3: {  	[tilespmem:s29], [sflag:$0x6] =	stream.indirect.gather [hbm4b:s1+s28], $0x80, s8, s28, $0xb8;
	[tilespmem:$0x1D600] =	vst v63  }
0xb4: {  	_ =	swait.ge [sflag:s17], $0x1900  }
0xb5: {  	[sflag:s17] =	ssyncset.done $0x0  }
0xb6: {  	[sflag:s17] =	ssyncadd.s32 $0xFFFFE700  }
0xb7: {  	_ =	swait.ge [sflag:s30], $0x100  }
0xb8: {  	[sflag:s30] =	ssyncset.done $0x0  }
0xb9: {  	s21 =	sor.u32 $0x200, s8;
	[sflag:s30] =	ssyncadd.s32 $0xFFFFFF00  }
0xba: {  	[tilespmem:s31], [sflag:$0x7] =	stream.indirect.gather [hbm4b:s1+s28], $0x80, s21, s28, $0xb8;
	[tilespmem:$0x1D600] =	vst v63  }
0xbb: {  	_ =	swait.ge [sflag:s18], $0x1900  }
0xbc: {  	[sflag:s18] =	ssyncset.done $0x0  }
0xbd: {  	[sflag:s18] =	ssyncadd.s32 $0xFFFFE700  }
0xbe: {  	_ =	swait.ge [sflag:s0], $0x100  }
0xbf: {  	[sflag:s0] =	ssyncset.done $0x0  }
0xc0: {  	s25 =	sor.u32 $0x400, s8;
	[sflag:s0] =	ssyncadd.s32 $0xFFFFFF00  }
0xc1: {  	[tilespmem:s2], [sflag:$0x8] =	stream.indirect.gather [hbm4b:s1+s28], $0x80, s25, s28, $0xb8;
	[tilespmem:$0x1D600] =	vst v63  }
0xc2: {  	_ =	swait.ge [sflag:s22], $0x1900  }
0xc3: {  	[sflag:s22] =	ssyncset.done $0x0  }
0xc4: {  	[sflag:s22] =	ssyncadd.s32 $0xFFFFE700  }
0xc5: {  	_ =	swait.ge [sflag:s6], $0x100  }
0xc6: {  	[sflag:s6] =	ssyncset.done $0x0  }
0xc7: {  	s21 =	sor.u32 $0x600, s8;
	[sflag:s6] =	ssyncadd.s32 $0xFFFFFF00  }
0xc8: {  	[tilespmem:s7], [sflag:$0x9] =	stream.indirect.gather [hbm4b:s1+s28], $0x80, s21, s28, $0xb8;
	[tilespmem:$0x1D600] =	vst v63  }
0xc9: {  	_ =	swait.ge [sflag:s23], $0x1900  }
0xca: {  	[sflag:s23] =	ssyncset.done $0x0  }
0xcb: {  	[sflag:s23] =	ssyncadd.s32 $0xFFFFE700  }
0xcc: {  	_ =	swait.ge [sflag:s24], $0x100  }
0xcd: {  	[sflag:s24] =	ssyncset.done $0x0  }
0xce: {  	s25 =	sor.u32 $0x800, s8;
	[sflag:s24] =	ssyncadd.s32 $0xFFFFFF00  }
0xcf: {  	[tilespmem:s10], [sflag:$0xA] =	stream.indirect.gather [hbm4b:s1+s28], $0x80, s25, s28, $0xb8;
	[tilespmem:$0x1D600] =	vst v63  }
0xd0: {  	s9 =	sadd.s32 $0x5, s9;
	_ =	swait.ge [sflag:s11], $0x1900  }
0xd1: {  	s25 =	smin.u32 s9, $0xC2;
	s21 =	rddreg [dreg:$0x4]  }
0xd2: {  	[sflag:s11] =	ssyncset.done $0x0;
	s19 =	sadd.s32 s25, s21  }
0xd3: {  	[sflag:s11] =	ssyncadd.s32 $0xFFFFE700;
	s25 =	sor.u32 $0x80, s8;
	s19 =	sshll.u32 s19, $0x5  }
0xd4: {  	[spmem:s3] =	stream.indirect.scatter.add.f32 [tilespmem:s29], [sflag:$0xB], $0x80, s25, s28, $0xb8;
	[tilespmem:$0x1D600] =	vst v63  }
0xd5: {  	s21 =	sxor.u32 $0x100, s8;
	s19 =	sadd.s32 s5, s19  }
0xd6: {  	[tilespmem:s21], [sflag:$0x1] =	stream.linear.gather [hbm4b:s19+s4], $0x100, $0x38;
	[tilespmem:$0x1D600] =	vst v63  }
0xd7: {  	_ =	swait.ge [sflag:s12], $0x1900  }
0xd8: {  	s19 =	smin.u32 s9, $0xC1;
	[sflag:s12] =	ssyncset.done $0x0;
	s25 =	rddreg [dreg:$0x5]  }
0xd9: {  	s29 =	sor.u32 $0x280, s8;
	[sflag:s12] =	ssyncadd.s32 $0xFFFFE700;
	s19 =	sadd.s32 s19, s25  }
0xda: {  	[spmem:s3] =	stream.indirect.scatter.add.f32 [tilespmem:s31], [sflag:$0xC], $0x80, s29, s28, $0xb8;
	[tilespmem:$0x1D600] =	vst v63  }
0xdb: {  	s19 =	sshll.u32 s19, $0x5  }
0xdc: {  	s29 =	sor.u32 $0x200, s21;
	s19 =	sadd.s32 s5, s19  }
0xdd: {  	[tilespmem:s29], [sflag:$0x2] =	stream.linear.gather [hbm4b:s19+s4], $0x100, $0x38;
	[tilespmem:$0x1D600] =	vst v63  }
0xde: {  	_ =	swait.ge [sflag:s13], $0x1900  }
0xdf: {  	s19 =	smin.u32 s9, $0xC0;
	[sflag:s13] =	ssyncset.done $0x0;
	s25 =	rddreg [dreg:$0x6]  }
0xe0: {  	s29 =	sor.u32 $0x480, s8;
	[sflag:s13] =	ssyncadd.s32 $0xFFFFE700;
	s19 =	sadd.s32 s19, s25  }
0xe1: {  	[spmem:s3] =	stream.indirect.scatter.add.f32 [tilespmem:s2], [sflag:$0xD], $0x80, s29, s28, $0xb8;
	[tilespmem:$0x1D600] =	vst v63  }
0xe2: {  	s19 =	sshll.u32 s19, $0x5  }
0xe3: {  	s29 =	sor.u32 $0x400, s21;
	s19 =	sadd.s32 s5, s19  }
0xe4: {  	[tilespmem:s29], [sflag:$0x3] =	stream.linear.gather [hbm4b:s19+s4], $0x100, $0x38;
	[tilespmem:$0x1D600] =	vst v63  }
0xe5: {  	_ =	swait.ge [sflag:s14], $0x1900  }
0xe6: {  	s19 =	smin.u32 s9, $0xBF;
	[sflag:s14] =	ssyncset.done $0x0;
	s25 =	rddreg [dreg:$0x7]  }
0xe7: {  	s29 =	sor.u32 $0x680, s8;
	[sflag:s14] =	ssyncadd.s32 $0xFFFFE700;
	s19 =	sadd.s32 s19, s25  }
0xe8: {  	[spmem:s3] =	stream.indirect.scatter.add.f32 [tilespmem:s7], [sflag:$0xE], $0x80, s29, s28, $0xb8;
	[tilespmem:$0x1D600] =	vst v63  }
0xe9: {  	s19 =	sshll.u32 s19, $0x5  }
0xea: {  	p0 =	sne.s32 s20, $0x2700;
	s29 =	sor.u32 $0x600, s21;
	s19 =	sadd.s32 s5, s19  }
0xeb: {  	[tilespmem:s29], [sflag:$0x4] =	stream.linear.gather [hbm4b:s19+s4], $0x100, $0x38;
	[tilespmem:$0x1D600] =	vst v63  }
.Ltmp0:
0xec: {  	_ =	swait.ge [sflag:s15], $0x1900;
	(pc) =	sbr.rel @p0 .LBB2_2-.Ltmp0, $4  }
0xed: {  	s20 =	sadd.s32 $0x100, s20;
	s8 =	sor.u32 $0x880, s8;
	[sflag:s15] =	ssyncset.done $0x0  }
0xee: {  	s19 =	smin.u32 s9, $0xBE;
	s25 =	rddreg [dreg:$0x8];
	[sflag:s15] =	ssyncadd.s32 $0xFFFFE700  }
0xef: {  	[spmem:s3] =	stream.indirect.scatter.add.f32 [tilespmem:s10], [sflag:$0xF], $0x80, s8, s28, $0xb8;
	[tilespmem:$0x1D600] =	vst v63  }
0xf0: {  	s29 =	simm.s32 $0xA00;
	s8 =	sor.u32 $0x800, s21;
	s21 =	sadd.s32 s19, s25  }
0xf1: {  	s9 =	sshll.u32 s21, $0x5  }
0xf2: {  	s9 =	sadd.s32 s5, s9  }
0xf3: {  	[tilespmem:s8], [sflag:$0x5] =	stream.linear.gather [hbm4b:s9+s4], $0x100, $0x38;
	[tilespmem:$0x1D600] =	vst v63  }
0xf4: {  	_ =	swait.ge [sflag:s16], $0x1900  }
0xf5: {  	[sflag:s16] =	ssyncset.done $0x0  }
0xf6: {  	[sflag:s16] =	ssyncadd.s32 $0xFFFFE700  }
0xf7: {  	_ =	swait.ge [sflag:s26], $0x100  }
0xf8: {  	[sflag:s26] =	ssyncset.done $0x0  }
0xf9: {  	[sflag:s26] =	ssyncadd.s32 $0xFFFFFF00  }
0xfa: {  	_ =	swait.ge [sflag:s17], $0x1900  }
0xfb: {  	[sflag:s17] =	ssyncset.done $0x0  }
0xfc: {  	[sflag:s17] =	ssyncadd.s32 $0xFFFFE700  }
0xfd: {  	_ =	swait.ge [sflag:s30], $0x100  }
0xfe: {  	[sflag:s30] =	ssyncset.done $0x0  }
0xff: {  	[sflag:s30] =	ssyncadd.s32 $0xFFFFFF00  }
0x100: {  	_ =	swait.ge [sflag:s18], $0x1900  }
0x101: {  	[sflag:s18] =	ssyncset.done $0x0  }
0x102: {  	[sflag:s18] =	ssyncadd.s32 $0xFFFFE700  }
0x103: {  	_ =	swait.ge [sflag:s0], $0x100  }
0x104: {  	[sflag:s0] =	ssyncset.done $0x0  }
0x105: {  	[sflag:s0] =	ssyncadd.s32 $0xFFFFFF00  }
0x106: {  	_ =	swait.ge [sflag:s22], $0x1900  }
0x107: {  	[sflag:s22] =	ssyncset.done $0x0  }
0x108: {  	[sflag:s22] =	ssyncadd.s32 $0xFFFFE700  }
0x109: {  	_ =	swait.ge [sflag:s6], $0x100  }
0x10a: {  	[sflag:s6] =	ssyncset.done $0x0  }
0x10b: {  	[sflag:s6] =	ssyncadd.s32 $0xFFFFFF00  }
0x10c: {  	_ =	swait.ge [sflag:s23], $0x1900  }
0x10d: {  	[sflag:s23] =	ssyncset.done $0x0  }
0x10e: {  	[sflag:s23] =	ssyncadd.s32 $0xFFFFE700  }
0x10f: {  	_ =	swait.ge [sflag:s24], $0x100  }
0x110: {  	[sflag:s24] =	ssyncset.done $0x0  }
0x111: {  	[sflag:s24] =	ssyncadd.s32 $0xFFFFFF00  }
0x112: {  	[bflag:$0x0] =	sbarrier.arrive $0xFFFF  }
0x113: {  	s19 =	rddreg [dreg:$0xb]  }
0x114: {  	s20 =	rddreg [dreg:$0x16]  }
0x115: {  	s9 =	simm.s32 $0x10;
	s21 =	rddreg [dreg:$0x19]  }
0x116: {  	[hbm:s20], [sflag:s19] =	dma.local [spmem:s21], $0x2800  }
0x117: {  	_ =	swait.ge [sflag:s9], $0x2800  }
0x118: {  	s20 =	rddreg [dreg:$0x18]  }
0x119: {  	s25 =	rddreg [dreg:$0x17];
	s20 =	sadd.s32 $0x1, s20  }
0x11a: {  	p0 =	sne.s32 s20, s25  }
.Ltmp1:
0x11b: {  	_ = 	snop;
	(pc) =	sbr.rel @p0 .LBB2_1-.Ltmp1, $3  }
0x11c: {  	_ =	sdelay $0x1  }
0x11d: {  	[sflag:s9] =	ssyncset.done $0x0  }
0x11e: {  	[sflag:s9] =	ssyncadd.s32 $0xFFFFD800  }
0x11f: {  	_ =	sfence.sel $0x180000  }
0x120: {  	[bflag:$0x0] =	sbarrier.arrive $0xFFFF  }
0x121: {  	_ =	strace $0x90000050  }
0x122: {  	s0 =	stileid.u32;
	[bflag:$0x2] =	sbarrier.arrive $0xFFFF  }
0x123: {  	p0 =	sne.s32 s0, $0x0;
	s0 =	rddreg [dreg:$0x3]  }
0x124: {  	s0 =	sadd.s32 @!p0 $0x100000, s0  }
0x125: {  	[sflag:s0] =	ssyncadd.tile.s32 @!p0 $0x1;
	_ =	shalt  }
.Lfunc_end2:
_tile_overlayer_lowered:
.L_overlay_start_2:
0x126: {  	(tag) =	ssettag $0x2  }
0x127: {  	s0 =	rddreg [dreg:$0x0];
	s2 =	stileid.u32  }
0x128: {  	s1 =	rddreg [dreg:$0x1];
	p0 =	sne.s32 s2, $0x0  }
0x129: {  	s3 =	rddreg [dreg:$0x2];
	[bflag:$0x3] =	sbarrier.arrive $0xFFFF;
	s2 =	simm.s32 @!p0 $0x1C10  }
0x12a: {  	[timem:s3], [sflag:s2] =	dma.local @!p0 [hbm:s0], s1  }
0x12b: {  	s0 =	simm.s32 @!p0 $0x10  }
0x12c: {  	_ =	swait.ge @!p0 [sflag:s0], s1  }
0x12d: {  	s1 =	ssub.s32 @!p0 $0x0, s1;
	[sflag:s0] =	ssyncset.done @!p0 $0x0  }
0x12e: {  	[sflag:s0] =	ssyncadd.s32 @!p0 s1  }
0x12f: {  	[bflag:$0x3] =	sbarrier.arrive $0xFFFF  }
0x130: {  	_ =	shalt  }

</sc_bundles>
